<compile_context>
chip_gen: v7x
topology: tpu7x:2x2x1
jax: 0.10.2.dev20260603
libtpu: 0.0.44.dev20260713+nightly
codegen_flags: <defaults>
</compile_context>

<pallas_src>
import functools

import jax
import jax.numpy as jnp
from jax import lax
from jax.experimental import pallas as pl
from jax.experimental.pallas import tpu as pltpu
from jax.experimental.pallas import tpu_sc as plsc

N = 10000
D = 128
H = 64
E = 320000
NB = 79
NP = NB * 128
EB = 128
NBATCH = 157
EPT = NBATCH * EB
E_PAD = EPT * 16
VPT = E_PAD // 32
RPT = NP // 16

_mesh = plsc.VectorSubcoreMesh(core_axis_name="c", subcore_axis_name="s")
_sc_params = pltpu.CompilerParams(
    needs_layout_passes=False, use_tc_tiling_on_sc=False)


@functools.partial(
    pl.kernel,
    mesh=_mesh,
    compiler_params=_sc_params,
    out_type=[
        jax.ShapeDtypeStruct((32, NP), jnp.int32),
        jax.ShapeDtypeStruct((32, NP), jnp.int32),
    ],
    scratch_types=[
        pltpu.VMEM((VPT,), jnp.int32),
        pltpu.VMEM((VPT,), jnp.int32),
        pltpu.VMEM((NP,), jnp.int32),
        pltpu.VMEM((NP,), jnp.int32),
    ],
)
def _sc_hist(src_hbm, dst_hbm, outs_hbm, outd_hbm, sbuf, dbuf, hs, hd):
    wid = lax.axis_index("s") * 2 + lax.axis_index("c")
    base = wid * VPT
    pltpu.sync_copy(src_hbm.at[pl.ds(base, VPT)], sbuf)
    pltpu.sync_copy(dst_hbm.at[pl.ds(base, VPT)], dbuf)

    zeros16 = jnp.zeros((16,), jnp.int32)

    def zero_body(i, _):
        hs[pl.ds(i * 16, 16)] = zeros16
        hd[pl.ds(i * 16, 16)] = zeros16
        return 0

    lax.fori_loop(0, NP // 16, zero_body, 0)

    ones16 = jnp.ones((16,), jnp.int32)

    def hist_body(i, _):
        s16 = sbuf[pl.ds(i * 16, 16)]
        plsc.addupdate_scatter(hs, [s16], ones16)
        d16 = dbuf[pl.ds(i * 16, 16)]
        plsc.addupdate_scatter(hd, [d16], ones16)
        return 0

    lax.fori_loop(0, VPT // 16, hist_body, 0)

    pltpu.sync_copy(hs, outs_hbm.at[wid])
    pltpu.sync_copy(hd, outd_hbm.at[wid])



def _tc_stats_body(cs_ref, cd_ref, sidx_ref, dinv_ref):
    cs = jnp.sum(cs_ref[...], axis=0)
    cd = jnp.sum(cd_ref[...], axis=0)
    row = lax.broadcasted_iota(jnp.int32, (NB, 128), 0)
    col = lax.broadcasted_iota(jnp.int32, (NB, 128), 1)
    flat = row * 128 + col
    valid = flat < N
    present = jnp.where(valid & ((cs + cd) > 0), 1.0, 0.0).astype(jnp.float32)
    ones_col = jnp.ones((128, 1), jnp.float32)
    rowsum = jnp.dot(present, ones_col, preferred_element_type=jnp.float32)
    i79 = lax.broadcasted_iota(jnp.int32, (NB, NB), 0)
    j79 = lax.broadcasted_iota(jnp.int32, (NB, NB), 1)
    mrow = jnp.where(i79 > j79, 1.0, 0.0).astype(jnp.float32)
    rowpref = jnp.dot(mrow, rowsum, preferred_element_type=jnp.float32)
    i128 = lax.broadcasted_iota(jnp.int32, (128, 128), 0)
    j128 = lax.broadcasted_iota(jnp.int32, (128, 128), 1)
    ucol = jnp.where(i128 < j128, 1.0, 0.0).astype(jnp.float32)
    wr = jnp.dot(present, ucol, preferred_element_type=jnp.float32)
    pos = (rowpref + wr).astype(jnp.int32)
    sidx_ref[...] = jnp.where(present > 0, pos, N)
    deg = (cd + 1).astype(jnp.float32)
    dinv_ref[...] = jnp.where(valid, lax.rsqrt(deg), 1.0)


def _tc_stats(cs_part, cd_part):
    return pl.pallas_call(
        _tc_stats_body,
        out_shape=[
            jax.ShapeDtypeStruct((NB, 128), jnp.int32),
            jax.ShapeDtypeStruct((NB, 128), jnp.float32),
        ],
    )(cs_part, cd_part)



@functools.partial(
    pl.kernel,
    mesh=_mesh,
    compiler_params=_sc_params,
    out_type=jax.ShapeDtypeStruct((2, NP, H), jnp.float32),
    scratch_types=[
        pltpu.VMEM((EB,), jnp.int32),
        pltpu.VMEM((EB, H), jnp.float32),
        pltpu.VMEM((EB, H), jnp.float32),
        pltpu.VMEM((1, H), jnp.float32),
        pltpu.VMEM_SHARED((NP, H), jnp.float32),
    ],
)
def _sc_unique_gather(emb_hbm, sidx_hbm, h0_hbm, idxb, rowb, initb, row0, h0_sp):
    c = lax.axis_index("c")
    s = lax.axis_index("s")
    pltpu.sync_copy(emb_hbm.at[c, pl.ds(0, 1)], row0)

    def fill_body(j, _):
        for k in range(H // 16):
            initb[j, pl.ds(k * 16, 16)] = row0[0, pl.ds(k * 16, 16)]
        return 0

    lax.fori_loop(0, EB, fill_body, 0)

    r0 = s * RPT
    for off, nr in ((0, 128), (128, 128), (256, 128), (384, 128), (512, 120)):
        pltpu.sync_copy(initb.at[pl.ds(0, nr)], h0_sp.at[pl.ds(r0 + off, nr)])
    plsc.subcore_barrier()

    dummy16 = jnp.full((16,), N, jnp.int32)
    for off, nr in ((0, 128), (128, 128), (256, 128), (384, 128), (512, 120)):
        v0 = r0 + off
        if nr < EB:
            idxb[pl.ds(112, 16)] = dummy16
        pltpu.sync_copy(sidx_hbm.at[pl.ds(v0, nr)], idxb.at[pl.ds(0, nr)])
        pltpu.sync_copy(emb_hbm.at[c, pl.ds(v0, nr)], rowb.at[pl.ds(0, nr)])
        pltpu.sync_copy(rowb, h0_sp.at[idxb])
    plsc.subcore_barrier()

    for off, nr in ((0, 128), (128, 128), (256, 128), (384, 128), (512, 120)):
        pltpu.sync_copy(h0_sp.at[pl.ds(r0 + off, nr)], rowb.at[pl.ds(0, nr)])
        pltpu.sync_copy(rowb.at[pl.ds(0, nr)],
                        h0_hbm.at[c, pl.ds(r0 + off, nr)])



@functools.partial(
    pl.kernel,
    mesh=_mesh,
    compiler_params=_sc_params,
    out_type=jax.ShapeDtypeStruct((2, NP, H), jnp.float32),
    scratch_types=[
        pltpu.VMEM((EB,), jnp.int32),
        pltpu.VMEM((EB,), jnp.int32),
        pltpu.VMEM((EB, H), jnp.float32),
        pltpu.VMEM((EB, H), jnp.float32),
        pltpu.VMEM_SHARED((NP, H), jnp.float32),
        pltpu.SemaphoreType.DMA,
    ],
)
def _sc_edge_pass(p_hbm, src_hbm, dst_hbm, acc_hbm,
                  sidxb, didxb, rowb, stageb, acc_sp, gsem):
    c = lax.axis_index("c")
    s = lax.axis_index("s")
    r0 = s * RPT
    for off, nr in ((0, 128), (128, 128), (256, 128), (384, 128), (512, 120)):
        pltpu.sync_copy(p_hbm.at[c, pl.ds(r0 + off, nr)],
                        stageb.at[pl.ds(0, nr)])
        pltpu.sync_copy(stageb.at[pl.ds(0, nr)],
                        acc_sp.at[pl.ds(r0 + off, nr)])
    plsc.subcore_barrier()

    ebase = s * EPT

    def edge_body(i, _):
        e0 = ebase + i * EB
        pltpu.sync_copy(src_hbm.at[pl.ds(e0, EB)], sidxb)
        pltpu.sync_copy(dst_hbm.at[pl.ds(e0, EB)], didxb)
        pltpu.async_copy(p_hbm.at[c].at[sidxb], rowb, gsem).wait()
        pltpu.sync_copy(rowb, acc_sp.at[didxb], add=True)
        return 0

    lax.fori_loop(0, NBATCH, edge_body, 0)
    plsc.subcore_barrier()

    for off, nr in ((0, 128), (128, 128), (256, 128), (384, 128), (512, 120)):
        pltpu.sync_copy(acc_sp.at[pl.ds(r0 + off, nr)],
                        stageb.at[pl.ds(0, nr)])
        pltpu.sync_copy(stageb.at[pl.ds(0, nr)],
                        acc_hbm.at[c, pl.ds(r0 + off, nr)])



def _tc_p1_body(h0_ref, w1_ref, dinv_ref, out_ref):
    acc = jnp.dot(h0_ref[0], w1_ref[0, 0], preferred_element_type=jnp.float32)
    acc = acc + jnp.dot(h0_ref[1], w1_ref[1, 0],
                        preferred_element_type=jnp.float32)
    out_ref[0] = dinv_ref[...] * acc


def _tc_p1(h0, w1s, dinvcol):
    return pl.pallas_call(
        _tc_p1_body,
        grid=(2, NB),
        in_specs=[
            pl.BlockSpec((2, 128, H), lambda c, r: (0, r, 0)),
            pl.BlockSpec((2, 1, H, H), lambda c, r: (0, c, 0, 0)),
            pl.BlockSpec((128, 1), lambda c, r: (r, 0)),
        ],
        out_specs=pl.BlockSpec((1, 128, H), lambda c, r: (c, r, 0)),
        out_shape=jax.ShapeDtypeStruct((2, NP, H), jnp.float32),
    )(h0, w1s, dinvcol)


def _tc_p2_body(acc_ref, w2_ref, dinv_ref, b1_ref, out_ref):
    dinv = dinv_ref[...]
    in0 = jnp.maximum(dinv * acc_ref[0] + b1_ref[0, pl.ds(0, H)], 0.0)
    in1 = jnp.maximum(dinv * acc_ref[1] + b1_ref[0, pl.ds(H, H)], 0.0)
    acc = jnp.dot(in0, w2_ref[0, 0], preferred_element_type=jnp.float32)
    acc = acc + jnp.dot(in1, w2_ref[1, 0], preferred_element_type=jnp.float32)
    out_ref[0] = dinv * acc


def _tc_p2(acc1, w2s, dinvcol, b1r):
    return pl.pallas_call(
        _tc_p2_body,
        grid=(2, NB),
        in_specs=[
            pl.BlockSpec((2, 128, H), lambda c, r: (0, r, 0)),
            pl.BlockSpec((2, 1, H, H), lambda c, r: (0, c, 0, 0)),
            pl.BlockSpec((128, 1), lambda c, r: (r, 0)),
            pl.BlockSpec((1, 128), lambda c, r: (0, 0)),
        ],
        out_specs=pl.BlockSpec((1, 128, H), lambda c, r: (c, r, 0)),
        out_shape=jax.ShapeDtypeStruct((2, NP, H), jnp.float32),
    )(acc1, w2s, dinvcol, b1r)


def _tc_final_body(acc_ref, dinv_ref, b2_ref, out_ref):
    dinv = dinv_ref[...]
    out_ref[:, 0:H] = dinv * acc_ref[0] + b2_ref[0, pl.ds(0, H)]
    out_ref[:, H:D] = dinv * acc_ref[1] + b2_ref[0, pl.ds(H, H)]


def _tc_final(acc2, dinvcol, b2r):
    return pl.pallas_call(
        _tc_final_body,
        grid=(NB,),
        in_specs=[
            pl.BlockSpec((2, 128, H), lambda r: (0, r, 0)),
            pl.BlockSpec((128, 1), lambda r: (r, 0)),
            pl.BlockSpec((1, 128), lambda r: (0, 0)),
        ],
        out_specs=pl.BlockSpec((128, D), lambda r: (r, 0)),
        out_shape=jax.ShapeDtypeStruct((NP, D), jnp.float32),
    )(acc2, dinvcol, b2r)



@jax.jit
def kernel(x, edge_index, emb, W1, b1, W2, b2):
    del x
    i32 = jnp.int32
    pad = jnp.full((E_PAD - E,), N, i32)
    src = jnp.concatenate([edge_index[0].astype(i32), pad])
    dst = jnp.concatenate([edge_index[1].astype(i32), pad])
    emb_pad = jnp.concatenate([emb, jnp.zeros((NP - N, D), jnp.float32)])
    emb_split = emb_pad.reshape(NP, 2, H).transpose(1, 0, 2)

    cs_part, cd_part = _sc_hist(src, dst)
    sidx2d, dinv2d = _tc_stats(
        cs_part.reshape(32, NB, 128), cd_part.reshape(32, NB, 128))
    sidx = sidx2d.reshape(NP)
    dinvcol = dinv2d.reshape(NP, 1)

    h0 = _sc_unique_gather(emb_split, sidx)

    w1s = W1.reshape(2, H, 2, H).transpose(0, 2, 1, 3)
    w2s = W2.reshape(2, H, 2, H).transpose(0, 2, 1, 3)
    b1r = b1.reshape(1, D)
    b2r = b2.reshape(1, D)

    p1 = _tc_p1(h0, w1s, dinvcol)
    acc1 = _sc_edge_pass(p1, src, dst)
    p2 = _tc_p2(acc1, w2s, dinvcol, b1r)
    acc2 = _sc_edge_pass(p2, src, dst)
    out = _tc_final(acc2, dinvcol, b2r)
    return out[:N]

# --- scband reference (transcript-rebuilt; emitter-appended) ---
"""Pipeline reference for scband-gnnwith-embeddings-83176336654747 (READ-ONLY COPY).

The authoritative reference and input builder live on the scoring server;
editing this copy changes nothing except your own understanding.
"""

import jax, jax.numpy as jnp
import numpy as np

NUM_NODES = 10000
EMB_DIM = 128
HIDDEN = 128
OUT = 128
N_EDGES = 320000


def gcn_conv(x, edge_index, W, b):
    # Faithful GCNConv: add self-loops, symmetric normalization, linear, scatter-add
    N = x.shape[0]
    loop = jnp.arange(N, dtype=edge_index.dtype)
    src = jnp.concatenate([edge_index[0], loop])
    dst = jnp.concatenate([edge_index[1], loop])
    h = x @ W
    ones = jnp.ones(src.shape[0], dtype=h.dtype)
    deg = jax.ops.segment_sum(ones, dst, num_segments=N)
    dinv = jnp.where(deg > 0, deg ** -0.5, 0.0)
    norm = dinv[src] * dinv[dst]
    msg = norm[:, None] * h[src]
    out = jax.ops.segment_sum(msg, dst, num_segments=N)
    return out + b


def setup_inputs(seed: int = 0) -> dict:
    key = jax.random.key(seed)
    k1, k2, k3, k4, k5, k6, k7 = jax.random.split(key, 7)
    x = jax.random.randint(k1, (NUM_NODES, 1), 0, NUM_NODES, dtype=jnp.int64 if jax.config.jax_enable_x64 else jnp.int32)
    edge_index = jax.random.randint(k2, (2, N_EDGES), 0, NUM_NODES, dtype=jnp.int64 if jax.config.jax_enable_x64 else jnp.int32)
    emb = jax.random.normal(k3, (NUM_NODES, EMB_DIM), dtype=jnp.float32) * 0.02
    W1 = jax.random.normal(k4, (EMB_DIM, HIDDEN), dtype=jnp.float32) * (1.0 / np.sqrt(EMB_DIM))
    b1 = jnp.zeros((HIDDEN,), dtype=jnp.float32)
    W2 = jax.random.normal(k5, (HIDDEN, OUT), dtype=jnp.float32) * (1.0 / np.sqrt(HIDDEN))
    b2 = jnp.zeros((OUT,), dtype=jnp.float32)
    return {"x": x, "edge_index": edge_index, "emb": emb, "W1": W1, "b1": b1, "W2": W2, "b2": b2}


def reference(x, edge_index, emb, W1, b1, W2, b2):
    # node_ids = torch.unique(data.edge_index); x = embeddings(node_ids)
    node_ids = jnp.unique(edge_index, size=NUM_NODES, fill_value=0)
    h = jnp.take(emb, node_ids, axis=0)
    h = gcn_conv(h, edge_index, W1, b1)
    h = jax.nn.relu(h)
    h = gcn_conv(h, edge_index, W2, b2)
    return h

if __name__ == "__main__":
    import jax
    _d = setup_inputs()
    print(jax.jit(kernel)(*tuple(_d.values())))

</pallas_src>

<mosaic_0001>
#map = affine_map<(d0, d1) -> (0, 0, 0)>
#map1 = affine_map<(d0, d1) -> (0)>
module attributes {stable_mosaic.version = 14 : i64} {
  func.func @_sc_edge_pass(%arg0: i32, %arg1: i32, %arg2: memref<2x10112x64xf32, #tpu.memory_space<hbm>>, %arg3: memref<321536xi32, #tpu.memory_space<hbm>>, %arg4: memref<321536xi32, #tpu.memory_space<hbm>>, %arg5: memref<2x10112x64xf32, #tpu.memory_space<hbm>>, %arg6: memref<128xi32, #tpu.memory_space<vmem>>, %arg7: memref<128xi32, #tpu.memory_space<vmem>>, %arg8: memref<128x64xf32, #tpu.memory_space<vmem>>, %arg9: memref<128x64xf32, #tpu.memory_space<vmem>>, %arg10: memref<10112x64xf32, #tpu.memory_space<vmem_shared>>, %arg11: memref<!tpu.dma_semaphore, #tpu.memory_space<semaphore_mem>>) attributes {dimension_semantics = [#tpu.dimension_semantics<core_parallel>, #tpu.dimension_semantics<subcore_parallel>], iteration_bounds = array<i64: 2, 16>, scalar_prefetch = 0 : i64, scratch_operands = 6 : i64, tpu.core_type = #tpu.core_type<sc_vector_subcore>, window_params = [{transform_indices = #map}, {transform_indices = #map1}, {transform_indices = #map1}, {transform_indices = #map}]} {
    %mul3A = arith.constant 632 : i32
    %mul3A_0 = arith.muli %arg1, %mul3A : i32
    %add3A = arith.constant 0 : i32
    %add3A_1 = arith.addi %mul3A_0, %add3A : i32
    "tpu.region"() ({
      %run_scoped3A = tpu.sem_alloc : memref<!tpu.dma_semaphore, #tpu.memory_space<semaphore_mem>>
      %dma_start3A = arith.constant 0 : i32
      %dma_start3A_49 = arith.constant 0 : i32
      %dma_start3A_50 = tpu.memref_slice %arg9[%dma_start3A, %dma_start3A_49] : memref<128x64xf32, #tpu.memory_space<vmem>> -> memref<128x64xf32, #tpu.memory_space<vmem>>
      %dma_start3A_51 = arith.constant 0 : i32
      %dma_start3A_52 = tpu.memref_slice %arg2[%arg0, %add3A_1, %dma_start3A_51] : memref<2x10112x64xf32, #tpu.memory_space<hbm>> -> memref<1x128x64xf32, #tpu.memory_space<hbm>>
      %dma_start3A_53 = tpu.memref_squeeze %dma_start3A_52 : memref<1x128x64xf32, #tpu.memory_space<hbm>> -> memref<128x64xf32, #tpu.memory_space<hbm>>
      %dma_start3A_54 = arith.constant 0 : i32
      %dma_start3A_55 = arith.constant 0 : i32
      %dma_start3A_56 = tpu.memref_slice %arg9[%dma_start3A_54, %dma_start3A_55] : memref<128x64xf32, #tpu.memory_space<vmem>> -> memref<128x64xf32, #tpu.memory_space<vmem>>
      %dma_start3A_57 = arith.constant 0 : i32
      %dma_start3A_58 = tpu.memref_slice %arg2[%arg0, %add3A_1, %dma_start3A_57] : memref<2x10112x64xf32, #tpu.memory_space<hbm>> -> memref<1x128x64xf32, #tpu.memory_space<hbm>>
      %dma_start3A_59 = tpu.memref_squeeze %dma_start3A_58 : memref<1x128x64xf32, #tpu.memory_space<hbm>> -> memref<128x64xf32, #tpu.memory_space<hbm>>
      tpu.enqueue_dma source(%dma_start3A_59 : memref<128x64xf32, #tpu.memory_space<hbm>>) target(%dma_start3A_56 : memref<128x64xf32, #tpu.memory_space<vmem>>) target_semaphore(%run_scoped3A : memref<!tpu.dma_semaphore, #tpu.memory_space<semaphore_mem>>)
      %dma_wait3A = arith.constant 0 : i32
      %dma_wait3A_60 = arith.constant 0 : i32
      %dma_wait3A_61 = tpu.memref_slice %arg9[%dma_wait3A, %dma_wait3A_60] : memref<128x64xf32, #tpu.memory_space<vmem>> -> memref<128x64xf32, #tpu.memory_space<vmem>>
      %dma_wait3A_62 = arith.constant 0 : i32
      %dma_wait3A_63 = tpu.memref_slice %arg2[%arg0, %add3A_1, %dma_wait3A_62] : memref<2x10112x64xf32, #tpu.memory_space<hbm>> -> memref<1x128x64xf32, #tpu.memory_space<hbm>>
      %dma_wait3A_64 = tpu.memref_squeeze %dma_wait3A_63 : memref<1x128x64xf32, #tpu.memory_space<hbm>> -> memref<128x64xf32, #tpu.memory_space<hbm>>
      %dma_wait3A_65 = arith.constant 0 : i32
      %dma_wait3A_66 = arith.constant 0 : i32
      %dma_wait3A_67 = tpu.memref_slice %arg9[%dma_wait3A_65, %dma_wait3A_66] : memref<128x64xf32, #tpu.memory_space<vmem>> -> memref<128x64xf32, #tpu.memory_space<vmem>>
      %dma_wait3A_68 = arith.constant 0 : i32
      %dma_wait3A_69 = tpu.memref_slice %arg2[%arg0, %add3A_1, %dma_wait3A_68] : memref<2x10112x64xf32, #tpu.memory_space<hbm>> -> memref<1x128x64xf32, #tpu.memory_space<hbm>>
      %dma_wait3A_70 = tpu.memref_squeeze %dma_wait3A_69 : memref<1x128x64xf32, #tpu.memory_space<hbm>> -> memref<128x64xf32, #tpu.memory_space<hbm>>
      tpu.wait_dma2 semaphore(%run_scoped3A : memref<!tpu.dma_semaphore, #tpu.memory_space<semaphore_mem>>) src(%dma_wait3A_70 : memref<128x64xf32, #tpu.memory_space<hbm>>) dst(%dma_wait3A_67 : memref<128x64xf32, #tpu.memory_space<vmem>>)
      tpu.yield
    }) : () -> ()
    %add3A_2 = arith.constant 0 : i32
    %add3A_3 = arith.addi %mul3A_0, %add3A_2 : i32
    "tpu.region"() ({
      %run_scoped3A = tpu.sem_alloc : memref<!tpu.dma_semaphore, #tpu.memory_space<semaphore_mem>>
      %dma_start3A = arith.constant 0 : i32
      %dma_start3A_49 = arith.constant 0 : i32
      %dma_start3A_50 = tpu.memref_slice %arg9[%dma_start3A, %dma_start3A_49] : memref<128x64xf32, #tpu.memory_space<vmem>> -> memref<128x64xf32, #tpu.memory_space<vmem>>
      %dma_start3A_51 = arith.constant 0 : i32
      %dma_start3A_52 = tpu.memref_slice %arg10[%add3A_3, %dma_start3A_51] : memref<10112x64xf32, #tpu.memory_space<vmem_shared>> -> memref<128x64xf32, #tpu.memory_space<vmem_shared>>
      %dma_start3A_53 = arith.constant 0 : i32
      %dma_start3A_54 = tpu.memref_slice %arg10[%add3A_3, %dma_start3A_53] : memref<10112x64xf32, #tpu.memory_space<vmem_shared>> -> memref<128x64xf32, #tpu.memory_space<vmem_shared>>
      %dma_start3A_55 = arith.constant 0 : i32
      %dma_start3A_56 = arith.constant 0 : i32
      %dma_start3A_57 = tpu.memref_slice %arg9[%dma_start3A_55, %dma_start3A_56] : memref<128x64xf32, #tpu.memory_space<vmem>> -> memref<128x64xf32, #tpu.memory_space<vmem>>
      tpu.enqueue_dma source(%dma_start3A_57 : memref<128x64xf32, #tpu.memory_space<vmem>>) target(%dma_start3A_54 : memref<128x64xf32, #tpu.memory_space<vmem_shared>>) target_semaphore(%run_scoped3A : memref<!tpu.dma_semaphore, #tpu.memory_space<semaphore_mem>>)
      %dma_wait3A = arith.constant 0 : i32
      %dma_wait3A_58 = arith.constant 0 : i32
      %dma_wait3A_59 = tpu.memref_slice %arg9[%dma_wait3A, %dma_wait3A_58] : memref<128x64xf32, #tpu.memory_space<vmem>> -> memref<128x64xf32, #tpu.memory_space<vmem>>
      %dma_wait3A_60 = arith.constant 0 : i32
      %dma_wait3A_61 = tpu.memref_slice %arg10[%add3A_3, %dma_wait3A_60] : memref<10112x64xf32, #tpu.memory_space<vmem_shared>> -> memref<128x64xf32, #tpu.memory_space<vmem_shared>>
      %dma_wait3A_62 = arith.constant 0 : i32
      %dma_wait3A_63 = tpu.memref_slice %arg10[%add3A_3, %dma_wait3A_62] : memref<10112x64xf32, #tpu.memory_space<vmem_shared>> -> memref<128x64xf32, #tpu.memory_space<vmem_shared>>
      %dma_wait3A_64 = arith.constant 0 : i32
      %dma_wait3A_65 = arith.constant 0 : i32
      %dma_wait3A_66 = tpu.memref_slice %arg9[%dma_wait3A_64, %dma_wait3A_65] : memref<128x64xf32, #tpu.memory_space<vmem>> -> memref<128x64xf32, #tpu.memory_space<vmem>>
      tpu.wait_dma2 semaphore(%run_scoped3A : memref<!tpu.dma_semaphore, #tpu.memory_space<semaphore_mem>>) src(%dma_wait3A_66 : memref<128x64xf32, #tpu.memory_space<vmem>>) dst(%dma_wait3A_63 : memref<128x64xf32, #tpu.memory_space<vmem_shared>>)
      tpu.yield
    }) : () -> ()
    %add3A_4 = arith.constant 128 : i32
    %add3A_5 = arith.addi %mul3A_0, %add3A_4 : i32
    "tpu.region"() ({
      %run_scoped3A = tpu.sem_alloc : memref<!tpu.dma_semaphore, #tpu.memory_space<semaphore_mem>>
      %dma_start3A = arith.constant 0 : i32
      %dma_start3A_49 = arith.constant 0 : i32
      %dma_start3A_50 = tpu.memref_slice %arg9[%dma_start3A, %dma_start3A_49] : memref<128x64xf32, #tpu.memory_space<vmem>> -> memref<128x64xf32, #tpu.memory_space<vmem>>
      %dma_start3A_51 = arith.constant 0 : i32
      %dma_start3A_52 = tpu.memref_slice %arg2[%arg0, %add3A_5, %dma_start3A_51] : memref<2x10112x64xf32, #tpu.memory_space<hbm>> -> memref<1x128x64xf32, #tpu.memory_space<hbm>>
      %dma_start3A_53 = tpu.memref_squeeze %dma_start3A_52 : memref<1x128x64xf32, #tpu.memory_space<hbm>> -> memref<128x64xf32, #tpu.memory_space<hbm>>
      %dma_start3A_54 = arith.constant 0 : i32
      %dma_start3A_55 = arith.constant 0 : i32
      %dma_start3A_56 = tpu.memref_slice %arg9[%dma_start3A_54, %dma_start3A_55] : memref<128x64xf32, #tpu.memory_space<vmem>> -> memref<128x64xf32, #tpu.memory_space<vmem>>
      %dma_start3A_57 = arith.constant 0 : i32
      %dma_start3A_58 = tpu.memref_slice %arg2[%arg0, %add3A_5, %dma_start3A_57] : memref<2x10112x64xf32, #tpu.memory_space<hbm>> -> memref<1x128x64xf32, #tpu.memory_space<hbm>>
      %dma_start3A_59 = tpu.memref_squeeze %dma_start3A_58 : memref<1x128x64xf32, #tpu.memory_space<hbm>> -> memref<128x64xf32, #tpu.memory_space<hbm>>
      tpu.enqueue_dma source(%dma_start3A_59 : memref<128x64xf32, #tpu.memory_space<hbm>>) target(%dma_start3A_56 : memref<128x64xf32, #tpu.memory_space<vmem>>) target_semaphore(%run_scoped3A : memref<!tpu.dma_semaphore, #tpu.memory_space<semaphore_mem>>)
      %dma_wait3A = arith.constant 0 : i32
      %dma_wait3A_60 = arith.constant 0 : i32
      %dma_wait3A_61 = tpu.memref_slice %arg9[%dma_wait3A, %dma_wait3A_60] : memref<128x64xf32, #tpu.memory_space<vmem>> -> memref<128x64xf32, #tpu.memory_space<vmem>>
      %dma_wait3A_62 = arith.constant 0 : i32
      %dma_wait3A_63 = tpu.memref_slice %arg2[%arg0, %add3A_5, %dma_wait3A_62] : memref<2x10112x64xf32, #tpu.memory_space<hbm>> -> memref<1x128x64xf32, #tpu.memory_space<hbm>>
      %dma_wait3A_64 = tpu.memref_squeeze %dma_wait3A_63 : memref<1x128x64xf32, #tpu.memory_space<hbm>> -> memref<128x64xf32, #tpu.memory_space<hbm>>
      %dma_wait3A_65 = arith.constant 0 : i32
      %dma_wait3A_66 = arith.constant 0 : i32
      %dma_wait3A_67 = tpu.memref_slice %arg9[%dma_wait3A_65, %dma_wait3A_66] : memref<128x64xf32, #tpu.memory_space<vmem>> -> memref<128x64xf32, #tpu.memory_space<vmem>>
      %dma_wait3A_68 = arith.constant 0 : i32
      %dma_wait3A_69 = tpu.memref_slice %arg2[%arg0, %add3A_5, %dma_wait3A_68] : memref<2x10112x64xf32, #tpu.memory_space<hbm>> -> memref<1x128x64xf32, #tpu.memory_space<hbm>>
      %dma_wait3A_70 = tpu.memref_squeeze %dma_wait3A_69 : memref<1x128x64xf32, #tpu.memory_space<hbm>> -> memref<128x64xf32, #tpu.memory_space<hbm>>
      tpu.wait_dma2 semaphore(%run_scoped3A : memref<!tpu.dma_semaphore, #tpu.memory_space<semaphore_mem>>) src(%dma_wait3A_70 : memref<128x64xf32, #tpu.memory_space<hbm>>) dst(%dma_wait3A_67 : memref<128x64xf32, #tpu.memory_space<vmem>>)
      tpu.yield
    }) : () -> ()
    %add3A_6 = arith.constant 128 : i32
    %add3A_7 = arith.addi %mul3A_0, %add3A_6 : i32
    "tpu.region"() ({
      %run_scoped3A = tpu.sem_alloc : memref<!tpu.dma_semaphore, #tpu.memory_space<semaphore_mem>>
      %dma_start3A = arith.constant 0 : i32
      %dma_start3A_49 = arith.constant 0 : i32
      %dma_start3A_50 = tpu.memref_slice %arg9[%dma_start3A, %dma_start3A_49] : memref<128x64xf32, #tpu.memory_space<vmem>> -> memref<128x64xf32, #tpu.memory_space<vmem>>
      %dma_start3A_51 = arith.constant 0 : i32
      %dma_start3A_52 = tpu.memref_slice %arg10[%add3A_7, %dma_start3A_51] : memref<10112x64xf32, #tpu.memory_space<vmem_shared>> -> memref<128x64xf32, #tpu.memory_space<vmem_shared>>
      %dma_start3A_53 = arith.constant 0 : i32
      %dma_start3A_54 = tpu.memref_slice %arg10[%add3A_7, %dma_start3A_53] : memref<10112x64xf32, #tpu.memory_space<vmem_shared>> -> memref<128x64xf32, #tpu.memory_space<vmem_shared>>
      %dma_start3A_55 = arith.constant 0 : i32
      %dma_start3A_56 = arith.constant 0 : i32
      %dma_start3A_57 = tpu.memref_slice %arg9[%dma_start3A_55, %dma_start3A_56] : memref<128x64xf32, #tpu.memory_space<vmem>> -> memref<128x64xf32, #tpu.memory_space<vmem>>
      tpu.enqueue_dma source(%dma_start3A_57 : memref<128x64xf32, #tpu.memory_space<vmem>>) target(%dma_start3A_54 : memref<128x64xf32, #tpu.memory_space<vmem_shared>>) target_semaphore(%run_scoped3A : memref<!tpu.dma_semaphore, #tpu.memory_space<semaphore_mem>>)
      %dma_wait3A = arith.constant 0 : i32
      %dma_wait3A_58 = arith.constant 0 : i32
      %dma_wait3A_59 = tpu.memref_slice %arg9[%dma_wait3A, %dma_wait3A_58] : memref<128x64xf32, #tpu.memory_space<vmem>> -> memref<128x64xf32, #tpu.memory_space<vmem>>
      %dma_wait3A_60 = arith.constant 0 : i32
      %dma_wait3A_61 = tpu.memref_slice %arg10[%add3A_7, %dma_wait3A_60] : memref<10112x64xf32, #tpu.memory_space<vmem_shared>> -> memref<128x64xf32, #tpu.memory_space<vmem_shared>>
      %dma_wait3A_62 = arith.constant 0 : i32
      %dma_wait3A_63 = tpu.memref_slice %arg10[%add3A_7, %dma_wait3A_62] : memref<10112x64xf32, #tpu.memory_space<vmem_shared>> -> memref<128x64xf32, #tpu.memory_space<vmem_shared>>
      %dma_wait3A_64 = arith.constant 0 : i32
      %dma_wait3A_65 = arith.constant 0 : i32
      %dma_wait3A_66 = tpu.memref_slice %arg9[%dma_wait3A_64, %dma_wait3A_65] : memref<128x64xf32, #tpu.memory_space<vmem>> -> memref<128x64xf32, #tpu.memory_space<vmem>>
      tpu.wait_dma2 semaphore(%run_scoped3A : memref<!tpu.dma_semaphore, #tpu.memory_space<semaphore_mem>>) src(%dma_wait3A_66 : memref<128x64xf32, #tpu.memory_space<vmem>>) dst(%dma_wait3A_63 : memref<128x64xf32, #tpu.memory_space<vmem_shared>>)
      tpu.yield
    }) : () -> ()
    %add3A_8 = arith.constant 256 : i32
    %add3A_9 = arith.addi %mul3A_0, %add3A_8 : i32
    "tpu.region"() ({
      %run_scoped3A = tpu.sem_alloc : memref<!tpu.dma_semaphore, #tpu.memory_space<semaphore_mem>>
      %dma_start3A = arith.constant 0 : i32
      %dma_start3A_49 = arith.constant 0 : i32
      %dma_start3A_50 = tpu.memref_slice %arg9[%dma_start3A, %dma_start3A_49] : memref<128x64xf32, #tpu.memory_space<vmem>> -> memref<128x64xf32, #tpu.memory_space<vmem>>
      %dma_start3A_51 = arith.constant 0 : i32
      %dma_start3A_52 = tpu.memref_slice %arg2[%arg0, %add3A_9, %dma_start3A_51] : memref<2x10112x64xf32, #tpu.memory_space<hbm>> -> memref<1x128x64xf32, #tpu.memory_space<hbm>>
      %dma_start3A_53 = tpu.memref_squeeze %dma_start3A_52 : memref<1x128x64xf32, #tpu.memory_space<hbm>> -> memref<128x64xf32, #tpu.memory_space<hbm>>
      %dma_start3A_54 = arith.constant 0 : i32
      %dma_start3A_55 = arith.constant 0 : i32
      %dma_start3A_56 = tpu.memref_slice %arg9[%dma_start3A_54, %dma_start3A_55] : memref<128x64xf32, #tpu.memory_space<vmem>> -> memref<128x64xf32, #tpu.memory_space<vmem>>
      %dma_start3A_57 = arith.constant 0 : i32
      %dma_start3A_58 = tpu.memref_slice %arg2[%arg0, %add3A_9, %dma_start3A_57] : memref<2x10112x64xf32, #tpu.memory_space<hbm>> -> memref<1x128x64xf32, #tpu.memory_space<hbm>>
      %dma_start3A_59 = tpu.memref_squeeze %dma_start3A_58 : memref<1x128x64xf32, #tpu.memory_space<hbm>> -> memref<128x64xf32, #tpu.memory_space<hbm>>
      tpu.enqueue_dma source(%dma_start3A_59 : memref<128x64xf32, #tpu.memory_space<hbm>>) target(%dma_start3A_56 : memref<128x64xf32, #tpu.memory_space<vmem>>) target_semaphore(%run_scoped3A : memref<!tpu.dma_semaphore, #tpu.memory_space<semaphore_mem>>)
      %dma_wait3A = arith.constant 0 : i32
      %dma_wait3A_60 = arith.constant 0 : i32
      %dma_wait3A_61 = tpu.memref_slice %arg9[%dma_wait3A, %dma_wait3A_60] : memref<128x64xf32, #tpu.memory_space<vmem>> -> memref<128x64xf32, #tpu.memory_space<vmem>>
      %dma_wait3A_62 = arith.constant 0 : i32
      %dma_wait3A_63 = tpu.memref_slice %arg2[%arg0, %add3A_9, %dma_wait3A_62] : memref<2x10112x64xf32, #tpu.memory_space<hbm>> -> memref<1x128x64xf32, #tpu.memory_space<hbm>>
      %dma_wait3A_64 = tpu.memref_squeeze %dma_wait3A_63 : memref<1x128x64xf32, #tpu.memory_space<hbm>> -> memref<128x64xf32, #tpu.memory_space<hbm>>
      %dma_wait3A_65 = arith.constant 0 : i32
      %dma_wait3A_66 = arith.constant 0 : i32
      %dma_wait3A_67 = tpu.memref_slice %arg9[%dma_wait3A_65, %dma_wait3A_66] : memref<128x64xf32, #tpu.memory_space<vmem>> -> memref<128x64xf32, #tpu.memory_space<vmem>>
      %dma_wait3A_68 = arith.constant 0 : i32
      %dma_wait3A_69 = tpu.memref_slice %arg2[%arg0, %add3A_9, %dma_wait3A_68] : memref<2x10112x64xf32, #tpu.memory_space<hbm>> -> memref<1x128x64xf32, #tpu.memory_space<hbm>>
      %dma_wait3A_70 = tpu.memref_squeeze %dma_wait3A_69 : memref<1x128x64xf32, #tpu.memory_space<hbm>> -> memref<128x64xf32, #tpu.memory_space<hbm>>
      tpu.wait_dma2 semaphore(%run_scoped3A : memref<!tpu.dma_semaphore, #tpu.memory_space<semaphore_mem>>) src(%dma_wait3A_70 : memref<128x64xf32, #tpu.memory_space<hbm>>) dst(%dma_wait3A_67 : memref<128x64xf32, #tpu.memory_space<vmem>>)
      tpu.yield
    }) : () -> ()
    %add3A_10 = arith.constant 256 : i32
    %add3A_11 = arith.addi %mul3A_0, %add3A_10 : i32
    "tpu.region"() ({
      %run_scoped3A = tpu.sem_alloc : memref<!tpu.dma_semaphore, #tpu.memory_space<semaphore_mem>>
      %dma_start3A = arith.constant 0 : i32
      %dma_start3A_49 = arith.constant 0 : i32
      %dma_start3A_50 = tpu.memref_slice %arg9[%dma_start3A, %dma_start3A_49] : memref<128x64xf32, #tpu.memory_space<vmem>> -> memref<128x64xf32, #tpu.memory_space<vmem>>
      %dma_start3A_51 = arith.constant 0 : i32
      %dma_start3A_52 = tpu.memref_slice %arg10[%add3A_11, %dma_start3A_51] : memref<10112x64xf32, #tpu.memory_space<vmem_shared>> -> memref<128x64xf32, #tpu.memory_space<vmem_shared>>
      %dma_start3A_53 = arith.constant 0 : i32
      %dma_start3A_54 = tpu.memref_slice %arg10[%add3A_11, %dma_start3A_53] : memref<10112x64xf32, #tpu.memory_space<vmem_shared>> -> memref<128x64xf32, #tpu.memory_space<vmem_shared>>
      %dma_start3A_55 = arith.constant 0 : i32
      %dma_start3A_56 = arith.constant 0 : i32
      %dma_start3A_57 = tpu.memref_slice %arg9[%dma_start3A_55, %dma_start3A_56] : memref<128x64xf32, #tpu.memory_space<vmem>> -> memref<128x64xf32, #tpu.memory_space<vmem>>
      tpu.enqueue_dma source(%dma_start3A_57 : memref<128x64xf32, #tpu.memory_space<vmem>>) target(%dma_start3A_54 : memref<128x64xf32, #tpu.memory_space<vmem_shared>>) target_semaphore(%run_scoped3A : memref<!tpu.dma_semaphore, #tpu.memory_space<semaphore_mem>>)
      %dma_wait3A = arith.constant 0 : i32
      %dma_wait3A_58 = arith.constant 0 : i32
      %dma_wait3A_59 = tpu.memref_slice %arg9[%dma_wait3A, %dma_wait3A_58] : memref<128x64xf32, #tpu.memory_space<vmem>> -> memref<128x64xf32, #tpu.memory_space<vmem>>
      %dma_wait3A_60 = arith.constant 0 : i32
      %dma_wait3A_61 = tpu.memref_slice %arg10[%add3A_11, %dma_wait3A_60] : memref<10112x64xf32, #tpu.memory_space<vmem_shared>> -> memref<128x64xf32, #tpu.memory_space<vmem_shared>>
      %dma_wait3A_62 = arith.constant 0 : i32
      %dma_wait3A_63 = tpu.memref_slice %arg10[%add3A_11, %dma_wait3A_62] : memref<10112x64xf32, #tpu.memory_space<vmem_shared>> -> memref<128x64xf32, #tpu.memory_space<vmem_shared>>
      %dma_wait3A_64 = arith.constant 0 : i32
      %dma_wait3A_65 = arith.constant 0 : i32
      %dma_wait3A_66 = tpu.memref_slice %arg9[%dma_wait3A_64, %dma_wait3A_65] : memref<128x64xf32, #tpu.memory_space<vmem>> -> memref<128x64xf32, #tpu.memory_space<vmem>>
      tpu.wait_dma2 semaphore(%run_scoped3A : memref<!tpu.dma_semaphore, #tpu.memory_space<semaphore_mem>>) src(%dma_wait3A_66 : memref<128x64xf32, #tpu.memory_space<vmem>>) dst(%dma_wait3A_63 : memref<128x64xf32, #tpu.memory_space<vmem_shared>>)
      tpu.yield
    }) : () -> ()
    %add3A_12 = arith.constant 384 : i32
    %add3A_13 = arith.addi %mul3A_0, %add3A_12 : i32
    "tpu.region"() ({
      %run_scoped3A = tpu.sem_alloc : memref<!tpu.dma_semaphore, #tpu.memory_space<semaphore_mem>>
      %dma_start3A = arith.constant 0 : i32
      %dma_start3A_49 = arith.constant 0 : i32
      %dma_start3A_50 = tpu.memref_slice %arg9[%dma_start3A, %dma_start3A_49] : memref<128x64xf32, #tpu.memory_space<vmem>> -> memref<128x64xf32, #tpu.memory_space<vmem>>
      %dma_start3A_51 = arith.constant 0 : i32
      %dma_start3A_52 = tpu.memref_slice %arg2[%arg0, %add3A_13, %dma_start3A_51] : memref<2x10112x64xf32, #tpu.memory_space<hbm>> -> memref<1x128x64xf32, #tpu.memory_space<hbm>>
      %dma_start3A_53 = tpu.memref_squeeze %dma_start3A_52 : memref<1x128x64xf32, #tpu.memory_space<hbm>> -> memref<128x64xf32, #tpu.memory_space<hbm>>
      %dma_start3A_54 = arith.constant 0 : i32
      %dma_start3A_55 = arith.constant 0 : i32
      %dma_start3A_56 = tpu.memref_slice %arg9[%dma_start3A_54, %dma_start3A_55] : memref<128x64xf32, #tpu.memory_space<vmem>> -> memref<128x64xf32, #tpu.memory_space<vmem>>
      %dma_start3A_57 = arith.constant 0 : i32
      %dma_start3A_58 = tpu.memref_slice %arg2[%arg0, %add3A_13, %dma_start3A_57] : memref<2x10112x64xf32, #tpu.memory_space<hbm>> -> memref<1x128x64xf32, #tpu.memory_space<hbm>>
      %dma_start3A_59 = tpu.memref_squeeze %dma_start3A_58 : memref<1x128x64xf32, #tpu.memory_space<hbm>> -> memref<128x64xf32, #tpu.memory_space<hbm>>
      tpu.enqueue_dma source(%dma_start3A_59 : memref<128x64xf32, #tpu.memory_space<hbm>>) target(%dma_start3A_56 : memref<128x64xf32, #tpu.memory_space<vmem>>) target_semaphore(%run_scoped3A : memref<!tpu.dma_semaphore, #tpu.memory_space<semaphore_mem>>)
      %dma_wait3A = arith.constant 0 : i32
      %dma_wait3A_60 = arith.constant 0 : i32
      %dma_wait3A_61 = tpu.memref_slice %arg9[%dma_wait3A, %dma_wait3A_60] : memref<128x64xf32, #tpu.memory_space<vmem>> -> memref<128x64xf32, #tpu.memory_space<vmem>>
      %dma_wait3A_62 = arith.constant 0 : i32
      %dma_wait3A_63 = tpu.memref_slice %arg2[%arg0, %add3A_13, %dma_wait3A_62] : memref<2x10112x64xf32, #tpu.memory_space<hbm>> -> memref<1x128x64xf32, #tpu.memory_space<hbm>>
      %dma_wait3A_64 = tpu.memref_squeeze %dma_wait3A_63 : memref<1x128x64xf32, #tpu.memory_space<hbm>> -> memref<128x64xf32, #tpu.memory_space<hbm>>
      %dma_wait3A_65 = arith.constant 0 : i32
      %dma_wait3A_66 = arith.constant 0 : i32
      %dma_wait3A_67 = tpu.memref_slice %arg9[%dma_wait3A_65, %dma_wait3A_66] : memref<128x64xf32, #tpu.memory_space<vmem>> -> memref<128x64xf32, #tpu.memory_space<vmem>>
      %dma_wait3A_68 = arith.constant 0 : i32
      %dma_wait3A_69 = tpu.memref_slice %arg2[%arg0, %add3A_13, %dma_wait3A_68] : memref<2x10112x64xf32, #tpu.memory_space<hbm>> -> memref<1x128x64xf32, #tpu.memory_space<hbm>>
      %dma_wait3A_70 = tpu.memref_squeeze %dma_wait3A_69 : memref<1x128x64xf32, #tpu.memory_space<hbm>> -> memref<128x64xf32, #tpu.memory_space<hbm>>
      tpu.wait_dma2 semaphore(%run_scoped3A : memref<!tpu.dma_semaphore, #tpu.memory_space<semaphore_mem>>) src(%dma_wait3A_70 : memref<128x64xf32, #tpu.memory_space<hbm>>) dst(%dma_wait3A_67 : memref<128x64xf32, #tpu.memory_space<vmem>>)
      tpu.yield
    }) : () -> ()
    %add3A_14 = arith.constant 384 : i32
    %add3A_15 = arith.addi %mul3A_0, %add3A_14 : i32
    "tpu.region"() ({
      %run_scoped3A = tpu.sem_alloc : memref<!tpu.dma_semaphore, #tpu.memory_space<semaphore_mem>>
      %dma_start3A = arith.constant 0 : i32
      %dma_start3A_49 = arith.constant 0 : i32
      %dma_start3A_50 = tpu.memref_slice %arg9[%dma_start3A, %dma_start3A_49] : memref<128x64xf32, #tpu.memory_space<vmem>> -> memref<128x64xf32, #tpu.memory_space<vmem>>
      %dma_start3A_51 = arith.constant 0 : i32
      %dma_start3A_52 = tpu.memref_slice %arg10[%add3A_15, %dma_start3A_51] : memref<10112x64xf32, #tpu.memory_space<vmem_shared>> -> memref<128x64xf32, #tpu.memory_space<vmem_shared>>
      %dma_start3A_53 = arith.constant 0 : i32
      %dma_start3A_54 = tpu.memref_slice %arg10[%add3A_15, %dma_start3A_53] : memref<10112x64xf32, #tpu.memory_space<vmem_shared>> -> memref<128x64xf32, #tpu.memory_space<vmem_shared>>
      %dma_start3A_55 = arith.constant 0 : i32
      %dma_start3A_56 = arith.constant 0 : i32
      %dma_start3A_57 = tpu.memref_slice %arg9[%dma_start3A_55, %dma_start3A_56] : memref<128x64xf32, #tpu.memory_space<vmem>> -> memref<128x64xf32, #tpu.memory_space<vmem>>
      tpu.enqueue_dma source(%dma_start3A_57 : memref<128x64xf32, #tpu.memory_space<vmem>>) target(%dma_start3A_54 : memref<128x64xf32, #tpu.memory_space<vmem_shared>>) target_semaphore(%run_scoped3A : memref<!tpu.dma_semaphore, #tpu.memory_space<semaphore_mem>>)
      %dma_wait3A = arith.constant 0 : i32
      %dma_wait3A_58 = arith.constant 0 : i32
      %dma_wait3A_59 = tpu.memref_slice %arg9[%dma_wait3A, %dma_wait3A_58] : memref<128x64xf32, #tpu.memory_space<vmem>> -> memref<128x64xf32, #tpu.memory_space<vmem>>
      %dma_wait3A_60 = arith.constant 0 : i32
      %dma_wait3A_61 = tpu.memref_slice %arg10[%add3A_15, %dma_wait3A_60] : memref<10112x64xf32, #tpu.memory_space<vmem_shared>> -> memref<128x64xf32, #tpu.memory_space<vmem_shared>>
      %dma_wait3A_62 = arith.constant 0 : i32
      %dma_wait3A_63 = tpu.memref_slice %arg10[%add3A_15, %dma_wait3A_62] : memref<10112x64xf32, #tpu.memory_space<vmem_shared>> -> memref<128x64xf32, #tpu.memory_space<vmem_shared>>
      %dma_wait3A_64 = arith.constant 0 : i32
      %dma_wait3A_65 = arith.constant 0 : i32
      %dma_wait3A_66 = tpu.memref_slice %arg9[%dma_wait3A_64, %dma_wait3A_65] : memref<128x64xf32, #tpu.memory_space<vmem>> -> memref<128x64xf32, #tpu.memory_space<vmem>>
      tpu.wait_dma2 semaphore(%run_scoped3A : memref<!tpu.dma_semaphore, #tpu.memory_space<semaphore_mem>>) src(%dma_wait3A_66 : memref<128x64xf32, #tpu.memory_space<vmem>>) dst(%dma_wait3A_63 : memref<128x64xf32, #tpu.memory_space<vmem_shared>>)
      tpu.yield
    }) : () -> ()
    %add3A_16 = arith.constant 512 : i32
    %add3A_17 = arith.addi %mul3A_0, %add3A_16 : i32
    "tpu.region"() ({
      %run_scoped3A = tpu.sem_alloc : memref<!tpu.dma_semaphore, #tpu.memory_space<semaphore_mem>>
      %dma_start3A = arith.constant 0 : i32
      %dma_start3A_49 = arith.constant 0 : i32
      %dma_start3A_50 = tpu.memref_slice %arg9[%dma_start3A, %dma_start3A_49] : memref<128x64xf32, #tpu.memory_space<vmem>> -> memref<120x64xf32, #tpu.memory_space<vmem>>
      %dma_start3A_51 = arith.constant 0 : i32
      %dma_start3A_52 = tpu.memref_slice %arg2[%arg0, %add3A_17, %dma_start3A_51] : memref<2x10112x64xf32, #tpu.memory_space<hbm>> -> memref<1x120x64xf32, #tpu.memory_space<hbm>>
      %dma_start3A_53 = tpu.memref_squeeze %dma_start3A_52 : memref<1x120x64xf32, #tpu.memory_space<hbm>> -> memref<120x64xf32, #tpu.memory_space<hbm>>
      %dma_start3A_54 = arith.constant 0 : i32
      %dma_start3A_55 = arith.constant 0 : i32
      %dma_start3A_56 = tpu.memref_slice %arg9[%dma_start3A_54, %dma_start3A_55] : memref<128x64xf32, #tpu.memory_space<vmem>> -> memref<120x64xf32, #tpu.memory_space<vmem>>
      %dma_start3A_57 = arith.constant 0 : i32
      %dma_start3A_58 = tpu.memref_slice %arg2[%arg0, %add3A_17, %dma_start3A_57] : memref<2x10112x64xf32, #tpu.memory_space<hbm>> -> memref<1x120x64xf32, #tpu.memory_space<hbm>>
      %dma_start3A_59 = tpu.memref_squeeze %dma_start3A_58 : memref<1x120x64xf32, #tpu.memory_space<hbm>> -> memref<120x64xf32, #tpu.memory_space<hbm>>
      tpu.enqueue_dma source(%dma_start3A_59 : memref<120x64xf32, #tpu.memory_space<hbm>>) target(%dma_start3A_56 : memref<120x64xf32, #tpu.memory_space<vmem>>) target_semaphore(%run_scoped3A : memref<!tpu.dma_semaphore, #tpu.memory_space<semaphore_mem>>)
      %dma_wait3A = arith.constant 0 : i32
      %dma_wait3A_60 = arith.constant 0 : i32
      %dma_wait3A_61 = tpu.memref_slice %arg9[%dma_wait3A, %dma_wait3A_60] : memref<128x64xf32, #tpu.memory_space<vmem>> -> memref<120x64xf32, #tpu.memory_space<vmem>>
      %dma_wait3A_62 = arith.constant 0 : i32
      %dma_wait3A_63 = tpu.memref_slice %arg2[%arg0, %add3A_17, %dma_wait3A_62] : memref<2x10112x64xf32, #tpu.memory_space<hbm>> -> memref<1x120x64xf32, #tpu.memory_space<hbm>>
      %dma_wait3A_64 = tpu.memref_squeeze %dma_wait3A_63 : memref<1x120x64xf32, #tpu.memory_space<hbm>> -> memref<120x64xf32, #tpu.memory_space<hbm>>
      %dma_wait3A_65 = arith.constant 0 : i32
      %dma_wait3A_66 = arith.constant 0 : i32
      %dma_wait3A_67 = tpu.memref_slice %arg9[%dma_wait3A_65, %dma_wait3A_66] : memref<128x64xf32, #tpu.memory_space<vmem>> -> memref<120x64xf32, #tpu.memory_space<vmem>>
      %dma_wait3A_68 = arith.constant 0 : i32
      %dma_wait3A_69 = tpu.memref_slice %arg2[%arg0, %add3A_17, %dma_wait3A_68] : memref<2x10112x64xf32, #tpu.memory_space<hbm>> -> memref<1x120x64xf32, #tpu.memory_space<hbm>>
      %dma_wait3A_70 = tpu.memref_squeeze %dma_wait3A_69 : memref<1x120x64xf32, #tpu.memory_space<hbm>> -> memref<120x64xf32, #tpu.memory_space<hbm>>
      tpu.wait_dma2 semaphore(%run_scoped3A : memref<!tpu.dma_semaphore, #tpu.memory_space<semaphore_mem>>) src(%dma_wait3A_70 : memref<120x64xf32, #tpu.memory_space<hbm>>) dst(%dma_wait3A_67 : memref<120x64xf32, #tpu.memory_space<vmem>>)
      tpu.yield
    }) : () -> ()
    %add3A_18 = arith.constant 512 : i32
    %add3A_19 = arith.addi %mul3A_0, %add3A_18 : i32
    "tpu.region"() ({
      %run_scoped3A = tpu.sem_alloc : memref<!tpu.dma_semaphore, #tpu.memory_space<semaphore_mem>>
      %dma_start3A = arith.constant 0 : i32
      %dma_start3A_49 = arith.constant 0 : i32
      %dma_start3A_50 = tpu.memref_slice %arg9[%dma_start3A, %dma_start3A_49] : memref<128x64xf32, #tpu.memory_space<vmem>> -> memref<120x64xf32, #tpu.memory_space<vmem>>
      %dma_start3A_51 = arith.constant 0 : i32
      %dma_start3A_52 = tpu.memref_slice %arg10[%add3A_19, %dma_start3A_51] : memref<10112x64xf32, #tpu.memory_space<vmem_shared>> -> memref<120x64xf32, #tpu.memory_space<vmem_shared>>
      %dma_start3A_53 = arith.constant 0 : i32
      %dma_start3A_54 = tpu.memref_slice %arg10[%add3A_19, %dma_start3A_53] : memref<10112x64xf32, #tpu.memory_space<vmem_shared>> -> memref<120x64xf32, #tpu.memory_space<vmem_shared>>
      %dma_start3A_55 = arith.constant 0 : i32
      %dma_start3A_56 = arith.constant 0 : i32
      %dma_start3A_57 = tpu.memref_slice %arg9[%dma_start3A_55, %dma_start3A_56] : memref<128x64xf32, #tpu.memory_space<vmem>> -> memref<120x64xf32, #tpu.memory_space<vmem>>
      tpu.enqueue_dma source(%dma_start3A_57 : memref<120x64xf32, #tpu.memory_space<vmem>>) target(%dma_start3A_54 : memref<120x64xf32, #tpu.memory_space<vmem_shared>>) target_semaphore(%run_scoped3A : memref<!tpu.dma_semaphore, #tpu.memory_space<semaphore_mem>>)
      %dma_wait3A = arith.constant 0 : i32
      %dma_wait3A_58 = arith.constant 0 : i32
      %dma_wait3A_59 = tpu.memref_slice %arg9[%dma_wait3A, %dma_wait3A_58] : memref<128x64xf32, #tpu.memory_space<vmem>> -> memref<120x64xf32, #tpu.memory_space<vmem>>
      %dma_wait3A_60 = arith.constant 0 : i32
      %dma_wait3A_61 = tpu.memref_slice %arg10[%add3A_19, %dma_wait3A_60] : memref<10112x64xf32, #tpu.memory_space<vmem_shared>> -> memref<120x64xf32, #tpu.memory_space<vmem_shared>>
      %dma_wait3A_62 = arith.constant 0 : i32
      %dma_wait3A_63 = tpu.memref_slice %arg10[%add3A_19, %dma_wait3A_62] : memref<10112x64xf32, #tpu.memory_space<vmem_shared>> -> memref<120x64xf32, #tpu.memory_space<vmem_shared>>
      %dma_wait3A_64 = arith.constant 0 : i32
      %dma_wait3A_65 = arith.constant 0 : i32
      %dma_wait3A_66 = tpu.memref_slice %arg9[%dma_wait3A_64, %dma_wait3A_65] : memref<128x64xf32, #tpu.memory_space<vmem>> -> memref<120x64xf32, #tpu.memory_space<vmem>>
      tpu.wait_dma2 semaphore(%run_scoped3A : memref<!tpu.dma_semaphore, #tpu.memory_space<semaphore_mem>>) src(%dma_wait3A_66 : memref<120x64xf32, #tpu.memory_space<vmem>>) dst(%dma_wait3A_63 : memref<120x64xf32, #tpu.memory_space<vmem_shared>>)
      tpu.yield
    }) : () -> ()
    %barrier3A = arith.constant 0 : index
    tpu.barrier barrier_id(%barrier3A)
    %mul3A_20 = arith.constant 20096 : i32
    %mul3A_21 = arith.muli %arg1, %mul3A_20 : i32
    %scan3A = arith.constant 0 : i32
    %scan3A_22 = arith.constant 0 : i32
    %scan3A_23 = arith.constant 157 : i32
    %scan3A_24 = arith.addi %scan3A_22, %scan3A_23 : i32
    %scan3A_25 = arith.constant 1 : i32
    %scan3A_26 = scf.for %scan3A_49 = %scan3A_22 to %scan3A_24 step %scan3A_25 iter_args(%scan3A_50 = %scan3A) -> (i32)  : i32 {
      %mul3A_51 = arith.constant 128 : i32
      %mul3A_52 = arith.muli %scan3A_49, %mul3A_51 : i32
      %add3A_53 = arith.addi %mul3A_21, %mul3A_52 : i32
      "tpu.region"() ({
        %run_scoped3A = tpu.sem_alloc : memref<!tpu.dma_semaphore, #tpu.memory_space<semaphore_mem>>
        %dma_start3A_67 = tpu.memref_slice %arg3[%add3A_53] : memref<321536xi32, #tpu.memory_space<hbm>> -> memref<128xi32, #tpu.memory_space<hbm>>
        %dma_start3A_68 = tpu.memref_slice %arg3[%add3A_53] : memref<321536xi32, #tpu.memory_space<hbm>> -> memref<128xi32, #tpu.memory_space<hbm>>
        tpu.enqueue_dma source(%dma_start3A_68 : memref<128xi32, #tpu.memory_space<hbm>>) target(%arg6 : memref<128xi32, #tpu.memory_space<vmem>>) target_semaphore(%run_scoped3A : memref<!tpu.dma_semaphore, #tpu.memory_space<semaphore_mem>>)
        %dma_wait3A_69 = tpu.memref_slice %arg3[%add3A_53] : memref<321536xi32, #tpu.memory_space<hbm>> -> memref<128xi32, #tpu.memory_space<hbm>>
        %dma_wait3A_70 = tpu.memref_slice %arg3[%add3A_53] : memref<321536xi32, #tpu.memory_space<hbm>> -> memref<128xi32, #tpu.memory_space<hbm>>
        tpu.wait_dma2 semaphore(%run_scoped3A : memref<!tpu.dma_semaphore, #tpu.memory_space<semaphore_mem>>) src(%dma_wait3A_70 : memref<128xi32, #tpu.memory_space<hbm>>) dst(%arg6 : memref<128xi32, #tpu.memory_space<vmem>>)
        tpu.yield
      }) : () -> ()
      "tpu.region"() ({
        %run_scoped3A = tpu.sem_alloc : memref<!tpu.dma_semaphore, #tpu.memory_space<semaphore_mem>>
        %dma_start3A_67 = tpu.memref_slice %arg4[%add3A_53] : memref<321536xi32, #tpu.memory_space<hbm>> -> memref<128xi32, #tpu.memory_space<hbm>>
        %dma_start3A_68 = tpu.memref_slice %arg4[%add3A_53] : memref<321536xi32, #tpu.memory_space<hbm>> -> memref<128xi32, #tpu.memory_space<hbm>>
        tpu.enqueue_dma source(%dma_start3A_68 : memref<128xi32, #tpu.memory_space<hbm>>) target(%arg7 : memref<128xi32, #tpu.memory_space<vmem>>) target_semaphore(%run_scoped3A : memref<!tpu.dma_semaphore, #tpu.memory_space<semaphore_mem>>)
        %dma_wait3A_69 = tpu.memref_slice %arg4[%add3A_53] : memref<321536xi32, #tpu.memory_space<hbm>> -> memref<128xi32, #tpu.memory_space<hbm>>
        %dma_wait3A_70 = tpu.memref_slice %arg4[%add3A_53] : memref<321536xi32, #tpu.memory_space<hbm>> -> memref<128xi32, #tpu.memory_space<hbm>>
        tpu.wait_dma2 semaphore(%run_scoped3A : memref<!tpu.dma_semaphore, #tpu.memory_space<semaphore_mem>>) src(%dma_wait3A_70 : memref<128xi32, #tpu.memory_space<hbm>>) dst(%arg7 : memref<128xi32, #tpu.memory_space<vmem>>)
        tpu.yield
      }) : () -> ()
      %dma_start3A = arith.constant 0 : i32
      %dma_start3A_54 = arith.constant 0 : i32
      %dma_start3A_55 = tpu.memref_slice %arg2[%arg0, %dma_start3A, %dma_start3A_54] : memref<2x10112x64xf32, #tpu.memory_space<hbm>> -> memref<1x10112x64xf32, #tpu.memory_space<hbm>>
      %dma_start3A_56 = tpu.memref_squeeze %dma_start3A_55 : memref<1x10112x64xf32, #tpu.memory_space<hbm>> -> memref<10112x64xf32, #tpu.memory_space<hbm>>
      %dma_start3A_57 = arith.constant 0 : i32
      %dma_start3A_58 = arith.constant 0 : i32
      %dma_start3A_59 = tpu.memref_slice %dma_start3A_56[%dma_start3A_57, %dma_start3A_58] : memref<10112x64xf32, #tpu.memory_space<hbm>> -> memref<10112x64xf32, #tpu.memory_space<hbm>>
      tpu.enqueue_indirect_dma source(%dma_start3A_59 : memref<10112x64xf32, #tpu.memory_space<hbm>>) target(%arg8 : memref<128x64xf32, #tpu.memory_space<vmem>>) offsets(%arg6 : memref<128xi32, #tpu.memory_space<vmem>>) semaphore(%arg11 : memref<!tpu.dma_semaphore, #tpu.memory_space<semaphore_mem>>)
      %dma_wait3A = arith.constant 0 : i32
      %dma_wait3A_60 = arith.constant 0 : i32
      %dma_wait3A_61 = tpu.memref_slice %arg2[%arg0, %dma_wait3A, %dma_wait3A_60] : memref<2x10112x64xf32, #tpu.memory_space<hbm>> -> memref<1x10112x64xf32, #tpu.memory_space<hbm>>
      %dma_wait3A_62 = tpu.memref_squeeze %dma_wait3A_61 : memref<1x10112x64xf32, #tpu.memory_space<hbm>> -> memref<10112x64xf32, #tpu.memory_space<hbm>>
      %dma_wait3A_63 = arith.constant 0 : i32
      %dma_wait3A_64 = arith.constant 0 : i32
      %dma_wait3A_65 = tpu.memref_slice %dma_wait3A_62[%dma_wait3A_63, %dma_wait3A_64] : memref<10112x64xf32, #tpu.memory_space<hbm>> -> memref<10112x64xf32, #tpu.memory_space<hbm>>
      tpu.wait_indirect_dma semaphore(%arg11 : memref<!tpu.dma_semaphore, #tpu.memory_space<semaphore_mem>>) src(%dma_wait3A_65 : memref<10112x64xf32, #tpu.memory_space<hbm>>) dst(%arg8 : memref<128x64xf32, #tpu.memory_space<vmem>>)
      "tpu.region"() ({
        %run_scoped3A = tpu.sem_alloc : memref<!tpu.dma_semaphore, #tpu.memory_space<semaphore_mem>>
        %dma_start3A_67 = arith.constant 0 : i32
        %dma_start3A_68 = arith.constant 0 : i32
        %dma_start3A_69 = tpu.memref_slice %arg10[%dma_start3A_67, %dma_start3A_68] : memref<10112x64xf32, #tpu.memory_space<vmem_shared>> -> memref<10112x64xf32, #tpu.memory_space<vmem_shared>>
        tpu.enqueue_indirect_dma source(%arg8 : memref<128x64xf32, #tpu.memory_space<vmem>>) target(%dma_start3A_69 : memref<10112x64xf32, #tpu.memory_space<vmem_shared>>) offsets(%arg7 : memref<128xi32, #tpu.memory_space<vmem>>) semaphore(%run_scoped3A : memref<!tpu.dma_semaphore, #tpu.memory_space<semaphore_mem>>) {add = true}
        %dma_wait3A_70 = arith.constant 0 : i32
        %dma_wait3A_71 = arith.constant 0 : i32
        %dma_wait3A_72 = tpu.memref_slice %arg10[%dma_wait3A_70, %dma_wait3A_71] : memref<10112x64xf32, #tpu.memory_space<vmem_shared>> -> memref<10112x64xf32, #tpu.memory_space<vmem_shared>>
        tpu.wait_indirect_dma semaphore(%run_scoped3A : memref<!tpu.dma_semaphore, #tpu.memory_space<semaphore_mem>>) src(%arg8 : memref<128x64xf32, #tpu.memory_space<vmem>>) dst(%dma_wait3A_72 : memref<10112x64xf32, #tpu.memory_space<vmem_shared>>)
        tpu.yield
      }) : () -> ()
      %scan3A_66 = arith.constant 0 : i32
      scf.yield %scan3A_66 : i32
    }
    %scan3A_27 = arith.constant 157 : i32
    %barrier3A_28 = arith.constant 0 : index
    tpu.barrier barrier_id(%barrier3A_28)
    %add3A_29 = arith.constant 0 : i32
    %add3A_30 = arith.addi %mul3A_0, %add3A_29 : i32
    "tpu.region"() ({
      %run_scoped3A = tpu.sem_alloc : memref<!tpu.dma_semaphore, #tpu.memory_space<semaphore_mem>>
      %dma_start3A = arith.constant 0 : i32
      %dma_start3A_49 = arith.constant 0 : i32
      %dma_start3A_50 = tpu.memref_slice %arg9[%dma_start3A, %dma_start3A_49] : memref<128x64xf32, #tpu.memory_space<vmem>> -> memref<128x64xf32, #tpu.memory_space<vmem>>
      %dma_start3A_51 = arith.constant 0 : i32
      %dma_start3A_52 = tpu.memref_slice %arg10[%add3A_30, %dma_start3A_51] : memref<10112x64xf32, #tpu.memory_space<vmem_shared>> -> memref<128x64xf32, #tpu.memory_space<vmem_shared>>
      %dma_start3A_53 = arith.constant 0 : i32
      %dma_start3A_54 = arith.constant 0 : i32
      %dma_start3A_55 = tpu.memref_slice %arg9[%dma_start3A_53, %dma_start3A_54] : memref<128x64xf32, #tpu.memory_space<vmem>> -> memref<128x64xf32, #tpu.memory_space<vmem>>
      %dma_start3A_56 = arith.constant 0 : i32
      %dma_start3A_57 = tpu.memref_slice %arg10[%add3A_30, %dma_start3A_56] : memref<10112x64xf32, #tpu.memory_space<vmem_shared>> -> memref<128x64xf32, #tpu.memory_space<vmem_shared>>
      tpu.enqueue_dma source(%dma_start3A_57 : memref<128x64xf32, #tpu.memory_space<vmem_shared>>) target(%dma_start3A_55 : memref<128x64xf32, #tpu.memory_space<vmem>>) target_semaphore(%run_scoped3A : memref<!tpu.dma_semaphore, #tpu.memory_space<semaphore_mem>>)
      %dma_wait3A = arith.constant 0 : i32
      %dma_wait3A_58 = arith.constant 0 : i32
      %dma_wait3A_59 = tpu.memref_slice %arg9[%dma_wait3A, %dma_wait3A_58] : memref<128x64xf32, #tpu.memory_space<vmem>> -> memref<128x64xf32, #tpu.memory_space<vmem>>
      %dma_wait3A_60 = arith.constant 0 : i32
      %dma_wait3A_61 = tpu.memref_slice %arg10[%add3A_30, %dma_wait3A_60] : memref<10112x64xf32, #tpu.memory_space<vmem_shared>> -> memref<128x64xf32, #tpu.memory_space<vmem_shared>>
      %dma_wait3A_62 = arith.constant 0 : i32
      %dma_wait3A_63 = arith.constant 0 : i32
      %dma_wait3A_64 = tpu.memref_slice %arg9[%dma_wait3A_62, %dma_wait3A_63] : memref<128x64xf32, #tpu.memory_space<vmem>> -> memref<128x64xf32, #tpu.memory_space<vmem>>
      %dma_wait3A_65 = arith.constant 0 : i32
      %dma_wait3A_66 = tpu.memref_slice %arg10[%add3A_30, %dma_wait3A_65] : memref<10112x64xf32, #tpu.memory_space<vmem_shared>> -> memref<128x64xf32, #tpu.memory_space<vmem_shared>>
      tpu.wait_dma2 semaphore(%run_scoped3A : memref<!tpu.dma_semaphore, #tpu.memory_space<semaphore_mem>>) src(%dma_wait3A_66 : memref<128x64xf32, #tpu.memory_space<vmem_shared>>) dst(%dma_wait3A_64 : memref<128x64xf32, #tpu.memory_space<vmem>>)
      tpu.yield
    }) : () -> ()
    %add3A_31 = arith.constant 0 : i32
    %add3A_32 = arith.addi %mul3A_0, %add3A_31 : i32
    "tpu.region"() ({
      %run_scoped3A = tpu.sem_alloc : memref<!tpu.dma_semaphore, #tpu.memory_space<semaphore_mem>>
      %dma_start3A = arith.constant 0 : i32
      %dma_start3A_49 = arith.constant 0 : i32
      %dma_start3A_50 = tpu.memref_slice %arg9[%dma_start3A, %dma_start3A_49] : memref<128x64xf32, #tpu.memory_space<vmem>> -> memref<128x64xf32, #tpu.memory_space<vmem>>
      %dma_start3A_51 = arith.constant 0 : i32
      %dma_start3A_52 = tpu.memref_slice %arg5[%arg0, %add3A_32, %dma_start3A_51] : memref<2x10112x64xf32, #tpu.memory_space<hbm>> -> memref<1x128x64xf32, #tpu.memory_space<hbm>>
      %dma_start3A_53 = tpu.memref_squeeze %dma_start3A_52 : memref<1x128x64xf32, #tpu.memory_space<hbm>> -> memref<128x64xf32, #tpu.memory_space<hbm>>
      %dma_start3A_54 = arith.constant 0 : i32
      %dma_start3A_55 = tpu.memref_slice %arg5[%arg0, %add3A_32, %dma_start3A_54] : memref<2x10112x64xf32, #tpu.memory_space<hbm>> -> memref<1x128x64xf32, #tpu.memory_space<hbm>>
      %dma_start3A_56 = tpu.memref_squeeze %dma_start3A_55 : memref<1x128x64xf32, #tpu.memory_space<hbm>> -> memref<128x64xf32, #tpu.memory_space<hbm>>
      %dma_start3A_57 = arith.constant 0 : i32
      %dma_start3A_58 = arith.constant 0 : i32
      %dma_start3A_59 = tpu.memref_slice %arg9[%dma_start3A_57, %dma_start3A_58] : memref<128x64xf32, #tpu.memory_space<vmem>> -> memref<128x64xf32, #tpu.memory_space<vmem>>
      tpu.enqueue_dma source(%dma_start3A_59 : memref<128x64xf32, #tpu.memory_space<vmem>>) target(%dma_start3A_56 : memref<128x64xf32, #tpu.memory_space<hbm>>) target_semaphore(%run_scoped3A : memref<!tpu.dma_semaphore, #tpu.memory_space<semaphore_mem>>)
      %dma_wait3A = arith.constant 0 : i32
      %dma_wait3A_60 = arith.constant 0 : i32
      %dma_wait3A_61 = tpu.memref_slice %arg9[%dma_wait3A, %dma_wait3A_60] : memref<128x64xf32, #tpu.memory_space<vmem>> -> memref<128x64xf32, #tpu.memory_space<vmem>>
      %dma_wait3A_62 = arith.constant 0 : i32
      %dma_wait3A_63 = tpu.memref_slice %arg5[%arg0, %add3A_32, %dma_wait3A_62] : memref<2x10112x64xf32, #tpu.memory_space<hbm>> -> memref<1x128x64xf32, #tpu.memory_space<hbm>>
      %dma_wait3A_64 = tpu.memref_squeeze %dma_wait3A_63 : memref<1x128x64xf32, #tpu.memory_space<hbm>> -> memref<128x64xf32, #tpu.memory_space<hbm>>
      %dma_wait3A_65 = arith.constant 0 : i32
      %dma_wait3A_66 = tpu.memref_slice %arg5[%arg0, %add3A_32, %dma_wait3A_65] : memref<2x10112x64xf32, #tpu.memory_space<hbm>> -> memref<1x128x64xf32, #tpu.memory_space<hbm>>
      %dma_wait3A_67 = tpu.memref_squeeze %dma_wait3A_66 : memref<1x128x64xf32, #tpu.memory_space<hbm>> -> memref<128x64xf32, #tpu.memory_space<hbm>>
      %dma_wait3A_68 = arith.constant 0 : i32
      %dma_wait3A_69 = arith.constant 0 : i32
      %dma_wait3A_70 = tpu.memref_slice %arg9[%dma_wait3A_68, %dma_wait3A_69] : memref<128x64xf32, #tpu.memory_space<vmem>> -> memref<128x64xf32, #tpu.memory_space<vmem>>
      tpu.wait_dma2 semaphore(%run_scoped3A : memref<!tpu.dma_semaphore, #tpu.memory_space<semaphore_mem>>) src(%dma_wait3A_70 : memref<128x64xf32, #tpu.memory_space<vmem>>) dst(%dma_wait3A_67 : memref<128x64xf32, #tpu.memory_space<hbm>>)
      tpu.yield
    }) : () -> ()
    %add3A_33 = arith.constant 128 : i32
    %add3A_34 = arith.addi %mul3A_0, %add3A_33 : i32
    "tpu.region"() ({
      %run_scoped3A = tpu.sem_alloc : memref<!tpu.dma_semaphore, #tpu.memory_space<semaphore_mem>>
      %dma_start3A = arith.constant 0 : i32
      %dma_start3A_49 = arith.constant 0 : i32
      %dma_start3A_50 = tpu.memref_slice %arg9[%dma_start3A, %dma_start3A_49] : memref<128x64xf32, #tpu.memory_space<vmem>> -> memref<128x64xf32, #tpu.memory_space<vmem>>
      %dma_start3A_51 = arith.constant 0 : i32
      %dma_start3A_52 = tpu.memref_slice %arg10[%add3A_34, %dma_start3A_51] : memref<10112x64xf32, #tpu.memory_space<vmem_shared>> -> memref<128x64xf32, #tpu.memory_space<vmem_shared>>
      %dma_start3A_53 = arith.constant 0 : i32
      %dma_start3A_54 = arith.constant 0 : i32
      %dma_start3A_55 = tpu.memref_slice %arg9[%dma_start3A_53, %dma_start3A_54] : memref<128x64xf32, #tpu.memory_space<vmem>> -> memref<128x64xf32, #tpu.memory_space<vmem>>
      %dma_start3A_56 = arith.constant 0 : i32
      %dma_start3A_57 = tpu.memref_slice %arg10[%add3A_34, %dma_start3A_56] : memref<10112x64xf32, #tpu.memory_space<vmem_shared>> -> memref<128x64xf32, #tpu.memory_space<vmem_shared>>
      tpu.enqueue_dma source(%dma_start3A_57 : memref<128x64xf32, #tpu.memory_space<vmem_shared>>) target(%dma_start3A_55 : memref<128x64xf32, #tpu.memory_space<vmem>>) target_semaphore(%run_scoped3A : memref<!tpu.dma_semaphore, #tpu.memory_space<semaphore_mem>>)
      %dma_wait3A = arith.constant 0 : i32
      %dma_wait3A_58 = arith.constant 0 : i32
      %dma_wait3A_59 = tpu.memref_slice %arg9[%dma_wait3A, %dma_wait3A_58] : memref<128x64xf32, #tpu.memory_space<vmem>> -> memref<128x64xf32, #tpu.memory_space<vmem>>
      %dma_wait3A_60 = arith.constant 0 : i32
      %dma_wait3A_61 = tpu.memref_slice %arg10[%add3A_34, %dma_wait3A_60] : memref<10112x64xf32, #tpu.memory_space<vmem_shared>> -> memref<128x64xf32, #tpu.memory_space<vmem_shared>>
      %dma_wait3A_62 = arith.constant 0 : i32
      %dma_wait3A_63 = arith.constant 0 : i32
      %dma_wait3A_64 = tpu.memref_slice %arg9[%dma_wait3A_62, %dma_wait3A_63] : memref<128x64xf32, #tpu.memory_space<vmem>> -> memref<128x64xf32, #tpu.memory_space<vmem>>
      %dma_wait3A_65 = arith.constant 0 : i32
      %dma_wait3A_66 = tpu.memref_slice %arg10[%add3A_34, %dma_wait3A_65] : memref<10112x64xf32, #tpu.memory_space<vmem_shared>> -> memref<128x64xf32, #tpu.memory_space<vmem_shared>>
      tpu.wait_dma2 semaphore(%run_scoped3A : memref<!tpu.dma_semaphore, #tpu.memory_space<semaphore_mem>>) src(%dma_wait3A_66 : memref<128x64xf32, #tpu.memory_space<vmem_shared>>) dst(%dma_wait3A_64 : memref<128x64xf32, #tpu.memory_space<vmem>>)
      tpu.yield
    }) : () -> ()
    %add3A_35 = arith.constant 128 : i32
    %add3A_36 = arith.addi %mul3A_0, %add3A_35 : i32
    "tpu.region"() ({
      %run_scoped3A = tpu.sem_alloc : memref<!tpu.dma_semaphore, #tpu.memory_space<semaphore_mem>>
      %dma_start3A = arith.constant 0 : i32
      %dma_start3A_49 = arith.constant 0 : i32
      %dma_start3A_50 = tpu.memref_slice %arg9[%dma_start3A, %dma_start3A_49] : memref<128x64xf32, #tpu.memory_space<vmem>> -> memref<128x64xf32, #tpu.memory_space<vmem>>
      %dma_start3A_51 = arith.constant 0 : i32
      %dma_start3A_52 = tpu.memref_slice %arg5[%arg0, %add3A_36, %dma_start3A_51] : memref<2x10112x64xf32, #tpu.memory_space<hbm>> -> memref<1x128x64xf32, #tpu.memory_space<hbm>>
      %dma_start3A_53 = tpu.memref_squeeze %dma_start3A_52 : memref<1x128x64xf32, #tpu.memory_space<hbm>> -> memref<128x64xf32, #tpu.memory_space<hbm>>
      %dma_start3A_54 = arith.constant 0 : i32
      %dma_start3A_55 = tpu.memref_slice %arg5[%arg0, %add3A_36, %dma_start3A_54] : memref<2x10112x64xf32, #tpu.memory_space<hbm>> -> memref<1x128x64xf32, #tpu.memory_space<hbm>>
      %dma_start3A_56 = tpu.memref_squeeze %dma_start3A_55 : memref<1x128x64xf32, #tpu.memory_space<hbm>> -> memref<128x64xf32, #tpu.memory_space<hbm>>
      %dma_start3A_57 = arith.constant 0 : i32
      %dma_start3A_58 = arith.constant 0 : i32
      %dma_start3A_59 = tpu.memref_slice %arg9[%dma_start3A_57, %dma_start3A_58] : memref<128x64xf32, #tpu.memory_space<vmem>> -> memref<128x64xf32, #tpu.memory_space<vmem>>
      tpu.enqueue_dma source(%dma_start3A_59 : memref<128x64xf32, #tpu.memory_space<vmem>>) target(%dma_start3A_56 : memref<128x64xf32, #tpu.memory_space<hbm>>) target_semaphore(%run_scoped3A : memref<!tpu.dma_semaphore, #tpu.memory_space<semaphore_mem>>)
      %dma_wait3A = arith.constant 0 : i32
      %dma_wait3A_60 = arith.constant 0 : i32
      %dma_wait3A_61 = tpu.memref_slice %arg9[%dma_wait3A, %dma_wait3A_60] : memref<128x64xf32, #tpu.memory_space<vmem>> -> memref<128x64xf32, #tpu.memory_space<vmem>>
      %dma_wait3A_62 = arith.constant 0 : i32
      %dma_wait3A_63 = tpu.memref_slice %arg5[%arg0, %add3A_36, %dma_wait3A_62] : memref<2x10112x64xf32, #tpu.memory_space<hbm>> -> memref<1x128x64xf32, #tpu.memory_space<hbm>>
      %dma_wait3A_64 = tpu.memref_squeeze %dma_wait3A_63 : memref<1x128x64xf32, #tpu.memory_space<hbm>> -> memref<128x64xf32, #tpu.memory_space<hbm>>
      %dma_wait3A_65 = arith.constant 0 : i32
      %dma_wait3A_66 = tpu.memref_slice %arg5[%arg0, %add3A_36, %dma_wait3A_65] : memref<2x10112x64xf32, #tpu.memory_space<hbm>> -> memref<1x128x64xf32, #tpu.memory_space<hbm>>
      %dma_wait3A_67 = tpu.memref_squeeze %dma_wait3A_66 : memref<1x128x64xf32, #tpu.memory_space<hbm>> -> memref<128x64xf32, #tpu.memory_space<hbm>>
      %dma_wait3A_68 = arith.constant 0 : i32
      %dma_wait3A_69 = arith.constant 0 : i32
      %dma_wait3A_70 = tpu.memref_slice %arg9[%dma_wait3A_68, %dma_wait3A_69] : memref<128x64xf32, #tpu.memory_space<vmem>> -> memref<128x64xf32, #tpu.memory_space<vmem>>
      tpu.wait_dma2 semaphore(%run_scoped3A : memref<!tpu.dma_semaphore, #tpu.memory_space<semaphore_mem>>) src(%dma_wait3A_70 : memref<128x64xf32, #tpu.memory_space<vmem>>) dst(%dma_wait3A_67 : memref<128x64xf32, #tpu.memory_space<hbm>>)
      tpu.yield
    }) : () -> ()
    %add3A_37 = arith.constant 256 : i32
    %add3A_38 = arith.addi %mul3A_0, %add3A_37 : i32
    "tpu.region"() ({
      %run_scoped3A = tpu.sem_alloc : memref<!tpu.dma_semaphore, #tpu.memory_space<semaphore_mem>>
      %dma_start3A = arith.constant 0 : i32
      %dma_start3A_49 = arith.constant 0 : i32
      %dma_start3A_50 = tpu.memref_slice %arg9[%dma_start3A, %dma_start3A_49] : memref<128x64xf32, #tpu.memory_space<vmem>> -> memref<128x64xf32, #tpu.memory_space<vmem>>
      %dma_start3A_51 = arith.constant 0 : i32
      %dma_start3A_52 = tpu.memref_slice %arg10[%add3A_38, %dma_start3A_51] : memref<10112x64xf32, #tpu.memory_space<vmem_shared>> -> memref<128x64xf32, #tpu.memory_space<vmem_shared>>
      %dma_start3A_53 = arith.constant 0 : i32
      %dma_start3A_54 = arith.constant 0 : i32
      %dma_start3A_55 = tpu.memref_slice %arg9[%dma_start3A_53, %dma_start3A_54] : memref<128x64xf32, #tpu.memory_space<vmem>> -> memref<128x64xf32, #tpu.memory_space<vmem>>
      %dma_start3A_56 = arith.constant 0 : i32
      %dma_start3A_57 = tpu.memref_slice %arg10[%add3A_38, %dma_start3A_56] : memref<10112x64xf32, #tpu.memory_space<vmem_shared>> -> memref<128x64xf32, #tpu.memory_space<vmem_shared>>
      tpu.enqueue_dma source(%dma_start3A_57 : memref<128x64xf32, #tpu.memory_space<vmem_shared>>) target(%dma_start3A_55 : memref<128x64xf32, #tpu.memory_space<vmem>>) target_semaphore(%run_scoped3A : memref<!tpu.dma_semaphore, #tpu.memory_space<semaphore_mem>>)
      %dma_wait3A = arith.constant 0 : i32
      %dma_wait3A_58 = arith.constant 0 : i32
      %dma_wait3A_59 = tpu.memref_slice %arg9[%dma_wait3A, %dma_wait3A_58] : memref<128x64xf32, #tpu.memory_space<vmem>> -> memref<128x64xf32, #tpu.memory_space<vmem>>
      %dma_wait3A_60 = arith.constant 0 : i32
      %dma_wait3A_61 = tpu.memref_slice %arg10[%add3A_38, %dma_wait3A_60] : memref<10112x64xf32, #tpu.memory_space<vmem_shared>> -> memref<128x64xf32, #tpu.memory_space<vmem_shared>>
      %dma_wait3A_62 = arith.constant 0 : i32
      %dma_wait3A_63 = arith.constant 0 : i32
      %dma_wait3A_64 = tpu.memref_slice %arg9[%dma_wait3A_62, %dma_wait3A_63] : memref<128x64xf32, #tpu.memory_space<vmem>> -> memref<128x64xf32, #tpu.memory_space<vmem>>
      %dma_wait3A_65 = arith.constant 0 : i32
      %dma_wait3A_66 = tpu.memref_slice %arg10[%add3A_38, %dma_wait3A_65] : memref<10112x64xf32, #tpu.memory_space<vmem_shared>> -> memref<128x64xf32, #tpu.memory_space<vmem_shared>>
      tpu.wait_dma2 semaphore(%run_scoped3A : memref<!tpu.dma_semaphore, #tpu.memory_space<semaphore_mem>>) src(%dma_wait3A_66 : memref<128x64xf32, #tpu.memory_space<vmem_shared>>) dst(%dma_wait3A_64 : memref<128x64xf32, #tpu.memory_space<vmem>>)
      tpu.yield
    }) : () -> ()
    %add3A_39 = arith.constant 256 : i32
    %add3A_40 = arith.addi %mul3A_0, %add3A_39 : i32
    "tpu.region"() ({
      %run_scoped3A = tpu.sem_alloc : memref<!tpu.dma_semaphore, #tpu.memory_space<semaphore_mem>>
      %dma_start3A = arith.constant 0 : i32
      %dma_start3A_49 = arith.constant 0 : i32
      %dma_start3A_50 = tpu.memref_slice %arg9[%dma_start3A, %dma_start3A_49] : memref<128x64xf32, #tpu.memory_space<vmem>> -> memref<128x64xf32, #tpu.memory_space<vmem>>
      %dma_start3A_51 = arith.constant 0 : i32
      %dma_start3A_52 = tpu.memref_slice %arg5[%arg0, %add3A_40, %dma_start3A_51] : memref<2x10112x64xf32, #tpu.memory_space<hbm>> -> memref<1x128x64xf32, #tpu.memory_space<hbm>>
      %dma_start3A_53 = tpu.memref_squeeze %dma_start3A_52 : memref<1x128x64xf32, #tpu.memory_space<hbm>> -> memref<128x64xf32, #tpu.memory_space<hbm>>
      %dma_start3A_54 = arith.constant 0 : i32
      %dma_start3A_55 = tpu.memref_slice %arg5[%arg0, %add3A_40, %dma_start3A_54] : memref<2x10112x64xf32, #tpu.memory_space<hbm>> -> memref<1x128x64xf32, #tpu.memory_space<hbm>>
      %dma_start3A_56 = tpu.memref_squeeze %dma_start3A_55 : memref<1x128x64xf32, #tpu.memory_space<hbm>> -> memref<128x64xf32, #tpu.memory_space<hbm>>
      %dma_start3A_57 = arith.constant 0 : i32
      %dma_start3A_58 = arith.constant 0 : i32
      %dma_start3A_59 = tpu.memref_slice %arg9[%dma_start3A_57, %dma_start3A_58] : memref<128x64xf32, #tpu.memory_space<vmem>> -> memref<128x64xf32, #tpu.memory_space<vmem>>
      tpu.enqueue_dma source(%dma_start3A_59 : memref<128x64xf32, #tpu.memory_space<vmem>>) target(%dma_start3A_56 : memref<128x64xf32, #tpu.memory_space<hbm>>) target_semaphore(%run_scoped3A : memref<!tpu.dma_semaphore, #tpu.memory_space<semaphore_mem>>)
      %dma_wait3A = arith.constant 0 : i32
      %dma_wait3A_60 = arith.constant 0 : i32
      %dma_wait3A_61 = tpu.memref_slice %arg9[%dma_wait3A, %dma_wait3A_60] : memref<128x64xf32, #tpu.memory_space<vmem>> -> memref<128x64xf32, #tpu.memory_space<vmem>>
      %dma_wait3A_62 = arith.constant 0 : i32
      %dma_wait3A_63 = tpu.memref_slice %arg5[%arg0, %add3A_40, %dma_wait3A_62] : memref<2x10112x64xf32, #tpu.memory_space<hbm>> -> memref<1x128x64xf32, #tpu.memory_space<hbm>>
      %dma_wait3A_64 = tpu.memref_squeeze %dma_wait3A_63 : memref<1x128x64xf32, #tpu.memory_space<hbm>> -> memref<128x64xf32, #tpu.memory_space<hbm>>
      %dma_wait3A_65 = arith.constant 0 : i32
      %dma_wait3A_66 = tpu.memref_slice %arg5[%arg0, %add3A_40, %dma_wait3A_65] : memref<2x10112x64xf32, #tpu.memory_space<hbm>> -> memref<1x128x64xf32, #tpu.memory_space<hbm>>
      %dma_wait3A_67 = tpu.memref_squeeze %dma_wait3A_66 : memref<1x128x64xf32, #tpu.memory_space<hbm>> -> memref<128x64xf32, #tpu.memory_space<hbm>>
      %dma_wait3A_68 = arith.constant 0 : i32
      %dma_wait3A_69 = arith.constant 0 : i32
      %dma_wait3A_70 = tpu.memref_slice %arg9[%dma_wait3A_68, %dma_wait3A_69] : memref<128x64xf32, #tpu.memory_space<vmem>> -> memref<128x64xf32, #tpu.memory_space<vmem>>
      tpu.wait_dma2 semaphore(%run_scoped3A : memref<!tpu.dma_semaphore, #tpu.memory_space<semaphore_mem>>) src(%dma_wait3A_70 : memref<128x64xf32, #tpu.memory_space<vmem>>) dst(%dma_wait3A_67 : memref<128x64xf32, #tpu.memory_space<hbm>>)
      tpu.yield
    }) : () -> ()
    %add3A_41 = arith.constant 384 : i32
    %add3A_42 = arith.addi %mul3A_0, %add3A_41 : i32
    "tpu.region"() ({
      %run_scoped3A = tpu.sem_alloc : memref<!tpu.dma_semaphore, #tpu.memory_space<semaphore_mem>>
      %dma_start3A = arith.constant 0 : i32
      %dma_start3A_49 = arith.constant 0 : i32
      %dma_start3A_50 = tpu.memref_slice %arg9[%dma_start3A, %dma_start3A_49] : memref<128x64xf32, #tpu.memory_space<vmem>> -> memref<128x64xf32, #tpu.memory_space<vmem>>
      %dma_start3A_51 = arith.constant 0 : i32
      %dma_start3A_52 = tpu.memref_slice %arg10[%add3A_42, %dma_start3A_51] : memref<10112x64xf32, #tpu.memory_space<vmem_shared>> -> memref<128x64xf32, #tpu.memory_space<vmem_shared>>
      %dma_start3A_53 = arith.constant 0 : i32
      %dma_start3A_54 = arith.constant 0 : i32
      %dma_start3A_55 = tpu.memref_slice %arg9[%dma_start3A_53, %dma_start3A_54] : memref<128x64xf32, #tpu.memory_space<vmem>> -> memref<128x64xf32, #tpu.memory_space<vmem>>
      %dma_start3A_56 = arith.constant 0 : i32
      %dma_start3A_57 = tpu.memref_slice %arg10[%add3A_42, %dma_start3A_56] : memref<10112x64xf32, #tpu.memory_space<vmem_shared>> -> memref<128x64xf32, #tpu.memory_space<vmem_shared>>
      tpu.enqueue_dma source(%dma_start3A_57 : memref<128x64xf32, #tpu.memory_space<vmem_shared>>) target(%dma_start3A_55 : memref<128x64xf32, #tpu.memory_space<vmem>>) target_semaphore(%run_scoped3A : memref<!tpu.dma_semaphore, #tpu.memory_space<semaphore_mem>>)
      %dma_wait3A = arith.constant 0 : i32
      %dma_wait3A_58 = arith.constant 0 : i32
      %dma_wait3A_59 = tpu.memref_slice %arg9[%dma_wait3A, %dma_wait3A_58] : memref<128x64xf32, #tpu.memory_space<vmem>> -> memref<128x64xf32, #tpu.memory_space<vmem>>
      %dma_wait3A_60 = arith.constant 0 : i32
      %dma_wait3A_61 = tpu.memref_slice %arg10[%add3A_42, %dma_wait3A_60] : memref<10112x64xf32, #tpu.memory_space<vmem_shared>> -> memref<128x64xf32, #tpu.memory_space<vmem_shared>>
      %dma_wait3A_62 = arith.constant 0 : i32
      %dma_wait3A_63 = arith.constant 0 : i32
      %dma_wait3A_64 = tpu.memref_slice %arg9[%dma_wait3A_62, %dma_wait3A_63] : memref<128x64xf32, #tpu.memory_space<vmem>> -> memref<128x64xf32, #tpu.memory_space<vmem>>
      %dma_wait3A_65 = arith.constant 0 : i32
      %dma_wait3A_66 = tpu.memref_slice %arg10[%add3A_42, %dma_wait3A_65] : memref<10112x64xf32, #tpu.memory_space<vmem_shared>> -> memref<128x64xf32, #tpu.memory_space<vmem_shared>>
      tpu.wait_dma2 semaphore(%run_scoped3A : memref<!tpu.dma_semaphore, #tpu.memory_space<semaphore_mem>>) src(%dma_wait3A_66 : memref<128x64xf32, #tpu.memory_space<vmem_shared>>) dst(%dma_wait3A_64 : memref<128x64xf32, #tpu.memory_space<vmem>>)
      tpu.yield
    }) : () -> ()
    %add3A_43 = arith.constant 384 : i32
    %add3A_44 = arith.addi %mul3A_0, %add3A_43 : i32
    "tpu.region"() ({
      %run_scoped3A = tpu.sem_alloc : memref<!tpu.dma_semaphore, #tpu.memory_space<semaphore_mem>>
      %dma_start3A = arith.constant 0 : i32
      %dma_start3A_49 = arith.constant 0 : i32
      %dma_start3A_50 = tpu.memref_slice %arg9[%dma_start3A, %dma_start3A_49] : memref<128x64xf32, #tpu.memory_space<vmem>> -> memref<128x64xf32, #tpu.memory_space<vmem>>
      %dma_start3A_51 = arith.constant 0 : i32
      %dma_start3A_52 = tpu.memref_slice %arg5[%arg0, %add3A_44, %dma_start3A_51] : memref<2x10112x64xf32, #tpu.memory_space<hbm>> -> memref<1x128x64xf32, #tpu.memory_space<hbm>>
      %dma_start3A_53 = tpu.memref_squeeze %dma_start3A_52 : memref<1x128x64xf32, #tpu.memory_space<hbm>> -> memref<128x64xf32, #tpu.memory_space<hbm>>
      %dma_start3A_54 = arith.constant 0 : i32
      %dma_start3A_55 = tpu.memref_slice %arg5[%arg0, %add3A_44, %dma_start3A_54] : memref<2x10112x64xf32, #tpu.memory_space<hbm>> -> memref<1x128x64xf32, #tpu.memory_space<hbm>>
      %dma_start3A_56 = tpu.memref_squeeze %dma_start3A_55 : memref<1x128x64xf32, #tpu.memory_space<hbm>> -> memref<128x64xf32, #tpu.memory_space<hbm>>
      %dma_start3A_57 = arith.constant 0 : i32
      %dma_start3A_58 = arith.constant 0 : i32
      %dma_start3A_59 = tpu.memref_slice %arg9[%dma_start3A_57, %dma_start3A_58] : memref<128x64xf32, #tpu.memory_space<vmem>> -> memref<128x64xf32, #tpu.memory_space<vmem>>
      tpu.enqueue_dma source(%dma_start3A_59 : memref<128x64xf32, #tpu.memory_space<vmem>>) target(%dma_start3A_56 : memref<128x64xf32, #tpu.memory_space<hbm>>) target_semaphore(%run_scoped3A : memref<!tpu.dma_semaphore, #tpu.memory_space<semaphore_mem>>)
      %dma_wait3A = arith.constant 0 : i32
      %dma_wait3A_60 = arith.constant 0 : i32
      %dma_wait3A_61 = tpu.memref_slice %arg9[%dma_wait3A, %dma_wait3A_60] : memref<128x64xf32, #tpu.memory_space<vmem>> -> memref<128x64xf32, #tpu.memory_space<vmem>>
      %dma_wait3A_62 = arith.constant 0 : i32
      %dma_wait3A_63 = tpu.memref_slice %arg5[%arg0, %add3A_44, %dma_wait3A_62] : memref<2x10112x64xf32, #tpu.memory_space<hbm>> -> memref<1x128x64xf32, #tpu.memory_space<hbm>>
      %dma_wait3A_64 = tpu.memref_squeeze %dma_wait3A_63 : memref<1x128x64xf32, #tpu.memory_space<hbm>> -> memref<128x64xf32, #tpu.memory_space<hbm>>
      %dma_wait3A_65 = arith.constant 0 : i32
      %dma_wait3A_66 = tpu.memref_slice %arg5[%arg0, %add3A_44, %dma_wait3A_65] : memref<2x10112x64xf32, #tpu.memory_space<hbm>> -> memref<1x128x64xf32, #tpu.memory_space<hbm>>
      %dma_wait3A_67 = tpu.memref_squeeze %dma_wait3A_66 : memref<1x128x64xf32, #tpu.memory_space<hbm>> -> memref<128x64xf32, #tpu.memory_space<hbm>>
      %dma_wait3A_68 = arith.constant 0 : i32
      %dma_wait3A_69 = arith.constant 0 : i32
      %dma_wait3A_70 = tpu.memref_slice %arg9[%dma_wait3A_68, %dma_wait3A_69] : memref<128x64xf32, #tpu.memory_space<vmem>> -> memref<128x64xf32, #tpu.memory_space<vmem>>
      tpu.wait_dma2 semaphore(%run_scoped3A : memref<!tpu.dma_semaphore, #tpu.memory_space<semaphore_mem>>) src(%dma_wait3A_70 : memref<128x64xf32, #tpu.memory_space<vmem>>) dst(%dma_wait3A_67 : memref<128x64xf32, #tpu.memory_space<hbm>>)
      tpu.yield
    }) : () -> ()
    %add3A_45 = arith.constant 512 : i32
    %add3A_46 = arith.addi %mul3A_0, %add3A_45 : i32
    "tpu.region"() ({
      %run_scoped3A = tpu.sem_alloc : memref<!tpu.dma_semaphore, #tpu.memory_space<semaphore_mem>>
      %dma_start3A = arith.constant 0 : i32
      %dma_start3A_49 = arith.constant 0 : i32
      %dma_start3A_50 = tpu.memref_slice %arg9[%dma_start3A, %dma_start3A_49] : memref<128x64xf32, #tpu.memory_space<vmem>> -> memref<120x64xf32, #tpu.memory_space<vmem>>
      %dma_start3A_51 = arith.constant 0 : i32
      %dma_start3A_52 = tpu.memref_slice %arg10[%add3A_46, %dma_start3A_51] : memref<10112x64xf32, #tpu.memory_space<vmem_shared>> -> memref<120x64xf32, #tpu.memory_space<vmem_shared>>
      %dma_start3A_53 = arith.constant 0 : i32
      %dma_start3A_54 = arith.constant 0 : i32
      %dma_start3A_55 = tpu.memref_slice %arg9[%dma_start3A_53, %dma_start3A_54] : memref<128x64xf32, #tpu.memory_space<vmem>> -> memref<120x64xf32, #tpu.memory_space<vmem>>
      %dma_start3A_56 = arith.constant 0 : i32
      %dma_start3A_57 = tpu.memref_slice %arg10[%add3A_46, %dma_start3A_56] : memref<10112x64xf32, #tpu.memory_space<vmem_shared>> -> memref<120x64xf32, #tpu.memory_space<vmem_shared>>
      tpu.enqueue_dma source(%dma_start3A_57 : memref<120x64xf32, #tpu.memory_space<vmem_shared>>) target(%dma_start3A_55 : memref<120x64xf32, #tpu.memory_space<vmem>>) target_semaphore(%run_scoped3A : memref<!tpu.dma_semaphore, #tpu.memory_space<semaphore_mem>>)
      %dma_wait3A = arith.constant 0 : i32
      %dma_wait3A_58 = arith.constant 0 : i32
      %dma_wait3A_59 = tpu.memref_slice %arg9[%dma_wait3A, %dma_wait3A_58] : memref<128x64xf32, #tpu.memory_space<vmem>> -> memref<120x64xf32, #tpu.memory_space<vmem>>
      %dma_wait3A_60 = arith.constant 0 : i32
      %dma_wait3A_61 = tpu.memref_slice %arg10[%add3A_46, %dma_wait3A_60] : memref<10112x64xf32, #tpu.memory_space<vmem_shared>> -> memref<120x64xf32, #tpu.memory_space<vmem_shared>>
      %dma_wait3A_62 = arith.constant 0 : i32
      %dma_wait3A_63 = arith.constant 0 : i32
      %dma_wait3A_64 = tpu.memref_slice %arg9[%dma_wait3A_62, %dma_wait3A_63] : memref<128x64xf32, #tpu.memory_space<vmem>> -> memref<120x64xf32, #tpu.memory_space<vmem>>
      %dma_wait3A_65 = arith.constant 0 : i32
      %dma_wait3A_66 = tpu.memref_slice %arg10[%add3A_46, %dma_wait3A_65] : memref<10112x64xf32, #tpu.memory_space<vmem_shared>> -> memref<120x64xf32, #tpu.memory_space<vmem_shared>>
      tpu.wait_dma2 semaphore(%run_scoped3A : memref<!tpu.dma_semaphore, #tpu.memory_space<semaphore_mem>>) src(%dma_wait3A_66 : memref<120x64xf32, #tpu.memory_space<vmem_shared>>) dst(%dma_wait3A_64 : memref<120x64xf32, #tpu.memory_space<vmem>>)
      tpu.yield
    }) : () -> ()
    %add3A_47 = arith.constant 512 : i32
    %add3A_48 = arith.addi %mul3A_0, %add3A_47 : i32
    "tpu.region"() ({
      %run_scoped3A = tpu.sem_alloc : memref<!tpu.dma_semaphore, #tpu.memory_space<semaphore_mem>>
      %dma_start3A = arith.constant 0 : i32
      %dma_start3A_49 = arith.constant 0 : i32
      %dma_start3A_50 = tpu.memref_slice %arg9[%dma_start3A, %dma_start3A_49] : memref<128x64xf32, #tpu.memory_space<vmem>> -> memref<120x64xf32, #tpu.memory_space<vmem>>
      %dma_start3A_51 = arith.constant 0 : i32
      %dma_start3A_52 = tpu.memref_slice %arg5[%arg0, %add3A_48, %dma_start3A_51] : memref<2x10112x64xf32, #tpu.memory_space<hbm>> -> memref<1x120x64xf32, #tpu.memory_space<hbm>>
      %dma_start3A_53 = tpu.memref_squeeze %dma_start3A_52 : memref<1x120x64xf32, #tpu.memory_space<hbm>> -> memref<120x64xf32, #tpu.memory_space<hbm>>
      %dma_start3A_54 = arith.constant 0 : i32
      %dma_start3A_55 = tpu.memref_slice %arg5[%arg0, %add3A_48, %dma_start3A_54] : memref<2x10112x64xf32, #tpu.memory_space<hbm>> -> memref<1x120x64xf32, #tpu.memory_space<hbm>>
      %dma_start3A_56 = tpu.memref_squeeze %dma_start3A_55 : memref<1x120x64xf32, #tpu.memory_space<hbm>> -> memref<120x64xf32, #tpu.memory_space<hbm>>
      %dma_start3A_57 = arith.constant 0 : i32
      %dma_start3A_58 = arith.constant 0 : i32
      %dma_start3A_59 = tpu.memref_slice %arg9[%dma_start3A_57, %dma_start3A_58] : memref<128x64xf32, #tpu.memory_space<vmem>> -> memref<120x64xf32, #tpu.memory_space<vmem>>
      tpu.enqueue_dma source(%dma_start3A_59 : memref<120x64xf32, #tpu.memory_space<vmem>>) target(%dma_start3A_56 : memref<120x64xf32, #tpu.memory_space<hbm>>) target_semaphore(%run_scoped3A : memref<!tpu.dma_semaphore, #tpu.memory_space<semaphore_mem>>)
      %dma_wait3A = arith.constant 0 : i32
      %dma_wait3A_60 = arith.constant 0 : i32
      %dma_wait3A_61 = tpu.memref_slice %arg9[%dma_wait3A, %dma_wait3A_60] : memref<128x64xf32, #tpu.memory_space<vmem>> -> memref<120x64xf32, #tpu.memory_space<vmem>>
      %dma_wait3A_62 = arith.constant 0 : i32
      %dma_wait3A_63 = tpu.memref_slice %arg5[%arg0, %add3A_48, %dma_wait3A_62] : memref<2x10112x64xf32, #tpu.memory_space<hbm>> -> memref<1x120x64xf32, #tpu.memory_space<hbm>>
      %dma_wait3A_64 = tpu.memref_squeeze %dma_wait3A_63 : memref<1x120x64xf32, #tpu.memory_space<hbm>> -> memref<120x64xf32, #tpu.memory_space<hbm>>
      %dma_wait3A_65 = arith.constant 0 : i32
      %dma_wait3A_66 = tpu.memref_slice %arg5[%arg0, %add3A_48, %dma_wait3A_65] : memref<2x10112x64xf32, #tpu.memory_space<hbm>> -> memref<1x120x64xf32, #tpu.memory_space<hbm>>
      %dma_wait3A_67 = tpu.memref_squeeze %dma_wait3A_66 : memref<1x120x64xf32, #tpu.memory_space<hbm>> -> memref<120x64xf32, #tpu.memory_space<hbm>>
      %dma_wait3A_68 = arith.constant 0 : i32
      %dma_wait3A_69 = arith.constant 0 : i32
      %dma_wait3A_70 = tpu.memref_slice %arg9[%dma_wait3A_68, %dma_wait3A_69] : memref<128x64xf32, #tpu.memory_space<vmem>> -> memref<120x64xf32, #tpu.memory_space<vmem>>
      tpu.wait_dma2 semaphore(%run_scoped3A : memref<!tpu.dma_semaphore, #tpu.memory_space<semaphore_mem>>) src(%dma_wait3A_70 : memref<120x64xf32, #tpu.memory_space<vmem>>) dst(%dma_wait3A_67 : memref<120x64xf32, #tpu.memory_space<hbm>>)
      tpu.yield
    }) : () -> ()
    return
  }
}

#map = affine_map<(d0, d1) -> (0, 0, 0)>
#map1 = affine_map<(d0, d1) -> (0)>
module attributes {stable_mosaic.version = 14 : i64} {
  func.func @_sc_unique_gather(%arg0: i32, %arg1: i32, %arg2: memref<2x10112x64xf32, #tpu.memory_space<hbm>>, %arg3: memref<10112xi32, #tpu.memory_space<hbm>>, %arg4: memref<2x10112x64xf32, #tpu.memory_space<hbm>>, %arg5: memref<128xi32, #tpu.memory_space<vmem>>, %arg6: memref<128x64xf32, #tpu.memory_space<vmem>>, %arg7: memref<128x64xf32, #tpu.memory_space<vmem>>, %arg8: memref<1x64xf32, #tpu.memory_space<vmem>>, %arg9: memref<10112x64xf32, #tpu.memory_space<vmem_shared>>) attributes {dimension_semantics = [#tpu.dimension_semantics<core_parallel>, #tpu.dimension_semantics<subcore_parallel>], iteration_bounds = array<i64: 2, 16>, scalar_prefetch = 0 : i64, scratch_operands = 5 : i64, tpu.core_type = #tpu.core_type<sc_vector_subcore>, window_params = [{transform_indices = #map}, {transform_indices = #map1}, {transform_indices = #map}]} {
    "tpu.region"() ({
      %run_scoped3A = tpu.sem_alloc : memref<!tpu.dma_semaphore, #tpu.memory_space<semaphore_mem>>
      %dma_start3A = arith.constant 0 : i32
      %dma_start3A_49 = arith.constant 0 : i32
      %dma_start3A_50 = tpu.memref_slice %arg2[%arg0, %dma_start3A, %dma_start3A_49] : memref<2x10112x64xf32, #tpu.memory_space<hbm>> -> memref<1x1x64xf32, #tpu.memory_space<hbm>>
      %dma_start3A_51 = tpu.memref_squeeze %dma_start3A_50 : memref<1x1x64xf32, #tpu.memory_space<hbm>> -> memref<1x64xf32, #tpu.memory_space<hbm>>
      %dma_start3A_52 = arith.constant 0 : i32
      %dma_start3A_53 = arith.constant 0 : i32
      %dma_start3A_54 = tpu.memref_slice %arg2[%arg0, %dma_start3A_52, %dma_start3A_53] : memref<2x10112x64xf32, #tpu.memory_space<hbm>> -> memref<1x1x64xf32, #tpu.memory_space<hbm>>
      %dma_start3A_55 = tpu.memref_squeeze %dma_start3A_54 : memref<1x1x64xf32, #tpu.memory_space<hbm>> -> memref<1x64xf32, #tpu.memory_space<hbm>>
      tpu.enqueue_dma source(%dma_start3A_55 : memref<1x64xf32, #tpu.memory_space<hbm>>) target(%arg8 : memref<1x64xf32, #tpu.memory_space<vmem>>) target_semaphore(%run_scoped3A : memref<!tpu.dma_semaphore, #tpu.memory_space<semaphore_mem>>)
      %dma_wait3A = arith.constant 0 : i32
      %dma_wait3A_56 = arith.constant 0 : i32
      %dma_wait3A_57 = tpu.memref_slice %arg2[%arg0, %dma_wait3A, %dma_wait3A_56] : memref<2x10112x64xf32, #tpu.memory_space<hbm>> -> memref<1x1x64xf32, #tpu.memory_space<hbm>>
      %dma_wait3A_58 = tpu.memref_squeeze %dma_wait3A_57 : memref<1x1x64xf32, #tpu.memory_space<hbm>> -> memref<1x64xf32, #tpu.memory_space<hbm>>
      %dma_wait3A_59 = arith.constant 0 : i32
      %dma_wait3A_60 = arith.constant 0 : i32
      %dma_wait3A_61 = tpu.memref_slice %arg2[%arg0, %dma_wait3A_59, %dma_wait3A_60] : memref<2x10112x64xf32, #tpu.memory_space<hbm>> -> memref<1x1x64xf32, #tpu.memory_space<hbm>>
      %dma_wait3A_62 = tpu.memref_squeeze %dma_wait3A_61 : memref<1x1x64xf32, #tpu.memory_space<hbm>> -> memref<1x64xf32, #tpu.memory_space<hbm>>
      tpu.wait_dma2 semaphore(%run_scoped3A : memref<!tpu.dma_semaphore, #tpu.memory_space<semaphore_mem>>) src(%dma_wait3A_62 : memref<1x64xf32, #tpu.memory_space<hbm>>) dst(%arg8 : memref<1x64xf32, #tpu.memory_space<vmem>>)
      tpu.yield
    }) : () -> ()
    %scan3A = arith.constant 0 : i32
    %scan3A_0 = arith.constant 0 : i32
    %scan3A_1 = arith.constant 128 : i32
    %scan3A_2 = arith.addi %scan3A_0, %scan3A_1 : i32
    %scan3A_3 = arith.constant 1 : i32
    %scan3A_4 = scf.for %scan3A_49 = %scan3A_0 to %scan3A_2 step %scan3A_3 iter_args(%scan3A_50 = %scan3A) -> (i32)  : i32 {
      %get3A = arith.constant 0 : i32
      %get3A_51 = arith.index_cast %get3A : i32 to index
      %get3A_52 = arith.constant 0 : index
      %get3A_53 = tpu.vector_load %arg8[%get3A_51, %get3A_52] {strides = array<i32>} : memref<1x64xf32, #tpu.memory_space<vmem>>, vector<16xf32>,
      %swap3A_54 = arith.index_cast %scan3A_49 : i32 to index
      %swap3A_55 = arith.constant 0 : index
      %swap3A_56 = tpu.vector_load %arg7[%swap3A_54, %swap3A_55] {strides = array<i32>} : memref<128x64xf32, #tpu.memory_space<vmem>>, vector<16xf32>,
      tpu.vector_store %arg7[%swap3A_54, %swap3A_55], %get3A_53 {strides = array<i32>} : memref<128x64xf32, #tpu.memory_space<vmem>>, vector<16xf32>,
      %get3A_57 = arith.constant 0 : i32
      %get3A_58 = arith.index_cast %get3A_57 : i32 to index
      %get3A_59 = arith.constant 16 : index
      %get3A_60 = tpu.vector_load %arg8[%get3A_58, %get3A_59] {strides = array<i32>} : memref<1x64xf32, #tpu.memory_space<vmem>>, vector<16xf32>,
      %swap3A_61 = arith.index_cast %scan3A_49 : i32 to index
      %swap3A_62 = arith.constant 16 : index
      %swap3A_63 = tpu.vector_load %arg7[%swap3A_61, %swap3A_62] {strides = array<i32>} : memref<128x64xf32, #tpu.memory_space<vmem>>, vector<16xf32>,
      tpu.vector_store %arg7[%swap3A_61, %swap3A_62], %get3A_60 {strides = array<i32>} : memref<128x64xf32, #tpu.memory_space<vmem>>, vector<16xf32>,
      %get3A_64 = arith.constant 0 : i32
      %get3A_65 = arith.index_cast %get3A_64 : i32 to index
      %get3A_66 = arith.constant 32 : index
      %get3A_67 = tpu.vector_load %arg8[%get3A_65, %get3A_66] {strides = array<i32>} : memref<1x64xf32, #tpu.memory_space<vmem>>, vector<16xf32>,
      %swap3A_68 = arith.index_cast %scan3A_49 : i32 to index
      %swap3A_69 = arith.constant 32 : index
      %swap3A_70 = tpu.vector_load %arg7[%swap3A_68, %swap3A_69] {strides = array<i32>} : memref<128x64xf32, #tpu.memory_space<vmem>>, vector<16xf32>,
      tpu.vector_store %arg7[%swap3A_68, %swap3A_69], %get3A_67 {strides = array<i32>} : memref<128x64xf32, #tpu.memory_space<vmem>>, vector<16xf32>,
      %get3A_71 = arith.constant 0 : i32
      %get3A_72 = arith.index_cast %get3A_71 : i32 to index
      %get3A_73 = arith.constant 48 : index
      %get3A_74 = tpu.vector_load %arg8[%get3A_72, %get3A_73] {strides = array<i32>} : memref<1x64xf32, #tpu.memory_space<vmem>>, vector<16xf32>,
      %swap3A_75 = arith.index_cast %scan3A_49 : i32 to index
      %swap3A_76 = arith.constant 48 : index
      %swap3A_77 = tpu.vector_load %arg7[%swap3A_75, %swap3A_76] {strides = array<i32>} : memref<128x64xf32, #tpu.memory_space<vmem>>, vector<16xf32>,
      tpu.vector_store %arg7[%swap3A_75, %swap3A_76], %get3A_74 {strides = array<i32>} : memref<128x64xf32, #tpu.memory_space<vmem>>, vector<16xf32>,
      %scan3A_78 = arith.constant 0 : i32
      scf.yield %scan3A_78 : i32
    }
    %scan3A_5 = arith.constant 128 : i32
    %mul3A = arith.constant 632 : i32
    %mul3A_6 = arith.muli %arg1, %mul3A : i32
    %add3A = arith.constant 0 : i32
    %add3A_7 = arith.addi %mul3A_6, %add3A : i32
    "tpu.region"() ({
      %run_scoped3A = tpu.sem_alloc : memref<!tpu.dma_semaphore, #tpu.memory_space<semaphore_mem>>
      %dma_start3A = arith.constant 0 : i32
      %dma_start3A_49 = arith.constant 0 : i32
      %dma_start3A_50 = tpu.memref_slice %arg7[%dma_start3A, %dma_start3A_49] : memref<128x64xf32, #tpu.memory_space<vmem>> -> memref<128x64xf32, #tpu.memory_space<vmem>>
      %dma_start3A_51 = arith.constant 0 : i32
      %dma_start3A_52 = tpu.memref_slice %arg9[%add3A_7, %dma_start3A_51] : memref<10112x64xf32, #tpu.memory_space<vmem_shared>> -> memref<128x64xf32, #tpu.memory_space<vmem_shared>>
      %dma_start3A_53 = arith.constant 0 : i32
      %dma_start3A_54 = tpu.memref_slice %arg9[%add3A_7, %dma_start3A_53] : memref<10112x64xf32, #tpu.memory_space<vmem_shared>> -> memref<128x64xf32, #tpu.memory_space<vmem_shared>>
      %dma_start3A_55 = arith.constant 0 : i32
      %dma_start3A_56 = arith.constant 0 : i32
      %dma_start3A_57 = tpu.memref_slice %arg7[%dma_start3A_55, %dma_start3A_56] : memref<128x64xf32, #tpu.memory_space<vmem>> -> memref<128x64xf32, #tpu.memory_space<vmem>>
      tpu.enqueue_dma source(%dma_start3A_57 : memref<128x64xf32, #tpu.memory_space<vmem>>) target(%dma_start3A_54 : memref<128x64xf32, #tpu.memory_space<vmem_shared>>) target_semaphore(%run_scoped3A : memref<!tpu.dma_semaphore, #tpu.memory_space<semaphore_mem>>)
      %dma_wait3A = arith.constant 0 : i32
      %dma_wait3A_58 = arith.constant 0 : i32
      %dma_wait3A_59 = tpu.memref_slice %arg7[%dma_wait3A, %dma_wait3A_58] : memref<128x64xf32, #tpu.memory_space<vmem>> -> memref<128x64xf32, #tpu.memory_space<vmem>>
      %dma_wait3A_60 = arith.constant 0 : i32
      %dma_wait3A_61 = tpu.memref_slice %arg9[%add3A_7, %dma_wait3A_60] : memref<10112x64xf32, #tpu.memory_space<vmem_shared>> -> memref<128x64xf32, #tpu.memory_space<vmem_shared>>
      %dma_wait3A_62 = arith.constant 0 : i32
      %dma_wait3A_63 = tpu.memref_slice %arg9[%add3A_7, %dma_wait3A_62] : memref<10112x64xf32, #tpu.memory_space<vmem_shared>> -> memref<128x64xf32, #tpu.memory_space<vmem_shared>>
      %dma_wait3A_64 = arith.constant 0 : i32
      %dma_wait3A_65 = arith.constant 0 : i32
      %dma_wait3A_66 = tpu.memref_slice %arg7[%dma_wait3A_64, %dma_wait3A_65] : memref<128x64xf32, #tpu.memory_space<vmem>> -> memref<128x64xf32, #tpu.memory_space<vmem>>
      tpu.wait_dma2 semaphore(%run_scoped3A : memref<!tpu.dma_semaphore, #tpu.memory_space<semaphore_mem>>) src(%dma_wait3A_66 : memref<128x64xf32, #tpu.memory_space<vmem>>) dst(%dma_wait3A_63 : memref<128x64xf32, #tpu.memory_space<vmem_shared>>)
      tpu.yield
    }) : () -> ()
    %add3A_8 = arith.constant 128 : i32
    %add3A_9 = arith.addi %mul3A_6, %add3A_8 : i32
    "tpu.region"() ({
      %run_scoped3A = tpu.sem_alloc : memref<!tpu.dma_semaphore, #tpu.memory_space<semaphore_mem>>
      %dma_start3A = arith.constant 0 : i32
      %dma_start3A_49 = arith.constant 0 : i32
      %dma_start3A_50 = tpu.memref_slice %arg7[%dma_start3A, %dma_start3A_49] : memref<128x64xf32, #tpu.memory_space<vmem>> -> memref<128x64xf32, #tpu.memory_space<vmem>>
      %dma_start3A_51 = arith.constant 0 : i32
      %dma_start3A_52 = tpu.memref_slice %arg9[%add3A_9, %dma_start3A_51] : memref<10112x64xf32, #tpu.memory_space<vmem_shared>> -> memref<128x64xf32, #tpu.memory_space<vmem_shared>>
      %dma_start3A_53 = arith.constant 0 : i32
      %dma_start3A_54 = tpu.memref_slice %arg9[%add3A_9, %dma_start3A_53] : memref<10112x64xf32, #tpu.memory_space<vmem_shared>> -> memref<128x64xf32, #tpu.memory_space<vmem_shared>>
      %dma_start3A_55 = arith.constant 0 : i32
      %dma_start3A_56 = arith.constant 0 : i32
      %dma_start3A_57 = tpu.memref_slice %arg7[%dma_start3A_55, %dma_start3A_56] : memref<128x64xf32, #tpu.memory_space<vmem>> -> memref<128x64xf32, #tpu.memory_space<vmem>>
      tpu.enqueue_dma source(%dma_start3A_57 : memref<128x64xf32, #tpu.memory_space<vmem>>) target(%dma_start3A_54 : memref<128x64xf32, #tpu.memory_space<vmem_shared>>) target_semaphore(%run_scoped3A : memref<!tpu.dma_semaphore, #tpu.memory_space<semaphore_mem>>)
      %dma_wait3A = arith.constant 0 : i32
      %dma_wait3A_58 = arith.constant 0 : i32
      %dma_wait3A_59 = tpu.memref_slice %arg7[%dma_wait3A, %dma_wait3A_58] : memref<128x64xf32, #tpu.memory_space<vmem>> -> memref<128x64xf32, #tpu.memory_space<vmem>>
      %dma_wait3A_60 = arith.constant 0 : i32
      %dma_wait3A_61 = tpu.memref_slice %arg9[%add3A_9, %dma_wait3A_60] : memref<10112x64xf32, #tpu.memory_space<vmem_shared>> -> memref<128x64xf32, #tpu.memory_space<vmem_shared>>
      %dma_wait3A_62 = arith.constant 0 : i32
      %dma_wait3A_63 = tpu.memref_slice %arg9[%add3A_9, %dma_wait3A_62] : memref<10112x64xf32, #tpu.memory_space<vmem_shared>> -> memref<128x64xf32, #tpu.memory_space<vmem_shared>>
      %dma_wait3A_64 = arith.constant 0 : i32
      %dma_wait3A_65 = arith.constant 0 : i32
      %dma_wait3A_66 = tpu.memref_slice %arg7[%dma_wait3A_64, %dma_wait3A_65] : memref<128x64xf32, #tpu.memory_space<vmem>> -> memref<128x64xf32, #tpu.memory_space<vmem>>
      tpu.wait_dma2 semaphore(%run_scoped3A : memref<!tpu.dma_semaphore, #tpu.memory_space<semaphore_mem>>) src(%dma_wait3A_66 : memref<128x64xf32, #tpu.memory_space<vmem>>) dst(%dma_wait3A_63 : memref<128x64xf32, #tpu.memory_space<vmem_shared>>)
      tpu.yield
    }) : () -> ()
    %add3A_10 = arith.constant 256 : i32
    %add3A_11 = arith.addi %mul3A_6, %add3A_10 : i32
    "tpu.region"() ({
      %run_scoped3A = tpu.sem_alloc : memref<!tpu.dma_semaphore, #tpu.memory_space<semaphore_mem>>
      %dma_start3A = arith.constant 0 : i32
      %dma_start3A_49 = arith.constant 0 : i32
      %dma_start3A_50 = tpu.memref_slice %arg7[%dma_start3A, %dma_start3A_49] : memref<128x64xf32, #tpu.memory_space<vmem>> -> memref<128x64xf32, #tpu.memory_space<vmem>>
      %dma_start3A_51 = arith.constant 0 : i32
      %dma_start3A_52 = tpu.memref_slice %arg9[%add3A_11, %dma_start3A_51] : memref<10112x64xf32, #tpu.memory_space<vmem_shared>> -> memref<128x64xf32, #tpu.memory_space<vmem_shared>>
      %dma_start3A_53 = arith.constant 0 : i32
      %dma_start3A_54 = tpu.memref_slice %arg9[%add3A_11, %dma_start3A_53] : memref<10112x64xf32, #tpu.memory_space<vmem_shared>> -> memref<128x64xf32, #tpu.memory_space<vmem_shared>>
      %dma_start3A_55 = arith.constant 0 : i32
      %dma_start3A_56 = arith.constant 0 : i32
      %dma_start3A_57 = tpu.memref_slice %arg7[%dma_start3A_55, %dma_start3A_56] : memref<128x64xf32, #tpu.memory_space<vmem>> -> memref<128x64xf32, #tpu.memory_space<vmem>>
      tpu.enqueue_dma source(%dma_start3A_57 : memref<128x64xf32, #tpu.memory_space<vmem>>) target(%dma_start3A_54 : memref<128x64xf32, #tpu.memory_space<vmem_shared>>) target_semaphore(%run_scoped3A : memref<!tpu.dma_semaphore, #tpu.memory_space<semaphore_mem>>)
      %dma_wait3A = arith.constant 0 : i32
      %dma_wait3A_58 = arith.constant 0 : i32
      %dma_wait3A_59 = tpu.memref_slice %arg7[%dma_wait3A, %dma_wait3A_58] : memref<128x64xf32, #tpu.memory_space<vmem>> -> memref<128x64xf32, #tpu.memory_space<vmem>>
      %dma_wait3A_60 = arith.constant 0 : i32
      %dma_wait3A_61 = tpu.memref_slice %arg9[%add3A_11, %dma_wait3A_60] : memref<10112x64xf32, #tpu.memory_space<vmem_shared>> -> memref<128x64xf32, #tpu.memory_space<vmem_shared>>
      %dma_wait3A_62 = arith.constant 0 : i32
      %dma_wait3A_63 = tpu.memref_slice %arg9[%add3A_11, %dma_wait3A_62] : memref<10112x64xf32, #tpu.memory_space<vmem_shared>> -> memref<128x64xf32, #tpu.memory_space<vmem_shared>>
      %dma_wait3A_64 = arith.constant 0 : i32
      %dma_wait3A_65 = arith.constant 0 : i32
      %dma_wait3A_66 = tpu.memref_slice %arg7[%dma_wait3A_64, %dma_wait3A_65] : memref<128x64xf32, #tpu.memory_space<vmem>> -> memref<128x64xf32, #tpu.memory_space<vmem>>
      tpu.wait_dma2 semaphore(%run_scoped3A : memref<!tpu.dma_semaphore, #tpu.memory_space<semaphore_mem>>) src(%dma_wait3A_66 : memref<128x64xf32, #tpu.memory_space<vmem>>) dst(%dma_wait3A_63 : memref<128x64xf32, #tpu.memory_space<vmem_shared>>)
      tpu.yield
    }) : () -> ()
    %add3A_12 = arith.constant 384 : i32
    %add3A_13 = arith.addi %mul3A_6, %add3A_12 : i32
    "tpu.region"() ({
      %run_scoped3A = tpu.sem_alloc : memref<!tpu.dma_semaphore, #tpu.memory_space<semaphore_mem>>
      %dma_start3A = arith.constant 0 : i32
      %dma_start3A_49 = arith.constant 0 : i32
      %dma_start3A_50 = tpu.memref_slice %arg7[%dma_start3A, %dma_start3A_49] : memref<128x64xf32, #tpu.memory_space<vmem>> -> memref<128x64xf32, #tpu.memory_space<vmem>>
      %dma_start3A_51 = arith.constant 0 : i32
      %dma_start3A_52 = tpu.memref_slice %arg9[%add3A_13, %dma_start3A_51] : memref<10112x64xf32, #tpu.memory_space<vmem_shared>> -> memref<128x64xf32, #tpu.memory_space<vmem_shared>>
      %dma_start3A_53 = arith.constant 0 : i32
      %dma_start3A_54 = tpu.memref_slice %arg9[%add3A_13, %dma_start3A_53] : memref<10112x64xf32, #tpu.memory_space<vmem_shared>> -> memref<128x64xf32, #tpu.memory_space<vmem_shared>>
      %dma_start3A_55 = arith.constant 0 : i32
      %dma_start3A_56 = arith.constant 0 : i32
      %dma_start3A_57 = tpu.memref_slice %arg7[%dma_start3A_55, %dma_start3A_56] : memref<128x64xf32, #tpu.memory_space<vmem>> -> memref<128x64xf32, #tpu.memory_space<vmem>>
      tpu.enqueue_dma source(%dma_start3A_57 : memref<128x64xf32, #tpu.memory_space<vmem>>) target(%dma_start3A_54 : memref<128x64xf32, #tpu.memory_space<vmem_shared>>) target_semaphore(%run_scoped3A : memref<!tpu.dma_semaphore, #tpu.memory_space<semaphore_mem>>)
      %dma_wait3A = arith.constant 0 : i32
      %dma_wait3A_58 = arith.constant 0 : i32
      %dma_wait3A_59 = tpu.memref_slice %arg7[%dma_wait3A, %dma_wait3A_58] : memref<128x64xf32, #tpu.memory_space<vmem>> -> memref<128x64xf32, #tpu.memory_space<vmem>>
      %dma_wait3A_60 = arith.constant 0 : i32
      %dma_wait3A_61 = tpu.memref_slice %arg9[%add3A_13, %dma_wait3A_60] : memref<10112x64xf32, #tpu.memory_space<vmem_shared>> -> memref<128x64xf32, #tpu.memory_space<vmem_shared>>
      %dma_wait3A_62 = arith.constant 0 : i32
      %dma_wait3A_63 = tpu.memref_slice %arg9[%add3A_13, %dma_wait3A_62] : memref<10112x64xf32, #tpu.memory_space<vmem_shared>> -> memref<128x64xf32, #tpu.memory_space<vmem_shared>>
      %dma_wait3A_64 = arith.constant 0 : i32
      %dma_wait3A_65 = arith.constant 0 : i32
      %dma_wait3A_66 = tpu.memref_slice %arg7[%dma_wait3A_64, %dma_wait3A_65] : memref<128x64xf32, #tpu.memory_space<vmem>> -> memref<128x64xf32, #tpu.memory_space<vmem>>
      tpu.wait_dma2 semaphore(%run_scoped3A : memref<!tpu.dma_semaphore, #tpu.memory_space<semaphore_mem>>) src(%dma_wait3A_66 : memref<128x64xf32, #tpu.memory_space<vmem>>) dst(%dma_wait3A_63 : memref<128x64xf32, #tpu.memory_space<vmem_shared>>)
      tpu.yield
    }) : () -> ()
    %add3A_14 = arith.constant 512 : i32
    %add3A_15 = arith.addi %mul3A_6, %add3A_14 : i32
    "tpu.region"() ({
      %run_scoped3A = tpu.sem_alloc : memref<!tpu.dma_semaphore, #tpu.memory_space<semaphore_mem>>
      %dma_start3A = arith.constant 0 : i32
      %dma_start3A_49 = arith.constant 0 : i32
      %dma_start3A_50 = tpu.memref_slice %arg7[%dma_start3A, %dma_start3A_49] : memref<128x64xf32, #tpu.memory_space<vmem>> -> memref<120x64xf32, #tpu.memory_space<vmem>>
      %dma_start3A_51 = arith.constant 0 : i32
      %dma_start3A_52 = tpu.memref_slice %arg9[%add3A_15, %dma_start3A_51] : memref<10112x64xf32, #tpu.memory_space<vmem_shared>> -> memref<120x64xf32, #tpu.memory_space<vmem_shared>>
      %dma_start3A_53 = arith.constant 0 : i32
      %dma_start3A_54 = tpu.memref_slice %arg9[%add3A_15, %dma_start3A_53] : memref<10112x64xf32, #tpu.memory_space<vmem_shared>> -> memref<120x64xf32, #tpu.memory_space<vmem_shared>>
      %dma_start3A_55 = arith.constant 0 : i32
      %dma_start3A_56 = arith.constant 0 : i32
      %dma_start3A_57 = tpu.memref_slice %arg7[%dma_start3A_55, %dma_start3A_56] : memref<128x64xf32, #tpu.memory_space<vmem>> -> memref<120x64xf32, #tpu.memory_space<vmem>>
      tpu.enqueue_dma source(%dma_start3A_57 : memref<120x64xf32, #tpu.memory_space<vmem>>) target(%dma_start3A_54 : memref<120x64xf32, #tpu.memory_space<vmem_shared>>) target_semaphore(%run_scoped3A : memref<!tpu.dma_semaphore, #tpu.memory_space<semaphore_mem>>)
      %dma_wait3A = arith.constant 0 : i32
      %dma_wait3A_58 = arith.constant 0 : i32
      %dma_wait3A_59 = tpu.memref_slice %arg7[%dma_wait3A, %dma_wait3A_58] : memref<128x64xf32, #tpu.memory_space<vmem>> -> memref<120x64xf32, #tpu.memory_space<vmem>>
      %dma_wait3A_60 = arith.constant 0 : i32
      %dma_wait3A_61 = tpu.memref_slice %arg9[%add3A_15, %dma_wait3A_60] : memref<10112x64xf32, #tpu.memory_space<vmem_shared>> -> memref<120x64xf32, #tpu.memory_space<vmem_shared>>
      %dma_wait3A_62 = arith.constant 0 : i32
      %dma_wait3A_63 = tpu.memref_slice %arg9[%add3A_15, %dma_wait3A_62] : memref<10112x64xf32, #tpu.memory_space<vmem_shared>> -> memref<120x64xf32, #tpu.memory_space<vmem_shared>>
      %dma_wait3A_64 = arith.constant 0 : i32
      %dma_wait3A_65 = arith.constant 0 : i32
      %dma_wait3A_66 = tpu.memref_slice %arg7[%dma_wait3A_64, %dma_wait3A_65] : memref<128x64xf32, #tpu.memory_space<vmem>> -> memref<120x64xf32, #tpu.memory_space<vmem>>
      tpu.wait_dma2 semaphore(%run_scoped3A : memref<!tpu.dma_semaphore, #tpu.memory_space<semaphore_mem>>) src(%dma_wait3A_66 : memref<120x64xf32, #tpu.memory_space<vmem>>) dst(%dma_wait3A_63 : memref<120x64xf32, #tpu.memory_space<vmem_shared>>)
      tpu.yield
    }) : () -> ()
    %barrier3A = arith.constant 0 : index
    tpu.barrier barrier_id(%barrier3A)
    %broadcast_in_dim3A = arith.constant 10000 : i32
    %broadcast_in_dim3A_16 = vector.broadcast %broadcast_in_dim3A : i32 to vector<16xi32>
    %add3A_17 = arith.constant 0 : i32
    %add3A_18 = arith.addi %mul3A_6, %add3A_17 : i32
    "tpu.region"() ({
      %run_scoped3A = tpu.sem_alloc : memref<!tpu.dma_semaphore, #tpu.memory_space<semaphore_mem>>
      %dma_start3A = arith.constant 0 : i32
      %dma_start3A_49 = tpu.memref_slice %arg5[%dma_start3A] : memref<128xi32, #tpu.memory_space<vmem>> -> memref<128xi32, #tpu.memory_space<vmem>>
      %dma_start3A_50 = tpu.memref_slice %arg3[%add3A_18] : memref<10112xi32, #tpu.memory_space<hbm>> -> memref<128xi32, #tpu.memory_space<hbm>>
      %dma_start3A_51 = arith.constant 0 : i32
      %dma_start3A_52 = tpu.memref_slice %arg5[%dma_start3A_51] : memref<128xi32, #tpu.memory_space<vmem>> -> memref<128xi32, #tpu.memory_space<vmem>>
      %dma_start3A_53 = tpu.memref_slice %arg3[%add3A_18] : memref<10112xi32, #tpu.memory_space<hbm>> -> memref<128xi32, #tpu.memory_space<hbm>>
      tpu.enqueue_dma source(%dma_start3A_53 : memref<128xi32, #tpu.memory_space<hbm>>) target(%dma_start3A_52 : memref<128xi32, #tpu.memory_space<vmem>>) target_semaphore(%run_scoped3A : memref<!tpu.dma_semaphore, #tpu.memory_space<semaphore_mem>>)
      %dma_wait3A = arith.constant 0 : i32
      %dma_wait3A_54 = tpu.memref_slice %arg5[%dma_wait3A] : memref<128xi32, #tpu.memory_space<vmem>> -> memref<128xi32, #tpu.memory_space<vmem>>
      %dma_wait3A_55 = tpu.memref_slice %arg3[%add3A_18] : memref<10112xi32, #tpu.memory_space<hbm>> -> memref<128xi32, #tpu.memory_space<hbm>>
      %dma_wait3A_56 = arith.constant 0 : i32
      %dma_wait3A_57 = tpu.memref_slice %arg5[%dma_wait3A_56] : memref<128xi32, #tpu.memory_space<vmem>> -> memref<128xi32, #tpu.memory_space<vmem>>
      %dma_wait3A_58 = tpu.memref_slice %arg3[%add3A_18] : memref<10112xi32, #tpu.memory_space<hbm>> -> memref<128xi32, #tpu.memory_space<hbm>>
      tpu.wait_dma2 semaphore(%run_scoped3A : memref<!tpu.dma_semaphore, #tpu.memory_space<semaphore_mem>>) src(%dma_wait3A_58 : memref<128xi32, #tpu.memory_space<hbm>>) dst(%dma_wait3A_57 : memref<128xi32, #tpu.memory_space<vmem>>)
      tpu.yield
    }) : () -> ()
    "tpu.region"() ({
      %run_scoped3A = tpu.sem_alloc : memref<!tpu.dma_semaphore, #tpu.memory_space<semaphore_mem>>
      %dma_start3A = arith.constant 0 : i32
      %dma_start3A_49 = arith.constant 0 : i32
      %dma_start3A_50 = tpu.memref_slice %arg6[%dma_start3A, %dma_start3A_49] : memref<128x64xf32, #tpu.memory_space<vmem>> -> memref<128x64xf32, #tpu.memory_space<vmem>>
      %dma_start3A_51 = arith.constant 0 : i32
      %dma_start3A_52 = tpu.memref_slice %arg2[%arg0, %add3A_18, %dma_start3A_51] : memref<2x10112x64xf32, #tpu.memory_space<hbm>> -> memref<1x128x64xf32, #tpu.memory_space<hbm>>
      %dma_start3A_53 = tpu.memref_squeeze %dma_start3A_52 : memref<1x128x64xf32, #tpu.memory_space<hbm>> -> memref<128x64xf32, #tpu.memory_space<hbm>>
      %dma_start3A_54 = arith.constant 0 : i32
      %dma_start3A_55 = arith.constant 0 : i32
      %dma_start3A_56 = tpu.memref_slice %arg6[%dma_start3A_54, %dma_start3A_55] : memref<128x64xf32, #tpu.memory_space<vmem>> -> memref<128x64xf32, #tpu.memory_space<vmem>>
      %dma_start3A_57 = arith.constant 0 : i32
      %dma_start3A_58 = tpu.memref_slice %arg2[%arg0, %add3A_18, %dma_start3A_57] : memref<2x10112x64xf32, #tpu.memory_space<hbm>> -> memref<1x128x64xf32, #tpu.memory_space<hbm>>
      %dma_start3A_59 = tpu.memref_squeeze %dma_start3A_58 : memref<1x128x64xf32, #tpu.memory_space<hbm>> -> memref<128x64xf32, #tpu.memory_space<hbm>>
      tpu.enqueue_dma source(%dma_start3A_59 : memref<128x64xf32, #tpu.memory_space<hbm>>) target(%dma_start3A_56 : memref<128x64xf32, #tpu.memory_space<vmem>>) target_semaphore(%run_scoped3A : memref<!tpu.dma_semaphore, #tpu.memory_space<semaphore_mem>>)
      %dma_wait3A = arith.constant 0 : i32
      %dma_wait3A_60 = arith.constant 0 : i32
      %dma_wait3A_61 = tpu.memref_slice %arg6[%dma_wait3A, %dma_wait3A_60] : memref<128x64xf32, #tpu.memory_space<vmem>> -> memref<128x64xf32, #tpu.memory_space<vmem>>
      %dma_wait3A_62 = arith.constant 0 : i32
      %dma_wait3A_63 = tpu.memref_slice %arg2[%arg0, %add3A_18, %dma_wait3A_62] : memref<2x10112x64xf32, #tpu.memory_space<hbm>> -> memref<1x128x64xf32, #tpu.memory_space<hbm>>
      %dma_wait3A_64 = tpu.memref_squeeze %dma_wait3A_63 : memref<1x128x64xf32, #tpu.memory_space<hbm>> -> memref<128x64xf32, #tpu.memory_space<hbm>>
      %dma_wait3A_65 = arith.constant 0 : i32
      %dma_wait3A_66 = arith.constant 0 : i32
      %dma_wait3A_67 = tpu.memref_slice %arg6[%dma_wait3A_65, %dma_wait3A_66] : memref<128x64xf32, #tpu.memory_space<vmem>> -> memref<128x64xf32, #tpu.memory_space<vmem>>
      %dma_wait3A_68 = arith.constant 0 : i32
      %dma_wait3A_69 = tpu.memref_slice %arg2[%arg0, %add3A_18, %dma_wait3A_68] : memref<2x10112x64xf32, #tpu.memory_space<hbm>> -> memref<1x128x64xf32, #tpu.memory_space<hbm>>
      %dma_wait3A_70 = tpu.memref_squeeze %dma_wait3A_69 : memref<1x128x64xf32, #tpu.memory_space<hbm>> -> memref<128x64xf32, #tpu.memory_space<hbm>>
      tpu.wait_dma2 semaphore(%run_scoped3A : memref<!tpu.dma_semaphore, #tpu.memory_space<semaphore_mem>>) src(%dma_wait3A_70 : memref<128x64xf32, #tpu.memory_space<hbm>>) dst(%dma_wait3A_67 : memref<128x64xf32, #tpu.memory_space<vmem>>)
      tpu.yield
    }) : () -> ()
    "tpu.region"() ({
      %run_scoped3A = tpu.sem_alloc : memref<!tpu.dma_semaphore, #tpu.memory_space<semaphore_mem>>
      %dma_start3A = arith.constant 0 : i32
      %dma_start3A_49 = arith.constant 0 : i32
      %dma_start3A_50 = tpu.memref_slice %arg9[%dma_start3A, %dma_start3A_49] : memref<10112x64xf32, #tpu.memory_space<vmem_shared>> -> memref<10112x64xf32, #tpu.memory_space<vmem_shared>>
      tpu.enqueue_indirect_dma source(%arg6 : memref<128x64xf32, #tpu.memory_space<vmem>>) target(%dma_start3A_50 : memref<10112x64xf32, #tpu.memory_space<vmem_shared>>) offsets(%arg5 : memref<128xi32, #tpu.memory_space<vmem>>) semaphore(%run_scoped3A : memref<!tpu.dma_semaphore, #tpu.memory_space<semaphore_mem>>)
      %dma_wait3A = arith.constant 0 : i32
      %dma_wait3A_51 = arith.constant 0 : i32
      %dma_wait3A_52 = tpu.memref_slice %arg9[%dma_wait3A, %dma_wait3A_51] : memref<10112x64xf32, #tpu.memory_space<vmem_shared>> -> memref<10112x64xf32, #tpu.memory_space<vmem_shared>>
      tpu.wait_indirect_dma semaphore(%run_scoped3A : memref<!tpu.dma_semaphore, #tpu.memory_space<semaphore_mem>>) src(%arg6 : memref<128x64xf32, #tpu.memory_space<vmem>>) dst(%dma_wait3A_52 : memref<10112x64xf32, #tpu.memory_space<vmem_shared>>)
      tpu.yield
    }) : () -> ()
    %add3A_19 = arith.constant 128 : i32
    %add3A_20 = arith.addi %mul3A_6, %add3A_19 : i32
    "tpu.region"() ({
      %run_scoped3A = tpu.sem_alloc : memref<!tpu.dma_semaphore, #tpu.memory_space<semaphore_mem>>
      %dma_start3A = arith.constant 0 : i32
      %dma_start3A_49 = tpu.memref_slice %arg5[%dma_start3A] : memref<128xi32, #tpu.memory_space<vmem>> -> memref<128xi32, #tpu.memory_space<vmem>>
      %dma_start3A_50 = tpu.memref_slice %arg3[%add3A_20] : memref<10112xi32, #tpu.memory_space<hbm>> -> memref<128xi32, #tpu.memory_space<hbm>>
      %dma_start3A_51 = arith.constant 0 : i32
      %dma_start3A_52 = tpu.memref_slice %arg5[%dma_start3A_51] : memref<128xi32, #tpu.memory_space<vmem>> -> memref<128xi32, #tpu.memory_space<vmem>>
      %dma_start3A_53 = tpu.memref_slice %arg3[%add3A_20] : memref<10112xi32, #tpu.memory_space<hbm>> -> memref<128xi32, #tpu.memory_space<hbm>>
      tpu.enqueue_dma source(%dma_start3A_53 : memref<128xi32, #tpu.memory_space<hbm>>) target(%dma_start3A_52 : memref<128xi32, #tpu.memory_space<vmem>>) target_semaphore(%run_scoped3A : memref<!tpu.dma_semaphore, #tpu.memory_space<semaphore_mem>>)
      %dma_wait3A = arith.constant 0 : i32
      %dma_wait3A_54 = tpu.memref_slice %arg5[%dma_wait3A] : memref<128xi32, #tpu.memory_space<vmem>> -> memref<128xi32, #tpu.memory_space<vmem>>
      %dma_wait3A_55 = tpu.memref_slice %arg3[%add3A_20] : memref<10112xi32, #tpu.memory_space<hbm>> -> memref<128xi32, #tpu.memory_space<hbm>>
      %dma_wait3A_56 = arith.constant 0 : i32
      %dma_wait3A_57 = tpu.memref_slice %arg5[%dma_wait3A_56] : memref<128xi32, #tpu.memory_space<vmem>> -> memref<128xi32, #tpu.memory_space<vmem>>
      %dma_wait3A_58 = tpu.memref_slice %arg3[%add3A_20] : memref<10112xi32, #tpu.memory_space<hbm>> -> memref<128xi32, #tpu.memory_space<hbm>>
      tpu.wait_dma2 semaphore(%run_scoped3A : memref<!tpu.dma_semaphore, #tpu.memory_space<semaphore_mem>>) src(%dma_wait3A_58 : memref<128xi32, #tpu.memory_space<hbm>>) dst(%dma_wait3A_57 : memref<128xi32, #tpu.memory_space<vmem>>)
      tpu.yield
    }) : () -> ()
    "tpu.region"() ({
      %run_scoped3A = tpu.sem_alloc : memref<!tpu.dma_semaphore, #tpu.memory_space<semaphore_mem>>
      %dma_start3A = arith.constant 0 : i32
      %dma_start3A_49 = arith.constant 0 : i32
      %dma_start3A_50 = tpu.memref_slice %arg6[%dma_start3A, %dma_start3A_49] : memref<128x64xf32, #tpu.memory_space<vmem>> -> memref<128x64xf32, #tpu.memory_space<vmem>>
      %dma_start3A_51 = arith.constant 0 : i32
      %dma_start3A_52 = tpu.memref_slice %arg2[%arg0, %add3A_20, %dma_start3A_51] : memref<2x10112x64xf32, #tpu.memory_space<hbm>> -> memref<1x128x64xf32, #tpu.memory_space<hbm>>
      %dma_start3A_53 = tpu.memref_squeeze %dma_start3A_52 : memref<1x128x64xf32, #tpu.memory_space<hbm>> -> memref<128x64xf32, #tpu.memory_space<hbm>>
      %dma_start3A_54 = arith.constant 0 : i32
      %dma_start3A_55 = arith.constant 0 : i32
      %dma_start3A_56 = tpu.memref_slice %arg6[%dma_start3A_54, %dma_start3A_55] : memref<128x64xf32, #tpu.memory_space<vmem>> -> memref<128x64xf32, #tpu.memory_space<vmem>>
      %dma_start3A_57 = arith.constant 0 : i32
      %dma_start3A_58 = tpu.memref_slice %arg2[%arg0, %add3A_20, %dma_start3A_57] : memref<2x10112x64xf32, #tpu.memory_space<hbm>> -> memref<1x128x64xf32, #tpu.memory_space<hbm>>
      %dma_start3A_59 = tpu.memref_squeeze %dma_start3A_58 : memref<1x128x64xf32, #tpu.memory_space<hbm>> -> memref<128x64xf32, #tpu.memory_space<hbm>>
      tpu.enqueue_dma source(%dma_start3A_59 : memref<128x64xf32, #tpu.memory_space<hbm>>) target(%dma_start3A_56 : memref<128x64xf32, #tpu.memory_space<vmem>>) target_semaphore(%run_scoped3A : memref<!tpu.dma_semaphore, #tpu.memory_space<semaphore_mem>>)
      %dma_wait3A = arith.constant 0 : i32
      %dma_wait3A_60 = arith.constant 0 : i32
      %dma_wait3A_61 = tpu.memref_slice %arg6[%dma_wait3A, %dma_wait3A_60] : memref<128x64xf32, #tpu.memory_space<vmem>> -> memref<128x64xf32, #tpu.memory_space<vmem>>
      %dma_wait3A_62 = arith.constant 0 : i32
      %dma_wait3A_63 = tpu.memref_slice %arg2[%arg0, %add3A_20, %dma_wait3A_62] : memref<2x10112x64xf32, #tpu.memory_space<hbm>> -> memref<1x128x64xf32, #tpu.memory_space<hbm>>
      %dma_wait3A_64 = tpu.memref_squeeze %dma_wait3A_63 : memref<1x128x64xf32, #tpu.memory_space<hbm>> -> memref<128x64xf32, #tpu.memory_space<hbm>>
      %dma_wait3A_65 = arith.constant 0 : i32
      %dma_wait3A_66 = arith.constant 0 : i32
      %dma_wait3A_67 = tpu.memref_slice %arg6[%dma_wait3A_65, %dma_wait3A_66] : memref<128x64xf32, #tpu.memory_space<vmem>> -> memref<128x64xf32, #tpu.memory_space<vmem>>
      %dma_wait3A_68 = arith.constant 0 : i32
      %dma_wait3A_69 = tpu.memref_slice %arg2[%arg0, %add3A_20, %dma_wait3A_68] : memref<2x10112x64xf32, #tpu.memory_space<hbm>> -> memref<1x128x64xf32, #tpu.memory_space<hbm>>
      %dma_wait3A_70 = tpu.memref_squeeze %dma_wait3A_69 : memref<1x128x64xf32, #tpu.memory_space<hbm>> -> memref<128x64xf32, #tpu.memory_space<hbm>>
      tpu.wait_dma2 semaphore(%run_scoped3A : memref<!tpu.dma_semaphore, #tpu.memory_space<semaphore_mem>>) src(%dma_wait3A_70 : memref<128x64xf32, #tpu.memory_space<hbm>>) dst(%dma_wait3A_67 : memref<128x64xf32, #tpu.memory_space<vmem>>)
      tpu.yield
    }) : () -> ()
    "tpu.region"() ({
      %run_scoped3A = tpu.sem_alloc : memref<!tpu.dma_semaphore, #tpu.memory_space<semaphore_mem>>
      %dma_start3A = arith.constant 0 : i32
      %dma_start3A_49 = arith.constant 0 : i32
      %dma_start3A_50 = tpu.memref_slice %arg9[%dma_start3A, %dma_start3A_49] : memref<10112x64xf32, #tpu.memory_space<vmem_shared>> -> memref<10112x64xf32, #tpu.memory_space<vmem_shared>>
      tpu.enqueue_indirect_dma source(%arg6 : memref<128x64xf32, #tpu.memory_space<vmem>>) target(%dma_start3A_50 : memref<10112x64xf32, #tpu.memory_space<vmem_shared>>) offsets(%arg5 : memref<128xi32, #tpu.memory_space<vmem>>) semaphore(%run_scoped3A : memref<!tpu.dma_semaphore, #tpu.memory_space<semaphore_mem>>)
      %dma_wait3A = arith.constant 0 : i32
      %dma_wait3A_51 = arith.constant 0 : i32
      %dma_wait3A_52 = tpu.memref_slice %arg9[%dma_wait3A, %dma_wait3A_51] : memref<10112x64xf32, #tpu.memory_space<vmem_shared>> -> memref<10112x64xf32, #tpu.memory_space<vmem_shared>>
      tpu.wait_indirect_dma semaphore(%run_scoped3A : memref<!tpu.dma_semaphore, #tpu.memory_space<semaphore_mem>>) src(%arg6 : memref<128x64xf32, #tpu.memory_space<vmem>>) dst(%dma_wait3A_52 : memref<10112x64xf32, #tpu.memory_space<vmem_shared>>)
      tpu.yield
    }) : () -> ()
    %add3A_21 = arith.constant 256 : i32
    %add3A_22 = arith.addi %mul3A_6, %add3A_21 : i32
    "tpu.region"() ({
      %run_scoped3A = tpu.sem_alloc : memref<!tpu.dma_semaphore, #tpu.memory_space<semaphore_mem>>
      %dma_start3A = arith.constant 0 : i32
      %dma_start3A_49 = tpu.memref_slice %arg5[%dma_start3A] : memref<128xi32, #tpu.memory_space<vmem>> -> memref<128xi32, #tpu.memory_space<vmem>>
      %dma_start3A_50 = tpu.memref_slice %arg3[%add3A_22] : memref<10112xi32, #tpu.memory_space<hbm>> -> memref<128xi32, #tpu.memory_space<hbm>>
      %dma_start3A_51 = arith.constant 0 : i32
      %dma_start3A_52 = tpu.memref_slice %arg5[%dma_start3A_51] : memref<128xi32, #tpu.memory_space<vmem>> -> memref<128xi32, #tpu.memory_space<vmem>>
      %dma_start3A_53 = tpu.memref_slice %arg3[%add3A_22] : memref<10112xi32, #tpu.memory_space<hbm>> -> memref<128xi32, #tpu.memory_space<hbm>>
      tpu.enqueue_dma source(%dma_start3A_53 : memref<128xi32, #tpu.memory_space<hbm>>) target(%dma_start3A_52 : memref<128xi32, #tpu.memory_space<vmem>>) target_semaphore(%run_scoped3A : memref<!tpu.dma_semaphore, #tpu.memory_space<semaphore_mem>>)
      %dma_wait3A = arith.constant 0 : i32
      %dma_wait3A_54 = tpu.memref_slice %arg5[%dma_wait3A] : memref<128xi32, #tpu.memory_space<vmem>> -> memref<128xi32, #tpu.memory_space<vmem>>
      %dma_wait3A_55 = tpu.memref_slice %arg3[%add3A_22] : memref<10112xi32, #tpu.memory_space<hbm>> -> memref<128xi32, #tpu.memory_space<hbm>>
      %dma_wait3A_56 = arith.constant 0 : i32
      %dma_wait3A_57 = tpu.memref_slice %arg5[%dma_wait3A_56] : memref<128xi32, #tpu.memory_space<vmem>> -> memref<128xi32, #tpu.memory_space<vmem>>
      %dma_wait3A_58 = tpu.memref_slice %arg3[%add3A_22] : memref<10112xi32, #tpu.memory_space<hbm>> -> memref<128xi32, #tpu.memory_space<hbm>>
      tpu.wait_dma2 semaphore(%run_scoped3A : memref<!tpu.dma_semaphore, #tpu.memory_space<semaphore_mem>>) src(%dma_wait3A_58 : memref<128xi32, #tpu.memory_space<hbm>>) dst(%dma_wait3A_57 : memref<128xi32, #tpu.memory_space<vmem>>)
      tpu.yield
    }) : () -> ()
    "tpu.region"() ({
      %run_scoped3A = tpu.sem_alloc : memref<!tpu.dma_semaphore, #tpu.memory_space<semaphore_mem>>
      %dma_start3A = arith.constant 0 : i32
      %dma_start3A_49 = arith.constant 0 : i32
      %dma_start3A_50 = tpu.memref_slice %arg6[%dma_start3A, %dma_start3A_49] : memref<128x64xf32, #tpu.memory_space<vmem>> -> memref<128x64xf32, #tpu.memory_space<vmem>>
      %dma_start3A_51 = arith.constant 0 : i32
      %dma_start3A_52 = tpu.memref_slice %arg2[%arg0, %add3A_22, %dma_start3A_51] : memref<2x10112x64xf32, #tpu.memory_space<hbm>> -> memref<1x128x64xf32, #tpu.memory_space<hbm>>
      %dma_start3A_53 = tpu.memref_squeeze %dma_start3A_52 : memref<1x128x64xf32, #tpu.memory_space<hbm>> -> memref<128x64xf32, #tpu.memory_space<hbm>>
      %dma_start3A_54 = arith.constant 0 : i32
      %dma_start3A_55 = arith.constant 0 : i32
      %dma_start3A_56 = tpu.memref_slice %arg6[%dma_start3A_54, %dma_start3A_55] : memref<128x64xf32, #tpu.memory_space<vmem>> -> memref<128x64xf32, #tpu.memory_space<vmem>>
      %dma_start3A_57 = arith.constant 0 : i32
      %dma_start3A_58 = tpu.memref_slice %arg2[%arg0, %add3A_22, %dma_start3A_57] : memref<2x10112x64xf32, #tpu.memory_space<hbm>> -> memref<1x128x64xf32, #tpu.memory_space<hbm>>
      %dma_start3A_59 = tpu.memref_squeeze %dma_start3A_58 : memref<1x128x64xf32, #tpu.memory_space<hbm>> -> memref<128x64xf32, #tpu.memory_space<hbm>>
      tpu.enqueue_dma source(%dma_start3A_59 : memref<128x64xf32, #tpu.memory_space<hbm>>) target(%dma_start3A_56 : memref<128x64xf32, #tpu.memory_space<vmem>>) target_semaphore(%run_scoped3A : memref<!tpu.dma_semaphore, #tpu.memory_space<semaphore_mem>>)
      %dma_wait3A = arith.constant 0 : i32
      %dma_wait3A_60 = arith.constant 0 : i32
      %dma_wait3A_61 = tpu.memref_slice %arg6[%dma_wait3A, %dma_wait3A_60] : memref<128x64xf32, #tpu.memory_space<vmem>> -> memref<128x64xf32, #tpu.memory_space<vmem>>
      %dma_wait3A_62 = arith.constant 0 : i32
      %dma_wait3A_63 = tpu.memref_slice %arg2[%arg0, %add3A_22, %dma_wait3A_62] : memref<2x10112x64xf32, #tpu.memory_space<hbm>> -> memref<1x128x64xf32, #tpu.memory_space<hbm>>
      %dma_wait3A_64 = tpu.memref_squeeze %dma_wait3A_63 : memref<1x128x64xf32, #tpu.memory_space<hbm>> -> memref<128x64xf32, #tpu.memory_space<hbm>>
      %dma_wait3A_65 = arith.constant 0 : i32
      %dma_wait3A_66 = arith.constant 0 : i32
      %dma_wait3A_67 = tpu.memref_slice %arg6[%dma_wait3A_65, %dma_wait3A_66] : memref<128x64xf32, #tpu.memory_space<vmem>> -> memref<128x64xf32, #tpu.memory_space<vmem>>
      %dma_wait3A_68 = arith.constant 0 : i32
      %dma_wait3A_69 = tpu.memref_slice %arg2[%arg0, %add3A_22, %dma_wait3A_68] : memref<2x10112x64xf32, #tpu.memory_space<hbm>> -> memref<1x128x64xf32, #tpu.memory_space<hbm>>
      %dma_wait3A_70 = tpu.memref_squeeze %dma_wait3A_69 : memref<1x128x64xf32, #tpu.memory_space<hbm>> -> memref<128x64xf32, #tpu.memory_space<hbm>>
      tpu.wait_dma2 semaphore(%run_scoped3A : memref<!tpu.dma_semaphore, #tpu.memory_space<semaphore_mem>>) src(%dma_wait3A_70 : memref<128x64xf32, #tpu.memory_space<hbm>>) dst(%dma_wait3A_67 : memref<128x64xf32, #tpu.memory_space<vmem>>)
      tpu.yield
    }) : () -> ()
    "tpu.region"() ({
      %run_scoped3A = tpu.sem_alloc : memref<!tpu.dma_semaphore, #tpu.memory_space<semaphore_mem>>
      %dma_start3A = arith.constant 0 : i32
      %dma_start3A_49 = arith.constant 0 : i32
      %dma_start3A_50 = tpu.memref_slice %arg9[%dma_start3A, %dma_start3A_49] : memref<10112x64xf32, #tpu.memory_space<vmem_shared>> -> memref<10112x64xf32, #tpu.memory_space<vmem_shared>>
      tpu.enqueue_indirect_dma source(%arg6 : memref<128x64xf32, #tpu.memory_space<vmem>>) target(%dma_start3A_50 : memref<10112x64xf32, #tpu.memory_space<vmem_shared>>) offsets(%arg5 : memref<128xi32, #tpu.memory_space<vmem>>) semaphore(%run_scoped3A : memref<!tpu.dma_semaphore, #tpu.memory_space<semaphore_mem>>)
      %dma_wait3A = arith.constant 0 : i32
      %dma_wait3A_51 = arith.constant 0 : i32
      %dma_wait3A_52 = tpu.memref_slice %arg9[%dma_wait3A, %dma_wait3A_51] : memref<10112x64xf32, #tpu.memory_space<vmem_shared>> -> memref<10112x64xf32, #tpu.memory_space<vmem_shared>>
      tpu.wait_indirect_dma semaphore(%run_scoped3A : memref<!tpu.dma_semaphore, #tpu.memory_space<semaphore_mem>>) src(%arg6 : memref<128x64xf32, #tpu.memory_space<vmem>>) dst(%dma_wait3A_52 : memref<10112x64xf32, #tpu.memory_space<vmem_shared>>)
      tpu.yield
    }) : () -> ()
    %add3A_23 = arith.constant 384 : i32
    %add3A_24 = arith.addi %mul3A_6, %add3A_23 : i32
    "tpu.region"() ({
      %run_scoped3A = tpu.sem_alloc : memref<!tpu.dma_semaphore, #tpu.memory_space<semaphore_mem>>
      %dma_start3A = arith.constant 0 : i32
      %dma_start3A_49 = tpu.memref_slice %arg5[%dma_start3A] : memref<128xi32, #tpu.memory_space<vmem>> -> memref<128xi32, #tpu.memory_space<vmem>>
      %dma_start3A_50 = tpu.memref_slice %arg3[%add3A_24] : memref<10112xi32, #tpu.memory_space<hbm>> -> memref<128xi32, #tpu.memory_space<hbm>>
      %dma_start3A_51 = arith.constant 0 : i32
      %dma_start3A_52 = tpu.memref_slice %arg5[%dma_start3A_51] : memref<128xi32, #tpu.memory_space<vmem>> -> memref<128xi32, #tpu.memory_space<vmem>>
      %dma_start3A_53 = tpu.memref_slice %arg3[%add3A_24] : memref<10112xi32, #tpu.memory_space<hbm>> -> memref<128xi32, #tpu.memory_space<hbm>>
      tpu.enqueue_dma source(%dma_start3A_53 : memref<128xi32, #tpu.memory_space<hbm>>) target(%dma_start3A_52 : memref<128xi32, #tpu.memory_space<vmem>>) target_semaphore(%run_scoped3A : memref<!tpu.dma_semaphore, #tpu.memory_space<semaphore_mem>>)
      %dma_wait3A = arith.constant 0 : i32
      %dma_wait3A_54 = tpu.memref_slice %arg5[%dma_wait3A] : memref<128xi32, #tpu.memory_space<vmem>> -> memref<128xi32, #tpu.memory_space<vmem>>
      %dma_wait3A_55 = tpu.memref_slice %arg3[%add3A_24] : memref<10112xi32, #tpu.memory_space<hbm>> -> memref<128xi32, #tpu.memory_space<hbm>>
      %dma_wait3A_56 = arith.constant 0 : i32
      %dma_wait3A_57 = tpu.memref_slice %arg5[%dma_wait3A_56] : memref<128xi32, #tpu.memory_space<vmem>> -> memref<128xi32, #tpu.memory_space<vmem>>
      %dma_wait3A_58 = tpu.memref_slice %arg3[%add3A_24] : memref<10112xi32, #tpu.memory_space<hbm>> -> memref<128xi32, #tpu.memory_space<hbm>>
      tpu.wait_dma2 semaphore(%run_scoped3A : memref<!tpu.dma_semaphore, #tpu.memory_space<semaphore_mem>>) src(%dma_wait3A_58 : memref<128xi32, #tpu.memory_space<hbm>>) dst(%dma_wait3A_57 : memref<128xi32, #tpu.memory_space<vmem>>)
      tpu.yield
    }) : () -> ()
    "tpu.region"() ({
      %run_scoped3A = tpu.sem_alloc : memref<!tpu.dma_semaphore, #tpu.memory_space<semaphore_mem>>
      %dma_start3A = arith.constant 0 : i32
      %dma_start3A_49 = arith.constant 0 : i32
      %dma_start3A_50 = tpu.memref_slice %arg6[%dma_start3A, %dma_start3A_49] : memref<128x64xf32, #tpu.memory_space<vmem>> -> memref<128x64xf32, #tpu.memory_space<vmem>>
      %dma_start3A_51 = arith.constant 0 : i32
      %dma_start3A_52 = tpu.memref_slice %arg2[%arg0, %add3A_24, %dma_start3A_51] : memref<2x10112x64xf32, #tpu.memory_space<hbm>> -> memref<1x128x64xf32, #tpu.memory_space<hbm>>
      %dma_start3A_53 = tpu.memref_squeeze %dma_start3A_52 : memref<1x128x64xf32, #tpu.memory_space<hbm>> -> memref<128x64xf32, #tpu.memory_space<hbm>>
      %dma_start3A_54 = arith.constant 0 : i32
      %dma_start3A_55 = arith.constant 0 : i32
      %dma_start3A_56 = tpu.memref_slice %arg6[%dma_start3A_54, %dma_start3A_55] : memref<128x64xf32, #tpu.memory_space<vmem>> -> memref<128x64xf32, #tpu.memory_space<vmem>>
      %dma_start3A_57 = arith.constant 0 : i32
      %dma_start3A_58 = tpu.memref_slice %arg2[%arg0, %add3A_24, %dma_start3A_57] : memref<2x10112x64xf32, #tpu.memory_space<hbm>> -> memref<1x128x64xf32, #tpu.memory_space<hbm>>
      %dma_start3A_59 = tpu.memref_squeeze %dma_start3A_58 : memref<1x128x64xf32, #tpu.memory_space<hbm>> -> memref<128x64xf32, #tpu.memory_space<hbm>>
      tpu.enqueue_dma source(%dma_start3A_59 : memref<128x64xf32, #tpu.memory_space<hbm>>) target(%dma_start3A_56 : memref<128x64xf32, #tpu.memory_space<vmem>>) target_semaphore(%run_scoped3A : memref<!tpu.dma_semaphore, #tpu.memory_space<semaphore_mem>>)
      %dma_wait3A = arith.constant 0 : i32
      %dma_wait3A_60 = arith.constant 0 : i32
      %dma_wait3A_61 = tpu.memref_slice %arg6[%dma_wait3A, %dma_wait3A_60] : memref<128x64xf32, #tpu.memory_space<vmem>> -> memref<128x64xf32, #tpu.memory_space<vmem>>
      %dma_wait3A_62 = arith.constant 0 : i32
      %dma_wait3A_63 = tpu.memref_slice %arg2[%arg0, %add3A_24, %dma_wait3A_62] : memref<2x10112x64xf32, #tpu.memory_space<hbm>> -> memref<1x128x64xf32, #tpu.memory_space<hbm>>
      %dma_wait3A_64 = tpu.memref_squeeze %dma_wait3A_63 : memref<1x128x64xf32, #tpu.memory_space<hbm>> -> memref<128x64xf32, #tpu.memory_space<hbm>>
      %dma_wait3A_65 = arith.constant 0 : i32
      %dma_wait3A_66 = arith.constant 0 : i32
      %dma_wait3A_67 = tpu.memref_slice %arg6[%dma_wait3A_65, %dma_wait3A_66] : memref<128x64xf32, #tpu.memory_space<vmem>> -> memref<128x64xf32, #tpu.memory_space<vmem>>
      %dma_wait3A_68 = arith.constant 0 : i32
      %dma_wait3A_69 = tpu.memref_slice %arg2[%arg0, %add3A_24, %dma_wait3A_68] : memref<2x10112x64xf32, #tpu.memory_space<hbm>> -> memref<1x128x64xf32, #tpu.memory_space<hbm>>
      %dma_wait3A_70 = tpu.memref_squeeze %dma_wait3A_69 : memref<1x128x64xf32, #tpu.memory_space<hbm>> -> memref<128x64xf32, #tpu.memory_space<hbm>>
      tpu.wait_dma2 semaphore(%run_scoped3A : memref<!tpu.dma_semaphore, #tpu.memory_space<semaphore_mem>>) src(%dma_wait3A_70 : memref<128x64xf32, #tpu.memory_space<hbm>>) dst(%dma_wait3A_67 : memref<128x64xf32, #tpu.memory_space<vmem>>)
      tpu.yield
    }) : () -> ()
    "tpu.region"() ({
      %run_scoped3A = tpu.sem_alloc : memref<!tpu.dma_semaphore, #tpu.memory_space<semaphore_mem>>
      %dma_start3A = arith.constant 0 : i32
      %dma_start3A_49 = arith.constant 0 : i32
      %dma_start3A_50 = tpu.memref_slice %arg9[%dma_start3A, %dma_start3A_49] : memref<10112x64xf32, #tpu.memory_space<vmem_shared>> -> memref<10112x64xf32, #tpu.memory_space<vmem_shared>>
      tpu.enqueue_indirect_dma source(%arg6 : memref<128x64xf32, #tpu.memory_space<vmem>>) target(%dma_start3A_50 : memref<10112x64xf32, #tpu.memory_space<vmem_shared>>) offsets(%arg5 : memref<128xi32, #tpu.memory_space<vmem>>) semaphore(%run_scoped3A : memref<!tpu.dma_semaphore, #tpu.memory_space<semaphore_mem>>)
      %dma_wait3A = arith.constant 0 : i32
      %dma_wait3A_51 = arith.constant 0 : i32
      %dma_wait3A_52 = tpu.memref_slice %arg9[%dma_wait3A, %dma_wait3A_51] : memref<10112x64xf32, #tpu.memory_space<vmem_shared>> -> memref<10112x64xf32, #tpu.memory_space<vmem_shared>>
      tpu.wait_indirect_dma semaphore(%run_scoped3A : memref<!tpu.dma_semaphore, #tpu.memory_space<semaphore_mem>>) src(%arg6 : memref<128x64xf32, #tpu.memory_space<vmem>>) dst(%dma_wait3A_52 : memref<10112x64xf32, #tpu.memory_space<vmem_shared>>)
      tpu.yield
    }) : () -> ()
    %add3A_25 = arith.constant 512 : i32
    %add3A_26 = arith.addi %mul3A_6, %add3A_25 : i32
    %swap3A = arith.constant 112 : index
    %swap3A_27 = tpu.vector_load %arg5[%swap3A] {strides = array<i32>} : memref<128xi32, #tpu.memory_space<vmem>>, vector<16xi32>,
    tpu.vector_store %arg5[%swap3A], %broadcast_in_dim3A_16 {strides = array<i32>} : memref<128xi32, #tpu.memory_space<vmem>>, vector<16xi32>,
    "tpu.region"() ({
      %run_scoped3A = tpu.sem_alloc : memref<!tpu.dma_semaphore, #tpu.memory_space<semaphore_mem>>
      %dma_start3A = arith.constant 0 : i32
      %dma_start3A_49 = tpu.memref_slice %arg5[%dma_start3A] : memref<128xi32, #tpu.memory_space<vmem>> -> memref<120xi32, #tpu.memory_space<vmem>>
      %dma_start3A_50 = tpu.memref_slice %arg3[%add3A_26] : memref<10112xi32, #tpu.memory_space<hbm>> -> memref<120xi32, #tpu.memory_space<hbm>>
      %dma_start3A_51 = arith.constant 0 : i32
      %dma_start3A_52 = tpu.memref_slice %arg5[%dma_start3A_51] : memref<128xi32, #tpu.memory_space<vmem>> -> memref<120xi32, #tpu.memory_space<vmem>>
      %dma_start3A_53 = tpu.memref_slice %arg3[%add3A_26] : memref<10112xi32, #tpu.memory_space<hbm>> -> memref<120xi32, #tpu.memory_space<hbm>>
      tpu.enqueue_dma source(%dma_start3A_53 : memref<120xi32, #tpu.memory_space<hbm>>) target(%dma_start3A_52 : memref<120xi32, #tpu.memory_space<vmem>>) target_semaphore(%run_scoped3A : memref<!tpu.dma_semaphore, #tpu.memory_space<semaphore_mem>>)
      %dma_wait3A = arith.constant 0 : i32
      %dma_wait3A_54 = tpu.memref_slice %arg5[%dma_wait3A] : memref<128xi32, #tpu.memory_space<vmem>> -> memref<120xi32, #tpu.memory_space<vmem>>
      %dma_wait3A_55 = tpu.memref_slice %arg3[%add3A_26] : memref<10112xi32, #tpu.memory_space<hbm>> -> memref<120xi32, #tpu.memory_space<hbm>>
      %dma_wait3A_56 = arith.constant 0 : i32
      %dma_wait3A_57 = tpu.memref_slice %arg5[%dma_wait3A_56] : memref<128xi32, #tpu.memory_space<vmem>> -> memref<120xi32, #tpu.memory_space<vmem>>
      %dma_wait3A_58 = tpu.memref_slice %arg3[%add3A_26] : memref<10112xi32, #tpu.memory_space<hbm>> -> memref<120xi32, #tpu.memory_space<hbm>>
      tpu.wait_dma2 semaphore(%run_scoped3A : memref<!tpu.dma_semaphore, #tpu.memory_space<semaphore_mem>>) src(%dma_wait3A_58 : memref<120xi32, #tpu.memory_space<hbm>>) dst(%dma_wait3A_57 : memref<120xi32, #tpu.memory_space<vmem>>)
      tpu.yield
    }) : () -> ()
    "tpu.region"() ({
      %run_scoped3A = tpu.sem_alloc : memref<!tpu.dma_semaphore, #tpu.memory_space<semaphore_mem>>
      %dma_start3A = arith.constant 0 : i32
      %dma_start3A_49 = arith.constant 0 : i32
      %dma_start3A_50 = tpu.memref_slice %arg6[%dma_start3A, %dma_start3A_49] : memref<128x64xf32, #tpu.memory_space<vmem>> -> memref<120x64xf32, #tpu.memory_space<vmem>>
      %dma_start3A_51 = arith.constant 0 : i32
      %dma_start3A_52 = tpu.memref_slice %arg2[%arg0, %add3A_26, %dma_start3A_51] : memref<2x10112x64xf32, #tpu.memory_space<hbm>> -> memref<1x120x64xf32, #tpu.memory_space<hbm>>
      %dma_start3A_53 = tpu.memref_squeeze %dma_start3A_52 : memref<1x120x64xf32, #tpu.memory_space<hbm>> -> memref<120x64xf32, #tpu.memory_space<hbm>>
      %dma_start3A_54 = arith.constant 0 : i32
      %dma_start3A_55 = arith.constant 0 : i32
      %dma_start3A_56 = tpu.memref_slice %arg6[%dma_start3A_54, %dma_start3A_55] : memref<128x64xf32, #tpu.memory_space<vmem>> -> memref<120x64xf32, #tpu.memory_space<vmem>>
      %dma_start3A_57 = arith.constant 0 : i32
      %dma_start3A_58 = tpu.memref_slice %arg2[%arg0, %add3A_26, %dma_start3A_57] : memref<2x10112x64xf32, #tpu.memory_space<hbm>> -> memref<1x120x64xf32, #tpu.memory_space<hbm>>
      %dma_start3A_59 = tpu.memref_squeeze %dma_start3A_58 : memref<1x120x64xf32, #tpu.memory_space<hbm>> -> memref<120x64xf32, #tpu.memory_space<hbm>>
      tpu.enqueue_dma source(%dma_start3A_59 : memref<120x64xf32, #tpu.memory_space<hbm>>) target(%dma_start3A_56 : memref<120x64xf32, #tpu.memory_space<vmem>>) target_semaphore(%run_scoped3A : memref<!tpu.dma_semaphore, #tpu.memory_space<semaphore_mem>>)
      %dma_wait3A = arith.constant 0 : i32
      %dma_wait3A_60 = arith.constant 0 : i32
      %dma_wait3A_61 = tpu.memref_slice %arg6[%dma_wait3A, %dma_wait3A_60] : memref<128x64xf32, #tpu.memory_space<vmem>> -> memref<120x64xf32, #tpu.memory_space<vmem>>
      %dma_wait3A_62 = arith.constant 0 : i32
      %dma_wait3A_63 = tpu.memref_slice %arg2[%arg0, %add3A_26, %dma_wait3A_62] : memref<2x10112x64xf32, #tpu.memory_space<hbm>> -> memref<1x120x64xf32, #tpu.memory_space<hbm>>
      %dma_wait3A_64 = tpu.memref_squeeze %dma_wait3A_63 : memref<1x120x64xf32, #tpu.memory_space<hbm>> -> memref<120x64xf32, #tpu.memory_space<hbm>>
      %dma_wait3A_65 = arith.constant 0 : i32
      %dma_wait3A_66 = arith.constant 0 : i32
      %dma_wait3A_67 = tpu.memref_slice %arg6[%dma_wait3A_65, %dma_wait3A_66] : memref<128x64xf32, #tpu.memory_space<vmem>> -> memref<120x64xf32, #tpu.memory_space<vmem>>
      %dma_wait3A_68 = arith.constant 0 : i32
      %dma_wait3A_69 = tpu.memref_slice %arg2[%arg0, %add3A_26, %dma_wait3A_68] : memref<2x10112x64xf32, #tpu.memory_space<hbm>> -> memref<1x120x64xf32, #tpu.memory_space<hbm>>
      %dma_wait3A_70 = tpu.memref_squeeze %dma_wait3A_69 : memref<1x120x64xf32, #tpu.memory_space<hbm>> -> memref<120x64xf32, #tpu.memory_space<hbm>>
      tpu.wait_dma2 semaphore(%run_scoped3A : memref<!tpu.dma_semaphore, #tpu.memory_space<semaphore_mem>>) src(%dma_wait3A_70 : memref<120x64xf32, #tpu.memory_space<hbm>>) dst(%dma_wait3A_67 : memref<120x64xf32, #tpu.memory_space<vmem>>)
      tpu.yield
    }) : () -> ()
    "tpu.region"() ({
      %run_scoped3A = tpu.sem_alloc : memref<!tpu.dma_semaphore, #tpu.memory_space<semaphore_mem>>
      %dma_start3A = arith.constant 0 : i32
      %dma_start3A_49 = arith.constant 0 : i32
      %dma_start3A_50 = tpu.memref_slice %arg9[%dma_start3A, %dma_start3A_49] : memref<10112x64xf32, #tpu.memory_space<vmem_shared>> -> memref<10112x64xf32, #tpu.memory_space<vmem_shared>>
      tpu.enqueue_indirect_dma source(%arg6 : memref<128x64xf32, #tpu.memory_space<vmem>>) target(%dma_start3A_50 : memref<10112x64xf32, #tpu.memory_space<vmem_shared>>) offsets(%arg5 : memref<128xi32, #tpu.memory_space<vmem>>) semaphore(%run_scoped3A : memref<!tpu.dma_semaphore, #tpu.memory_space<semaphore_mem>>)
      %dma_wait3A = arith.constant 0 : i32
      %dma_wait3A_51 = arith.constant 0 : i32
      %dma_wait3A_52 = tpu.memref_slice %arg9[%dma_wait3A, %dma_wait3A_51] : memref<10112x64xf32, #tpu.memory_space<vmem_shared>> -> memref<10112x64xf32, #tpu.memory_space<vmem_shared>>
      tpu.wait_indirect_dma semaphore(%run_scoped3A : memref<!tpu.dma_semaphore, #tpu.memory_space<semaphore_mem>>) src(%arg6 : memref<128x64xf32, #tpu.memory_space<vmem>>) dst(%dma_wait3A_52 : memref<10112x64xf32, #tpu.memory_space<vmem_shared>>)
      tpu.yield
    }) : () -> ()
    %barrier3A_28 = arith.constant 0 : index
    tpu.barrier barrier_id(%barrier3A_28)
    %add3A_29 = arith.constant 0 : i32
    %add3A_30 = arith.addi %mul3A_6, %add3A_29 : i32
    "tpu.region"() ({
      %run_scoped3A = tpu.sem_alloc : memref<!tpu.dma_semaphore, #tpu.memory_space<semaphore_mem>>
      %dma_start3A = arith.constant 0 : i32
      %dma_start3A_49 = arith.constant 0 : i32
      %dma_start3A_50 = tpu.memref_slice %arg6[%dma_start3A, %dma_start3A_49] : memref<128x64xf32, #tpu.memory_space<vmem>> -> memref<128x64xf32, #tpu.memory_space<vmem>>
      %dma_start3A_51 = arith.constant 0 : i32
      %dma_start3A_52 = tpu.memref_slice %arg9[%add3A_30, %dma_start3A_51] : memref<10112x64xf32, #tpu.memory_space<vmem_shared>> -> memref<128x64xf32, #tpu.memory_space<vmem_shared>>
      %dma_start3A_53 = arith.constant 0 : i32
      %dma_start3A_54 = arith.constant 0 : i32
      %dma_start3A_55 = tpu.memref_slice %arg6[%dma_start3A_53, %dma_start3A_54] : memref<128x64xf32, #tpu.memory_space<vmem>> -> memref<128x64xf32, #tpu.memory_space<vmem>>
      %dma_start3A_56 = arith.constant 0 : i32
      %dma_start3A_57 = tpu.memref_slice %arg9[%add3A_30, %dma_start3A_56] : memref<10112x64xf32, #tpu.memory_space<vmem_shared>> -> memref<128x64xf32, #tpu.memory_space<vmem_shared>>
      tpu.enqueue_dma source(%dma_start3A_57 : memref<128x64xf32, #tpu.memory_space<vmem_shared>>) target(%dma_start3A_55 : memref<128x64xf32, #tpu.memory_space<vmem>>) target_semaphore(%run_scoped3A : memref<!tpu.dma_semaphore, #tpu.memory_space<semaphore_mem>>)
      %dma_wait3A = arith.constant 0 : i32
      %dma_wait3A_58 = arith.constant 0 : i32
      %dma_wait3A_59 = tpu.memref_slice %arg6[%dma_wait3A, %dma_wait3A_58] : memref<128x64xf32, #tpu.memory_space<vmem>> -> memref<128x64xf32, #tpu.memory_space<vmem>>
      %dma_wait3A_60 = arith.constant 0 : i32
      %dma_wait3A_61 = tpu.memref_slice %arg9[%add3A_30, %dma_wait3A_60] : memref<10112x64xf32, #tpu.memory_space<vmem_shared>> -> memref<128x64xf32, #tpu.memory_space<vmem_shared>>
      %dma_wait3A_62 = arith.constant 0 : i32
      %dma_wait3A_63 = arith.constant 0 : i32
      %dma_wait3A_64 = tpu.memref_slice %arg6[%dma_wait3A_62, %dma_wait3A_63] : memref<128x64xf32, #tpu.memory_space<vmem>> -> memref<128x64xf32, #tpu.memory_space<vmem>>
      %dma_wait3A_65 = arith.constant 0 : i32
      %dma_wait3A_66 = tpu.memref_slice %arg9[%add3A_30, %dma_wait3A_65] : memref<10112x64xf32, #tpu.memory_space<vmem_shared>> -> memref<128x64xf32, #tpu.memory_space<vmem_shared>>
      tpu.wait_dma2 semaphore(%run_scoped3A : memref<!tpu.dma_semaphore, #tpu.memory_space<semaphore_mem>>) src(%dma_wait3A_66 : memref<128x64xf32, #tpu.memory_space<vmem_shared>>) dst(%dma_wait3A_64 : memref<128x64xf32, #tpu.memory_space<vmem>>)
      tpu.yield
    }) : () -> ()
    %add3A_31 = arith.constant 0 : i32
    %add3A_32 = arith.addi %mul3A_6, %add3A_31 : i32
    "tpu.region"() ({
      %run_scoped3A = tpu.sem_alloc : memref<!tpu.dma_semaphore, #tpu.memory_space<semaphore_mem>>
      %dma_start3A = arith.constant 0 : i32
      %dma_start3A_49 = arith.constant 0 : i32
      %dma_start3A_50 = tpu.memref_slice %arg6[%dma_start3A, %dma_start3A_49] : memref<128x64xf32, #tpu.memory_space<vmem>> -> memref<128x64xf32, #tpu.memory_space<vmem>>
      %dma_start3A_51 = arith.constant 0 : i32
      %dma_start3A_52 = tpu.memref_slice %arg4[%arg0, %add3A_32, %dma_start3A_51] : memref<2x10112x64xf32, #tpu.memory_space<hbm>> -> memref<1x128x64xf32, #tpu.memory_space<hbm>>
      %dma_start3A_53 = tpu.memref_squeeze %dma_start3A_52 : memref<1x128x64xf32, #tpu.memory_space<hbm>> -> memref<128x64xf32, #tpu.memory_space<hbm>>
      %dma_start3A_54 = arith.constant 0 : i32
      %dma_start3A_55 = tpu.memref_slice %arg4[%arg0, %add3A_32, %dma_start3A_54] : memref<2x10112x64xf32, #tpu.memory_space<hbm>> -> memref<1x128x64xf32, #tpu.memory_space<hbm>>
      %dma_start3A_56 = tpu.memref_squeeze %dma_start3A_55 : memref<1x128x64xf32, #tpu.memory_space<hbm>> -> memref<128x64xf32, #tpu.memory_space<hbm>>
      %dma_start3A_57 = arith.constant 0 : i32
      %dma_start3A_58 = arith.constant 0 : i32
      %dma_start3A_59 = tpu.memref_slice %arg6[%dma_start3A_57, %dma_start3A_58] : memref<128x64xf32, #tpu.memory_space<vmem>> -> memref<128x64xf32, #tpu.memory_space<vmem>>
      tpu.enqueue_dma source(%dma_start3A_59 : memref<128x64xf32, #tpu.memory_space<vmem>>) target(%dma_start3A_56 : memref<128x64xf32, #tpu.memory_space<hbm>>) target_semaphore(%run_scoped3A : memref<!tpu.dma_semaphore, #tpu.memory_space<semaphore_mem>>)
      %dma_wait3A = arith.constant 0 : i32
      %dma_wait3A_60 = arith.constant 0 : i32
      %dma_wait3A_61 = tpu.memref_slice %arg6[%dma_wait3A, %dma_wait3A_60] : memref<128x64xf32, #tpu.memory_space<vmem>> -> memref<128x64xf32, #tpu.memory_space<vmem>>
      %dma_wait3A_62 = arith.constant 0 : i32
      %dma_wait3A_63 = tpu.memref_slice %arg4[%arg0, %add3A_32, %dma_wait3A_62] : memref<2x10112x64xf32, #tpu.memory_space<hbm>> -> memref<1x128x64xf32, #tpu.memory_space<hbm>>
      %dma_wait3A_64 = tpu.memref_squeeze %dma_wait3A_63 : memref<1x128x64xf32, #tpu.memory_space<hbm>> -> memref<128x64xf32, #tpu.memory_space<hbm>>
      %dma_wait3A_65 = arith.constant 0 : i32
      %dma_wait3A_66 = tpu.memref_slice %arg4[%arg0, %add3A_32, %dma_wait3A_65] : memref<2x10112x64xf32, #tpu.memory_space<hbm>> -> memref<1x128x64xf32, #tpu.memory_space<hbm>>
      %dma_wait3A_67 = tpu.memref_squeeze %dma_wait3A_66 : memref<1x128x64xf32, #tpu.memory_space<hbm>> -> memref<128x64xf32, #tpu.memory_space<hbm>>
      %dma_wait3A_68 = arith.constant 0 : i32
      %dma_wait3A_69 = arith.constant 0 : i32
      %dma_wait3A_70 = tpu.memref_slice %arg6[%dma_wait3A_68, %dma_wait3A_69] : memref<128x64xf32, #tpu.memory_space<vmem>> -> memref<128x64xf32, #tpu.memory_space<vmem>>
      tpu.wait_dma2 semaphore(%run_scoped3A : memref<!tpu.dma_semaphore, #tpu.memory_space<semaphore_mem>>) src(%dma_wait3A_70 : memref<128x64xf32, #tpu.memory_space<vmem>>) dst(%dma_wait3A_67 : memref<128x64xf32, #tpu.memory_space<hbm>>)
      tpu.yield
    }) : () -> ()
    %add3A_33 = arith.constant 128 : i32
    %add3A_34 = arith.addi %mul3A_6, %add3A_33 : i32
    "tpu.region"() ({
      %run_scoped3A = tpu.sem_alloc : memref<!tpu.dma_semaphore, #tpu.memory_space<semaphore_mem>>
      %dma_start3A = arith.constant 0 : i32
      %dma_start3A_49 = arith.constant 0 : i32
      %dma_start3A_50 = tpu.memref_slice %arg6[%dma_start3A, %dma_start3A_49] : memref<128x64xf32, #tpu.memory_space<vmem>> -> memref<128x64xf32, #tpu.memory_space<vmem>>
      %dma_start3A_51 = arith.constant 0 : i32
      %dma_start3A_52 = tpu.memref_slice %arg9[%add3A_34, %dma_start3A_51] : memref<10112x64xf32, #tpu.memory_space<vmem_shared>> -> memref<128x64xf32, #tpu.memory_space<vmem_shared>>
      %dma_start3A_53 = arith.constant 0 : i32
      %dma_start3A_54 = arith.constant 0 : i32
      %dma_start3A_55 = tpu.memref_slice %arg6[%dma_start3A_53, %dma_start3A_54] : memref<128x64xf32, #tpu.memory_space<vmem>> -> memref<128x64xf32, #tpu.memory_space<vmem>>
      %dma_start3A_56 = arith.constant 0 : i32
      %dma_start3A_57 = tpu.memref_slice %arg9[%add3A_34, %dma_start3A_56] : memref<10112x64xf32, #tpu.memory_space<vmem_shared>> -> memref<128x64xf32, #tpu.memory_space<vmem_shared>>
      tpu.enqueue_dma source(%dma_start3A_57 : memref<128x64xf32, #tpu.memory_space<vmem_shared>>) target(%dma_start3A_55 : memref<128x64xf32, #tpu.memory_space<vmem>>) target_semaphore(%run_scoped3A : memref<!tpu.dma_semaphore, #tpu.memory_space<semaphore_mem>>)
      %dma_wait3A = arith.constant 0 : i32
      %dma_wait3A_58 = arith.constant 0 : i32
      %dma_wait3A_59 = tpu.memref_slice %arg6[%dma_wait3A, %dma_wait3A_58] : memref<128x64xf32, #tpu.memory_space<vmem>> -> memref<128x64xf32, #tpu.memory_space<vmem>>
      %dma_wait3A_60 = arith.constant 0 : i32
      %dma_wait3A_61 = tpu.memref_slice %arg9[%add3A_34, %dma_wait3A_60] : memref<10112x64xf32, #tpu.memory_space<vmem_shared>> -> memref<128x64xf32, #tpu.memory_space<vmem_shared>>
      %dma_wait3A_62 = arith.constant 0 : i32
      %dma_wait3A_63 = arith.constant 0 : i32
      %dma_wait3A_64 = tpu.memref_slice %arg6[%dma_wait3A_62, %dma_wait3A_63] : memref<128x64xf32, #tpu.memory_space<vmem>> -> memref<128x64xf32, #tpu.memory_space<vmem>>
      %dma_wait3A_65 = arith.constant 0 : i32
      %dma_wait3A_66 = tpu.memref_slice %arg9[%add3A_34, %dma_wait3A_65] : memref<10112x64xf32, #tpu.memory_space<vmem_shared>> -> memref<128x64xf32, #tpu.memory_space<vmem_shared>>
      tpu.wait_dma2 semaphore(%run_scoped3A : memref<!tpu.dma_semaphore, #tpu.memory_space<semaphore_mem>>) src(%dma_wait3A_66 : memref<128x64xf32, #tpu.memory_space<vmem_shared>>) dst(%dma_wait3A_64 : memref<128x64xf32, #tpu.memory_space<vmem>>)
      tpu.yield
    }) : () -> ()
    %add3A_35 = arith.constant 128 : i32
    %add3A_36 = arith.addi %mul3A_6, %add3A_35 : i32
    "tpu.region"() ({
      %run_scoped3A = tpu.sem_alloc : memref<!tpu.dma_semaphore, #tpu.memory_space<semaphore_mem>>
      %dma_start3A = arith.constant 0 : i32
      %dma_start3A_49 = arith.constant 0 : i32
      %dma_start3A_50 = tpu.memref_slice %arg6[%dma_start3A, %dma_start3A_49] : memref<128x64xf32, #tpu.memory_space<vmem>> -> memref<128x64xf32, #tpu.memory_space<vmem>>
      %dma_start3A_51 = arith.constant 0 : i32
      %dma_start3A_52 = tpu.memref_slice %arg4[%arg0, %add3A_36, %dma_start3A_51] : memref<2x10112x64xf32, #tpu.memory_space<hbm>> -> memref<1x128x64xf32, #tpu.memory_space<hbm>>
      %dma_start3A_53 = tpu.memref_squeeze %dma_start3A_52 : memref<1x128x64xf32, #tpu.memory_space<hbm>> -> memref<128x64xf32, #tpu.memory_space<hbm>>
      %dma_start3A_54 = arith.constant 0 : i32
      %dma_start3A_55 = tpu.memref_slice %arg4[%arg0, %add3A_36, %dma_start3A_54] : memref<2x10112x64xf32, #tpu.memory_space<hbm>> -> memref<1x128x64xf32, #tpu.memory_space<hbm>>
      %dma_start3A_56 = tpu.memref_squeeze %dma_start3A_55 : memref<1x128x64xf32, #tpu.memory_space<hbm>> -> memref<128x64xf32, #tpu.memory_space<hbm>>
      %dma_start3A_57 = arith.constant 0 : i32
      %dma_start3A_58 = arith.constant 0 : i32
      %dma_start3A_59 = tpu.memref_slice %arg6[%dma_start3A_57, %dma_start3A_58] : memref<128x64xf32, #tpu.memory_space<vmem>> -> memref<128x64xf32, #tpu.memory_space<vmem>>
      tpu.enqueue_dma source(%dma_start3A_59 : memref<128x64xf32, #tpu.memory_space<vmem>>) target(%dma_start3A_56 : memref<128x64xf32, #tpu.memory_space<hbm>>) target_semaphore(%run_scoped3A : memref<!tpu.dma_semaphore, #tpu.memory_space<semaphore_mem>>)
      %dma_wait3A = arith.constant 0 : i32
      %dma_wait3A_60 = arith.constant 0 : i32
      %dma_wait3A_61 = tpu.memref_slice %arg6[%dma_wait3A, %dma_wait3A_60] : memref<128x64xf32, #tpu.memory_space<vmem>> -> memref<128x64xf32, #tpu.memory_space<vmem>>
      %dma_wait3A_62 = arith.constant 0 : i32
      %dma_wait3A_63 = tpu.memref_slice %arg4[%arg0, %add3A_36, %dma_wait3A_62] : memref<2x10112x64xf32, #tpu.memory_space<hbm>> -> memref<1x128x64xf32, #tpu.memory_space<hbm>>
      %dma_wait3A_64 = tpu.memref_squeeze %dma_wait3A_63 : memref<1x128x64xf32, #tpu.memory_space<hbm>> -> memref<128x64xf32, #tpu.memory_space<hbm>>
      %dma_wait3A_65 = arith.constant 0 : i32
      %dma_wait3A_66 = tpu.memref_slice %arg4[%arg0, %add3A_36, %dma_wait3A_65] : memref<2x10112x64xf32, #tpu.memory_space<hbm>> -> memref<1x128x64xf32, #tpu.memory_space<hbm>>
      %dma_wait3A_67 = tpu.memref_squeeze %dma_wait3A_66 : memref<1x128x64xf32, #tpu.memory_space<hbm>> -> memref<128x64xf32, #tpu.memory_space<hbm>>
      %dma_wait3A_68 = arith.constant 0 : i32
      %dma_wait3A_69 = arith.constant 0 : i32
      %dma_wait3A_70 = tpu.memref_slice %arg6[%dma_wait3A_68, %dma_wait3A_69] : memref<128x64xf32, #tpu.memory_space<vmem>> -> memref<128x64xf32, #tpu.memory_space<vmem>>
      tpu.wait_dma2 semaphore(%run_scoped3A : memref<!tpu.dma_semaphore, #tpu.memory_space<semaphore_mem>>) src(%dma_wait3A_70 : memref<128x64xf32, #tpu.memory_space<vmem>>) dst(%dma_wait3A_67 : memref<128x64xf32, #tpu.memory_space<hbm>>)
      tpu.yield
    }) : () -> ()
    %add3A_37 = arith.constant 256 : i32
    %add3A_38 = arith.addi %mul3A_6, %add3A_37 : i32
    "tpu.region"() ({
      %run_scoped3A = tpu.sem_alloc : memref<!tpu.dma_semaphore, #tpu.memory_space<semaphore_mem>>
      %dma_start3A = arith.constant 0 : i32
      %dma_start3A_49 = arith.constant 0 : i32
      %dma_start3A_50 = tpu.memref_slice %arg6[%dma_start3A, %dma_start3A_49] : memref<128x64xf32, #tpu.memory_space<vmem>> -> memref<128x64xf32, #tpu.memory_space<vmem>>
      %dma_start3A_51 = arith.constant 0 : i32
      %dma_start3A_52 = tpu.memref_slice %arg9[%add3A_38, %dma_start3A_51] : memref<10112x64xf32, #tpu.memory_space<vmem_shared>> -> memref<128x64xf32, #tpu.memory_space<vmem_shared>>
      %dma_start3A_53 = arith.constant 0 : i32
      %dma_start3A_54 = arith.constant 0 : i32
      %dma_start3A_55 = tpu.memref_slice %arg6[%dma_start3A_53, %dma_start3A_54] : memref<128x64xf32, #tpu.memory_space<vmem>> -> memref<128x64xf32, #tpu.memory_space<vmem>>
      %dma_start3A_56 = arith.constant 0 : i32
      %dma_start3A_57 = tpu.memref_slice %arg9[%add3A_38, %dma_start3A_56] : memref<10112x64xf32, #tpu.memory_space<vmem_shared>> -> memref<128x64xf32, #tpu.memory_space<vmem_shared>>
      tpu.enqueue_dma source(%dma_start3A_57 : memref<128x64xf32, #tpu.memory_space<vmem_shared>>) target(%dma_start3A_55 : memref<128x64xf32, #tpu.memory_space<vmem>>) target_semaphore(%run_scoped3A : memref<!tpu.dma_semaphore, #tpu.memory_space<semaphore_mem>>)
      %dma_wait3A = arith.constant 0 : i32
      %dma_wait3A_58 = arith.constant 0 : i32
      %dma_wait3A_59 = tpu.memref_slice %arg6[%dma_wait3A, %dma_wait3A_58] : memref<128x64xf32, #tpu.memory_space<vmem>> -> memref<128x64xf32, #tpu.memory_space<vmem>>
      %dma_wait3A_60 = arith.constant 0 : i32
      %dma_wait3A_61 = tpu.memref_slice %arg9[%add3A_38, %dma_wait3A_60] : memref<10112x64xf32, #tpu.memory_space<vmem_shared>> -> memref<128x64xf32, #tpu.memory_space<vmem_shared>>
      %dma_wait3A_62 = arith.constant 0 : i32
      %dma_wait3A_63 = arith.constant 0 : i32
      %dma_wait3A_64 = tpu.memref_slice %arg6[%dma_wait3A_62, %dma_wait3A_63] : memref<128x64xf32, #tpu.memory_space<vmem>> -> memref<128x64xf32, #tpu.memory_space<vmem>>
      %dma_wait3A_65 = arith.constant 0 : i32
      %dma_wait3A_66 = tpu.memref_slice %arg9[%add3A_38, %dma_wait3A_65] : memref<10112x64xf32, #tpu.memory_space<vmem_shared>> -> memref<128x64xf32, #tpu.memory_space<vmem_shared>>
      tpu.wait_dma2 semaphore(%run_scoped3A : memref<!tpu.dma_semaphore, #tpu.memory_space<semaphore_mem>>) src(%dma_wait3A_66 : memref<128x64xf32, #tpu.memory_space<vmem_shared>>) dst(%dma_wait3A_64 : memref<128x64xf32, #tpu.memory_space<vmem>>)
      tpu.yield
    }) : () -> ()
    %add3A_39 = arith.constant 256 : i32
    %add3A_40 = arith.addi %mul3A_6, %add3A_39 : i32
    "tpu.region"() ({
      %run_scoped3A = tpu.sem_alloc : memref<!tpu.dma_semaphore, #tpu.memory_space<semaphore_mem>>
      %dma_start3A = arith.constant 0 : i32
      %dma_start3A_49 = arith.constant 0 : i32
      %dma_start3A_50 = tpu.memref_slice %arg6[%dma_start3A, %dma_start3A_49] : memref<128x64xf32, #tpu.memory_space<vmem>> -> memref<128x64xf32, #tpu.memory_space<vmem>>
      %dma_start3A_51 = arith.constant 0 : i32
      %dma_start3A_52 = tpu.memref_slice %arg4[%arg0, %add3A_40, %dma_start3A_51] : memref<2x10112x64xf32, #tpu.memory_space<hbm>> -> memref<1x128x64xf32, #tpu.memory_space<hbm>>
      %dma_start3A_53 = tpu.memref_squeeze %dma_start3A_52 : memref<1x128x64xf32, #tpu.memory_space<hbm>> -> memref<128x64xf32, #tpu.memory_space<hbm>>
      %dma_start3A_54 = arith.constant 0 : i32
      %dma_start3A_55 = tpu.memref_slice %arg4[%arg0, %add3A_40, %dma_start3A_54] : memref<2x10112x64xf32, #tpu.memory_space<hbm>> -> memref<1x128x64xf32, #tpu.memory_space<hbm>>
      %dma_start3A_56 = tpu.memref_squeeze %dma_start3A_55 : memref<1x128x64xf32, #tpu.memory_space<hbm>> -> memref<128x64xf32, #tpu.memory_space<hbm>>
      %dma_start3A_57 = arith.constant 0 : i32
      %dma_start3A_58 = arith.constant 0 : i32
      %dma_start3A_59 = tpu.memref_slice %arg6[%dma_start3A_57, %dma_start3A_58] : memref<128x64xf32, #tpu.memory_space<vmem>> -> memref<128x64xf32, #tpu.memory_space<vmem>>
      tpu.enqueue_dma source(%dma_start3A_59 : memref<128x64xf32, #tpu.memory_space<vmem>>) target(%dma_start3A_56 : memref<128x64xf32, #tpu.memory_space<hbm>>) target_semaphore(%run_scoped3A : memref<!tpu.dma_semaphore, #tpu.memory_space<semaphore_mem>>)
      %dma_wait3A = arith.constant 0 : i32
      %dma_wait3A_60 = arith.constant 0 : i32
      %dma_wait3A_61 = tpu.memref_slice %arg6[%dma_wait3A, %dma_wait3A_60] : memref<128x64xf32, #tpu.memory_space<vmem>> -> memref<128x64xf32, #tpu.memory_space<vmem>>
      %dma_wait3A_62 = arith.constant 0 : i32
      %dma_wait3A_63 = tpu.memref_slice %arg4[%arg0, %add3A_40, %dma_wait3A_62] : memref<2x10112x64xf32, #tpu.memory_space<hbm>> -> memref<1x128x64xf32, #tpu.memory_space<hbm>>
      %dma_wait3A_64 = tpu.memref_squeeze %dma_wait3A_63 : memref<1x128x64xf32, #tpu.memory_space<hbm>> -> memref<128x64xf32, #tpu.memory_space<hbm>>
      %dma_wait3A_65 = arith.constant 0 : i32
      %dma_wait3A_66 = tpu.memref_slice %arg4[%arg0, %add3A_40, %dma_wait3A_65] : memref<2x10112x64xf32, #tpu.memory_space<hbm>> -> memref<1x128x64xf32, #tpu.memory_space<hbm>>
      %dma_wait3A_67 = tpu.memref_squeeze %dma_wait3A_66 : memref<1x128x64xf32, #tpu.memory_space<hbm>> -> memref<128x64xf32, #tpu.memory_space<hbm>>
      %dma_wait3A_68 = arith.constant 0 : i32
      %dma_wait3A_69 = arith.constant 0 : i32
      %dma_wait3A_70 = tpu.memref_slice %arg6[%dma_wait3A_68, %dma_wait3A_69] : memref<128x64xf32, #tpu.memory_space<vmem>> -> memref<128x64xf32, #tpu.memory_space<vmem>>
      tpu.wait_dma2 semaphore(%run_scoped3A : memref<!tpu.dma_semaphore, #tpu.memory_space<semaphore_mem>>) src(%dma_wait3A_70 : memref<128x64xf32, #tpu.memory_space<vmem>>) dst(%dma_wait3A_67 : memref<128x64xf32, #tpu.memory_space<hbm>>)
      tpu.yield
    }) : () -> ()
    %add3A_41 = arith.constant 384 : i32
    %add3A_42 = arith.addi %mul3A_6, %add3A_41 : i32
    "tpu.region"() ({
      %run_scoped3A = tpu.sem_alloc : memref<!tpu.dma_semaphore, #tpu.memory_space<semaphore_mem>>
      %dma_start3A = arith.constant 0 : i32
      %dma_start3A_49 = arith.constant 0 : i32
      %dma_start3A_50 = tpu.memref_slice %arg6[%dma_start3A, %dma_start3A_49] : memref<128x64xf32, #tpu.memory_space<vmem>> -> memref<128x64xf32, #tpu.memory_space<vmem>>
      %dma_start3A_51 = arith.constant 0 : i32
      %dma_start3A_52 = tpu.memref_slice %arg9[%add3A_42, %dma_start3A_51] : memref<10112x64xf32, #tpu.memory_space<vmem_shared>> -> memref<128x64xf32, #tpu.memory_space<vmem_shared>>
      %dma_start3A_53 = arith.constant 0 : i32
      %dma_start3A_54 = arith.constant 0 : i32
      %dma_start3A_55 = tpu.memref_slice %arg6[%dma_start3A_53, %dma_start3A_54] : memref<128x64xf32, #tpu.memory_space<vmem>> -> memref<128x64xf32, #tpu.memory_space<vmem>>
      %dma_start3A_56 = arith.constant 0 : i32
      %dma_start3A_57 = tpu.memref_slice %arg9[%add3A_42, %dma_start3A_56] : memref<10112x64xf32, #tpu.memory_space<vmem_shared>> -> memref<128x64xf32, #tpu.memory_space<vmem_shared>>
      tpu.enqueue_dma source(%dma_start3A_57 : memref<128x64xf32, #tpu.memory_space<vmem_shared>>) target(%dma_start3A_55 : memref<128x64xf32, #tpu.memory_space<vmem>>) target_semaphore(%run_scoped3A : memref<!tpu.dma_semaphore, #tpu.memory_space<semaphore_mem>>)
      %dma_wait3A = arith.constant 0 : i32
      %dma_wait3A_58 = arith.constant 0 : i32
      %dma_wait3A_59 = tpu.memref_slice %arg6[%dma_wait3A, %dma_wait3A_58] : memref<128x64xf32, #tpu.memory_space<vmem>> -> memref<128x64xf32, #tpu.memory_space<vmem>>
      %dma_wait3A_60 = arith.constant 0 : i32
      %dma_wait3A_61 = tpu.memref_slice %arg9[%add3A_42, %dma_wait3A_60] : memref<10112x64xf32, #tpu.memory_space<vmem_shared>> -> memref<128x64xf32, #tpu.memory_space<vmem_shared>>
      %dma_wait3A_62 = arith.constant 0 : i32
      %dma_wait3A_63 = arith.constant 0 : i32
      %dma_wait3A_64 = tpu.memref_slice %arg6[%dma_wait3A_62, %dma_wait3A_63] : memref<128x64xf32, #tpu.memory_space<vmem>> -> memref<128x64xf32, #tpu.memory_space<vmem>>
      %dma_wait3A_65 = arith.constant 0 : i32
      %dma_wait3A_66 = tpu.memref_slice %arg9[%add3A_42, %dma_wait3A_65] : memref<10112x64xf32, #tpu.memory_space<vmem_shared>> -> memref<128x64xf32, #tpu.memory_space<vmem_shared>>
      tpu.wait_dma2 semaphore(%run_scoped3A : memref<!tpu.dma_semaphore, #tpu.memory_space<semaphore_mem>>) src(%dma_wait3A_66 : memref<128x64xf32, #tpu.memory_space<vmem_shared>>) dst(%dma_wait3A_64 : memref<128x64xf32, #tpu.memory_space<vmem>>)
      tpu.yield
    }) : () -> ()
    %add3A_43 = arith.constant 384 : i32
    %add3A_44 = arith.addi %mul3A_6, %add3A_43 : i32
    "tpu.region"() ({
      %run_scoped3A = tpu.sem_alloc : memref<!tpu.dma_semaphore, #tpu.memory_space<semaphore_mem>>
      %dma_start3A = arith.constant 0 : i32
      %dma_start3A_49 = arith.constant 0 : i32
      %dma_start3A_50 = tpu.memref_slice %arg6[%dma_start3A, %dma_start3A_49] : memref<128x64xf32, #tpu.memory_space<vmem>> -> memref<128x64xf32, #tpu.memory_space<vmem>>
      %dma_start3A_51 = arith.constant 0 : i32
      %dma_start3A_52 = tpu.memref_slice %arg4[%arg0, %add3A_44, %dma_start3A_51] : memref<2x10112x64xf32, #tpu.memory_space<hbm>> -> memref<1x128x64xf32, #tpu.memory_space<hbm>>
      %dma_start3A_53 = tpu.memref_squeeze %dma_start3A_52 : memref<1x128x64xf32, #tpu.memory_space<hbm>> -> memref<128x64xf32, #tpu.memory_space<hbm>>
      %dma_start3A_54 = arith.constant 0 : i32
      %dma_start3A_55 = tpu.memref_slice %arg4[%arg0, %add3A_44, %dma_start3A_54] : memref<2x10112x64xf32, #tpu.memory_space<hbm>> -> memref<1x128x64xf32, #tpu.memory_space<hbm>>
      %dma_start3A_56 = tpu.memref_squeeze %dma_start3A_55 : memref<1x128x64xf32, #tpu.memory_space<hbm>> -> memref<128x64xf32, #tpu.memory_space<hbm>>
      %dma_start3A_57 = arith.constant 0 : i32
      %dma_start3A_58 = arith.constant 0 : i32
      %dma_start3A_59 = tpu.memref_slice %arg6[%dma_start3A_57, %dma_start3A_58] : memref<128x64xf32, #tpu.memory_space<vmem>> -> memref<128x64xf32, #tpu.memory_space<vmem>>
      tpu.enqueue_dma source(%dma_start3A_59 : memref<128x64xf32, #tpu.memory_space<vmem>>) target(%dma_start3A_56 : memref<128x64xf32, #tpu.memory_space<hbm>>) target_semaphore(%run_scoped3A : memref<!tpu.dma_semaphore, #tpu.memory_space<semaphore_mem>>)
      %dma_wait3A = arith.constant 0 : i32
      %dma_wait3A_60 = arith.constant 0 : i32
      %dma_wait3A_61 = tpu.memref_slice %arg6[%dma_wait3A, %dma_wait3A_60] : memref<128x64xf32, #tpu.memory_space<vmem>> -> memref<128x64xf32, #tpu.memory_space<vmem>>
      %dma_wait3A_62 = arith.constant 0 : i32
      %dma_wait3A_63 = tpu.memref_slice %arg4[%arg0, %add3A_44, %dma_wait3A_62] : memref<2x10112x64xf32, #tpu.memory_space<hbm>> -> memref<1x128x64xf32, #tpu.memory_space<hbm>>
      %dma_wait3A_64 = tpu.memref_squeeze %dma_wait3A_63 : memref<1x128x64xf32, #tpu.memory_space<hbm>> -> memref<128x64xf32, #tpu.memory_space<hbm>>
      %dma_wait3A_65 = arith.constant 0 : i32
      %dma_wait3A_66 = tpu.memref_slice %arg4[%arg0, %add3A_44, %dma_wait3A_65] : memref<2x10112x64xf32, #tpu.memory_space<hbm>> -> memref<1x128x64xf32, #tpu.memory_space<hbm>>
      %dma_wait3A_67 = tpu.memref_squeeze %dma_wait3A_66 : memref<1x128x64xf32, #tpu.memory_space<hbm>> -> memref<128x64xf32, #tpu.memory_space<hbm>>
      %dma_wait3A_68 = arith.constant 0 : i32
      %dma_wait3A_69 = arith.constant 0 : i32
      %dma_wait3A_70 = tpu.memref_slice %arg6[%dma_wait3A_68, %dma_wait3A_69] : memref<128x64xf32, #tpu.memory_space<vmem>> -> memref<128x64xf32, #tpu.memory_space<vmem>>
      tpu.wait_dma2 semaphore(%run_scoped3A : memref<!tpu.dma_semaphore, #tpu.memory_space<semaphore_mem>>) src(%dma_wait3A_70 : memref<128x64xf32, #tpu.memory_space<vmem>>) dst(%dma_wait3A_67 : memref<128x64xf32, #tpu.memory_space<hbm>>)
      tpu.yield
    }) : () -> ()
    %add3A_45 = arith.constant 512 : i32
    %add3A_46 = arith.addi %mul3A_6, %add3A_45 : i32
    "tpu.region"() ({
      %run_scoped3A = tpu.sem_alloc : memref<!tpu.dma_semaphore, #tpu.memory_space<semaphore_mem>>
      %dma_start3A = arith.constant 0 : i32
      %dma_start3A_49 = arith.constant 0 : i32
      %dma_start3A_50 = tpu.memref_slice %arg6[%dma_start3A, %dma_start3A_49] : memref<128x64xf32, #tpu.memory_space<vmem>> -> memref<120x64xf32, #tpu.memory_space<vmem>>
      %dma_start3A_51 = arith.constant 0 : i32
      %dma_start3A_52 = tpu.memref_slice %arg9[%add3A_46, %dma_start3A_51] : memref<10112x64xf32, #tpu.memory_space<vmem_shared>> -> memref<120x64xf32, #tpu.memory_space<vmem_shared>>
      %dma_start3A_53 = arith.constant 0 : i32
      %dma_start3A_54 = arith.constant 0 : i32
      %dma_start3A_55 = tpu.memref_slice %arg6[%dma_start3A_53, %dma_start3A_54] : memref<128x64xf32, #tpu.memory_space<vmem>> -> memref<120x64xf32, #tpu.memory_space<vmem>>
      %dma_start3A_56 = arith.constant 0 : i32
      %dma_start3A_57 = tpu.memref_slice %arg9[%add3A_46, %dma_start3A_56] : memref<10112x64xf32, #tpu.memory_space<vmem_shared>> -> memref<120x64xf32, #tpu.memory_space<vmem_shared>>
      tpu.enqueue_dma source(%dma_start3A_57 : memref<120x64xf32, #tpu.memory_space<vmem_shared>>) target(%dma_start3A_55 : memref<120x64xf32, #tpu.memory_space<vmem>>) target_semaphore(%run_scoped3A : memref<!tpu.dma_semaphore, #tpu.memory_space<semaphore_mem>>)
      %dma_wait3A = arith.constant 0 : i32
      %dma_wait3A_58 = arith.constant 0 : i32
      %dma_wait3A_59 = tpu.memref_slice %arg6[%dma_wait3A, %dma_wait3A_58] : memref<128x64xf32, #tpu.memory_space<vmem>> -> memref<120x64xf32, #tpu.memory_space<vmem>>
      %dma_wait3A_60 = arith.constant 0 : i32
      %dma_wait3A_61 = tpu.memref_slice %arg9[%add3A_46, %dma_wait3A_60] : memref<10112x64xf32, #tpu.memory_space<vmem_shared>> -> memref<120x64xf32, #tpu.memory_space<vmem_shared>>
      %dma_wait3A_62 = arith.constant 0 : i32
      %dma_wait3A_63 = arith.constant 0 : i32
      %dma_wait3A_64 = tpu.memref_slice %arg6[%dma_wait3A_62, %dma_wait3A_63] : memref<128x64xf32, #tpu.memory_space<vmem>> -> memref<120x64xf32, #tpu.memory_space<vmem>>
      %dma_wait3A_65 = arith.constant 0 : i32
      %dma_wait3A_66 = tpu.memref_slice %arg9[%add3A_46, %dma_wait3A_65] : memref<10112x64xf32, #tpu.memory_space<vmem_shared>> -> memref<120x64xf32, #tpu.memory_space<vmem_shared>>
      tpu.wait_dma2 semaphore(%run_scoped3A : memref<!tpu.dma_semaphore, #tpu.memory_space<semaphore_mem>>) src(%dma_wait3A_66 : memref<120x64xf32, #tpu.memory_space<vmem_shared>>) dst(%dma_wait3A_64 : memref<120x64xf32, #tpu.memory_space<vmem>>)
      tpu.yield
    }) : () -> ()
    %add3A_47 = arith.constant 512 : i32
    %add3A_48 = arith.addi %mul3A_6, %add3A_47 : i32
    "tpu.region"() ({
      %run_scoped3A = tpu.sem_alloc : memref<!tpu.dma_semaphore, #tpu.memory_space<semaphore_mem>>
      %dma_start3A = arith.constant 0 : i32
      %dma_start3A_49 = arith.constant 0 : i32
      %dma_start3A_50 = tpu.memref_slice %arg6[%dma_start3A, %dma_start3A_49] : memref<128x64xf32, #tpu.memory_space<vmem>> -> memref<120x64xf32, #tpu.memory_space<vmem>>
      %dma_start3A_51 = arith.constant 0 : i32
      %dma_start3A_52 = tpu.memref_slice %arg4[%arg0, %add3A_48, %dma_start3A_51] : memref<2x10112x64xf32, #tpu.memory_space<hbm>> -> memref<1x120x64xf32, #tpu.memory_space<hbm>>
      %dma_start3A_53 = tpu.memref_squeeze %dma_start3A_52 : memref<1x120x64xf32, #tpu.memory_space<hbm>> -> memref<120x64xf32, #tpu.memory_space<hbm>>
      %dma_start3A_54 = arith.constant 0 : i32
      %dma_start3A_55 = tpu.memref_slice %arg4[%arg0, %add3A_48, %dma_start3A_54] : memref<2x10112x64xf32, #tpu.memory_space<hbm>> -> memref<1x120x64xf32, #tpu.memory_space<hbm>>
      %dma_start3A_56 = tpu.memref_squeeze %dma_start3A_55 : memref<1x120x64xf32, #tpu.memory_space<hbm>> -> memref<120x64xf32, #tpu.memory_space<hbm>>
      %dma_start3A_57 = arith.constant 0 : i32
      %dma_start3A_58 = arith.constant 0 : i32
      %dma_start3A_59 = tpu.memref_slice %arg6[%dma_start3A_57, %dma_start3A_58] : memref<128x64xf32, #tpu.memory_space<vmem>> -> memref<120x64xf32, #tpu.memory_space<vmem>>
      tpu.enqueue_dma source(%dma_start3A_59 : memref<120x64xf32, #tpu.memory_space<vmem>>) target(%dma_start3A_56 : memref<120x64xf32, #tpu.memory_space<hbm>>) target_semaphore(%run_scoped3A : memref<!tpu.dma_semaphore, #tpu.memory_space<semaphore_mem>>)
      %dma_wait3A = arith.constant 0 : i32
      %dma_wait3A_60 = arith.constant 0 : i32
      %dma_wait3A_61 = tpu.memref_slice %arg6[%dma_wait3A, %dma_wait3A_60] : memref<128x64xf32, #tpu.memory_space<vmem>> -> memref<120x64xf32, #tpu.memory_space<vmem>>
      %dma_wait3A_62 = arith.constant 0 : i32
      %dma_wait3A_63 = tpu.memref_slice %arg4[%arg0, %add3A_48, %dma_wait3A_62] : memref<2x10112x64xf32, #tpu.memory_space<hbm>> -> memref<1x120x64xf32, #tpu.memory_space<hbm>>
      %dma_wait3A_64 = tpu.memref_squeeze %dma_wait3A_63 : memref<1x120x64xf32, #tpu.memory_space<hbm>> -> memref<120x64xf32, #tpu.memory_space<hbm>>
      %dma_wait3A_65 = arith.constant 0 : i32
      %dma_wait3A_66 = tpu.memref_slice %arg4[%arg0, %add3A_48, %dma_wait3A_65] : memref<2x10112x64xf32, #tpu.memory_space<hbm>> -> memref<1x120x64xf32, #tpu.memory_space<hbm>>
      %dma_wait3A_67 = tpu.memref_squeeze %dma_wait3A_66 : memref<1x120x64xf32, #tpu.memory_space<hbm>> -> memref<120x64xf32, #tpu.memory_space<hbm>>
      %dma_wait3A_68 = arith.constant 0 : i32
      %dma_wait3A_69 = arith.constant 0 : i32
      %dma_wait3A_70 = tpu.memref_slice %arg6[%dma_wait3A_68, %dma_wait3A_69] : memref<128x64xf32, #tpu.memory_space<vmem>> -> memref<120x64xf32, #tpu.memory_space<vmem>>
      tpu.wait_dma2 semaphore(%run_scoped3A : memref<!tpu.dma_semaphore, #tpu.memory_space<semaphore_mem>>) src(%dma_wait3A_70 : memref<120x64xf32, #tpu.memory_space<vmem>>) dst(%dma_wait3A_67 : memref<120x64xf32, #tpu.memory_space<hbm>>)
      tpu.yield
    }) : () -> ()
    return
  }
}

#map = affine_map<(d0, d1) -> (0)>
#map1 = affine_map<(d0, d1) -> (0, 0)>
module attributes {stable_mosaic.version = 14 : i64} {
  func.func @_sc_hist(%arg0: i32, %arg1: i32, %arg2: memref<321536xi32, #tpu.memory_space<hbm>>, %arg3: memref<321536xi32, #tpu.memory_space<hbm>>, %arg4: memref<32x10112xi32, #tpu.memory_space<hbm>>, %arg5: memref<32x10112xi32, #tpu.memory_space<hbm>>, %arg6: memref<10048xi32, #tpu.memory_space<vmem>>, %arg7: memref<10048xi32, #tpu.memory_space<vmem>>, %arg8: memref<10112xi32, #tpu.memory_space<vmem>>, %arg9: memref<10112xi32, #tpu.memory_space<vmem>>) attributes {dimension_semantics = [#tpu.dimension_semantics<core_parallel>, #tpu.dimension_semantics<subcore_parallel>], iteration_bounds = array<i64: 2, 16>, scalar_prefetch = 0 : i64, scratch_operands = 4 : i64, tpu.core_type = #tpu.core_type<sc_vector_subcore>, window_params = [{transform_indices = #map}, {transform_indices = #map}, {transform_indices = #map1}, {transform_indices = #map1}]} {
    %mul3A = arith.constant 2 : i32
    %mul3A_0 = arith.muli %arg1, %mul3A : i32
    %add3A = arith.addi %mul3A_0, %arg0 : i32
    %mul3A_1 = arith.constant 10048 : i32
    %mul3A_2 = arith.muli %add3A, %mul3A_1 : i32
    "tpu.region"() ({
      %run_scoped3A = tpu.sem_alloc : memref<!tpu.dma_semaphore, #tpu.memory_space<semaphore_mem>>
      %dma_start3A = tpu.memref_slice %arg2[%mul3A_2] : memref<321536xi32, #tpu.memory_space<hbm>> -> memref<10048xi32, #tpu.memory_space<hbm>>
      %dma_start3A_19 = tpu.memref_slice %arg2[%mul3A_2] : memref<321536xi32, #tpu.memory_space<hbm>> -> memref<10048xi32, #tpu.memory_space<hbm>>
      tpu.enqueue_dma source(%dma_start3A_19 : memref<10048xi32, #tpu.memory_space<hbm>>) target(%arg6 : memref<10048xi32, #tpu.memory_space<vmem>>) target_semaphore(%run_scoped3A : memref<!tpu.dma_semaphore, #tpu.memory_space<semaphore_mem>>)
      %dma_wait3A = tpu.memref_slice %arg2[%mul3A_2] : memref<321536xi32, #tpu.memory_space<hbm>> -> memref<10048xi32, #tpu.memory_space<hbm>>
      %dma_wait3A_20 = tpu.memref_slice %arg2[%mul3A_2] : memref<321536xi32, #tpu.memory_space<hbm>> -> memref<10048xi32, #tpu.memory_space<hbm>>
      tpu.wait_dma2 semaphore(%run_scoped3A : memref<!tpu.dma_semaphore, #tpu.memory_space<semaphore_mem>>) src(%dma_wait3A_20 : memref<10048xi32, #tpu.memory_space<hbm>>) dst(%arg6 : memref<10048xi32, #tpu.memory_space<vmem>>)
      tpu.yield
    }) : () -> ()
    "tpu.region"() ({
      %run_scoped3A = tpu.sem_alloc : memref<!tpu.dma_semaphore, #tpu.memory_space<semaphore_mem>>
      %dma_start3A = tpu.memref_slice %arg3[%mul3A_2] : memref<321536xi32, #tpu.memory_space<hbm>> -> memref<10048xi32, #tpu.memory_space<hbm>>
      %dma_start3A_19 = tpu.memref_slice %arg3[%mul3A_2] : memref<321536xi32, #tpu.memory_space<hbm>> -> memref<10048xi32, #tpu.memory_space<hbm>>
      tpu.enqueue_dma source(%dma_start3A_19 : memref<10048xi32, #tpu.memory_space<hbm>>) target(%arg7 : memref<10048xi32, #tpu.memory_space<vmem>>) target_semaphore(%run_scoped3A : memref<!tpu.dma_semaphore, #tpu.memory_space<semaphore_mem>>)
      %dma_wait3A = tpu.memref_slice %arg3[%mul3A_2] : memref<321536xi32, #tpu.memory_space<hbm>> -> memref<10048xi32, #tpu.memory_space<hbm>>
      %dma_wait3A_20 = tpu.memref_slice %arg3[%mul3A_2] : memref<321536xi32, #tpu.memory_space<hbm>> -> memref<10048xi32, #tpu.memory_space<hbm>>
      tpu.wait_dma2 semaphore(%run_scoped3A : memref<!tpu.dma_semaphore, #tpu.memory_space<semaphore_mem>>) src(%dma_wait3A_20 : memref<10048xi32, #tpu.memory_space<hbm>>) dst(%arg7 : memref<10048xi32, #tpu.memory_space<vmem>>)
      tpu.yield
    }) : () -> ()
    %broadcast_in_dim3A = arith.constant 0 : i32
    %broadcast_in_dim3A_3 = vector.broadcast %broadcast_in_dim3A : i32 to vector<16xi32>
    %scan3A = arith.constant 0 : i32
    %scan3A_4 = arith.constant 0 : i32
    %scan3A_5 = arith.constant 632 : i32
    %scan3A_6 = arith.addi %scan3A_4, %scan3A_5 : i32
    %scan3A_7 = arith.constant 1 : i32
    %scan3A_8 = scf.for %scan3A_19 = %scan3A_4 to %scan3A_6 step %scan3A_7 iter_args(%scan3A_20 = %scan3A) -> (i32)  : i32 {
      %mul3A_21 = arith.constant 16 : i32
      %mul3A_22 = arith.muli %scan3A_19, %mul3A_21 : i32
      %swap3A = arith.index_cast %mul3A_22 : i32 to index
      %swap3A_23 = tpu.vector_load %arg8[%swap3A] {strides = array<i32>} : memref<10112xi32, #tpu.memory_space<vmem>>, vector<16xi32>,
      tpu.vector_store %arg8[%swap3A], %broadcast_in_dim3A_3 {strides = array<i32>} : memref<10112xi32, #tpu.memory_space<vmem>>, vector<16xi32>,
      %mul3A_24 = arith.constant 16 : i32
      %mul3A_25 = arith.muli %scan3A_19, %mul3A_24 : i32
      %swap3A_26 = arith.index_cast %mul3A_25 : i32 to index
      %swap3A_27 = tpu.vector_load %arg9[%swap3A_26] {strides = array<i32>} : memref<10112xi32, #tpu.memory_space<vmem>>, vector<16xi32>,
      tpu.vector_store %arg9[%swap3A_26], %broadcast_in_dim3A_3 {strides = array<i32>} : memref<10112xi32, #tpu.memory_space<vmem>>, vector<16xi32>,
      %scan3A_28 = arith.constant 0 : i32
      scf.yield %scan3A_28 : i32
    }
    %scan3A_9 = arith.constant 632 : i32
    %broadcast_in_dim3A_10 = arith.constant 1 : i32
    %broadcast_in_dim3A_11 = vector.broadcast %broadcast_in_dim3A_10 : i32 to vector<16xi32>
    %scan3A_12 = arith.constant 0 : i32
    %scan3A_13 = arith.constant 0 : i32
    %scan3A_14 = arith.constant 628 : i32
    %scan3A_15 = arith.addi %scan3A_13, %scan3A_14 : i32
    %scan3A_16 = arith.constant 1 : i32
    %scan3A_17 = scf.for %scan3A_19 = %scan3A_13 to %scan3A_15 step %scan3A_16 iter_args(%scan3A_20 = %scan3A_12) -> (i32)  : i32 {
      %mul3A_21 = arith.constant 16 : i32
      %mul3A_22 = arith.muli %scan3A_19, %mul3A_21 : i32
      %get3A = arith.index_cast %mul3A_22 : i32 to index
      %get3A_23 = tpu.vector_load %arg6[%get3A] {strides = array<i32>} : memref<10048xi32, #tpu.memory_space<vmem>>, vector<16xi32>,
      tpu.vector_store_idx %arg8[%get3A_23], %broadcast_in_dim3A_11 {add = true} : memref<10112xi32, #tpu.memory_space<vmem>>[vector<16xi32>], vector<16xi32>,
      %mul3A_24 = arith.constant 16 : i32
      %mul3A_25 = arith.muli %scan3A_19, %mul3A_24 : i32
      %get3A_26 = arith.index_cast %mul3A_25 : i32 to index
      %get3A_27 = tpu.vector_load %arg7[%get3A_26] {strides = array<i32>} : memref<10048xi32, #tpu.memory_space<vmem>>, vector<16xi32>,
      tpu.vector_store_idx %arg9[%get3A_27], %broadcast_in_dim3A_11 {add = true} : memref<10112xi32, #tpu.memory_space<vmem>>[vector<16xi32>], vector<16xi32>,
      %scan3A_28 = arith.constant 0 : i32
      scf.yield %scan3A_28 : i32
    }
    %scan3A_18 = arith.constant 628 : i32
    "tpu.region"() ({
      %run_scoped3A = tpu.sem_alloc : memref<!tpu.dma_semaphore, #tpu.memory_space<semaphore_mem>>
      %dma_start3A = arith.constant 0 : i32
      %dma_start3A_19 = tpu.memref_slice %arg4[%add3A, %dma_start3A] : memref<32x10112xi32, #tpu.memory_space<hbm>> -> memref<1x10112xi32, #tpu.memory_space<hbm>>
      %dma_start3A_20 = tpu.memref_squeeze %dma_start3A_19 : memref<1x10112xi32, #tpu.memory_space<hbm>> -> memref<10112xi32, #tpu.memory_space<hbm>>
      %dma_start3A_21 = arith.constant 0 : i32
      %dma_start3A_22 = tpu.memref_slice %arg4[%add3A, %dma_start3A_21] : memref<32x10112xi32, #tpu.memory_space<hbm>> -> memref<1x10112xi32, #tpu.memory_space<hbm>>
      %dma_start3A_23 = tpu.memref_squeeze %dma_start3A_22 : memref<1x10112xi32, #tpu.memory_space<hbm>> -> memref<10112xi32, #tpu.memory_space<hbm>>
      tpu.enqueue_dma source(%arg8 : memref<10112xi32, #tpu.memory_space<vmem>>) target(%dma_start3A_23 : memref<10112xi32, #tpu.memory_space<hbm>>) target_semaphore(%run_scoped3A : memref<!tpu.dma_semaphore, #tpu.memory_space<semaphore_mem>>)
      %dma_wait3A = arith.constant 0 : i32
      %dma_wait3A_24 = tpu.memref_slice %arg4[%add3A, %dma_wait3A] : memref<32x10112xi32, #tpu.memory_space<hbm>> -> memref<1x10112xi32, #tpu.memory_space<hbm>>
      %dma_wait3A_25 = tpu.memref_squeeze %dma_wait3A_24 : memref<1x10112xi32, #tpu.memory_space<hbm>> -> memref<10112xi32, #tpu.memory_space<hbm>>
      %dma_wait3A_26 = arith.constant 0 : i32
      %dma_wait3A_27 = tpu.memref_slice %arg4[%add3A, %dma_wait3A_26] : memref<32x10112xi32, #tpu.memory_space<hbm>> -> memref<1x10112xi32, #tpu.memory_space<hbm>>
      %dma_wait3A_28 = tpu.memref_squeeze %dma_wait3A_27 : memref<1x10112xi32, #tpu.memory_space<hbm>> -> memref<10112xi32, #tpu.memory_space<hbm>>
      tpu.wait_dma2 semaphore(%run_scoped3A : memref<!tpu.dma_semaphore, #tpu.memory_space<semaphore_mem>>) src(%arg8 : memref<10112xi32, #tpu.memory_space<vmem>>) dst(%dma_wait3A_28 : memref<10112xi32, #tpu.memory_space<hbm>>)
      tpu.yield
    }) : () -> ()
    "tpu.region"() ({
      %run_scoped3A = tpu.sem_alloc : memref<!tpu.dma_semaphore, #tpu.memory_space<semaphore_mem>>
      %dma_start3A = arith.constant 0 : i32
      %dma_start3A_19 = tpu.memref_slice %arg5[%add3A, %dma_start3A] : memref<32x10112xi32, #tpu.memory_space<hbm>> -> memref<1x10112xi32, #tpu.memory_space<hbm>>
      %dma_start3A_20 = tpu.memref_squeeze %dma_start3A_19 : memref<1x10112xi32, #tpu.memory_space<hbm>> -> memref<10112xi32, #tpu.memory_space<hbm>>
      %dma_start3A_21 = arith.constant 0 : i32
      %dma_start3A_22 = tpu.memref_slice %arg5[%add3A, %dma_start3A_21] : memref<32x10112xi32, #tpu.memory_space<hbm>> -> memref<1x10112xi32, #tpu.memory_space<hbm>>
      %dma_start3A_23 = tpu.memref_squeeze %dma_start3A_22 : memref<1x10112xi32, #tpu.memory_space<hbm>> -> memref<10112xi32, #tpu.memory_space<hbm>>
      tpu.enqueue_dma source(%arg9 : memref<10112xi32, #tpu.memory_space<vmem>>) target(%dma_start3A_23 : memref<10112xi32, #tpu.memory_space<hbm>>) target_semaphore(%run_scoped3A : memref<!tpu.dma_semaphore, #tpu.memory_space<semaphore_mem>>)
      %dma_wait3A = arith.constant 0 : i32
      %dma_wait3A_24 = tpu.memref_slice %arg5[%add3A, %dma_wait3A] : memref<32x10112xi32, #tpu.memory_space<hbm>> -> memref<1x10112xi32, #tpu.memory_space<hbm>>
      %dma_wait3A_25 = tpu.memref_squeeze %dma_wait3A_24 : memref<1x10112xi32, #tpu.memory_space<hbm>> -> memref<10112xi32, #tpu.memory_space<hbm>>
      %dma_wait3A_26 = arith.constant 0 : i32
      %dma_wait3A_27 = tpu.memref_slice %arg5[%add3A, %dma_wait3A_26] : memref<32x10112xi32, #tpu.memory_space<hbm>> -> memref<1x10112xi32, #tpu.memory_space<hbm>>
      %dma_wait3A_28 = tpu.memref_squeeze %dma_wait3A_27 : memref<1x10112xi32, #tpu.memory_space<hbm>> -> memref<10112xi32, #tpu.memory_space<hbm>>
      tpu.wait_dma2 semaphore(%run_scoped3A : memref<!tpu.dma_semaphore, #tpu.memory_space<semaphore_mem>>) src(%arg9 : memref<10112xi32, #tpu.memory_space<vmem>>) dst(%dma_wait3A_28 : memref<10112xi32, #tpu.memory_space<hbm>>)
      tpu.yield
    }) : () -> ()
    return
  }
}

#map = affine_map<(d0, d1) -> (0, 0, 0)>
#map1 = affine_map<(d0, d1) -> (0)>
module attributes {stable_mosaic.version = 14 : i64} {
  func.func @_sc_edge_pass(%arg0: i32, %arg1: i32, %arg2: memref<2x10112x64xf32, #tpu.memory_space<hbm>>, %arg3: memref<321536xi32, #tpu.memory_space<hbm>>, %arg4: memref<321536xi32, #tpu.memory_space<hbm>>, %arg5: memref<2x10112x64xf32, #tpu.memory_space<hbm>>, %arg6: memref<128xi32, #tpu.memory_space<vmem>>, %arg7: memref<128xi32, #tpu.memory_space<vmem>>, %arg8: memref<128x64xf32, #tpu.memory_space<vmem>>, %arg9: memref<128x64xf32, #tpu.memory_space<vmem>>, %arg10: memref<10112x64xf32, #tpu.memory_space<vmem_shared>>, %arg11: memref<!tpu.dma_semaphore, #tpu.memory_space<semaphore_mem>>) attributes {dimension_semantics = [#tpu.dimension_semantics<core_parallel>, #tpu.dimension_semantics<subcore_parallel>], iteration_bounds = array<i64: 2, 16>, scalar_prefetch = 0 : i64, scratch_operands = 6 : i64, tpu.core_type = #tpu.core_type<sc_vector_subcore>, window_params = [{transform_indices = #map}, {transform_indices = #map1}, {transform_indices = #map1}, {transform_indices = #map}]} {
    %mul3A = arith.constant 632 : i32
    %mul3A_0 = arith.muli %arg1, %mul3A : i32
    %add3A = arith.constant 0 : i32
    %add3A_1 = arith.addi %mul3A_0, %add3A : i32
    "tpu.region"() ({
      %run_scoped3A = tpu.sem_alloc : memref<!tpu.dma_semaphore, #tpu.memory_space<semaphore_mem>>
      %dma_start3A = arith.constant 0 : i32
      %dma_start3A_49 = arith.constant 0 : i32
      %dma_start3A_50 = tpu.memref_slice %arg9[%dma_start3A, %dma_start3A_49] : memref<128x64xf32, #tpu.memory_space<vmem>> -> memref<128x64xf32, #tpu.memory_space<vmem>>
      %dma_start3A_51 = arith.constant 0 : i32
      %dma_start3A_52 = tpu.memref_slice %arg2[%arg0, %add3A_1, %dma_start3A_51] : memref<2x10112x64xf32, #tpu.memory_space<hbm>> -> memref<1x128x64xf32, #tpu.memory_space<hbm>>
      %dma_start3A_53 = tpu.memref_squeeze %dma_start3A_52 : memref<1x128x64xf32, #tpu.memory_space<hbm>> -> memref<128x64xf32, #tpu.memory_space<hbm>>
      %dma_start3A_54 = arith.constant 0 : i32
      %dma_start3A_55 = arith.constant 0 : i32
      %dma_start3A_56 = tpu.memref_slice %arg9[%dma_start3A_54, %dma_start3A_55] : memref<128x64xf32, #tpu.memory_space<vmem>> -> memref<128x64xf32, #tpu.memory_space<vmem>>
      %dma_start3A_57 = arith.constant 0 : i32
      %dma_start3A_58 = tpu.memref_slice %arg2[%arg0, %add3A_1, %dma_start3A_57] : memref<2x10112x64xf32, #tpu.memory_space<hbm>> -> memref<1x128x64xf32, #tpu.memory_space<hbm>>
      %dma_start3A_59 = tpu.memref_squeeze %dma_start3A_58 : memref<1x128x64xf32, #tpu.memory_space<hbm>> -> memref<128x64xf32, #tpu.memory_space<hbm>>
      tpu.enqueue_dma source(%dma_start3A_59 : memref<128x64xf32, #tpu.memory_space<hbm>>) target(%dma_start3A_56 : memref<128x64xf32, #tpu.memory_space<vmem>>) target_semaphore(%run_scoped3A : memref<!tpu.dma_semaphore, #tpu.memory_space<semaphore_mem>>)
      %dma_wait3A = arith.constant 0 : i32
      %dma_wait3A_60 = arith.constant 0 : i32
      %dma_wait3A_61 = tpu.memref_slice %arg9[%dma_wait3A, %dma_wait3A_60] : memref<128x64xf32, #tpu.memory_space<vmem>> -> memref<128x64xf32, #tpu.memory_space<vmem>>
      %dma_wait3A_62 = arith.constant 0 : i32
      %dma_wait3A_63 = tpu.memref_slice %arg2[%arg0, %add3A_1, %dma_wait3A_62] : memref<2x10112x64xf32, #tpu.memory_space<hbm>> -> memref<1x128x64xf32, #tpu.memory_space<hbm>>
      %dma_wait3A_64 = tpu.memref_squeeze %dma_wait3A_63 : memref<1x128x64xf32, #tpu.memory_space<hbm>> -> memref<128x64xf32, #tpu.memory_space<hbm>>
      %dma_wait3A_65 = arith.constant 0 : i32
      %dma_wait3A_66 = arith.constant 0 : i32
      %dma_wait3A_67 = tpu.memref_slice %arg9[%dma_wait3A_65, %dma_wait3A_66] : memref<128x64xf32, #tpu.memory_space<vmem>> -> memref<128x64xf32, #tpu.memory_space<vmem>>
      %dma_wait3A_68 = arith.constant 0 : i32
      %dma_wait3A_69 = tpu.memref_slice %arg2[%arg0, %add3A_1, %dma_wait3A_68] : memref<2x10112x64xf32, #tpu.memory_space<hbm>> -> memref<1x128x64xf32, #tpu.memory_space<hbm>>
      %dma_wait3A_70 = tpu.memref_squeeze %dma_wait3A_69 : memref<1x128x64xf32, #tpu.memory_space<hbm>> -> memref<128x64xf32, #tpu.memory_space<hbm>>
      tpu.wait_dma2 semaphore(%run_scoped3A : memref<!tpu.dma_semaphore, #tpu.memory_space<semaphore_mem>>) src(%dma_wait3A_70 : memref<128x64xf32, #tpu.memory_space<hbm>>) dst(%dma_wait3A_67 : memref<128x64xf32, #tpu.memory_space<vmem>>)
      tpu.yield
    }) : () -> ()
    %add3A_2 = arith.constant 0 : i32
    %add3A_3 = arith.addi %mul3A_0, %add3A_2 : i32
    "tpu.region"() ({
      %run_scoped3A = tpu.sem_alloc : memref<!tpu.dma_semaphore, #tpu.memory_space<semaphore_mem>>
      %dma_start3A = arith.constant 0 : i32
      %dma_start3A_49 = arith.constant 0 : i32
      %dma_start3A_50 = tpu.memref_slice %arg9[%dma_start3A, %dma_start3A_49] : memref<128x64xf32, #tpu.memory_space<vmem>> -> memref<128x64xf32, #tpu.memory_space<vmem>>
      %dma_start3A_51 = arith.constant 0 : i32
      %dma_start3A_52 = tpu.memref_slice %arg10[%add3A_3, %dma_start3A_51] : memref<10112x64xf32, #tpu.memory_space<vmem_shared>> -> memref<128x64xf32, #tpu.memory_space<vmem_shared>>
      %dma_start3A_53 = arith.constant 0 : i32
      %dma_start3A_54 = tpu.memref_slice %arg10[%add3A_3, %dma_start3A_53] : memref<10112x64xf32, #tpu.memory_space<vmem_shared>> -> memref<128x64xf32, #tpu.memory_space<vmem_shared>>
      %dma_start3A_55 = arith.constant 0 : i32
      %dma_start3A_56 = arith.constant 0 : i32
      %dma_start3A_57 = tpu.memref_slice %arg9[%dma_start3A_55, %dma_start3A_56] : memref<128x64xf32, #tpu.memory_space<vmem>> -> memref<128x64xf32, #tpu.memory_space<vmem>>
      tpu.enqueue_dma source(%dma_start3A_57 : memref<128x64xf32, #tpu.memory_space<vmem>>) target(%dma_start3A_54 : memref<128x64xf32, #tpu.memory_space<vmem_shared>>) target_semaphore(%run_scoped3A : memref<!tpu.dma_semaphore, #tpu.memory_space<semaphore_mem>>)
      %dma_wait3A = arith.constant 0 : i32
      %dma_wait3A_58 = arith.constant 0 : i32
      %dma_wait3A_59 = tpu.memref_slice %arg9[%dma_wait3A, %dma_wait3A_58] : memref<128x64xf32, #tpu.memory_space<vmem>> -> memref<128x64xf32, #tpu.memory_space<vmem>>
      %dma_wait3A_60 = arith.constant 0 : i32
      %dma_wait3A_61 = tpu.memref_slice %arg10[%add3A_3, %dma_wait3A_60] : memref<10112x64xf32, #tpu.memory_space<vmem_shared>> -> memref<128x64xf32, #tpu.memory_space<vmem_shared>>
      %dma_wait3A_62 = arith.constant 0 : i32
      %dma_wait3A_63 = tpu.memref_slice %arg10[%add3A_3, %dma_wait3A_62] : memref<10112x64xf32, #tpu.memory_space<vmem_shared>> -> memref<128x64xf32, #tpu.memory_space<vmem_shared>>
      %dma_wait3A_64 = arith.constant 0 : i32
      %dma_wait3A_65 = arith.constant 0 : i32
      %dma_wait3A_66 = tpu.memref_slice %arg9[%dma_wait3A_64, %dma_wait3A_65] : memref<128x64xf32, #tpu.memory_space<vmem>> -> memref<128x64xf32, #tpu.memory_space<vmem>>
      tpu.wait_dma2 semaphore(%run_scoped3A : memref<!tpu.dma_semaphore, #tpu.memory_space<semaphore_mem>>) src(%dma_wait3A_66 : memref<128x64xf32, #tpu.memory_space<vmem>>) dst(%dma_wait3A_63 : memref<128x64xf32, #tpu.memory_space<vmem_shared>>)
      tpu.yield
    }) : () -> ()
    %add3A_4 = arith.constant 128 : i32
    %add3A_5 = arith.addi %mul3A_0, %add3A_4 : i32
    "tpu.region"() ({
      %run_scoped3A = tpu.sem_alloc : memref<!tpu.dma_semaphore, #tpu.memory_space<semaphore_mem>>
      %dma_start3A = arith.constant 0 : i32
      %dma_start3A_49 = arith.constant 0 : i32
      %dma_start3A_50 = tpu.memref_slice %arg9[%dma_start3A, %dma_start3A_49] : memref<128x64xf32, #tpu.memory_space<vmem>> -> memref<128x64xf32, #tpu.memory_space<vmem>>
      %dma_start3A_51 = arith.constant 0 : i32
      %dma_start3A_52 = tpu.memref_slice %arg2[%arg0, %add3A_5, %dma_start3A_51] : memref<2x10112x64xf32, #tpu.memory_space<hbm>> -> memref<1x128x64xf32, #tpu.memory_space<hbm>>
      %dma_start3A_53 = tpu.memref_squeeze %dma_start3A_52 : memref<1x128x64xf32, #tpu.memory_space<hbm>> -> memref<128x64xf32, #tpu.memory_space<hbm>>
      %dma_start3A_54 = arith.constant 0 : i32
      %dma_start3A_55 = arith.constant 0 : i32
      %dma_start3A_56 = tpu.memref_slice %arg9[%dma_start3A_54, %dma_start3A_55] : memref<128x64xf32, #tpu.memory_space<vmem>> -> memref<128x64xf32, #tpu.memory_space<vmem>>
      %dma_start3A_57 = arith.constant 0 : i32
      %dma_start3A_58 = tpu.memref_slice %arg2[%arg0, %add3A_5, %dma_start3A_57] : memref<2x10112x64xf32, #tpu.memory_space<hbm>> -> memref<1x128x64xf32, #tpu.memory_space<hbm>>
      %dma_start3A_59 = tpu.memref_squeeze %dma_start3A_58 : memref<1x128x64xf32, #tpu.memory_space<hbm>> -> memref<128x64xf32, #tpu.memory_space<hbm>>
      tpu.enqueue_dma source(%dma_start3A_59 : memref<128x64xf32, #tpu.memory_space<hbm>>) target(%dma_start3A_56 : memref<128x64xf32, #tpu.memory_space<vmem>>) target_semaphore(%run_scoped3A : memref<!tpu.dma_semaphore, #tpu.memory_space<semaphore_mem>>)
      %dma_wait3A = arith.constant 0 : i32
      %dma_wait3A_60 = arith.constant 0 : i32
      %dma_wait3A_61 = tpu.memref_slice %arg9[%dma_wait3A, %dma_wait3A_60] : memref<128x64xf32, #tpu.memory_space<vmem>> -> memref<128x64xf32, #tpu.memory_space<vmem>>
      %dma_wait3A_62 = arith.constant 0 : i32
      %dma_wait3A_63 = tpu.memref_slice %arg2[%arg0, %add3A_5, %dma_wait3A_62] : memref<2x10112x64xf32, #tpu.memory_space<hbm>> -> memref<1x128x64xf32, #tpu.memory_space<hbm>>
      %dma_wait3A_64 = tpu.memref_squeeze %dma_wait3A_63 : memref<1x128x64xf32, #tpu.memory_space<hbm>> -> memref<128x64xf32, #tpu.memory_space<hbm>>
      %dma_wait3A_65 = arith.constant 0 : i32
      %dma_wait3A_66 = arith.constant 0 : i32
      %dma_wait3A_67 = tpu.memref_slice %arg9[%dma_wait3A_65, %dma_wait3A_66] : memref<128x64xf32, #tpu.memory_space<vmem>> -> memref<128x64xf32, #tpu.memory_space<vmem>>
      %dma_wait3A_68 = arith.constant 0 : i32
      %dma_wait3A_69 = tpu.memref_slice %arg2[%arg0, %add3A_5, %dma_wait3A_68] : memref<2x10112x64xf32, #tpu.memory_space<hbm>> -> memref<1x128x64xf32, #tpu.memory_space<hbm>>
      %dma_wait3A_70 = tpu.memref_squeeze %dma_wait3A_69 : memref<1x128x64xf32, #tpu.memory_space<hbm>> -> memref<128x64xf32, #tpu.memory_space<hbm>>
      tpu.wait_dma2 semaphore(%run_scoped3A : memref<!tpu.dma_semaphore, #tpu.memory_space<semaphore_mem>>) src(%dma_wait3A_70 : memref<128x64xf32, #tpu.memory_space<hbm>>) dst(%dma_wait3A_67 : memref<128x64xf32, #tpu.memory_space<vmem>>)
      tpu.yield
    }) : () -> ()
    %add3A_6 = arith.constant 128 : i32
    %add3A_7 = arith.addi %mul3A_0, %add3A_6 : i32
    "tpu.region"() ({
      %run_scoped3A = tpu.sem_alloc : memref<!tpu.dma_semaphore, #tpu.memory_space<semaphore_mem>>
      %dma_start3A = arith.constant 0 : i32
      %dma_start3A_49 = arith.constant 0 : i32
      %dma_start3A_50 = tpu.memref_slice %arg9[%dma_start3A, %dma_start3A_49] : memref<128x64xf32, #tpu.memory_space<vmem>> -> memref<128x64xf32, #tpu.memory_space<vmem>>
      %dma_start3A_51 = arith.constant 0 : i32
      %dma_start3A_52 = tpu.memref_slice %arg10[%add3A_7, %dma_start3A_51] : memref<10112x64xf32, #tpu.memory_space<vmem_shared>> -> memref<128x64xf32, #tpu.memory_space<vmem_shared>>
      %dma_start3A_53 = arith.constant 0 : i32
      %dma_start3A_54 = tpu.memref_slice %arg10[%add3A_7, %dma_start3A_53] : memref<10112x64xf32, #tpu.memory_space<vmem_shared>> -> memref<128x64xf32, #tpu.memory_space<vmem_shared>>
      %dma_start3A_55 = arith.constant 0 : i32
      %dma_start3A_56 = arith.constant 0 : i32
      %dma_start3A_57 = tpu.memref_slice %arg9[%dma_start3A_55, %dma_start3A_56] : memref<128x64xf32, #tpu.memory_space<vmem>> -> memref<128x64xf32, #tpu.memory_space<vmem>>
      tpu.enqueue_dma source(%dma_start3A_57 : memref<128x64xf32, #tpu.memory_space<vmem>>) target(%dma_start3A_54 : memref<128x64xf32, #tpu.memory_space<vmem_shared>>) target_semaphore(%run_scoped3A : memref<!tpu.dma_semaphore, #tpu.memory_space<semaphore_mem>>)
      %dma_wait3A = arith.constant 0 : i32
      %dma_wait3A_58 = arith.constant 0 : i32
      %dma_wait3A_59 = tpu.memref_slice %arg9[%dma_wait3A, %dma_wait3A_58] : memref<128x64xf32, #tpu.memory_space<vmem>> -> memref<128x64xf32, #tpu.memory_space<vmem>>
      %dma_wait3A_60 = arith.constant 0 : i32
      %dma_wait3A_61 = tpu.memref_slice %arg10[%add3A_7, %dma_wait3A_60] : memref<10112x64xf32, #tpu.memory_space<vmem_shared>> -> memref<128x64xf32, #tpu.memory_space<vmem_shared>>
      %dma_wait3A_62 = arith.constant 0 : i32
      %dma_wait3A_63 = tpu.memref_slice %arg10[%add3A_7, %dma_wait3A_62] : memref<10112x64xf32, #tpu.memory_space<vmem_shared>> -> memref<128x64xf32, #tpu.memory_space<vmem_shared>>
      %dma_wait3A_64 = arith.constant 0 : i32
      %dma_wait3A_65 = arith.constant 0 : i32
      %dma_wait3A_66 = tpu.memref_slice %arg9[%dma_wait3A_64, %dma_wait3A_65] : memref<128x64xf32, #tpu.memory_space<vmem>> -> memref<128x64xf32, #tpu.memory_space<vmem>>
      tpu.wait_dma2 semaphore(%run_scoped3A : memref<!tpu.dma_semaphore, #tpu.memory_space<semaphore_mem>>) src(%dma_wait3A_66 : memref<128x64xf32, #tpu.memory_space<vmem>>) dst(%dma_wait3A_63 : memref<128x64xf32, #tpu.memory_space<vmem_shared>>)
      tpu.yield
    }) : () -> ()
    %add3A_8 = arith.constant 256 : i32
    %add3A_9 = arith.addi %mul3A_0, %add3A_8 : i32
    "tpu.region"() ({
      %run_scoped3A = tpu.sem_alloc : memref<!tpu.dma_semaphore, #tpu.memory_space<semaphore_mem>>
      %dma_start3A = arith.constant 0 : i32
      %dma_start3A_49 = arith.constant 0 : i32
      %dma_start3A_50 = tpu.memref_slice %arg9[%dma_start3A, %dma_start3A_49] : memref<128x64xf32, #tpu.memory_space<vmem>> -> memref<128x64xf32, #tpu.memory_space<vmem>>
      %dma_start3A_51 = arith.constant 0 : i32
      %dma_start3A_52 = tpu.memref_slice %arg2[%arg0, %add3A_9, %dma_start3A_51] : memref<2x10112x64xf32, #tpu.memory_space<hbm>> -> memref<1x128x64xf32, #tpu.memory_space<hbm>>
      %dma_start3A_53 = tpu.memref_squeeze %dma_start3A_52 : memref<1x128x64xf32, #tpu.memory_space<hbm>> -> memref<128x64xf32, #tpu.memory_space<hbm>>
      %dma_start3A_54 = arith.constant 0 : i32
      %dma_start3A_55 = arith.constant 0 : i32
      %dma_start3A_56 = tpu.memref_slice %arg9[%dma_start3A_54, %dma_start3A_55] : memref<128x64xf32, #tpu.memory_space<vmem>> -> memref<128x64xf32, #tpu.memory_space<vmem>>
      %dma_start3A_57 = arith.constant 0 : i32
      %dma_start3A_58 = tpu.memref_slice %arg2[%arg0, %add3A_9, %dma_start3A_57] : memref<2x10112x64xf32, #tpu.memory_space<hbm>> -> memref<1x128x64xf32, #tpu.memory_space<hbm>>
      %dma_start3A_59 = tpu.memref_squeeze %dma_start3A_58 : memref<1x128x64xf32, #tpu.memory_space<hbm>> -> memref<128x64xf32, #tpu.memory_space<hbm>>
      tpu.enqueue_dma source(%dma_start3A_59 : memref<128x64xf32, #tpu.memory_space<hbm>>) target(%dma_start3A_56 : memref<128x64xf32, #tpu.memory_space<vmem>>) target_semaphore(%run_scoped3A : memref<!tpu.dma_semaphore, #tpu.memory_space<semaphore_mem>>)
      %dma_wait3A = arith.constant 0 : i32
      %dma_wait3A_60 = arith.constant 0 : i32
      %dma_wait3A_61 = tpu.memref_slice %arg9[%dma_wait3A, %dma_wait3A_60] : memref<128x64xf32, #tpu.memory_space<vmem>> -> memref<128x64xf32, #tpu.memory_space<vmem>>
      %dma_wait3A_62 = arith.constant 0 : i32
      %dma_wait3A_63 = tpu.memref_slice %arg2[%arg0, %add3A_9, %dma_wait3A_62] : memref<2x10112x64xf32, #tpu.memory_space<hbm>> -> memref<1x128x64xf32, #tpu.memory_space<hbm>>
      %dma_wait3A_64 = tpu.memref_squeeze %dma_wait3A_63 : memref<1x128x64xf32, #tpu.memory_space<hbm>> -> memref<128x64xf32, #tpu.memory_space<hbm>>
      %dma_wait3A_65 = arith.constant 0 : i32
      %dma_wait3A_66 = arith.constant 0 : i32
      %dma_wait3A_67 = tpu.memref_slice %arg9[%dma_wait3A_65, %dma_wait3A_66] : memref<128x64xf32, #tpu.memory_space<vmem>> -> memref<128x64xf32, #tpu.memory_space<vmem>>
      %dma_wait3A_68 = arith.constant 0 : i32
      %dma_wait3A_69 = tpu.memref_slice %arg2[%arg0, %add3A_9, %dma_wait3A_68] : memref<2x10112x64xf32, #tpu.memory_space<hbm>> -> memref<1x128x64xf32, #tpu.memory_space<hbm>>
      %dma_wait3A_70 = tpu.memref_squeeze %dma_wait3A_69 : memref<1x128x64xf32, #tpu.memory_space<hbm>> -> memref<128x64xf32, #tpu.memory_space<hbm>>
      tpu.wait_dma2 semaphore(%run_scoped3A : memref<!tpu.dma_semaphore, #tpu.memory_space<semaphore_mem>>) src(%dma_wait3A_70 : memref<128x64xf32, #tpu.memory_space<hbm>>) dst(%dma_wait3A_67 : memref<128x64xf32, #tpu.memory_space<vmem>>)
      tpu.yield
    }) : () -> ()
    %add3A_10 = arith.constant 256 : i32
    %add3A_11 = arith.addi %mul3A_0, %add3A_10 : i32
    "tpu.region"() ({
      %run_scoped3A = tpu.sem_alloc : memref<!tpu.dma_semaphore, #tpu.memory_space<semaphore_mem>>
      %dma_start3A = arith.constant 0 : i32
      %dma_start3A_49 = arith.constant 0 : i32
      %dma_start3A_50 = tpu.memref_slice %arg9[%dma_start3A, %dma_start3A_49] : memref<128x64xf32, #tpu.memory_space<vmem>> -> memref<128x64xf32, #tpu.memory_space<vmem>>
      %dma_start3A_51 = arith.constant 0 : i32
      %dma_start3A_52 = tpu.memref_slice %arg10[%add3A_11, %dma_start3A_51] : memref<10112x64xf32, #tpu.memory_space<vmem_shared>> -> memref<128x64xf32, #tpu.memory_space<vmem_shared>>
      %dma_start3A_53 = arith.constant 0 : i32
      %dma_start3A_54 = tpu.memref_slice %arg10[%add3A_11, %dma_start3A_53] : memref<10112x64xf32, #tpu.memory_space<vmem_shared>> -> memref<128x64xf32, #tpu.memory_space<vmem_shared>>
      %dma_start3A_55 = arith.constant 0 : i32
      %dma_start3A_56 = arith.constant 0 : i32
      %dma_start3A_57 = tpu.memref_slice %arg9[%dma_start3A_55, %dma_start3A_56] : memref<128x64xf32, #tpu.memory_space<vmem>> -> memref<128x64xf32, #tpu.memory_space<vmem>>
      tpu.enqueue_dma source(%dma_start3A_57 : memref<128x64xf32, #tpu.memory_space<vmem>>) target(%dma_start3A_54 : memref<128x64xf32, #tpu.memory_space<vmem_shared>>) target_semaphore(%run_scoped3A : memref<!tpu.dma_semaphore, #tpu.memory_space<semaphore_mem>>)
      %dma_wait3A = arith.constant 0 : i32
      %dma_wait3A_58 = arith.constant 0 : i32
      %dma_wait3A_59 = tpu.memref_slice %arg9[%dma_wait3A, %dma_wait3A_58] : memref<128x64xf32, #tpu.memory_space<vmem>> -> memref<128x64xf32, #tpu.memory_space<vmem>>
      %dma_wait3A_60 = arith.constant 0 : i32
      %dma_wait3A_61 = tpu.memref_slice %arg10[%add3A_11, %dma_wait3A_60] : memref<10112x64xf32, #tpu.memory_space<vmem_shared>> -> memref<128x64xf32, #tpu.memory_space<vmem_shared>>
      %dma_wait3A_62 = arith.constant 0 : i32
      %dma_wait3A_63 = tpu.memref_slice %arg10[%add3A_11, %dma_wait3A_62] : memref<10112x64xf32, #tpu.memory_space<vmem_shared>> -> memref<128x64xf32, #tpu.memory_space<vmem_shared>>
      %dma_wait3A_64 = arith.constant 0 : i32
      %dma_wait3A_65 = arith.constant 0 : i32
      %dma_wait3A_66 = tpu.memref_slice %arg9[%dma_wait3A_64, %dma_wait3A_65] : memref<128x64xf32, #tpu.memory_space<vmem>> -> memref<128x64xf32, #tpu.memory_space<vmem>>
      tpu.wait_dma2 semaphore(%run_scoped3A : memref<!tpu.dma_semaphore, #tpu.memory_space<semaphore_mem>>) src(%dma_wait3A_66 : memref<128x64xf32, #tpu.memory_space<vmem>>) dst(%dma_wait3A_63 : memref<128x64xf32, #tpu.memory_space<vmem_shared>>)
      tpu.yield
    }) : () -> ()
    %add3A_12 = arith.constant 384 : i32
    %add3A_13 = arith.addi %mul3A_0, %add3A_12 : i32
    "tpu.region"() ({
      %run_scoped3A = tpu.sem_alloc : memref<!tpu.dma_semaphore, #tpu.memory_space<semaphore_mem>>
      %dma_start3A = arith.constant 0 : i32
      %dma_start3A_49 = arith.constant 0 : i32
      %dma_start3A_50 = tpu.memref_slice %arg9[%dma_start3A, %dma_start3A_49] : memref<128x64xf32, #tpu.memory_space<vmem>> -> memref<128x64xf32, #tpu.memory_space<vmem>>
      %dma_start3A_51 = arith.constant 0 : i32
      %dma_start3A_52 = tpu.memref_slice %arg2[%arg0, %add3A_13, %dma_start3A_51] : memref<2x10112x64xf32, #tpu.memory_space<hbm>> -> memref<1x128x64xf32, #tpu.memory_space<hbm>>
      %dma_start3A_53 = tpu.memref_squeeze %dma_start3A_52 : memref<1x128x64xf32, #tpu.memory_space<hbm>> -> memref<128x64xf32, #tpu.memory_space<hbm>>
      %dma_start3A_54 = arith.constant 0 : i32
      %dma_start3A_55 = arith.constant 0 : i32
      %dma_start3A_56 = tpu.memref_slice %arg9[%dma_start3A_54, %dma_start3A_55] : memref<128x64xf32, #tpu.memory_space<vmem>> -> memref<128x64xf32, #tpu.memory_space<vmem>>
      %dma_start3A_57 = arith.constant 0 : i32
      %dma_start3A_58 = tpu.memref_slice %arg2[%arg0, %add3A_13, %dma_start3A_57] : memref<2x10112x64xf32, #tpu.memory_space<hbm>> -> memref<1x128x64xf32, #tpu.memory_space<hbm>>
      %dma_start3A_59 = tpu.memref_squeeze %dma_start3A_58 : memref<1x128x64xf32, #tpu.memory_space<hbm>> -> memref<128x64xf32, #tpu.memory_space<hbm>>
      tpu.enqueue_dma source(%dma_start3A_59 : memref<128x64xf32, #tpu.memory_space<hbm>>) target(%dma_start3A_56 : memref<128x64xf32, #tpu.memory_space<vmem>>) target_semaphore(%run_scoped3A : memref<!tpu.dma_semaphore, #tpu.memory_space<semaphore_mem>>)
      %dma_wait3A = arith.constant 0 : i32
      %dma_wait3A_60 = arith.constant 0 : i32
      %dma_wait3A_61 = tpu.memref_slice %arg9[%dma_wait3A, %dma_wait3A_60] : memref<128x64xf32, #tpu.memory_space<vmem>> -> memref<128x64xf32, #tpu.memory_space<vmem>>
      %dma_wait3A_62 = arith.constant 0 : i32
      %dma_wait3A_63 = tpu.memref_slice %arg2[%arg0, %add3A_13, %dma_wait3A_62] : memref<2x10112x64xf32, #tpu.memory_space<hbm>> -> memref<1x128x64xf32, #tpu.memory_space<hbm>>
      %dma_wait3A_64 = tpu.memref_squeeze %dma_wait3A_63 : memref<1x128x64xf32, #tpu.memory_space<hbm>> -> memref<128x64xf32, #tpu.memory_space<hbm>>
      %dma_wait3A_65 = arith.constant 0 : i32
      %dma_wait3A_66 = arith.constant 0 : i32
      %dma_wait3A_67 = tpu.memref_slice %arg9[%dma_wait3A_65, %dma_wait3A_66] : memref<128x64xf32, #tpu.memory_space<vmem>> -> memref<128x64xf32, #tpu.memory_space<vmem>>
      %dma_wait3A_68 = arith.constant 0 : i32
      %dma_wait3A_69 = tpu.memref_slice %arg2[%arg0, %add3A_13, %dma_wait3A_68] : memref<2x10112x64xf32, #tpu.memory_space<hbm>> -> memref<1x128x64xf32, #tpu.memory_space<hbm>>
      %dma_wait3A_70 = tpu.memref_squeeze %dma_wait3A_69 : memref<1x128x64xf32, #tpu.memory_space<hbm>> -> memref<128x64xf32, #tpu.memory_space<hbm>>
      tpu.wait_dma2 semaphore(%run_scoped3A : memref<!tpu.dma_semaphore, #tpu.memory_space<semaphore_mem>>) src(%dma_wait3A_70 : memref<128x64xf32, #tpu.memory_space<hbm>>) dst(%dma_wait3A_67 : memref<128x64xf32, #tpu.memory_space<vmem>>)
      tpu.yield
    }) : () -> ()
    %add3A_14 = arith.constant 384 : i32
    %add3A_15 = arith.addi %mul3A_0, %add3A_14 : i32
    "tpu.region"() ({
      %run_scoped3A = tpu.sem_alloc : memref<!tpu.dma_semaphore, #tpu.memory_space<semaphore_mem>>
      %dma_start3A = arith.constant 0 : i32
      %dma_start3A_49 = arith.constant 0 : i32
      %dma_start3A_50 = tpu.memref_slice %arg9[%dma_start3A, %dma_start3A_49] : memref<128x64xf32, #tpu.memory_space<vmem>> -> memref<128x64xf32, #tpu.memory_space<vmem>>
      %dma_start3A_51 = arith.constant 0 : i32
      %dma_start3A_52 = tpu.memref_slice %arg10[%add3A_15, %dma_start3A_51] : memref<10112x64xf32, #tpu.memory_space<vmem_shared>> -> memref<128x64xf32, #tpu.memory_space<vmem_shared>>
      %dma_start3A_53 = arith.constant 0 : i32
      %dma_start3A_54 = tpu.memref_slice %arg10[%add3A_15, %dma_start3A_53] : memref<10112x64xf32, #tpu.memory_space<vmem_shared>> -> memref<128x64xf32, #tpu.memory_space<vmem_shared>>
      %dma_start3A_55 = arith.constant 0 : i32
      %dma_start3A_56 = arith.constant 0 : i32
      %dma_start3A_57 = tpu.memref_slice %arg9[%dma_start3A_55, %dma_start3A_56] : memref<128x64xf32, #tpu.memory_space<vmem>> -> memref<128x64xf32, #tpu.memory_space<vmem>>
      tpu.enqueue_dma source(%dma_start3A_57 : memref<128x64xf32, #tpu.memory_space<vmem>>) target(%dma_start3A_54 : memref<128x64xf32, #tpu.memory_space<vmem_shared>>) target_semaphore(%run_scoped3A : memref<!tpu.dma_semaphore, #tpu.memory_space<semaphore_mem>>)
      %dma_wait3A = arith.constant 0 : i32
      %dma_wait3A_58 = arith.constant 0 : i32
      %dma_wait3A_59 = tpu.memref_slice %arg9[%dma_wait3A, %dma_wait3A_58] : memref<128x64xf32, #tpu.memory_space<vmem>> -> memref<128x64xf32, #tpu.memory_space<vmem>>
      %dma_wait3A_60 = arith.constant 0 : i32
      %dma_wait3A_61 = tpu.memref_slice %arg10[%add3A_15, %dma_wait3A_60] : memref<10112x64xf32, #tpu.memory_space<vmem_shared>> -> memref<128x64xf32, #tpu.memory_space<vmem_shared>>
      %dma_wait3A_62 = arith.constant 0 : i32
      %dma_wait3A_63 = tpu.memref_slice %arg10[%add3A_15, %dma_wait3A_62] : memref<10112x64xf32, #tpu.memory_space<vmem_shared>> -> memref<128x64xf32, #tpu.memory_space<vmem_shared>>
      %dma_wait3A_64 = arith.constant 0 : i32
      %dma_wait3A_65 = arith.constant 0 : i32
      %dma_wait3A_66 = tpu.memref_slice %arg9[%dma_wait3A_64, %dma_wait3A_65] : memref<128x64xf32, #tpu.memory_space<vmem>> -> memref<128x64xf32, #tpu.memory_space<vmem>>
      tpu.wait_dma2 semaphore(%run_scoped3A : memref<!tpu.dma_semaphore, #tpu.memory_space<semaphore_mem>>) src(%dma_wait3A_66 : memref<128x64xf32, #tpu.memory_space<vmem>>) dst(%dma_wait3A_63 : memref<128x64xf32, #tpu.memory_space<vmem_shared>>)
      tpu.yield
    }) : () -> ()
    %add3A_16 = arith.constant 512 : i32
    %add3A_17 = arith.addi %mul3A_0, %add3A_16 : i32
    "tpu.region"() ({
      %run_scoped3A = tpu.sem_alloc : memref<!tpu.dma_semaphore, #tpu.memory_space<semaphore_mem>>
      %dma_start3A = arith.constant 0 : i32
      %dma_start3A_49 = arith.constant 0 : i32
      %dma_start3A_50 = tpu.memref_slice %arg9[%dma_start3A, %dma_start3A_49] : memref<128x64xf32, #tpu.memory_space<vmem>> -> memref<120x64xf32, #tpu.memory_space<vmem>>
      %dma_start3A_51 = arith.constant 0 : i32
      %dma_start3A_52 = tpu.memref_slice %arg2[%arg0, %add3A_17, %dma_start3A_51] : memref<2x10112x64xf32, #tpu.memory_space<hbm>> -> memref<1x120x64xf32, #tpu.memory_space<hbm>>
      %dma_start3A_53 = tpu.memref_squeeze %dma_start3A_52 : memref<1x120x64xf32, #tpu.memory_space<hbm>> -> memref<120x64xf32, #tpu.memory_space<hbm>>
      %dma_start3A_54 = arith.constant 0 : i32
      %dma_start3A_55 = arith.constant 0 : i32
      %dma_start3A_56 = tpu.memref_slice %arg9[%dma_start3A_54, %dma_start3A_55] : memref<128x64xf32, #tpu.memory_space<vmem>> -> memref<120x64xf32, #tpu.memory_space<vmem>>
      %dma_start3A_57 = arith.constant 0 : i32
      %dma_start3A_58 = tpu.memref_slice %arg2[%arg0, %add3A_17, %dma_start3A_57] : memref<2x10112x64xf32, #tpu.memory_space<hbm>> -> memref<1x120x64xf32, #tpu.memory_space<hbm>>
      %dma_start3A_59 = tpu.memref_squeeze %dma_start3A_58 : memref<1x120x64xf32, #tpu.memory_space<hbm>> -> memref<120x64xf32, #tpu.memory_space<hbm>>
      tpu.enqueue_dma source(%dma_start3A_59 : memref<120x64xf32, #tpu.memory_space<hbm>>) target(%dma_start3A_56 : memref<120x64xf32, #tpu.memory_space<vmem>>) target_semaphore(%run_scoped3A : memref<!tpu.dma_semaphore, #tpu.memory_space<semaphore_mem>>)
      %dma_wait3A = arith.constant 0 : i32
      %dma_wait3A_60 = arith.constant 0 : i32
      %dma_wait3A_61 = tpu.memref_slice %arg9[%dma_wait3A, %dma_wait3A_60] : memref<128x64xf32, #tpu.memory_space<vmem>> -> memref<120x64xf32, #tpu.memory_space<vmem>>
      %dma_wait3A_62 = arith.constant 0 : i32
      %dma_wait3A_63 = tpu.memref_slice %arg2[%arg0, %add3A_17, %dma_wait3A_62] : memref<2x10112x64xf32, #tpu.memory_space<hbm>> -> memref<1x120x64xf32, #tpu.memory_space<hbm>>
      %dma_wait3A_64 = tpu.memref_squeeze %dma_wait3A_63 : memref<1x120x64xf32, #tpu.memory_space<hbm>> -> memref<120x64xf32, #tpu.memory_space<hbm>>
      %dma_wait3A_65 = arith.constant 0 : i32
      %dma_wait3A_66 = arith.constant 0 : i32
      %dma_wait3A_67 = tpu.memref_slice %arg9[%dma_wait3A_65, %dma_wait3A_66] : memref<128x64xf32, #tpu.memory_space<vmem>> -> memref<120x64xf32, #tpu.memory_space<vmem>>
      %dma_wait3A_68 = arith.constant 0 : i32
      %dma_wait3A_69 = tpu.memref_slice %arg2[%arg0, %add3A_17, %dma_wait3A_68] : memref<2x10112x64xf32, #tpu.memory_space<hbm>> -> memref<1x120x64xf32, #tpu.memory_space<hbm>>
      %dma_wait3A_70 = tpu.memref_squeeze %dma_wait3A_69 : memref<1x120x64xf32, #tpu.memory_space<hbm>> -> memref<120x64xf32, #tpu.memory_space<hbm>>
      tpu.wait_dma2 semaphore(%run_scoped3A : memref<!tpu.dma_semaphore, #tpu.memory_space<semaphore_mem>>) src(%dma_wait3A_70 : memref<120x64xf32, #tpu.memory_space<hbm>>) dst(%dma_wait3A_67 : memref<120x64xf32, #tpu.memory_space<vmem>>)
      tpu.yield
    }) : () -> ()
    %add3A_18 = arith.constant 512 : i32
    %add3A_19 = arith.addi %mul3A_0, %add3A_18 : i32
    "tpu.region"() ({
      %run_scoped3A = tpu.sem_alloc : memref<!tpu.dma_semaphore, #tpu.memory_space<semaphore_mem>>
      %dma_start3A = arith.constant 0 : i32
      %dma_start3A_49 = arith.constant 0 : i32
      %dma_start3A_50 = tpu.memref_slice %arg9[%dma_start3A, %dma_start3A_49] : memref<128x64xf32, #tpu.memory_space<vmem>> -> memref<120x64xf32, #tpu.memory_space<vmem>>
      %dma_start3A_51 = arith.constant 0 : i32
      %dma_start3A_52 = tpu.memref_slice %arg10[%add3A_19, %dma_start3A_51] : memref<10112x64xf32, #tpu.memory_space<vmem_shared>> -> memref<120x64xf32, #tpu.memory_space<vmem_shared>>
      %dma_start3A_53 = arith.constant 0 : i32
      %dma_start3A_54 = tpu.memref_slice %arg10[%add3A_19, %dma_start3A_53] : memref<10112x64xf32, #tpu.memory_space<vmem_shared>> -> memref<120x64xf32, #tpu.memory_space<vmem_shared>>
      %dma_start3A_55 = arith.constant 0 : i32
      %dma_start3A_56 = arith.constant 0 : i32
      %dma_start3A_57 = tpu.memref_slice %arg9[%dma_start3A_55, %dma_start3A_56] : memref<128x64xf32, #tpu.memory_space<vmem>> -> memref<120x64xf32, #tpu.memory_space<vmem>>
      tpu.enqueue_dma source(%dma_start3A_57 : memref<120x64xf32, #tpu.memory_space<vmem>>) target(%dma_start3A_54 : memref<120x64xf32, #tpu.memory_space<vmem_shared>>) target_semaphore(%run_scoped3A : memref<!tpu.dma_semaphore, #tpu.memory_space<semaphore_mem>>)
      %dma_wait3A = arith.constant 0 : i32
      %dma_wait3A_58 = arith.constant 0 : i32
      %dma_wait3A_59 = tpu.memref_slice %arg9[%dma_wait3A, %dma_wait3A_58] : memref<128x64xf32, #tpu.memory_space<vmem>> -> memref<120x64xf32, #tpu.memory_space<vmem>>
      %dma_wait3A_60 = arith.constant 0 : i32
      %dma_wait3A_61 = tpu.memref_slice %arg10[%add3A_19, %dma_wait3A_60] : memref<10112x64xf32, #tpu.memory_space<vmem_shared>> -> memref<120x64xf32, #tpu.memory_space<vmem_shared>>
      %dma_wait3A_62 = arith.constant 0 : i32
      %dma_wait3A_63 = tpu.memref_slice %arg10[%add3A_19, %dma_wait3A_62] : memref<10112x64xf32, #tpu.memory_space<vmem_shared>> -> memref<120x64xf32, #tpu.memory_space<vmem_shared>>
      %dma_wait3A_64 = arith.constant 0 : i32
      %dma_wait3A_65 = arith.constant 0 : i32
      %dma_wait3A_66 = tpu.memref_slice %arg9[%dma_wait3A_64, %dma_wait3A_65] : memref<128x64xf32, #tpu.memory_space<vmem>> -> memref<120x64xf32, #tpu.memory_space<vmem>>
      tpu.wait_dma2 semaphore(%run_scoped3A : memref<!tpu.dma_semaphore, #tpu.memory_space<semaphore_mem>>) src(%dma_wait3A_66 : memref<120x64xf32, #tpu.memory_space<vmem>>) dst(%dma_wait3A_63 : memref<120x64xf32, #tpu.memory_space<vmem_shared>>)
      tpu.yield
    }) : () -> ()
    %barrier3A = arith.constant 0 : index
    tpu.barrier barrier_id(%barrier3A)
    %mul3A_20 = arith.constant 20096 : i32
    %mul3A_21 = arith.muli %arg1, %mul3A_20 : i32
    %scan3A = arith.constant 0 : i32
    %scan3A_22 = arith.constant 0 : i32
    %scan3A_23 = arith.constant 157 : i32
    %scan3A_24 = arith.addi %scan3A_22, %scan3A_23 : i32
    %scan3A_25 = arith.constant 1 : i32
    %scan3A_26 = scf.for %scan3A_49 = %scan3A_22 to %scan3A_24 step %scan3A_25 iter_args(%scan3A_50 = %scan3A) -> (i32)  : i32 {
      %mul3A_51 = arith.constant 128 : i32
      %mul3A_52 = arith.muli %scan3A_49, %mul3A_51 : i32
      %add3A_53 = arith.addi %mul3A_21, %mul3A_52 : i32
      "tpu.region"() ({
        %run_scoped3A = tpu.sem_alloc : memref<!tpu.dma_semaphore, #tpu.memory_space<semaphore_mem>>
        %dma_start3A_67 = tpu.memref_slice %arg3[%add3A_53] : memref<321536xi32, #tpu.memory_space<hbm>> -> memref<128xi32, #tpu.memory_space<hbm>>
        %dma_start3A_68 = tpu.memref_slice %arg3[%add3A_53] : memref<321536xi32, #tpu.memory_space<hbm>> -> memref<128xi32, #tpu.memory_space<hbm>>
        tpu.enqueue_dma source(%dma_start3A_68 : memref<128xi32, #tpu.memory_space<hbm>>) target(%arg6 : memref<128xi32, #tpu.memory_space<vmem>>) target_semaphore(%run_scoped3A : memref<!tpu.dma_semaphore, #tpu.memory_space<semaphore_mem>>)
        %dma_wait3A_69 = tpu.memref_slice %arg3[%add3A_53] : memref<321536xi32, #tpu.memory_space<hbm>> -> memref<128xi32, #tpu.memory_space<hbm>>
        %dma_wait3A_70 = tpu.memref_slice %arg3[%add3A_53] : memref<321536xi32, #tpu.memory_space<hbm>> -> memref<128xi32, #tpu.memory_space<hbm>>
        tpu.wait_dma2 semaphore(%run_scoped3A : memref<!tpu.dma_semaphore, #tpu.memory_space<semaphore_mem>>) src(%dma_wait3A_70 : memref<128xi32, #tpu.memory_space<hbm>>) dst(%arg6 : memref<128xi32, #tpu.memory_space<vmem>>)
        tpu.yield
      }) : () -> ()
      "tpu.region"() ({
        %run_scoped3A = tpu.sem_alloc : memref<!tpu.dma_semaphore, #tpu.memory_space<semaphore_mem>>
        %dma_start3A_67 = tpu.memref_slice %arg4[%add3A_53] : memref<321536xi32, #tpu.memory_space<hbm>> -> memref<128xi32, #tpu.memory_space<hbm>>
        %dma_start3A_68 = tpu.memref_slice %arg4[%add3A_53] : memref<321536xi32, #tpu.memory_space<hbm>> -> memref<128xi32, #tpu.memory_space<hbm>>
        tpu.enqueue_dma source(%dma_start3A_68 : memref<128xi32, #tpu.memory_space<hbm>>) target(%arg7 : memref<128xi32, #tpu.memory_space<vmem>>) target_semaphore(%run_scoped3A : memref<!tpu.dma_semaphore, #tpu.memory_space<semaphore_mem>>)
        %dma_wait3A_69 = tpu.memref_slice %arg4[%add3A_53] : memref<321536xi32, #tpu.memory_space<hbm>> -> memref<128xi32, #tpu.memory_space<hbm>>
        %dma_wait3A_70 = tpu.memref_slice %arg4[%add3A_53] : memref<321536xi32, #tpu.memory_space<hbm>> -> memref<128xi32, #tpu.memory_space<hbm>>
        tpu.wait_dma2 semaphore(%run_scoped3A : memref<!tpu.dma_semaphore, #tpu.memory_space<semaphore_mem>>) src(%dma_wait3A_70 : memref<128xi32, #tpu.memory_space<hbm>>) dst(%arg7 : memref<128xi32, #tpu.memory_space<vmem>>)
        tpu.yield
      }) : () -> ()
      %dma_start3A = arith.constant 0 : i32
      %dma_start3A_54 = arith.constant 0 : i32
      %dma_start3A_55 = tpu.memref_slice %arg2[%arg0, %dma_start3A, %dma_start3A_54] : memref<2x10112x64xf32, #tpu.memory_space<hbm>> -> memref<1x10112x64xf32, #tpu.memory_space<hbm>>
      %dma_start3A_56 = tpu.memref_squeeze %dma_start3A_55 : memref<1x10112x64xf32, #tpu.memory_space<hbm>> -> memref<10112x64xf32, #tpu.memory_space<hbm>>
      %dma_start3A_57 = arith.constant 0 : i32
      %dma_start3A_58 = arith.constant 0 : i32
      %dma_start3A_59 = tpu.memref_slice %dma_start3A_56[%dma_start3A_57, %dma_start3A_58] : memref<10112x64xf32, #tpu.memory_space<hbm>> -> memref<10112x64xf32, #tpu.memory_space<hbm>>
      tpu.enqueue_indirect_dma source(%dma_start3A_59 : memref<10112x64xf32, #tpu.memory_space<hbm>>) target(%arg8 : memref<128x64xf32, #tpu.memory_space<vmem>>) offsets(%arg6 : memref<128xi32, #tpu.memory_space<vmem>>) semaphore(%arg11 : memref<!tpu.dma_semaphore, #tpu.memory_space<semaphore_mem>>)
      %dma_wait3A = arith.constant 0 : i32
      %dma_wait3A_60 = arith.constant 0 : i32
      %dma_wait3A_61 = tpu.memref_slice %arg2[%arg0, %dma_wait3A, %dma_wait3A_60] : memref<2x10112x64xf32, #tpu.memory_space<hbm>> -> memref<1x10112x64xf32, #tpu.memory_space<hbm>>
      %dma_wait3A_62 = tpu.memref_squeeze %dma_wait3A_61 : memref<1x10112x64xf32, #tpu.memory_space<hbm>> -> memref<10112x64xf32, #tpu.memory_space<hbm>>
      %dma_wait3A_63 = arith.constant 0 : i32
      %dma_wait3A_64 = arith.constant 0 : i32
      %dma_wait3A_65 = tpu.memref_slice %dma_wait3A_62[%dma_wait3A_63, %dma_wait3A_64] : memref<10112x64xf32, #tpu.memory_space<hbm>> -> memref<10112x64xf32, #tpu.memory_space<hbm>>
      tpu.wait_indirect_dma semaphore(%arg11 : memref<!tpu.dma_semaphore, #tpu.memory_space<semaphore_mem>>) src(%dma_wait3A_65 : memref<10112x64xf32, #tpu.memory_space<hbm>>) dst(%arg8 : memref<128x64xf32, #tpu.memory_space<vmem>>)
      "tpu.region"() ({
        %run_scoped3A = tpu.sem_alloc : memref<!tpu.dma_semaphore, #tpu.memory_space<semaphore_mem>>
        %dma_start3A_67 = arith.constant 0 : i32
        %dma_start3A_68 = arith.constant 0 : i32
        %dma_start3A_69 = tpu.memref_slice %arg10[%dma_start3A_67, %dma_start3A_68] : memref<10112x64xf32, #tpu.memory_space<vmem_shared>> -> memref<10112x64xf32, #tpu.memory_space<vmem_shared>>
        tpu.enqueue_indirect_dma source(%arg8 : memref<128x64xf32, #tpu.memory_space<vmem>>) target(%dma_start3A_69 : memref<10112x64xf32, #tpu.memory_space<vmem_shared>>) offsets(%arg7 : memref<128xi32, #tpu.memory_space<vmem>>) semaphore(%run_scoped3A : memref<!tpu.dma_semaphore, #tpu.memory_space<semaphore_mem>>) {add = true}
        %dma_wait3A_70 = arith.constant 0 : i32
        %dma_wait3A_71 = arith.constant 0 : i32
        %dma_wait3A_72 = tpu.memref_slice %arg10[%dma_wait3A_70, %dma_wait3A_71] : memref<10112x64xf32, #tpu.memory_space<vmem_shared>> -> memref<10112x64xf32, #tpu.memory_space<vmem_shared>>
        tpu.wait_indirect_dma semaphore(%run_scoped3A : memref<!tpu.dma_semaphore, #tpu.memory_space<semaphore_mem>>) src(%arg8 : memref<128x64xf32, #tpu.memory_space<vmem>>) dst(%dma_wait3A_72 : memref<10112x64xf32, #tpu.memory_space<vmem_shared>>)
        tpu.yield
      }) : () -> ()
      %scan3A_66 = arith.constant 0 : i32
      scf.yield %scan3A_66 : i32
    }
    %scan3A_27 = arith.constant 157 : i32
    %barrier3A_28 = arith.constant 0 : index
    tpu.barrier barrier_id(%barrier3A_28)
    %add3A_29 = arith.constant 0 : i32
    %add3A_30 = arith.addi %mul3A_0, %add3A_29 : i32
    "tpu.region"() ({
      %run_scoped3A = tpu.sem_alloc : memref<!tpu.dma_semaphore, #tpu.memory_space<semaphore_mem>>
      %dma_start3A = arith.constant 0 : i32
      %dma_start3A_49 = arith.constant 0 : i32
      %dma_start3A_50 = tpu.memref_slice %arg9[%dma_start3A, %dma_start3A_49] : memref<128x64xf32, #tpu.memory_space<vmem>> -> memref<128x64xf32, #tpu.memory_space<vmem>>
      %dma_start3A_51 = arith.constant 0 : i32
      %dma_start3A_52 = tpu.memref_slice %arg10[%add3A_30, %dma_start3A_51] : memref<10112x64xf32, #tpu.memory_space<vmem_shared>> -> memref<128x64xf32, #tpu.memory_space<vmem_shared>>
      %dma_start3A_53 = arith.constant 0 : i32
      %dma_start3A_54 = arith.constant 0 : i32
      %dma_start3A_55 = tpu.memref_slice %arg9[%dma_start3A_53, %dma_start3A_54] : memref<128x64xf32, #tpu.memory_space<vmem>> -> memref<128x64xf32, #tpu.memory_space<vmem>>
      %dma_start3A_56 = arith.constant 0 : i32
      %dma_start3A_57 = tpu.memref_slice %arg10[%add3A_30, %dma_start3A_56] : memref<10112x64xf32, #tpu.memory_space<vmem_shared>> -> memref<128x64xf32, #tpu.memory_space<vmem_shared>>
      tpu.enqueue_dma source(%dma_start3A_57 : memref<128x64xf32, #tpu.memory_space<vmem_shared>>) target(%dma_start3A_55 : memref<128x64xf32, #tpu.memory_space<vmem>>) target_semaphore(%run_scoped3A : memref<!tpu.dma_semaphore, #tpu.memory_space<semaphore_mem>>)
      %dma_wait3A = arith.constant 0 : i32
      %dma_wait3A_58 = arith.constant 0 : i32
      %dma_wait3A_59 = tpu.memref_slice %arg9[%dma_wait3A, %dma_wait3A_58] : memref<128x64xf32, #tpu.memory_space<vmem>> -> memref<128x64xf32, #tpu.memory_space<vmem>>
      %dma_wait3A_60 = arith.constant 0 : i32
      %dma_wait3A_61 = tpu.memref_slice %arg10[%add3A_30, %dma_wait3A_60] : memref<10112x64xf32, #tpu.memory_space<vmem_shared>> -> memref<128x64xf32, #tpu.memory_space<vmem_shared>>
      %dma_wait3A_62 = arith.constant 0 : i32
      %dma_wait3A_63 = arith.constant 0 : i32
      %dma_wait3A_64 = tpu.memref_slice %arg9[%dma_wait3A_62, %dma_wait3A_63] : memref<128x64xf32, #tpu.memory_space<vmem>> -> memref<128x64xf32, #tpu.memory_space<vmem>>
      %dma_wait3A_65 = arith.constant 0 : i32
      %dma_wait3A_66 = tpu.memref_slice %arg10[%add3A_30, %dma_wait3A_65] : memref<10112x64xf32, #tpu.memory_space<vmem_shared>> -> memref<128x64xf32, #tpu.memory_space<vmem_shared>>
      tpu.wait_dma2 semaphore(%run_scoped3A : memref<!tpu.dma_semaphore, #tpu.memory_space<semaphore_mem>>) src(%dma_wait3A_66 : memref<128x64xf32, #tpu.memory_space<vmem_shared>>) dst(%dma_wait3A_64 : memref<128x64xf32, #tpu.memory_space<vmem>>)
      tpu.yield
    }) : () -> ()
    %add3A_31 = arith.constant 0 : i32
    %add3A_32 = arith.addi %mul3A_0, %add3A_31 : i32
    "tpu.region"() ({
      %run_scoped3A = tpu.sem_alloc : memref<!tpu.dma_semaphore, #tpu.memory_space<semaphore_mem>>
      %dma_start3A = arith.constant 0 : i32
      %dma_start3A_49 = arith.constant 0 : i32
      %dma_start3A_50 = tpu.memref_slice %arg9[%dma_start3A, %dma_start3A_49] : memref<128x64xf32, #tpu.memory_space<vmem>> -> memref<128x64xf32, #tpu.memory_space<vmem>>
      %dma_start3A_51 = arith.constant 0 : i32
      %dma_start3A_52 = tpu.memref_slice %arg5[%arg0, %add3A_32, %dma_start3A_51] : memref<2x10112x64xf32, #tpu.memory_space<hbm>> -> memref<1x128x64xf32, #tpu.memory_space<hbm>>
      %dma_start3A_53 = tpu.memref_squeeze %dma_start3A_52 : memref<1x128x64xf32, #tpu.memory_space<hbm>> -> memref<128x64xf32, #tpu.memory_space<hbm>>
      %dma_start3A_54 = arith.constant 0 : i32
      %dma_start3A_55 = tpu.memref_slice %arg5[%arg0, %add3A_32, %dma_start3A_54] : memref<2x10112x64xf32, #tpu.memory_space<hbm>> -> memref<1x128x64xf32, #tpu.memory_space<hbm>>
      %dma_start3A_56 = tpu.memref_squeeze %dma_start3A_55 : memref<1x128x64xf32, #tpu.memory_space<hbm>> -> memref<128x64xf32, #tpu.memory_space<hbm>>
      %dma_start3A_57 = arith.constant 0 : i32
      %dma_start3A_58 = arith.constant 0 : i32
      %dma_start3A_59 = tpu.memref_slice %arg9[%dma_start3A_57, %dma_start3A_58] : memref<128x64xf32, #tpu.memory_space<vmem>> -> memref<128x64xf32, #tpu.memory_space<vmem>>
      tpu.enqueue_dma source(%dma_start3A_59 : memref<128x64xf32, #tpu.memory_space<vmem>>) target(%dma_start3A_56 : memref<128x64xf32, #tpu.memory_space<hbm>>) target_semaphore(%run_scoped3A : memref<!tpu.dma_semaphore, #tpu.memory_space<semaphore_mem>>)
      %dma_wait3A = arith.constant 0 : i32
      %dma_wait3A_60 = arith.constant 0 : i32
      %dma_wait3A_61 = tpu.memref_slice %arg9[%dma_wait3A, %dma_wait3A_60] : memref<128x64xf32, #tpu.memory_space<vmem>> -> memref<128x64xf32, #tpu.memory_space<vmem>>
      %dma_wait3A_62 = arith.constant 0 : i32
      %dma_wait3A_63 = tpu.memref_slice %arg5[%arg0, %add3A_32, %dma_wait3A_62] : memref<2x10112x64xf32, #tpu.memory_space<hbm>> -> memref<1x128x64xf32, #tpu.memory_space<hbm>>
      %dma_wait3A_64 = tpu.memref_squeeze %dma_wait3A_63 : memref<1x128x64xf32, #tpu.memory_space<hbm>> -> memref<128x64xf32, #tpu.memory_space<hbm>>
      %dma_wait3A_65 = arith.constant 0 : i32
      %dma_wait3A_66 = tpu.memref_slice %arg5[%arg0, %add3A_32, %dma_wait3A_65] : memref<2x10112x64xf32, #tpu.memory_space<hbm>> -> memref<1x128x64xf32, #tpu.memory_space<hbm>>
      %dma_wait3A_67 = tpu.memref_squeeze %dma_wait3A_66 : memref<1x128x64xf32, #tpu.memory_space<hbm>> -> memref<128x64xf32, #tpu.memory_space<hbm>>
      %dma_wait3A_68 = arith.constant 0 : i32
      %dma_wait3A_69 = arith.constant 0 : i32
      %dma_wait3A_70 = tpu.memref_slice %arg9[%dma_wait3A_68, %dma_wait3A_69] : memref<128x64xf32, #tpu.memory_space<vmem>> -> memref<128x64xf32, #tpu.memory_space<vmem>>
      tpu.wait_dma2 semaphore(%run_scoped3A : memref<!tpu.dma_semaphore, #tpu.memory_space<semaphore_mem>>) src(%dma_wait3A_70 : memref<128x64xf32, #tpu.memory_space<vmem>>) dst(%dma_wait3A_67 : memref<128x64xf32, #tpu.memory_space<hbm>>)
      tpu.yield
    }) : () -> ()
    %add3A_33 = arith.constant 128 : i32
    %add3A_34 = arith.addi %mul3A_0, %add3A_33 : i32
    "tpu.region"() ({
      %run_scoped3A = tpu.sem_alloc : memref<!tpu.dma_semaphore, #tpu.memory_space<semaphore_mem>>
      %dma_start3A = arith.constant 0 : i32
      %dma_start3A_49 = arith.constant 0 : i32
      %dma_start3A_50 = tpu.memref_slice %arg9[%dma_start3A, %dma_start3A_49] : memref<128x64xf32, #tpu.memory_space<vmem>> -> memref<128x64xf32, #tpu.memory_space<vmem>>
      %dma_start3A_51 = arith.constant 0 : i32
      %dma_start3A_52 = tpu.memref_slice %arg10[%add3A_34, %dma_start3A_51] : memref<10112x64xf32, #tpu.memory_space<vmem_shared>> -> memref<128x64xf32, #tpu.memory_space<vmem_shared>>
      %dma_start3A_53 = arith.constant 0 : i32
      %dma_start3A_54 = arith.constant 0 : i32
      %dma_start3A_55 = tpu.memref_slice %arg9[%dma_start3A_53, %dma_start3A_54] : memref<128x64xf32, #tpu.memory_space<vmem>> -> memref<128x64xf32, #tpu.memory_space<vmem>>
      %dma_start3A_56 = arith.constant 0 : i32
      %dma_start3A_57 = tpu.memref_slice %arg10[%add3A_34, %dma_start3A_56] : memref<10112x64xf32, #tpu.memory_space<vmem_shared>> -> memref<128x64xf32, #tpu.memory_space<vmem_shared>>
      tpu.enqueue_dma source(%dma_start3A_57 : memref<128x64xf32, #tpu.memory_space<vmem_shared>>) target(%dma_start3A_55 : memref<128x64xf32, #tpu.memory_space<vmem>>) target_semaphore(%run_scoped3A : memref<!tpu.dma_semaphore, #tpu.memory_space<semaphore_mem>>)
      %dma_wait3A = arith.constant 0 : i32
      %dma_wait3A_58 = arith.constant 0 : i32
      %dma_wait3A_59 = tpu.memref_slice %arg9[%dma_wait3A, %dma_wait3A_58] : memref<128x64xf32, #tpu.memory_space<vmem>> -> memref<128x64xf32, #tpu.memory_space<vmem>>
      %dma_wait3A_60 = arith.constant 0 : i32
      %dma_wait3A_61 = tpu.memref_slice %arg10[%add3A_34, %dma_wait3A_60] : memref<10112x64xf32, #tpu.memory_space<vmem_shared>> -> memref<128x64xf32, #tpu.memory_space<vmem_shared>>
      %dma_wait3A_62 = arith.constant 0 : i32
      %dma_wait3A_63 = arith.constant 0 : i32
      %dma_wait3A_64 = tpu.memref_slice %arg9[%dma_wait3A_62, %dma_wait3A_63] : memref<128x64xf32, #tpu.memory_space<vmem>> -> memref<128x64xf32, #tpu.memory_space<vmem>>
      %dma_wait3A_65 = arith.constant 0 : i32
      %dma_wait3A_66 = tpu.memref_slice %arg10[%add3A_34, %dma_wait3A_65] : memref<10112x64xf32, #tpu.memory_space<vmem_shared>> -> memref<128x64xf32, #tpu.memory_space<vmem_shared>>
      tpu.wait_dma2 semaphore(%run_scoped3A : memref<!tpu.dma_semaphore, #tpu.memory_space<semaphore_mem>>) src(%dma_wait3A_66 : memref<128x64xf32, #tpu.memory_space<vmem_shared>>) dst(%dma_wait3A_64 : memref<128x64xf32, #tpu.memory_space<vmem>>)
      tpu.yield
    }) : () -> ()
    %add3A_35 = arith.constant 128 : i32
    %add3A_36 = arith.addi %mul3A_0, %add3A_35 : i32
    "tpu.region"() ({
      %run_scoped3A = tpu.sem_alloc : memref<!tpu.dma_semaphore, #tpu.memory_space<semaphore_mem>>
      %dma_start3A = arith.constant 0 : i32
      %dma_start3A_49 = arith.constant 0 : i32
      %dma_start3A_50 = tpu.memref_slice %arg9[%dma_start3A, %dma_start3A_49] : memref<128x64xf32, #tpu.memory_space<vmem>> -> memref<128x64xf32, #tpu.memory_space<vmem>>
      %dma_start3A_51 = arith.constant 0 : i32
      %dma_start3A_52 = tpu.memref_slice %arg5[%arg0, %add3A_36, %dma_start3A_51] : memref<2x10112x64xf32, #tpu.memory_space<hbm>> -> memref<1x128x64xf32, #tpu.memory_space<hbm>>
      %dma_start3A_53 = tpu.memref_squeeze %dma_start3A_52 : memref<1x128x64xf32, #tpu.memory_space<hbm>> -> memref<128x64xf32, #tpu.memory_space<hbm>>
      %dma_start3A_54 = arith.constant 0 : i32
      %dma_start3A_55 = tpu.memref_slice %arg5[%arg0, %add3A_36, %dma_start3A_54] : memref<2x10112x64xf32, #tpu.memory_space<hbm>> -> memref<1x128x64xf32, #tpu.memory_space<hbm>>
      %dma_start3A_56 = tpu.memref_squeeze %dma_start3A_55 : memref<1x128x64xf32, #tpu.memory_space<hbm>> -> memref<128x64xf32, #tpu.memory_space<hbm>>
      %dma_start3A_57 = arith.constant 0 : i32
      %dma_start3A_58 = arith.constant 0 : i32
      %dma_start3A_59 = tpu.memref_slice %arg9[%dma_start3A_57, %dma_start3A_58] : memref<128x64xf32, #tpu.memory_space<vmem>> -> memref<128x64xf32, #tpu.memory_space<vmem>>
      tpu.enqueue_dma source(%dma_start3A_59 : memref<128x64xf32, #tpu.memory_space<vmem>>) target(%dma_start3A_56 : memref<128x64xf32, #tpu.memory_space<hbm>>) target_semaphore(%run_scoped3A : memref<!tpu.dma_semaphore, #tpu.memory_space<semaphore_mem>>)
      %dma_wait3A = arith.constant 0 : i32
      %dma_wait3A_60 = arith.constant 0 : i32
      %dma_wait3A_61 = tpu.memref_slice %arg9[%dma_wait3A, %dma_wait3A_60] : memref<128x64xf32, #tpu.memory_space<vmem>> -> memref<128x64xf32, #tpu.memory_space<vmem>>
      %dma_wait3A_62 = arith.constant 0 : i32
      %dma_wait3A_63 = tpu.memref_slice %arg5[%arg0, %add3A_36, %dma_wait3A_62] : memref<2x10112x64xf32, #tpu.memory_space<hbm>> -> memref<1x128x64xf32, #tpu.memory_space<hbm>>
      %dma_wait3A_64 = tpu.memref_squeeze %dma_wait3A_63 : memref<1x128x64xf32, #tpu.memory_space<hbm>> -> memref<128x64xf32, #tpu.memory_space<hbm>>
      %dma_wait3A_65 = arith.constant 0 : i32
      %dma_wait3A_66 = tpu.memref_slice %arg5[%arg0, %add3A_36, %dma_wait3A_65] : memref<2x10112x64xf32, #tpu.memory_space<hbm>> -> memref<1x128x64xf32, #tpu.memory_space<hbm>>
      %dma_wait3A_67 = tpu.memref_squeeze %dma_wait3A_66 : memref<1x128x64xf32, #tpu.memory_space<hbm>> -> memref<128x64xf32, #tpu.memory_space<hbm>>
      %dma_wait3A_68 = arith.constant 0 : i32
      %dma_wait3A_69 = arith.constant 0 : i32
      %dma_wait3A_70 = tpu.memref_slice %arg9[%dma_wait3A_68, %dma_wait3A_69] : memref<128x64xf32, #tpu.memory_space<vmem>> -> memref<128x64xf32, #tpu.memory_space<vmem>>
      tpu.wait_dma2 semaphore(%run_scoped3A : memref<!tpu.dma_semaphore, #tpu.memory_space<semaphore_mem>>) src(%dma_wait3A_70 : memref<128x64xf32, #tpu.memory_space<vmem>>) dst(%dma_wait3A_67 : memref<128x64xf32, #tpu.memory_space<hbm>>)
      tpu.yield
    }) : () -> ()
    %add3A_37 = arith.constant 256 : i32
    %add3A_38 = arith.addi %mul3A_0, %add3A_37 : i32
    "tpu.region"() ({
      %run_scoped3A = tpu.sem_alloc : memref<!tpu.dma_semaphore, #tpu.memory_space<semaphore_mem>>
      %dma_start3A = arith.constant 0 : i32
      %dma_start3A_49 = arith.constant 0 : i32
      %dma_start3A_50 = tpu.memref_slice %arg9[%dma_start3A, %dma_start3A_49] : memref<128x64xf32, #tpu.memory_space<vmem>> -> memref<128x64xf32, #tpu.memory_space<vmem>>
      %dma_start3A_51 = arith.constant 0 : i32
      %dma_start3A_52 = tpu.memref_slice %arg10[%add3A_38, %dma_start3A_51] : memref<10112x64xf32, #tpu.memory_space<vmem_shared>> -> memref<128x64xf32, #tpu.memory_space<vmem_shared>>
      %dma_start3A_53 = arith.constant 0 : i32
      %dma_start3A_54 = arith.constant 0 : i32
      %dma_start3A_55 = tpu.memref_slice %arg9[%dma_start3A_53, %dma_start3A_54] : memref<128x64xf32, #tpu.memory_space<vmem>> -> memref<128x64xf32, #tpu.memory_space<vmem>>
      %dma_start3A_56 = arith.constant 0 : i32
      %dma_start3A_57 = tpu.memref_slice %arg10[%add3A_38, %dma_start3A_56] : memref<10112x64xf32, #tpu.memory_space<vmem_shared>> -> memref<128x64xf32, #tpu.memory_space<vmem_shared>>
      tpu.enqueue_dma source(%dma_start3A_57 : memref<128x64xf32, #tpu.memory_space<vmem_shared>>) target(%dma_start3A_55 : memref<128x64xf32, #tpu.memory_space<vmem>>) target_semaphore(%run_scoped3A : memref<!tpu.dma_semaphore, #tpu.memory_space<semaphore_mem>>)
      %dma_wait3A = arith.constant 0 : i32
      %dma_wait3A_58 = arith.constant 0 : i32
      %dma_wait3A_59 = tpu.memref_slice %arg9[%dma_wait3A, %dma_wait3A_58] : memref<128x64xf32, #tpu.memory_space<vmem>> -> memref<128x64xf32, #tpu.memory_space<vmem>>
      %dma_wait3A_60 = arith.constant 0 : i32
      %dma_wait3A_61 = tpu.memref_slice %arg10[%add3A_38, %dma_wait3A_60] : memref<10112x64xf32, #tpu.memory_space<vmem_shared>> -> memref<128x64xf32, #tpu.memory_space<vmem_shared>>
      %dma_wait3A_62 = arith.constant 0 : i32
      %dma_wait3A_63 = arith.constant 0 : i32
      %dma_wait3A_64 = tpu.memref_slice %arg9[%dma_wait3A_62, %dma_wait3A_63] : memref<128x64xf32, #tpu.memory_space<vmem>> -> memref<128x64xf32, #tpu.memory_space<vmem>>
      %dma_wait3A_65 = arith.constant 0 : i32
      %dma_wait3A_66 = tpu.memref_slice %arg10[%add3A_38, %dma_wait3A_65] : memref<10112x64xf32, #tpu.memory_space<vmem_shared>> -> memref<128x64xf32, #tpu.memory_space<vmem_shared>>
      tpu.wait_dma2 semaphore(%run_scoped3A : memref<!tpu.dma_semaphore, #tpu.memory_space<semaphore_mem>>) src(%dma_wait3A_66 : memref<128x64xf32, #tpu.memory_space<vmem_shared>>) dst(%dma_wait3A_64 : memref<128x64xf32, #tpu.memory_space<vmem>>)
      tpu.yield
    }) : () -> ()
    %add3A_39 = arith.constant 256 : i32
    %add3A_40 = arith.addi %mul3A_0, %add3A_39 : i32
    "tpu.region"() ({
      %run_scoped3A = tpu.sem_alloc : memref<!tpu.dma_semaphore, #tpu.memory_space<semaphore_mem>>
      %dma_start3A = arith.constant 0 : i32
      %dma_start3A_49 = arith.constant 0 : i32
      %dma_start3A_50 = tpu.memref_slice %arg9[%dma_start3A, %dma_start3A_49] : memref<128x64xf32, #tpu.memory_space<vmem>> -> memref<128x64xf32, #tpu.memory_space<vmem>>
      %dma_start3A_51 = arith.constant 0 : i32
      %dma_start3A_52 = tpu.memref_slice %arg5[%arg0, %add3A_40, %dma_start3A_51] : memref<2x10112x64xf32, #tpu.memory_space<hbm>> -> memref<1x128x64xf32, #tpu.memory_space<hbm>>
      %dma_start3A_53 = tpu.memref_squeeze %dma_start3A_52 : memref<1x128x64xf32, #tpu.memory_space<hbm>> -> memref<128x64xf32, #tpu.memory_space<hbm>>
      %dma_start3A_54 = arith.constant 0 : i32
      %dma_start3A_55 = tpu.memref_slice %arg5[%arg0, %add3A_40, %dma_start3A_54] : memref<2x10112x64xf32, #tpu.memory_space<hbm>> -> memref<1x128x64xf32, #tpu.memory_space<hbm>>
      %dma_start3A_56 = tpu.memref_squeeze %dma_start3A_55 : memref<1x128x64xf32, #tpu.memory_space<hbm>> -> memref<128x64xf32, #tpu.memory_space<hbm>>
      %dma_start3A_57 = arith.constant 0 : i32
      %dma_start3A_58 = arith.constant 0 : i32
      %dma_start3A_59 = tpu.memref_slice %arg9[%dma_start3A_57, %dma_start3A_58] : memref<128x64xf32, #tpu.memory_space<vmem>> -> memref<128x64xf32, #tpu.memory_space<vmem>>
      tpu.enqueue_dma source(%dma_start3A_59 : memref<128x64xf32, #tpu.memory_space<vmem>>) target(%dma_start3A_56 : memref<128x64xf32, #tpu.memory_space<hbm>>) target_semaphore(%run_scoped3A : memref<!tpu.dma_semaphore, #tpu.memory_space<semaphore_mem>>)
      %dma_wait3A = arith.constant 0 : i32
      %dma_wait3A_60 = arith.constant 0 : i32
      %dma_wait3A_61 = tpu.memref_slice %arg9[%dma_wait3A, %dma_wait3A_60] : memref<128x64xf32, #tpu.memory_space<vmem>> -> memref<128x64xf32, #tpu.memory_space<vmem>>
      %dma_wait3A_62 = arith.constant 0 : i32
      %dma_wait3A_63 = tpu.memref_slice %arg5[%arg0, %add3A_40, %dma_wait3A_62] : memref<2x10112x64xf32, #tpu.memory_space<hbm>> -> memref<1x128x64xf32, #tpu.memory_space<hbm>>
      %dma_wait3A_64 = tpu.memref_squeeze %dma_wait3A_63 : memref<1x128x64xf32, #tpu.memory_space<hbm>> -> memref<128x64xf32, #tpu.memory_space<hbm>>
      %dma_wait3A_65 = arith.constant 0 : i32
      %dma_wait3A_66 = tpu.memref_slice %arg5[%arg0, %add3A_40, %dma_wait3A_65] : memref<2x10112x64xf32, #tpu.memory_space<hbm>> -> memref<1x128x64xf32, #tpu.memory_space<hbm>>
      %dma_wait3A_67 = tpu.memref_squeeze %dma_wait3A_66 : memref<1x128x64xf32, #tpu.memory_space<hbm>> -> memref<128x64xf32, #tpu.memory_space<hbm>>
      %dma_wait3A_68 = arith.constant 0 : i32
      %dma_wait3A_69 = arith.constant 0 : i32
      %dma_wait3A_70 = tpu.memref_slice %arg9[%dma_wait3A_68, %dma_wait3A_69] : memref<128x64xf32, #tpu.memory_space<vmem>> -> memref<128x64xf32, #tpu.memory_space<vmem>>
      tpu.wait_dma2 semaphore(%run_scoped3A : memref<!tpu.dma_semaphore, #tpu.memory_space<semaphore_mem>>) src(%dma_wait3A_70 : memref<128x64xf32, #tpu.memory_space<vmem>>) dst(%dma_wait3A_67 : memref<128x64xf32, #tpu.memory_space<hbm>>)
      tpu.yield
    }) : () -> ()
    %add3A_41 = arith.constant 384 : i32
    %add3A_42 = arith.addi %mul3A_0, %add3A_41 : i32
    "tpu.region"() ({
      %run_scoped3A = tpu.sem_alloc : memref<!tpu.dma_semaphore, #tpu.memory_space<semaphore_mem>>
      %dma_start3A = arith.constant 0 : i32
      %dma_start3A_49 = arith.constant 0 : i32
      %dma_start3A_50 = tpu.memref_slice %arg9[%dma_start3A, %dma_start3A_49] : memref<128x64xf32, #tpu.memory_space<vmem>> -> memref<128x64xf32, #tpu.memory_space<vmem>>
      %dma_start3A_51 = arith.constant 0 : i32
      %dma_start3A_52 = tpu.memref_slice %arg10[%add3A_42, %dma_start3A_51] : memref<10112x64xf32, #tpu.memory_space<vmem_shared>> -> memref<128x64xf32, #tpu.memory_space<vmem_shared>>
      %dma_start3A_53 = arith.constant 0 : i32
      %dma_start3A_54 = arith.constant 0 : i32
      %dma_start3A_55 = tpu.memref_slice %arg9[%dma_start3A_53, %dma_start3A_54] : memref<128x64xf32, #tpu.memory_space<vmem>> -> memref<128x64xf32, #tpu.memory_space<vmem>>
      %dma_start3A_56 = arith.constant 0 : i32
      %dma_start3A_57 = tpu.memref_slice %arg10[%add3A_42, %dma_start3A_56] : memref<10112x64xf32, #tpu.memory_space<vmem_shared>> -> memref<128x64xf32, #tpu.memory_space<vmem_shared>>
      tpu.enqueue_dma source(%dma_start3A_57 : memref<128x64xf32, #tpu.memory_space<vmem_shared>>) target(%dma_start3A_55 : memref<128x64xf32, #tpu.memory_space<vmem>>) target_semaphore(%run_scoped3A : memref<!tpu.dma_semaphore, #tpu.memory_space<semaphore_mem>>)
      %dma_wait3A = arith.constant 0 : i32
      %dma_wait3A_58 = arith.constant 0 : i32
      %dma_wait3A_59 = tpu.memref_slice %arg9[%dma_wait3A, %dma_wait3A_58] : memref<128x64xf32, #tpu.memory_space<vmem>> -> memref<128x64xf32, #tpu.memory_space<vmem>>
      %dma_wait3A_60 = arith.constant 0 : i32
      %dma_wait3A_61 = tpu.memref_slice %arg10[%add3A_42, %dma_wait3A_60] : memref<10112x64xf32, #tpu.memory_space<vmem_shared>> -> memref<128x64xf32, #tpu.memory_space<vmem_shared>>
      %dma_wait3A_62 = arith.constant 0 : i32
      %dma_wait3A_63 = arith.constant 0 : i32
      %dma_wait3A_64 = tpu.memref_slice %arg9[%dma_wait3A_62, %dma_wait3A_63] : memref<128x64xf32, #tpu.memory_space<vmem>> -> memref<128x64xf32, #tpu.memory_space<vmem>>
      %dma_wait3A_65 = arith.constant 0 : i32
      %dma_wait3A_66 = tpu.memref_slice %arg10[%add3A_42, %dma_wait3A_65] : memref<10112x64xf32, #tpu.memory_space<vmem_shared>> -> memref<128x64xf32, #tpu.memory_space<vmem_shared>>
      tpu.wait_dma2 semaphore(%run_scoped3A : memref<!tpu.dma_semaphore, #tpu.memory_space<semaphore_mem>>) src(%dma_wait3A_66 : memref<128x64xf32, #tpu.memory_space<vmem_shared>>) dst(%dma_wait3A_64 : memref<128x64xf32, #tpu.memory_space<vmem>>)
      tpu.yield
    }) : () -> ()
    %add3A_43 = arith.constant 384 : i32
    %add3A_44 = arith.addi %mul3A_0, %add3A_43 : i32
    "tpu.region"() ({
      %run_scoped3A = tpu.sem_alloc : memref<!tpu.dma_semaphore, #tpu.memory_space<semaphore_mem>>
      %dma_start3A = arith.constant 0 : i32
      %dma_start3A_49 = arith.constant 0 : i32
      %dma_start3A_50 = tpu.memref_slice %arg9[%dma_start3A, %dma_start3A_49] : memref<128x64xf32, #tpu.memory_space<vmem>> -> memref<128x64xf32, #tpu.memory_space<vmem>>
      %dma_start3A_51 = arith.constant 0 : i32
      %dma_start3A_52 = tpu.memref_slice %arg5[%arg0, %add3A_44, %dma_start3A_51] : memref<2x10112x64xf32, #tpu.memory_space<hbm>> -> memref<1x128x64xf32, #tpu.memory_space<hbm>>
      %dma_start3A_53 = tpu.memref_squeeze %dma_start3A_52 : memref<1x128x64xf32, #tpu.memory_space<hbm>> -> memref<128x64xf32, #tpu.memory_space<hbm>>
      %dma_start3A_54 = arith.constant 0 : i32
      %dma_start3A_55 = tpu.memref_slice %arg5[%arg0, %add3A_44, %dma_start3A_54] : memref<2x10112x64xf32, #tpu.memory_space<hbm>> -> memref<1x128x64xf32, #tpu.memory_space<hbm>>
      %dma_start3A_56 = tpu.memref_squeeze %dma_start3A_55 : memref<1x128x64xf32, #tpu.memory_space<hbm>> -> memref<128x64xf32, #tpu.memory_space<hbm>>
      %dma_start3A_57 = arith.constant 0 : i32
      %dma_start3A_58 = arith.constant 0 : i32
      %dma_start3A_59 = tpu.memref_slice %arg9[%dma_start3A_57, %dma_start3A_58] : memref<128x64xf32, #tpu.memory_space<vmem>> -> memref<128x64xf32, #tpu.memory_space<vmem>>
      tpu.enqueue_dma source(%dma_start3A_59 : memref<128x64xf32, #tpu.memory_space<vmem>>) target(%dma_start3A_56 : memref<128x64xf32, #tpu.memory_space<hbm>>) target_semaphore(%run_scoped3A : memref<!tpu.dma_semaphore, #tpu.memory_space<semaphore_mem>>)
      %dma_wait3A = arith.constant 0 : i32
      %dma_wait3A_60 = arith.constant 0 : i32
      %dma_wait3A_61 = tpu.memref_slice %arg9[%dma_wait3A, %dma_wait3A_60] : memref<128x64xf32, #tpu.memory_space<vmem>> -> memref<128x64xf32, #tpu.memory_space<vmem>>
      %dma_wait3A_62 = arith.constant 0 : i32
      %dma_wait3A_63 = tpu.memref_slice %arg5[%arg0, %add3A_44, %dma_wait3A_62] : memref<2x10112x64xf32, #tpu.memory_space<hbm>> -> memref<1x128x64xf32, #tpu.memory_space<hbm>>
      %dma_wait3A_64 = tpu.memref_squeeze %dma_wait3A_63 : memref<1x128x64xf32, #tpu.memory_space<hbm>> -> memref<128x64xf32, #tpu.memory_space<hbm>>
      %dma_wait3A_65 = arith.constant 0 : i32
      %dma_wait3A_66 = tpu.memref_slice %arg5[%arg0, %add3A_44, %dma_wait3A_65] : memref<2x10112x64xf32, #tpu.memory_space<hbm>> -> memref<1x128x64xf32, #tpu.memory_space<hbm>>
      %dma_wait3A_67 = tpu.memref_squeeze %dma_wait3A_66 : memref<1x128x64xf32, #tpu.memory_space<hbm>> -> memref<128x64xf32, #tpu.memory_space<hbm>>
      %dma_wait3A_68 = arith.constant 0 : i32
      %dma_wait3A_69 = arith.constant 0 : i32
      %dma_wait3A_70 = tpu.memref_slice %arg9[%dma_wait3A_68, %dma_wait3A_69] : memref<128x64xf32, #tpu.memory_space<vmem>> -> memref<128x64xf32, #tpu.memory_space<vmem>>
      tpu.wait_dma2 semaphore(%run_scoped3A : memref<!tpu.dma_semaphore, #tpu.memory_space<semaphore_mem>>) src(%dma_wait3A_70 : memref<128x64xf32, #tpu.memory_space<vmem>>) dst(%dma_wait3A_67 : memref<128x64xf32, #tpu.memory_space<hbm>>)
      tpu.yield
    }) : () -> ()
    %add3A_45 = arith.constant 512 : i32
    %add3A_46 = arith.addi %mul3A_0, %add3A_45 : i32
    "tpu.region"() ({
      %run_scoped3A = tpu.sem_alloc : memref<!tpu.dma_semaphore, #tpu.memory_space<semaphore_mem>>
      %dma_start3A = arith.constant 0 : i32
      %dma_start3A_49 = arith.constant 0 : i32
      %dma_start3A_50 = tpu.memref_slice %arg9[%dma_start3A, %dma_start3A_49] : memref<128x64xf32, #tpu.memory_space<vmem>> -> memref<120x64xf32, #tpu.memory_space<vmem>>
      %dma_start3A_51 = arith.constant 0 : i32
      %dma_start3A_52 = tpu.memref_slice %arg10[%add3A_46, %dma_start3A_51] : memref<10112x64xf32, #tpu.memory_space<vmem_shared>> -> memref<120x64xf32, #tpu.memory_space<vmem_shared>>
      %dma_start3A_53 = arith.constant 0 : i32
      %dma_start3A_54 = arith.constant 0 : i32
      %dma_start3A_55 = tpu.memref_slice %arg9[%dma_start3A_53, %dma_start3A_54] : memref<128x64xf32, #tpu.memory_space<vmem>> -> memref<120x64xf32, #tpu.memory_space<vmem>>
      %dma_start3A_56 = arith.constant 0 : i32
      %dma_start3A_57 = tpu.memref_slice %arg10[%add3A_46, %dma_start3A_56] : memref<10112x64xf32, #tpu.memory_space<vmem_shared>> -> memref<120x64xf32, #tpu.memory_space<vmem_shared>>
      tpu.enqueue_dma source(%dma_start3A_57 : memref<120x64xf32, #tpu.memory_space<vmem_shared>>) target(%dma_start3A_55 : memref<120x64xf32, #tpu.memory_space<vmem>>) target_semaphore(%run_scoped3A : memref<!tpu.dma_semaphore, #tpu.memory_space<semaphore_mem>>)
      %dma_wait3A = arith.constant 0 : i32
      %dma_wait3A_58 = arith.constant 0 : i32
      %dma_wait3A_59 = tpu.memref_slice %arg9[%dma_wait3A, %dma_wait3A_58] : memref<128x64xf32, #tpu.memory_space<vmem>> -> memref<120x64xf32, #tpu.memory_space<vmem>>
      %dma_wait3A_60 = arith.constant 0 : i32
      %dma_wait3A_61 = tpu.memref_slice %arg10[%add3A_46, %dma_wait3A_60] : memref<10112x64xf32, #tpu.memory_space<vmem_shared>> -> memref<120x64xf32, #tpu.memory_space<vmem_shared>>
      %dma_wait3A_62 = arith.constant 0 : i32
      %dma_wait3A_63 = arith.constant 0 : i32
      %dma_wait3A_64 = tpu.memref_slice %arg9[%dma_wait3A_62, %dma_wait3A_63] : memref<128x64xf32, #tpu.memory_space<vmem>> -> memref<120x64xf32, #tpu.memory_space<vmem>>
      %dma_wait3A_65 = arith.constant 0 : i32
      %dma_wait3A_66 = tpu.memref_slice %arg10[%add3A_46, %dma_wait3A_65] : memref<10112x64xf32, #tpu.memory_space<vmem_shared>> -> memref<120x64xf32, #tpu.memory_space<vmem_shared>>
      tpu.wait_dma2 semaphore(%run_scoped3A : memref<!tpu.dma_semaphore, #tpu.memory_space<semaphore_mem>>) src(%dma_wait3A_66 : memref<120x64xf32, #tpu.memory_space<vmem_shared>>) dst(%dma_wait3A_64 : memref<120x64xf32, #tpu.memory_space<vmem>>)
      tpu.yield
    }) : () -> ()
    %add3A_47 = arith.constant 512 : i32
    %add3A_48 = arith.addi %mul3A_0, %add3A_47 : i32
    "tpu.region"() ({
      %run_scoped3A = tpu.sem_alloc : memref<!tpu.dma_semaphore, #tpu.memory_space<semaphore_mem>>
      %dma_start3A = arith.constant 0 : i32
      %dma_start3A_49 = arith.constant 0 : i32
      %dma_start3A_50 = tpu.memref_slice %arg9[%dma_start3A, %dma_start3A_49] : memref<128x64xf32, #tpu.memory_space<vmem>> -> memref<120x64xf32, #tpu.memory_space<vmem>>
      %dma_start3A_51 = arith.constant 0 : i32
      %dma_start3A_52 = tpu.memref_slice %arg5[%arg0, %add3A_48, %dma_start3A_51] : memref<2x10112x64xf32, #tpu.memory_space<hbm>> -> memref<1x120x64xf32, #tpu.memory_space<hbm>>
      %dma_start3A_53 = tpu.memref_squeeze %dma_start3A_52 : memref<1x120x64xf32, #tpu.memory_space<hbm>> -> memref<120x64xf32, #tpu.memory_space<hbm>>
      %dma_start3A_54 = arith.constant 0 : i32
      %dma_start3A_55 = tpu.memref_slice %arg5[%arg0, %add3A_48, %dma_start3A_54] : memref<2x10112x64xf32, #tpu.memory_space<hbm>> -> memref<1x120x64xf32, #tpu.memory_space<hbm>>
      %dma_start3A_56 = tpu.memref_squeeze %dma_start3A_55 : memref<1x120x64xf32, #tpu.memory_space<hbm>> -> memref<120x64xf32, #tpu.memory_space<hbm>>
      %dma_start3A_57 = arith.constant 0 : i32
      %dma_start3A_58 = arith.constant 0 : i32
      %dma_start3A_59 = tpu.memref_slice %arg9[%dma_start3A_57, %dma_start3A_58] : memref<128x64xf32, #tpu.memory_space<vmem>> -> memref<120x64xf32, #tpu.memory_space<vmem>>
      tpu.enqueue_dma source(%dma_start3A_59 : memref<120x64xf32, #tpu.memory_space<vmem>>) target(%dma_start3A_56 : memref<120x64xf32, #tpu.memory_space<hbm>>) target_semaphore(%run_scoped3A : memref<!tpu.dma_semaphore, #tpu.memory_space<semaphore_mem>>)
      %dma_wait3A = arith.constant 0 : i32
      %dma_wait3A_60 = arith.constant 0 : i32
      %dma_wait3A_61 = tpu.memref_slice %arg9[%dma_wait3A, %dma_wait3A_60] : memref<128x64xf32, #tpu.memory_space<vmem>> -> memref<120x64xf32, #tpu.memory_space<vmem>>
      %dma_wait3A_62 = arith.constant 0 : i32
      %dma_wait3A_63 = tpu.memref_slice %arg5[%arg0, %add3A_48, %dma_wait3A_62] : memref<2x10112x64xf32, #tpu.memory_space<hbm>> -> memref<1x120x64xf32, #tpu.memory_space<hbm>>
      %dma_wait3A_64 = tpu.memref_squeeze %dma_wait3A_63 : memref<1x120x64xf32, #tpu.memory_space<hbm>> -> memref<120x64xf32, #tpu.memory_space<hbm>>
      %dma_wait3A_65 = arith.constant 0 : i32
      %dma_wait3A_66 = tpu.memref_slice %arg5[%arg0, %add3A_48, %dma_wait3A_65] : memref<2x10112x64xf32, #tpu.memory_space<hbm>> -> memref<1x120x64xf32, #tpu.memory_space<hbm>>
      %dma_wait3A_67 = tpu.memref_squeeze %dma_wait3A_66 : memref<1x120x64xf32, #tpu.memory_space<hbm>> -> memref<120x64xf32, #tpu.memory_space<hbm>>
      %dma_wait3A_68 = arith.constant 0 : i32
      %dma_wait3A_69 = arith.constant 0 : i32
      %dma_wait3A_70 = tpu.memref_slice %arg9[%dma_wait3A_68, %dma_wait3A_69] : memref<128x64xf32, #tpu.memory_space<vmem>> -> memref<120x64xf32, #tpu.memory_space<vmem>>
      tpu.wait_dma2 semaphore(%run_scoped3A : memref<!tpu.dma_semaphore, #tpu.memory_space<semaphore_mem>>) src(%dma_wait3A_70 : memref<120x64xf32, #tpu.memory_space<vmem>>) dst(%dma_wait3A_67 : memref<120x64xf32, #tpu.memory_space<hbm>>)
      tpu.yield
    }) : () -> ()
    return
  }
}

module attributes {stable_mosaic.version = 14 : i64} {
  func.func @_tc_stats_body(%arg0: memref<32x79x128xi32, #tpu.memory_space<vmem>>, %arg1: memref<32x79x128xi32, #tpu.memory_space<vmem>>, %arg2: memref<79x128xi32, #tpu.memory_space<vmem>>, %arg3: memref<79x128xf32, #tpu.memory_space<vmem>>) attributes {dimension_semantics = [], scalar_prefetch = 0 : i64, scratch_operands = 0 : i64, tpu.core_type = #tpu.core_type<tc>} {
    %get3A = arith.constant 0 : index
    %get3A_0 = arith.constant 0 : index
    %get3A_1 = arith.constant 0 : index
    %get3A_2 = vector.load %arg0[%get3A, %get3A_0, %get3A_1] : memref<32x79x128xi32, #tpu.memory_space<vmem>>, vector<32x79x128xi32>
    %reduce_sum3A = arith.constant dense<0> : vector<79x128xi32>
    %reduce_sum3A_3 = vector.multi_reduction <add>, %get3A_2, %reduce_sum3A [0] : vector<32x79x128xi32> to vector<79x128xi32>
    %get3A_4 = arith.constant 0 : index
    %get3A_5 = arith.constant 0 : index
    %get3A_6 = arith.constant 0 : index
    %get3A_7 = vector.load %arg1[%get3A_4, %get3A_5, %get3A_6] : memref<32x79x128xi32, #tpu.memory_space<vmem>>, vector<32x79x128xi32>
    %reduce_sum3A_8 = arith.constant dense<0> : vector<79x128xi32>
    %reduce_sum3A_9 = vector.multi_reduction <add>, %get3A_7, %reduce_sum3A_8 [0] : vector<32x79x128xi32> to vector<79x128xi32>
    %iota3A = tpu.iota {dimensions = array<i32: 0>} : vector<79x128xi32>
    %iota3A_10 = tpu.iota {dimensions = array<i32: 1>} : vector<79x128xi32>
    %mul3A = arith.constant 128 : i32
    %mul3A_11 = vector.broadcast %mul3A : i32 to vector<79x128xi32>
    %mul3A_12 = arith.muli %iota3A, %mul3A_11 : vector<79x128xi32>
    %add3A = arith.addi %mul3A_12, %iota3A_10 : vector<79x128xi32>
    %lt3A = arith.constant 10000 : i32
    %lt3A_13 = vector.broadcast %lt3A : i32 to vector<79x128xi32>
    %lt3A_14 = arith.cmpi slt, %add3A, %lt3A_13 : vector<79x128xi32>
    %add3A_15 = arith.addi %reduce_sum3A_3, %reduce_sum3A_9 : vector<79x128xi32>
    %gt3A = arith.constant 0 : i32
    %gt3A_16 = vector.broadcast %gt3A : i32 to vector<79x128xi32>
    %gt3A_17 = arith.cmpi sgt, %add3A_15, %gt3A_16 : vector<79x128xi32>
    %and3A = arith.andi %lt3A_14, %gt3A_17 : vector<79x128xi1>
    %jit3A = arith.constant 1.000000e+00 : f32
    %jit3A_18 = arith.constant 0.000000e+00 : f32
    %broadcast_in_dim3A = vector.broadcast %jit3A : f32 to vector<79x128xf32>
    %broadcast_in_dim3A_19 = vector.broadcast %jit3A_18 : f32 to vector<79x128xf32>
    %select_n3A = arith.select %and3A, %broadcast_in_dim3A, %broadcast_in_dim3A_19 : vector<79x128xi1>, vector<79x128xf32>
    %broadcast_in_dim3A_20 = arith.constant 1.000000e+00 : f32
    %broadcast_in_dim3A_21 = vector.broadcast %broadcast_in_dim3A_20 : f32 to vector<128x1xf32>
    %dot_general3A = arith.constant dense<0.000000e+00> : vector<79x1xf32>
    %dot_general3A_22 = tpu.matmul %select_n3A, %broadcast_in_dim3A_21, %dot_general3A {dimension_numbers = #tpu.dot_dimension_numbers<[1], [0], [0], [1], [0, 0, 1, 1], [], []>, transpose_lhs_hint = false} : vector<79x128xf32>, vector<128x1xf32>, vector<79x1xf32> -> vector<79x1xf32>
    %iota3A_23 = tpu.iota {dimensions = array<i32: 0>} : vector<79x79xi32>
    %iota3A_24 = tpu.iota {dimensions = array<i32: 1>} : vector<79x79xi32>
    %gt3A_25 = arith.cmpi sgt, %iota3A_23, %iota3A_24 : vector<79x79xi32>
    %jit3A_26 = arith.constant 1.000000e+00 : f32
    %jit3A_27 = arith.constant 0.000000e+00 : f32
    %broadcast_in_dim3A_28 = vector.broadcast %jit3A_26 : f32 to vector<79x79xf32>
    %broadcast_in_dim3A_29 = vector.broadcast %jit3A_27 : f32 to vector<79x79xf32>
    %select_n3A_30 = arith.select %gt3A_25, %broadcast_in_dim3A_28, %broadcast_in_dim3A_29 : vector<79x79xi1>, vector<79x79xf32>
    %dot_general3A_31 = arith.constant dense<0.000000e+00> : vector<79x1xf32>
    %dot_general3A_32 = tpu.matmul %select_n3A_30, %dot_general3A_22, %dot_general3A_31 {dimension_numbers = #tpu.dot_dimension_numbers<[1], [0], [0], [1], [0, 0, 1, 1], [], []>, transpose_lhs_hint = false} : vector<79x79xf32>, vector<79x1xf32>, vector<79x1xf32> -> vector<79x1xf32>
    %iota3A_33 = tpu.iota {dimensions = array<i32: 0>} : vector<128x128xi32>
    %iota3A_34 = tpu.iota {dimensions = array<i32: 1>} : vector<128x128xi32>
    %lt3A_35 = arith.cmpi slt, %iota3A_33, %iota3A_34 : vector<128x128xi32>
    %jit3A_36 = arith.constant 1.000000e+00 : f32
    %jit3A_37 = arith.constant 0.000000e+00 : f32
    %broadcast_in_dim3A_38 = vector.broadcast %jit3A_36 : f32 to vector<128x128xf32>
    %broadcast_in_dim3A_39 = vector.broadcast %jit3A_37 : f32 to vector<128x128xf32>
    %select_n3A_40 = arith.select %lt3A_35, %broadcast_in_dim3A_38, %broadcast_in_dim3A_39 : vector<128x128xi1>, vector<128x128xf32>
    %dot_general3A_41 = arith.constant dense<0.000000e+00> : vector<79x128xf32>
    %dot_general3A_42 = tpu.matmul %select_n3A, %select_n3A_40, %dot_general3A_41 {dimension_numbers = #tpu.dot_dimension_numbers<[1], [0], [0], [1], [0, 0, 1, 1], [], []>, transpose_lhs_hint = false} : vector<79x128xf32>, vector<128x128xf32>, vector<79x128xf32> -> vector<79x128xf32>
    %add3A_43 = vector.broadcast %dot_general3A_32 : vector<79x1xf32> to vector<79x128xf32>
    %add3A_44 = arith.addf %add3A_43, %dot_general3A_42 : vector<79x128xf32>
    %convert_element_type3A = arith.fptosi %add3A_44 : vector<79x128xf32> to vector<79x128xi32>
    %gt3A_45 = arith.constant 0.000000e+00 : f32
    %gt3A_46 = vector.broadcast %gt3A_45 : f32 to vector<79x128xf32>
    %gt3A_47 = arith.cmpf ogt, %select_n3A, %gt3A_46 : vector<79x128xf32>
    %jit3A_48 = arith.constant 10000 : i32
    %broadcast_in_dim3A_49 = vector.broadcast %jit3A_48 : i32 to vector<79x128xi32>
    %select_n3A_50 = arith.select %gt3A_47, %convert_element_type3A, %broadcast_in_dim3A_49 : vector<79x128xi1>, vector<79x128xi32>
    %swap3A = arith.constant 0 : index
    %swap3A_51 = arith.constant 0 : index
    %swap3A_52 = vector.load %arg2[%swap3A, %swap3A_51] : memref<79x128xi32, #tpu.memory_space<vmem>>, vector<79x128xi32>
    tpu.vector_store %arg2[%swap3A, %swap3A_51], %select_n3A_50 {strides = array<i32>} : memref<79x128xi32, #tpu.memory_space<vmem>>, vector<79x128xi32>,
    %add3A_53 = arith.constant 1 : i32
    %add3A_54 = vector.broadcast %add3A_53 : i32 to vector<79x128xi32>
    %add3A_55 = arith.addi %reduce_sum3A_9, %add3A_54 : vector<79x128xi32>
    %convert_element_type3A_56 = arith.sitofp %add3A_55 : vector<79x128xi32> to vector<79x128xf32>
    %rsqrt3A = math.rsqrt %convert_element_type3A_56 : vector<79x128xf32>
    %jit3A_57 = arith.constant 1.000000e+00 : f32
    %broadcast_in_dim3A_58 = vector.broadcast %jit3A_57 : f32 to vector<79x128xf32>
    %select_n3A_59 = arith.select %lt3A_14, %rsqrt3A, %broadcast_in_dim3A_58 : vector<79x128xi1>, vector<79x128xf32>
    %swap3A_60 = arith.constant 0 : index
    %swap3A_61 = arith.constant 0 : index
    %swap3A_62 = vector.load %arg3[%swap3A_60, %swap3A_61] : memref<79x128xf32, #tpu.memory_space<vmem>>, vector<79x128xf32>
    tpu.vector_store %arg3[%swap3A_60, %swap3A_61], %select_n3A_59 {strides = array<i32>} : memref<79x128xf32, #tpu.memory_space<vmem>>, vector<79x128xf32>,
    return
  }
}

module attributes {stable_mosaic.version = 14 : i64} {
  func.func @_tc_p1_body(%arg0: i32, %arg1: i32, %arg2: memref<2x128x64xf32, #tpu.memory_space<vmem>>, %arg3: memref<2x1x64x64xf32, #tpu.memory_space<vmem>>, %arg4: memref<128x1xf32, #tpu.memory_space<vmem>>, %arg5: memref<1x128x64xf32, #tpu.memory_space<vmem>>) attributes {dimension_semantics = [#tpu.dimension_semantics<arbitrary>, #tpu.dimension_semantics<arbitrary>], iteration_bounds = array<i64: 2, 79>, scalar_prefetch = 0 : i64, scratch_operands = 0 : i64, tpu.core_type = #tpu.core_type<tc>, window_params = [{transform_indices = @transform_0, window_bounds = array<i64: 2, 128, 64>}, {transform_indices = @transform_1, window_bounds = array<i64: 2, 1, 64, 64>}, {transform_indices = @transform_2, window_bounds = array<i64: 128, 1>}, {transform_indices = @transform_3, window_bounds = array<i64: 1, 128, 64>}]} {
    %get3A = arith.constant 0 : index
    %get3A_0 = arith.constant 0 : index
    %get3A_1 = arith.constant 0 : index
    %get3A_2 = vector.load %arg2[%get3A, %get3A_0, %get3A_1] : memref<2x128x64xf32, #tpu.memory_space<vmem>>, vector<1x128x64xf32>
    %get3A_3 = vector.shape_cast %get3A_2 : vector<1x128x64xf32> to vector<128x64xf32>
    %get3A_4 = arith.constant 0 : index
    %get3A_5 = arith.constant 0 : index
    %get3A_6 = arith.constant 0 : index
    %get3A_7 = arith.constant 0 : index
    %get3A_8 = vector.load %arg3[%get3A_4, %get3A_5, %get3A_6, %get3A_7] : memref<2x1x64x64xf32, #tpu.memory_space<vmem>>, vector<1x1x64x64xf32>
    %get3A_9 = vector.shape_cast %get3A_8 : vector<1x1x64x64xf32> to vector<64x64xf32>
    %dot_general3A = arith.constant dense<0.000000e+00> : vector<128x64xf32>
    %dot_general3A_10 = tpu.matmul %get3A_3, %get3A_9, %dot_general3A {dimension_numbers = #tpu.dot_dimension_numbers<[1], [0], [0], [1], [0, 0, 1, 1], [], []>, transpose_lhs_hint = false} : vector<128x64xf32>, vector<64x64xf32>, vector<128x64xf32> -> vector<128x64xf32>
    %get3A_11 = arith.constant 1 : index
    %get3A_12 = arith.constant 0 : index
    %get3A_13 = arith.constant 0 : index
    %get3A_14 = vector.load %arg2[%get3A_11, %get3A_12, %get3A_13] : memref<2x128x64xf32, #tpu.memory_space<vmem>>, vector<1x128x64xf32>
    %get3A_15 = vector.shape_cast %get3A_14 : vector<1x128x64xf32> to vector<128x64xf32>
    %get3A_16 = arith.constant 1 : index
    %get3A_17 = arith.constant 0 : index
    %get3A_18 = arith.constant 0 : index
    %get3A_19 = arith.constant 0 : index
    %get3A_20 = vector.load %arg3[%get3A_16, %get3A_17, %get3A_18, %get3A_19] : memref<2x1x64x64xf32, #tpu.memory_space<vmem>>, vector<1x1x64x64xf32>
    %get3A_21 = vector.shape_cast %get3A_20 : vector<1x1x64x64xf32> to vector<64x64xf32>
    %dot_general3A_22 = arith.constant dense<0.000000e+00> : vector<128x64xf32>
    %dot_general3A_23 = tpu.matmul %get3A_15, %get3A_21, %dot_general3A_22 {dimension_numbers = #tpu.dot_dimension_numbers<[1], [0], [0], [1], [0, 0, 1, 1], [], []>, transpose_lhs_hint = false} : vector<128x64xf32>, vector<64x64xf32>, vector<128x64xf32> -> vector<128x64xf32>
    %add3A = arith.addf %dot_general3A_10, %dot_general3A_23 : vector<128x64xf32>
    %get3A_24 = arith.constant 0 : index
    %get3A_25 = arith.constant 0 : index
    %get3A_26 = vector.load %arg4[%get3A_24, %get3A_25] : memref<128x1xf32, #tpu.memory_space<vmem>>, vector<128x1xf32>
    %mul3A = vector.broadcast %get3A_26 : vector<128x1xf32> to vector<128x64xf32>
    %mul3A_27 = arith.mulf %mul3A, %add3A : vector<128x64xf32>
    %swap3A = arith.constant 0 : index
    %swap3A_28 = arith.constant 0 : index
    %swap3A_29 = arith.constant 0 : index
    %swap3A_30 = vector.load %arg5[%swap3A, %swap3A_28, %swap3A_29] : memref<1x128x64xf32, #tpu.memory_space<vmem>>, vector<1x128x64xf32>
    %swap3A_31 = vector.shape_cast %swap3A_30 : vector<1x128x64xf32> to vector<128x64xf32>
    %swap3A_32 = vector.shape_cast %mul3A_27 : vector<128x64xf32> to vector<1x128x64xf32>
    tpu.vector_store %arg5[%swap3A, %swap3A_28, %swap3A_29], %swap3A_32 {strides = array<i32>} : memref<1x128x64xf32, #tpu.memory_space<vmem>>, vector<1x128x64xf32>,
    return
  }
  func.func @transform_0(%arg0: i32, %arg1: i32) -> (i32, i32, i32) {
    %c0_i32 = arith.constant 0 : i32
    %c0_i32_0 = arith.constant 0 : i32
    %c0_i32_1 = arith.constant 0 : i32
    return %c0_i32, %arg1, %c0_i32_0 : i32, i32, i32
  }
  func.func @transform_1(%arg0: i32, %arg1: i32) -> (i32, i32, i32, i32) {
    %c0_i32 = arith.constant 0 : i32
    %c0_i32_0 = arith.constant 0 : i32
    %c0_i32_1 = arith.constant 0 : i32
    %c0_i32_2 = arith.constant 0 : i32
    return %c0_i32, %arg0, %c0_i32_0, %c0_i32_1 : i32, i32, i32, i32
  }
  func.func @transform_2(%arg0: i32, %arg1: i32) -> (i32, i32) {
    %c0_i32 = arith.constant 0 : i32
    %c0_i32_0 = arith.constant 0 : i32
    return %arg1, %c0_i32 : i32, i32
  }
  func.func @transform_3(%arg0: i32, %arg1: i32) -> (i32, i32, i32) {
    %c0_i32 = arith.constant 0 : i32
    %c0_i32_0 = arith.constant 0 : i32
    return %arg0, %arg1, %c0_i32 : i32, i32, i32
  }
}

module attributes {stable_mosaic.version = 14 : i64} {
  func.func @_tc_p2_body(%arg0: i32, %arg1: i32, %arg2: memref<2x128x64xf32, #tpu.memory_space<vmem>>, %arg3: memref<2x1x64x64xf32, #tpu.memory_space<vmem>>, %arg4: memref<128x1xf32, #tpu.memory_space<vmem>>, %arg5: memref<1x128xf32, #tpu.memory_space<vmem>>, %arg6: memref<1x128x64xf32, #tpu.memory_space<vmem>>) attributes {dimension_semantics = [#tpu.dimension_semantics<arbitrary>, #tpu.dimension_semantics<arbitrary>], iteration_bounds = array<i64: 2, 79>, scalar_prefetch = 0 : i64, scratch_operands = 0 : i64, tpu.core_type = #tpu.core_type<tc>, window_params = [{transform_indices = @transform_0, window_bounds = array<i64: 2, 128, 64>}, {transform_indices = @transform_1, window_bounds = array<i64: 2, 1, 64, 64>}, {transform_indices = @transform_2, window_bounds = array<i64: 128, 1>}, {pipeline_mode = #tpu.pipeline_mode<synchronous>, transform_indices = @transform_3, window_bounds = array<i64: 1, 128>}, {transform_indices = @transform_4, window_bounds = array<i64: 1, 128, 64>}]} {
    %get3A = arith.constant 0 : index
    %get3A_0 = arith.constant 0 : index
    %get3A_1 = vector.load %arg4[%get3A, %get3A_0] : memref<128x1xf32, #tpu.memory_space<vmem>>, vector<128x1xf32>
    %get3A_2 = arith.constant 0 : index
    %get3A_3 = arith.constant 0 : index
    %get3A_4 = arith.constant 0 : index
    %get3A_5 = vector.load %arg2[%get3A_2, %get3A_3, %get3A_4] : memref<2x128x64xf32, #tpu.memory_space<vmem>>, vector<1x128x64xf32>
    %get3A_6 = vector.shape_cast %get3A_5 : vector<1x128x64xf32> to vector<128x64xf32>
    %mul3A = vector.broadcast %get3A_1 : vector<128x1xf32> to vector<128x64xf32>
    %mul3A_7 = arith.mulf %mul3A, %get3A_6 : vector<128x64xf32>
    %get3A_8 = arith.constant 0 : index
    %get3A_9 = arith.constant 0 : index
    %get3A_10 = vector.load %arg5[%get3A_8, %get3A_9] : memref<1x128xf32, #tpu.memory_space<vmem>>, vector<1x64xf32>
    %get3A_11 = vector.shape_cast %get3A_10 : vector<1x64xf32> to vector<64xf32>
    %broadcast_in_dim3A = vector.shape_cast %get3A_11 : vector<64xf32> to vector<1x64xf32>
    %add3A = vector.broadcast %broadcast_in_dim3A : vector<1x64xf32> to vector<128x64xf32>
    %add3A_12 = arith.addf %mul3A_7, %add3A : vector<128x64xf32>
    %max3A = arith.constant 0.000000e+00 : f32
    %max3A_13 = vector.broadcast %max3A : f32 to vector<128x64xf32>
    %max3A_14 = arith.maximumf %add3A_12, %max3A_13 : vector<128x64xf32>
    %get3A_15 = arith.constant 1 : index
    %get3A_16 = arith.constant 0 : index
    %get3A_17 = arith.constant 0 : index
    %get3A_18 = vector.load %arg2[%get3A_15, %get3A_16, %get3A_17] : memref<2x128x64xf32, #tpu.memory_space<vmem>>, vector<1x128x64xf32>
    %get3A_19 = vector.shape_cast %get3A_18 : vector<1x128x64xf32> to vector<128x64xf32>
    %mul3A_20 = vector.broadcast %get3A_1 : vector<128x1xf32> to vector<128x64xf32>
    %mul3A_21 = arith.mulf %mul3A_20, %get3A_19 : vector<128x64xf32>
    %get3A_22 = arith.constant 0 : index
    %get3A_23 = arith.constant 64 : index
    %get3A_24 = vector.load %arg5[%get3A_22, %get3A_23] : memref<1x128xf32, #tpu.memory_space<vmem>>, vector<1x64xf32>
    %get3A_25 = vector.shape_cast %get3A_24 : vector<1x64xf32> to vector<64xf32>
    %broadcast_in_dim3A_26 = vector.shape_cast %get3A_25 : vector<64xf32> to vector<1x64xf32>
    %add3A_27 = vector.broadcast %broadcast_in_dim3A_26 : vector<1x64xf32> to vector<128x64xf32>
    %add3A_28 = arith.addf %mul3A_21, %add3A_27 : vector<128x64xf32>
    %max3A_29 = arith.constant 0.000000e+00 : f32
    %max3A_30 = vector.broadcast %max3A_29 : f32 to vector<128x64xf32>
    %max3A_31 = arith.maximumf %add3A_28, %max3A_30 : vector<128x64xf32>
    %get3A_32 = arith.constant 0 : index
    %get3A_33 = arith.constant 0 : index
    %get3A_34 = arith.constant 0 : index
    %get3A_35 = arith.constant 0 : index
    %get3A_36 = vector.load %arg3[%get3A_32, %get3A_33, %get3A_34, %get3A_35] : memref<2x1x64x64xf32, #tpu.memory_space<vmem>>, vector<1x1x64x64xf32>
    %get3A_37 = vector.shape_cast %get3A_36 : vector<1x1x64x64xf32> to vector<64x64xf32>
    %dot_general3A = arith.constant dense<0.000000e+00> : vector<128x64xf32>
    %dot_general3A_38 = tpu.matmul %max3A_14, %get3A_37, %dot_general3A {dimension_numbers = #tpu.dot_dimension_numbers<[1], [0], [0], [1], [0, 0, 1, 1], [], []>, transpose_lhs_hint = false} : vector<128x64xf32>, vector<64x64xf32>, vector<128x64xf32> -> vector<128x64xf32>
    %get3A_39 = arith.constant 1 : index
    %get3A_40 = arith.constant 0 : index
    %get3A_41 = arith.constant 0 : index
    %get3A_42 = arith.constant 0 : index
    %get3A_43 = vector.load %arg3[%get3A_39, %get3A_40, %get3A_41, %get3A_42] : memref<2x1x64x64xf32, #tpu.memory_space<vmem>>, vector<1x1x64x64xf32>
    %get3A_44 = vector.shape_cast %get3A_43 : vector<1x1x64x64xf32> to vector<64x64xf32>
    %dot_general3A_45 = arith.constant dense<0.000000e+00> : vector<128x64xf32>
    %dot_general3A_46 = tpu.matmul %max3A_31, %get3A_44, %dot_general3A_45 {dimension_numbers = #tpu.dot_dimension_numbers<[1], [0], [0], [1], [0, 0, 1, 1], [], []>, transpose_lhs_hint = false} : vector<128x64xf32>, vector<64x64xf32>, vector<128x64xf32> -> vector<128x64xf32>
    %add3A_47 = arith.addf %dot_general3A_38, %dot_general3A_46 : vector<128x64xf32>
    %mul3A_48 = vector.broadcast %get3A_1 : vector<128x1xf32> to vector<128x64xf32>
    %mul3A_49 = arith.mulf %mul3A_48, %add3A_47 : vector<128x64xf32>
    %swap3A = arith.constant 0 : index
    %swap3A_50 = arith.constant 0 : index
    %swap3A_51 = arith.constant 0 : index
    %swap3A_52 = vector.load %arg6[%swap3A, %swap3A_50, %swap3A_51] : memref<1x128x64xf32, #tpu.memory_space<vmem>>, vector<1x128x64xf32>
    %swap3A_53 = vector.shape_cast %swap3A_52 : vector<1x128x64xf32> to vector<128x64xf32>
    %swap3A_54 = vector.shape_cast %mul3A_49 : vector<128x64xf32> to vector<1x128x64xf32>
    tpu.vector_store %arg6[%swap3A, %swap3A_50, %swap3A_51], %swap3A_54 {strides = array<i32>} : memref<1x128x64xf32, #tpu.memory_space<vmem>>, vector<1x128x64xf32>,
    return
  }
  func.func @transform_0(%arg0: i32, %arg1: i32) -> (i32, i32, i32) {
    %c0_i32 = arith.constant 0 : i32
    %c0_i32_0 = arith.constant 0 : i32
    %c0_i32_1 = arith.constant 0 : i32
    return %c0_i32, %arg1, %c0_i32_0 : i32, i32, i32
  }
  func.func @transform_1(%arg0: i32, %arg1: i32) -> (i32, i32, i32, i32) {
    %c0_i32 = arith.constant 0 : i32
    %c0_i32_0 = arith.constant 0 : i32
    %c0_i32_1 = arith.constant 0 : i32
    %c0_i32_2 = arith.constant 0 : i32
    return %c0_i32, %arg0, %c0_i32_0, %c0_i32_1 : i32, i32, i32, i32
  }
  func.func @transform_2(%arg0: i32, %arg1: i32) -> (i32, i32) {
    %c0_i32 = arith.constant 0 : i32
    %c0_i32_0 = arith.constant 0 : i32
    return %arg1, %c0_i32 : i32, i32
  }
  func.func @transform_3(%arg0: i32, %arg1: i32) -> (i32, i32) {
    %c0_i32 = arith.constant 0 : i32
    %c0_i32_0 = arith.constant 0 : i32
    %c0_i32_1 = arith.constant 0 : i32
    return %c0_i32, %c0_i32_0 : i32, i32
  }
  func.func @transform_4(%arg0: i32, %arg1: i32) -> (i32, i32, i32) {
    %c0_i32 = arith.constant 0 : i32
    %c0_i32_0 = arith.constant 0 : i32
    return %arg0, %arg1, %c0_i32 : i32, i32, i32
  }
}

module attributes {stable_mosaic.version = 14 : i64} {
  func.func @_tc_final_body(%arg0: i32, %arg1: memref<2x128x64xf32, #tpu.memory_space<vmem>>, %arg2: memref<128x1xf32, #tpu.memory_space<vmem>>, %arg3: memref<1x128xf32, #tpu.memory_space<vmem>>, %arg4: memref<128x128xf32, #tpu.memory_space<vmem>>) attributes {dimension_semantics = [#tpu.dimension_semantics<arbitrary>], iteration_bounds = array<i64: 79>, scalar_prefetch = 0 : i64, scratch_operands = 0 : i64, tpu.core_type = #tpu.core_type<tc>, window_params = [{transform_indices = @transform_0, window_bounds = array<i64: 2, 128, 64>}, {transform_indices = @transform_1, window_bounds = array<i64: 128, 1>}, {pipeline_mode = #tpu.pipeline_mode<synchronous>, transform_indices = @transform_2, window_bounds = array<i64: 1, 128>}, {transform_indices = @transform_3, window_bounds = array<i64: 128, 128>}]} {
    %get3A = arith.constant 0 : index
    %get3A_0 = arith.constant 0 : index
    %get3A_1 = vector.load %arg2[%get3A, %get3A_0] : memref<128x1xf32, #tpu.memory_space<vmem>>, vector<128x1xf32>
    %get3A_2 = arith.constant 0 : index
    %get3A_3 = arith.constant 0 : index
    %get3A_4 = arith.constant 0 : index
    %get3A_5 = vector.load %arg1[%get3A_2, %get3A_3, %get3A_4] : memref<2x128x64xf32, #tpu.memory_space<vmem>>, vector<1x128x64xf32>
    %get3A_6 = vector.shape_cast %get3A_5 : vector<1x128x64xf32> to vector<128x64xf32>
    %mul3A = vector.broadcast %get3A_1 : vector<128x1xf32> to vector<128x64xf32>
    %mul3A_7 = arith.mulf %mul3A, %get3A_6 : vector<128x64xf32>
    %get3A_8 = arith.constant 0 : index
    %get3A_9 = arith.constant 0 : index
    %get3A_10 = vector.load %arg3[%get3A_8, %get3A_9] : memref<1x128xf32, #tpu.memory_space<vmem>>, vector<1x64xf32>
    %get3A_11 = vector.shape_cast %get3A_10 : vector<1x64xf32> to vector<64xf32>
    %broadcast_in_dim3A = vector.shape_cast %get3A_11 : vector<64xf32> to vector<1x64xf32>
    %add3A = vector.broadcast %broadcast_in_dim3A : vector<1x64xf32> to vector<128x64xf32>
    %add3A_12 = arith.addf %mul3A_7, %add3A : vector<128x64xf32>
    %swap3A = arith.constant 0 : index
    %swap3A_13 = arith.constant 0 : index
    %swap3A_14 = vector.load %arg4[%swap3A, %swap3A_13] : memref<128x128xf32, #tpu.memory_space<vmem>>, vector<128x64xf32>
    tpu.vector_store %arg4[%swap3A, %swap3A_13], %add3A_12 {strides = array<i32>} : memref<128x128xf32, #tpu.memory_space<vmem>>, vector<128x64xf32>,
    %get3A_15 = arith.constant 1 : index
    %get3A_16 = arith.constant 0 : index
    %get3A_17 = arith.constant 0 : index
    %get3A_18 = vector.load %arg1[%get3A_15, %get3A_16, %get3A_17] : memref<2x128x64xf32, #tpu.memory_space<vmem>>, vector<1x128x64xf32>
    %get3A_19 = vector.shape_cast %get3A_18 : vector<1x128x64xf32> to vector<128x64xf32>
    %mul3A_20 = vector.broadcast %get3A_1 : vector<128x1xf32> to vector<128x64xf32>
    %mul3A_21 = arith.mulf %mul3A_20, %get3A_19 : vector<128x64xf32>
    %get3A_22 = arith.constant 0 : index
    %get3A_23 = arith.constant 64 : index
    %get3A_24 = vector.load %arg3[%get3A_22, %get3A_23] : memref<1x128xf32, #tpu.memory_space<vmem>>, vector<1x64xf32>
    %get3A_25 = vector.shape_cast %get3A_24 : vector<1x64xf32> to vector<64xf32>
    %broadcast_in_dim3A_26 = vector.shape_cast %get3A_25 : vector<64xf32> to vector<1x64xf32>
    %add3A_27 = vector.broadcast %broadcast_in_dim3A_26 : vector<1x64xf32> to vector<128x64xf32>
    %add3A_28 = arith.addf %mul3A_21, %add3A_27 : vector<128x64xf32>
    %swap3A_29 = arith.constant 0 : index
    %swap3A_30 = arith.constant 64 : index
    %swap3A_31 = vector.load %arg4[%swap3A_29, %swap3A_30] : memref<128x128xf32, #tpu.memory_space<vmem>>, vector<128x64xf32>
    tpu.vector_store %arg4[%swap3A_29, %swap3A_30], %add3A_28 {strides = array<i32>} : memref<128x128xf32, #tpu.memory_space<vmem>>, vector<128x64xf32>,
    return
  }
  func.func @transform_0(%arg0: i32) -> (i32, i32, i32) {
    %c0_i32 = arith.constant 0 : i32
    %c0_i32_0 = arith.constant 0 : i32
    %c0_i32_1 = arith.constant 0 : i32
    return %c0_i32, %arg0, %c0_i32_0 : i32, i32, i32
  }
  func.func @transform_1(%arg0: i32) -> (i32, i32) {
    %c0_i32 = arith.constant 0 : i32
    %c0_i32_0 = arith.constant 0 : i32
    return %arg0, %c0_i32 : i32, i32
  }
  func.func @transform_2(%arg0: i32) -> (i32, i32) {
    %c0_i32 = arith.constant 0 : i32
    %c0_i32_0 = arith.constant 0 : i32
    %c0_i32_1 = arith.constant 0 : i32
    return %c0_i32, %c0_i32_0 : i32, i32
  }
  func.func @transform_3(%arg0: i32) -> (i32, i32) {
    %c0_i32 = arith.constant 0 : i32
    %c0_i32_0 = arith.constant 0 : i32
    return %arg0, %c0_i32 : i32, i32
  }
}

</mosaic_0001>

<sc_bundles>
// kernel: kernel.10.cloned.1.call-start
scs
__scs_entry_jumppad:
0x0: {  	(pc) =	sbr.rel $0x88, $3  }
0x1: {  	(tag) =	ssettag $0x0;
	lr =	simm.s32 $0x1  }
0x2: {  	[smem:$0x3F9B] =	sst lr;
	_ =	strace $0xD0000000  }
0x3: {  	_ = 	snop  }
0x4: {  	_ = 	snop  }
0x5: {  	_ = 	snop  }
0x6: {  	_ = 	snop  }
0x7: {  	_ = 	snop  }
__scs_overlays_trampoline_lowered:
0x8: {  	[smem:$0x3FAA] =	sst s0  }
0x9: {  	[smem:$0x3FAB] =	sst s1  }
0xa: {  	[smem:$0x3FAC] =	sst s2  }
0xb: {  	[smem:$0x3FAD] =	sst s3  }
0xc: {  	[smem:$0x3FAE] =	sst s4  }
0xd: {  	[smem:$0x3FAF] =	sst s5  }
0xe: {  	[smem:$0x3FB0] =	sst s6  }
0xf: {  	[smem:$0x3FB1] =	sst s7  }
0x10: {  	[smem:$0x3FB2] =	sst s8  }
0x11: {  	[smem:$0x3FB3] =	sst s9;
	s0 =	simm.s32 @!p0 $0x0  }
0x12: {  	s1 =	sld [smem:$0x3F99];
	s0 =	simm.s32 @p0 $0x1  }
0x13: {  	[smem:$0x3FB4] =	sst s0;
	s0 =	simm.s32 @!p1 $0x0  }
0x14: {  	s2 =	sld [smem:$0x3F98];
	s0 =	simm.s32 @p1 $0x1  }
0x15: {  	[smem:$0x3FB5] =	sst s0;
	s0 =	simm.s32 @!p2 $0x0  }
0x16: {  	s3 =	sld [smem:$0x3FDB];
	s0 =	simm.s32 @p2 $0x1  }
0x17: {  	s4 =	simm.s32 $0x1BF5;
	[smem:$0x3FB7] =	sst s0  }
0x18: {  	s0 =	sld [smem:$0x3F9A];
	_ =	swait.ge [sflag:s4], $0x0  }
0x19: {  	s7 =	sld [smem:$0x3F9B]  }
0x1a: {  	s8 =	sadd.s32 $0xFFFFE003, lr  }
0x1b: {  	s9 =	sadd.s32 $0xFFFFFEF7, lr;
	s5 =	simm.s32 $0xFFFFFFFF;
	p2 =	slt.u32 s8, $0xFFFFF086  }
0x1c: {  	p1 =	slt.u32 s9, $0xF7A;
	s5 =	simm.s32 @!p2 $0x0  }
0x1d: {  	s5 =	simm.s32 @p1 $0x1;
	p0 =	seq.s32 s7, s2  }
0x1e: {  	s7 =	smul.u32 @!p0 $0xF7A, s2;
	p2 =	seq.s32 @!p0 s5, $0x0  }
0x1f: {  	s9 =	smul.u32 $0xF7A, s1;
	s8 =	simm.s32 @!p0 $0x1BF5;
	p2 =	por !p2, p0  }
0x20: {  	[sflag:s8] =	ssyncset.s32 @!p0 $0xFFFFF086;
	s6 =	sadd.s32 @!p0 s3, s7;
	s7 =	simm.s32 @!p0 $0x108  }
0x21: {  	s3 =	sadd.s32 s3, s9;
	s6 =	sadd.s32 @!p0 $0x88, s6;
	s7 =	simm.s32 @p2 $0x1082  }
0x22: {  	[simem:s7], [sflag:s8] =	dma.local @!p0 [hbm:s6], $0xF7A  }
0x23: {  	s9 =	sor.u32 $0xD0000000, s2;
	s6 =	simm.s32 $0x108;
	_ =	swait.ge @!p0 [sflag:s8], $0x0  }
0x24: {  	s3 =	sadd.s32 $0x88, s3;
	s6 =	simm.s32 @!p1 $0x1082;
	[sflag:s4] =	ssyncset.s32 $0xFFFFF086  }
0x25: {  	[simem:s6], [sflag:s4] =	dma.local [hbm:s3], $0xF7A  }
0x26: {  	[smem:$0x3F9B] =	sst s1;
	(tag) =	ssettag s2;
	_ =	strace s9  }
0x27: {  	s1 =	sld [smem:$0x3FAB]  }
0x28: {  	s2 =	sld [smem:$0x3FAC]  }
0x29: {  	s4 =	sld [smem:$0x3FAE]  }
0x2a: {  	p0 =	seq.s32 s5, $0x0;
	s5 =	sld [smem:$0x3FAF]  }
0x2b: {  	s6 =	sld [smem:$0x3FB0]  }
0x2c: {  	s7 =	sld [smem:$0x3FB1]  }
0x2d: {  	s3 =	simm.s32 $0x108;
	s8 =	sld [smem:$0x3FB2]  }
0x2e: {  	s3 =	simm.s32 @!p0 $0x1082;
	s9 =	sld [smem:$0x3FB3]  }
0x2f: {  	lr =	sadd.s32 s0, s3;
	s0 =	sld [smem:$0x3FAA]  }
0x30: {  	s3 =	sld [smem:$0x3FAD]  }
0x31: {  	[smem:$0x3FB6] =	sst s10  }
0x32: {  	s10 =	sld [smem:$0x3FB4];
	_ =	sdelay $0x3  }
0x33: {  	p0 =	seq.s32 s10, $0x1;
	s10 =	sld [smem:$0x3FB6];
	_ =	sdelay $0x3  }
0x34: {  	[smem:$0x3FB6] =	sst s10  }
0x35: {  	s10 =	sld [smem:$0x3FB5];
	_ =	sdelay $0x3  }
0x36: {  	p1 =	seq.s32 s10, $0x1;
	s10 =	sld [smem:$0x3FB6];
	_ =	sdelay $0x3  }
0x37: {  	[smem:$0x3FB6] =	sst s10  }
0x38: {  	s10 =	sld [smem:$0x3FB7]  }
0x39: {  	_ = 	snop;
	(pc) =	sbr.ind lr, $3  }
0x3a: {  	_ = 	snop  }
0x3b: {  	_ = 	snop  }
0x3c: {  	p2 =	seq.s32 s10, $0x1;
	s10 =	sld [smem:$0x3FB6]  }
0x3d: {  	_ =	shalt  }
0x3e: {  	_ =	shalt  }
0x3f: {  	_ =	shalt  }
0x40: {  	_ =	shalt  }
0x41: {  	_ =	shalt  }
0x42: {  	_ =	shalt  }
0x43: {  	_ =	shalt  }
0x44: {  	_ =	shalt  }
0x45: {  	_ =	shalt  }
0x46: {  	_ =	shalt  }
0x47: {  	_ =	shalt  }
0x48: {  	_ =	shalt  }
0x49: {  	_ =	shalt  }
0x4a: {  	_ =	shalt  }
0x4b: {  	_ =	shalt  }
0x4c: {  	_ =	shalt  }
0x4d: {  	_ =	shalt  }
0x4e: {  	_ =	shalt  }
0x4f: {  	_ =	shalt  }
0x50: {  	_ =	shalt  }
0x51: {  	_ =	shalt  }
0x52: {  	_ =	shalt  }
0x53: {  	_ =	shalt  }
0x54: {  	_ =	shalt  }
0x55: {  	_ =	shalt  }
0x56: {  	_ =	shalt  }
0x57: {  	_ =	shalt  }
0x58: {  	_ =	shalt  }
0x59: {  	_ =	shalt  }
0x5a: {  	_ =	shalt  }
0x5b: {  	_ =	shalt  }
0x5c: {  	_ =	shalt  }
0x5d: {  	_ =	shalt  }
0x5e: {  	_ =	shalt  }
0x5f: {  	_ =	shalt  }
0x60: {  	_ =	shalt  }
0x61: {  	_ =	shalt  }
0x62: {  	_ =	shalt  }
0x63: {  	_ =	shalt  }
0x64: {  	_ =	shalt  }
0x65: {  	_ =	shalt  }
0x66: {  	_ =	shalt  }
0x67: {  	_ =	shalt  }
0x68: {  	_ =	shalt  }
0x69: {  	_ =	shalt  }
0x6a: {  	_ =	shalt  }
0x6b: {  	_ =	shalt  }
0x6c: {  	_ =	shalt  }
0x6d: {  	_ =	shalt  }
0x6e: {  	_ =	shalt  }
0x6f: {  	_ =	shalt  }
0x70: {  	_ =	shalt  }
0x71: {  	_ =	shalt  }
0x72: {  	_ =	shalt  }
0x73: {  	_ =	shalt  }
0x74: {  	_ =	shalt  }
0x75: {  	_ =	shalt  }
0x76: {  	_ =	shalt  }
0x77: {  	_ =	shalt  }
0x78: {  	_ =	shalt  }
0x79: {  	_ =	shalt  }
0x7a: {  	_ =	shalt  }
0x7b: {  	_ =	shalt  }
0x7c: {  	_ =	shalt  }
0x7d: {  	_ =	shalt  }
0x7e: {  	_ =	shalt  }
0x7f: {  	_ =	shalt  }
0x80: {  	_ =	shalt  }
0x81: {  	_ =	shalt  }
0x82: {  	_ =	shalt  }
0x83: {  	_ =	shalt  }
0x84: {  	_ =	shalt  }
0x85: {  	_ =	shalt  }
0x86: {  	_ =	shalt  }
0x87: {  	_ =	shalt  }
.Lfunc_end0:
.L_simem_size_0:
called_computation_lowered:
.L_overlay_start_0:
0x88: {  	s2 =	sld [smem:$0x3FD9]  }
0x89: {  	s3 =	sld [smem:$0x3FFE];
	_ =	sdelay $0x1  }
0x8a: {  	s1 =	srdreg.scid  }
0x8b: {  	s0 =	sand.u32 $0x1, s1  }
0x8c: {  	s17 =	sshll.u32 s0, $0xA;
	s2 =	sadd.s32 s3, s2  }
0x8d: {  	s2 =	sadd.s32 s2, s17  }
0x8e: {  	[smem:$0x3FC2] =	sst s2  }
0x8f: {  	_ = 	snop  }
0x90: {  	s2 =	sld [smem:$0x3FD0];
	(tm) =	ssettm $0x1  }
0x91: {  	s18 =	sld [smem:$0x3FFB];
	_ =	sdelay $0x3  }
0x92: {  	_ =	strace s18  }
0x93: {  	s3 =	sld [smem:$0x3FFC];
	_ =	sdelay $0x3  }
0x94: {  	_ =	strace s3  }
0x95: {  	s3 =	sld [smem:$0x3FFD];
	_ =	sdelay $0x3  }
0x96: {  	_ =	strace s3  }
0x97: {  	_ =	strace $0x8FFFFFFF  }
0x98: {  	s19 =	sld [smem:$0x3FDB];
	_ =	sdelay $0x1  }
0x99: {  	s4 =	simm.s32 $_scs_section_size  }
0x9a: {  	s5 =	simm.s32 $_size__tile_overlayer_lowered;
	s6 =	simm.s32 $_tile_overlayer_lowered  }
0x9b: {  	s22 =	simm.s32 $0x1BFF;
	s21 =	sshll.u32 s6, $0x1;
	s3 =	sadd.s32 s4, s19  }
0x9c: {  	s7 =	simm.s32 $0x0;
	s20 =	sshll.u32 s5, $0x1;
	s5 =	sadd.s32 s21, s3  }
0x9d: {  	[timem:s7], [sflag:s22] =	dma.local [hbm:s5], s20  }
0x9e: {  	_ =	swait.ge [sflag:s22], s20  }
0x9f: {  	s4 =	ssub.s32 $0x0, s20;
	[sflag:s22] =	ssyncset.done $0x0  }
0xa0: {  	[sflag:s22] =	ssyncadd.s32 s4;
	_ =	sdelay $0x1  }
0xa1: {  	s23 =	simm.s32 $0x1B8B  }
0xa2: {  	_ =	swait.ge [sflag:s23], $0x1  }
0xa3: {  	[sflag:s23] =	ssyncset.done $0x0  }
0xa4: {  	s25 =	simm.s32 $0x1B8E;
	s24 =	sld [smem:$0x3FFE];
	[sflag:s23] =	ssyncadd.s32 $0xFFFFFFFF  }
0xa5: {  	s26 =	simm.s32 $execute0_lowered;
	[smem:$0x3FD2] =	sst s25  }
0xa6: {  	s5 =	sshll.u32 s26, $0x1;
	_ =	strace $0x80000046;
	[dreg:$0x1] =	wrdreg $0xFFFFFFFF  }
0xa7: {  	s28 =	simm.s32 $_size_execute0_lowered;
	s3 =	sadd.s32 s3, s5;
	[dreg:$0x0] =	wrdreg $0x0  }
0xa8: {  	s5 =	sshll.u32 s28, $0x1;
	[dreg:$0x2] =	wrdreg s3  }
0xa9: {  	[dreg:$0x3] =	wrdreg s5  }
0xaa: {  	[dreg:$0x4] =	wrdreg $0xC0  }
0xab: {  	_ =	task [dreg:s7], $0x5FFFF  }
0xac: {  	[dreg:$0x1] =	wrdreg $0xFFFFFFFF  }
0xad: {  	[dreg:$0x0] =	wrdreg $0x60  }
0xae: {  	[dreg:$0x2] =	wrdreg s24  }
0xaf: {  	[dreg:$0x3] =	wrdreg s2  }
0xb0: {  	[dreg:$0x4] =	wrdreg $0x9  }
0xb1: {  	_ =	task.clear_ibuf [dreg:s7], $0x5FFFF;
	_ =	strace $0x90000046  }
0xb2: {  	s29 =	simm.s32 $0x9;
	_ =	strace $0x80000048  }
0xb3: {  	_ =	swait.ge [sflag:s29], $0x1  }
0xb4: {  	[sflag:s29] =	ssyncadd.s32 $0xFFFFFFFF  }
0xb5: {  	_ =	strace $0x90000048  }
0xb6: {  	_ =	sfence  }
0xb7: {  	s30 =	sld [smem:$0x0];
	_ =	sdelay $0x2  }
0xb8: {  	s31 =	sshll.u32 s1, $0xD;
	s1 =	sshrl.u32 s1, $0x2  }
0xb9: {  	s3 =	sand.u32 $0x4000, s31;
	s1 =	sadd.s32 s1, s30  }
0xba: {  	s0 =	sor.u32 s3, s0;
	s1 =	sshll.u32 s1, $0x11  }
0xbb: {  	s0 =	sor.u32 s1, s0  }
0xbc: {  	s0 =	sadd.s32 $0x8F2B, s0  }
0xbd: {  	[sflag:s0] =	ssyncadd.remote.s32 $0x1  }
0xbe: {  	_ =	sfence.sel $0xFFFF  }
0xbf: {  	[dreg:$0x0] =	wrdreg $0xFFFFFFFF;
	(pc) =	sbr.abs _section_cstart, $3  }
0xc0: {  	[dreg:$0x1] =	wrdreg $0xFFFFFFFF  }
0xc1: {  	_ =	task.clear_ibuf [dreg:s7], $0x2FFFF;
	_ =	strace $0x9FFFFFFF  }
0xc2: {  	(tm) =	ssettm $0x7FFFFFFF  }
0xc3: {  	_ =	shalt  }
tec
execute0_lowered:
.L_overlay_start_1:
0x0: {  	(tag) =	ssettag $0x1  }
0x1: {  	s1 =	srdreg.scid;
	s3 =	rddreg [dreg:$0x0]  }
0x2: {  	s0 =	stileid.u32;
	s5 =	rddreg [dreg:$0x1]  }
0x3: {  	s2 =	simm.s32 $0x0;
	s4 =	sand.u32 $0x1, s1;
	s31 =	sshll.u32 s0, $0x1  }
0x4: {  	s10 =	simm.s32 $0x4E80;
	s11 =	simm.s32 $0x7600;
	s6 =	sor.u32 s4, s31  }
0x5: {  	s12 =	simm.s32 $0x0;
	s4 =	ssub.s32 $0x2, s4;
	s7 =	smul.u32 $0x4E8, s6  }
0x6: {  	[smem:$0x7FF] =	sst s2;
	s6 =	smul.u32 $0x4F0, s6;
	s8 =	sshrl.u32 s4, $0x1  }
0x7: {  	s1 =	rddreg [dreg:$0x2];
	_ =	strace $0x80000047;
	s8 =	ssub.s32 s4, s8  }
0x8: {  	s7 =	sadd.s32 s7, s3;
	s9 =	sadd.s32 s6, s3;
	s5 =	sadd.s32 s5, s6  }
0x9: {  	s3 =	sadd.s32 $0xBE00, s7;
	s4 =	sadd.s32 $0x2000, s7;
	s6 =	sadd.s32 $0x15C00, s9  }
0xa: {  	v0 =	vimm.s32 $0x0;
	v1 =	vimm.s32 $0x1;
	s7 =	smax.u32 s8, $0x1;
	s8 =	simm.s32 $0x1;
	s9 =	simm.s32 $0x2740  }
.LBB2_1:
0xb: {  	[tilespmem:s2], [sflag:$0x1] =	stream.linear.gather [hbm4b:s3+s2], $0x2740, $0x38;
	[tilespmem:$0x9D80] =	vst v63  }
0xc: {  	_ =	swait.ge [sflag:s8], $0x2740  }
0xd: {  	[sflag:s8] =	ssyncset.done $0x0  }
0xe: {  	[sflag:s8] =	ssyncadd.s32 $0xFFFFD8C0  }
0xf: {  	[tilespmem:s9], [sflag:$0x1] =	stream.linear.gather [hbm4b:s4+s2], $0x2740, $0x38;
	[tilespmem:$0x9D80] =	vst v63  }
0x10: {  	_ =	swait.ge [sflag:s8], $0x2740  }
0x11: {  	[sflag:s8] =	ssyncset.done $0x0  }
0x12: {  	s13 =	simm.s32 $0x0;
	[sflag:s8] =	ssyncadd.s32 $0xFFFFD8C0  }
.LBB2_2:
0x13: {  	p0 =	sne.s32 s13, $0x9DC0  }
.Ltmp0:
0x14: {  	_ = 	snop;
	(pc) =	sbr.rel @p0 .LBB2_2-.Ltmp0, $4  }
0x15: {  	_ = 	snop  }
0x16: {  	s14 =	sshra.s32 s13, $0x2  }
0x17: {  	[tilespmem:s14+$0x4E80] =	vst v0  }
0x18: {  	s13 =	sadd.s32 $0x40, s13;
	[tilespmem:s14+$0x7600] =	vst v0  }
0x19: {  	s14 =	simm.s32 $0x0;
	s13 =	simm.s32 $0x40  }
.LBB2_4:
0x1a: {  	p0 =	sne.s32 s13, $0x9CC0;
	v2 =	vld [tilespmem:s14+$0x0];
	_ =	sdelay $0x7  }
0x1b: {  	[tilespmem:v2+s10+$0x0] =	vst.idx.add.s32.msk $0xffff, v1  }
0x1c: {  	v2 =	vld [tilespmem:s14+$0x2740];
	_ =	sdelay $0x3  }
.Ltmp1:
0x1d: {  	(pc) =	sbr.rel @p0 .LBB2_4-.Ltmp1, $2  }
0x1e: {  	_ =	sdelay $0x2  }
0x1f: {  	s14 =	sshra.s32 s13, $0x2;
	s13 =	sadd.s32 $0x40, s13;
	[tilespmem:v2+s11+$0x0] =	vst.idx.add.s32.msk $0xffff, v1  }
0x20: {  	v2 =	vld [tilespmem:s14+$0x0];
	_ =	sdelay $0x7  }
0x21: {  	[tilespmem:v2+s10+$0x0] =	vst.idx.add.s32.msk $0xffff, v1  }
0x22: {  	v2 =	vld [tilespmem:s14+$0x2740];
	_ =	sdelay $0x7  }
0x23: {  	[tilespmem:v2+s11+$0x0] =	vst.idx.add.s32.msk $0xffff, v1  }
0x24: {  	[hbm4b:s5+s2] =	stream.linear.scatter [tilespmem:s10], [sflag:$0x1], $0x2780, $0x38;
	[tilespmem:$0x9D80] =	vst v63  }
0x25: {  	s12 =	sadd.s32 $0x1, s12;
	_ =	swait.ge [sflag:s8], $0x2780  }
0x26: {  	p0 =	sne.s32 s12, s7;
	[sflag:s8] =	ssyncset.done $0x0  }
.Ltmp2:
0x27: {  	[sflag:s8] =	ssyncadd.s32 $0xFFFFD880;
	(pc) =	sbr.rel @p0 .LBB2_1-.Ltmp2, $4  }
0x28: {  	[hbm4b:s6+s2] =	stream.linear.scatter [tilespmem:s11], [sflag:$0x1], $0x2780, $0x38;
	[tilespmem:$0x9D80] =	vst v63  }
0x29: {  	_ =	swait.ge [sflag:s8], $0x2780  }
0x2a: {  	[sflag:s8] =	ssyncset.done $0x0  }
0x2b: {  	[sflag:s8] =	ssyncadd.s32 $0xFFFFD880  }
0x2c: {  	_ =	sfence.sel $0x180000  }
0x2d: {  	[bflag:$0x0] =	sbarrier.arrive $0xFFFF  }
0x2e: {  	p0 =	sne.s32 s0, $0x0;
	_ =	strace $0x90000047  }
0x2f: {  	s0 =	sadd.s32 @!p0 $0x100000, s1;
	[bflag:$0x2] =	sbarrier.arrive $0xFFFF  }
0x30: {  	[sflag:s0] =	ssyncadd.tile.s32 @!p0 $0x1;
	_ =	shalt  }
.Lfunc_end2:
_tile_overlayer_lowered:
.L_overlay_start_2:
0x31: {  	(tag) =	ssettag $0x2  }
0x32: {  	s0 =	rddreg [dreg:$0x0];
	s2 =	stileid.u32  }
0x33: {  	s1 =	rddreg [dreg:$0x1];
	p0 =	sne.s32 s2, $0x0  }
0x34: {  	s3 =	rddreg [dreg:$0x2];
	[bflag:$0x3] =	sbarrier.arrive $0xFFFF;
	s2 =	simm.s32 @!p0 $0x1C01  }
0x35: {  	[timem:s3], [sflag:s2] =	dma.local @!p0 [hbm:s0], s1  }
0x36: {  	s0 =	simm.s32 @!p0 $0x1  }
0x37: {  	_ =	swait.ge @!p0 [sflag:s0], s1  }
0x38: {  	s1 =	ssub.s32 @!p0 $0x0, s1;
	[sflag:s0] =	ssyncset.done @!p0 $0x0  }
0x39: {  	[sflag:s0] =	ssyncadd.s32 @!p0 s1  }
0x3a: {  	[bflag:$0x3] =	sbarrier.arrive $0xFFFF  }
0x3b: {  	_ =	shalt  }

// kernel: kernel.13.cloned.1.call-start
scs
__scs_entry_jumppad:
0x0: {  	(pc) =	sbr.rel $0x88, $3  }
0x1: {  	(tag) =	ssettag $0x0;
	lr =	simm.s32 $0x1  }
0x2: {  	[smem:$0x3F9B] =	sst lr;
	_ =	strace $0xD0000000  }
0x3: {  	_ = 	snop  }
0x4: {  	_ = 	snop  }
0x5: {  	_ = 	snop  }
0x6: {  	_ = 	snop  }
0x7: {  	_ = 	snop  }
__scs_overlays_trampoline_lowered:
0x8: {  	[smem:$0x3FAA] =	sst s0  }
0x9: {  	[smem:$0x3FAB] =	sst s1  }
0xa: {  	[smem:$0x3FAC] =	sst s2  }
0xb: {  	[smem:$0x3FAD] =	sst s3  }
0xc: {  	[smem:$0x3FAE] =	sst s4  }
0xd: {  	[smem:$0x3FAF] =	sst s5  }
0xe: {  	[smem:$0x3FB0] =	sst s6  }
0xf: {  	[smem:$0x3FB1] =	sst s7  }
0x10: {  	[smem:$0x3FB2] =	sst s8  }
0x11: {  	[smem:$0x3FB3] =	sst s9;
	s0 =	simm.s32 @!p0 $0x0  }
0x12: {  	s1 =	sld [smem:$0x3F99];
	s0 =	simm.s32 @p0 $0x1  }
0x13: {  	[smem:$0x3FB4] =	sst s0;
	s0 =	simm.s32 @!p1 $0x0  }
0x14: {  	s2 =	sld [smem:$0x3F98];
	s0 =	simm.s32 @p1 $0x1  }
0x15: {  	[smem:$0x3FB5] =	sst s0;
	s0 =	simm.s32 @!p2 $0x0  }
0x16: {  	s3 =	sld [smem:$0x3FDB];
	s0 =	simm.s32 @p2 $0x1  }
0x17: {  	s4 =	simm.s32 $0x1BF5;
	[smem:$0x3FB7] =	sst s0  }
0x18: {  	s0 =	sld [smem:$0x3F9A];
	_ =	swait.ge [sflag:s4], $0x0  }
0x19: {  	s7 =	sld [smem:$0x3F9B]  }
0x1a: {  	s8 =	sadd.s32 $0xFFFFE003, lr  }
0x1b: {  	s9 =	sadd.s32 $0xFFFFFEF7, lr;
	s5 =	simm.s32 $0xFFFFFFFF;
	p2 =	slt.u32 s8, $0xFFFFF086  }
0x1c: {  	p1 =	slt.u32 s9, $0xF7A;
	s5 =	simm.s32 @!p2 $0x0  }
0x1d: {  	s5 =	simm.s32 @p1 $0x1;
	p0 =	seq.s32 s7, s2  }
0x1e: {  	s7 =	smul.u32 @!p0 $0xF7A, s2;
	p2 =	seq.s32 @!p0 s5, $0x0  }
0x1f: {  	s9 =	smul.u32 $0xF7A, s1;
	s8 =	simm.s32 @!p0 $0x1BF5;
	p2 =	por !p2, p0  }
0x20: {  	[sflag:s8] =	ssyncset.s32 @!p0 $0xFFFFF086;
	s6 =	sadd.s32 @!p0 s3, s7;
	s7 =	simm.s32 @!p0 $0x108  }
0x21: {  	s3 =	sadd.s32 s3, s9;
	s6 =	sadd.s32 @!p0 $0x88, s6;
	s7 =	simm.s32 @p2 $0x1082  }
0x22: {  	[simem:s7], [sflag:s8] =	dma.local @!p0 [hbm:s6], $0xF7A  }
0x23: {  	s9 =	sor.u32 $0xD0000000, s2;
	s6 =	simm.s32 $0x108;
	_ =	swait.ge @!p0 [sflag:s8], $0x0  }
0x24: {  	s3 =	sadd.s32 $0x88, s3;
	s6 =	simm.s32 @!p1 $0x1082;
	[sflag:s4] =	ssyncset.s32 $0xFFFFF086  }
0x25: {  	[simem:s6], [sflag:s4] =	dma.local [hbm:s3], $0xF7A  }
0x26: {  	[smem:$0x3F9B] =	sst s1;
	(tag) =	ssettag s2;
	_ =	strace s9  }
0x27: {  	s1 =	sld [smem:$0x3FAB]  }
0x28: {  	s2 =	sld [smem:$0x3FAC]  }
0x29: {  	s4 =	sld [smem:$0x3FAE]  }
0x2a: {  	p0 =	seq.s32 s5, $0x0;
	s5 =	sld [smem:$0x3FAF]  }
0x2b: {  	s6 =	sld [smem:$0x3FB0]  }
0x2c: {  	s7 =	sld [smem:$0x3FB1]  }
0x2d: {  	s3 =	simm.s32 $0x108;
	s8 =	sld [smem:$0x3FB2]  }
0x2e: {  	s3 =	simm.s32 @!p0 $0x1082;
	s9 =	sld [smem:$0x3FB3]  }
0x2f: {  	lr =	sadd.s32 s0, s3;
	s0 =	sld [smem:$0x3FAA]  }
0x30: {  	s3 =	sld [smem:$0x3FAD]  }
0x31: {  	[smem:$0x3FB6] =	sst s10  }
0x32: {  	s10 =	sld [smem:$0x3FB4];
	_ =	sdelay $0x3  }
0x33: {  	p0 =	seq.s32 s10, $0x1;
	s10 =	sld [smem:$0x3FB6];
	_ =	sdelay $0x3  }
0x34: {  	[smem:$0x3FB6] =	sst s10  }
0x35: {  	s10 =	sld [smem:$0x3FB5];
	_ =	sdelay $0x3  }
0x36: {  	p1 =	seq.s32 s10, $0x1;
	s10 =	sld [smem:$0x3FB6];
	_ =	sdelay $0x3  }
0x37: {  	[smem:$0x3FB6] =	sst s10  }
0x38: {  	s10 =	sld [smem:$0x3FB7]  }
0x39: {  	_ = 	snop;
	(pc) =	sbr.ind lr, $3  }
0x3a: {  	_ = 	snop  }
0x3b: {  	_ = 	snop  }
0x3c: {  	p2 =	seq.s32 s10, $0x1;
	s10 =	sld [smem:$0x3FB6]  }
0x3d: {  	_ =	shalt  }
0x3e: {  	_ =	shalt  }
0x3f: {  	_ =	shalt  }
0x40: {  	_ =	shalt  }
0x41: {  	_ =	shalt  }
0x42: {  	_ =	shalt  }
0x43: {  	_ =	shalt  }
0x44: {  	_ =	shalt  }
0x45: {  	_ =	shalt  }
0x46: {  	_ =	shalt  }
0x47: {  	_ =	shalt  }
0x48: {  	_ =	shalt  }
0x49: {  	_ =	shalt  }
0x4a: {  	_ =	shalt  }
0x4b: {  	_ =	shalt  }
0x4c: {  	_ =	shalt  }
0x4d: {  	_ =	shalt  }
0x4e: {  	_ =	shalt  }
0x4f: {  	_ =	shalt  }
0x50: {  	_ =	shalt  }
0x51: {  	_ =	shalt  }
0x52: {  	_ =	shalt  }
0x53: {  	_ =	shalt  }
0x54: {  	_ =	shalt  }
0x55: {  	_ =	shalt  }
0x56: {  	_ =	shalt  }
0x57: {  	_ =	shalt  }
0x58: {  	_ =	shalt  }
0x59: {  	_ =	shalt  }
0x5a: {  	_ =	shalt  }
0x5b: {  	_ =	shalt  }
0x5c: {  	_ =	shalt  }
0x5d: {  	_ =	shalt  }
0x5e: {  	_ =	shalt  }
0x5f: {  	_ =	shalt  }
0x60: {  	_ =	shalt  }
0x61: {  	_ =	shalt  }
0x62: {  	_ =	shalt  }
0x63: {  	_ =	shalt  }
0x64: {  	_ =	shalt  }
0x65: {  	_ =	shalt  }
0x66: {  	_ =	shalt  }
0x67: {  	_ =	shalt  }
0x68: {  	_ =	shalt  }
0x69: {  	_ =	shalt  }
0x6a: {  	_ =	shalt  }
0x6b: {  	_ =	shalt  }
0x6c: {  	_ =	shalt  }
0x6d: {  	_ =	shalt  }
0x6e: {  	_ =	shalt  }
0x6f: {  	_ =	shalt  }
0x70: {  	_ =	shalt  }
0x71: {  	_ =	shalt  }
0x72: {  	_ =	shalt  }
0x73: {  	_ =	shalt  }
0x74: {  	_ =	shalt  }
0x75: {  	_ =	shalt  }
0x76: {  	_ =	shalt  }
0x77: {  	_ =	shalt  }
0x78: {  	_ =	shalt  }
0x79: {  	_ =	shalt  }
0x7a: {  	_ =	shalt  }
0x7b: {  	_ =	shalt  }
0x7c: {  	_ =	shalt  }
0x7d: {  	_ =	shalt  }
0x7e: {  	_ =	shalt  }
0x7f: {  	_ =	shalt  }
0x80: {  	_ =	shalt  }
0x81: {  	_ =	shalt  }
0x82: {  	_ =	shalt  }
0x83: {  	_ =	shalt  }
0x84: {  	_ =	shalt  }
0x85: {  	_ =	shalt  }
0x86: {  	_ =	shalt  }
0x87: {  	_ =	shalt  }
.Lfunc_end0:
.L_simem_size_0:
called_computation.1_lowered:
.L_overlay_start_0:
0x88: {  	s2 =	sld [smem:$0x3FD9]  }
0x89: {  	s3 =	sld [smem:$0x3FFE];
	_ =	sdelay $0x1  }
0x8a: {  	s1 =	srdreg.scid  }
0x8b: {  	s0 =	sand.u32 $0x1, s1  }
0x8c: {  	s17 =	sshll.u32 s0, $0xA;
	s2 =	sadd.s32 s3, s2  }
0x8d: {  	s2 =	sadd.s32 s2, s17  }
0x8e: {  	[smem:$0x3FC2] =	sst s2  }
0x8f: {  	_ = 	snop  }
0x90: {  	s2 =	sld [smem:$0x3FD0];
	(tm) =	ssettm $0x1  }
0x91: {  	s18 =	sld [smem:$0x3FFB];
	_ =	sdelay $0x3  }
0x92: {  	_ =	strace s18  }
0x93: {  	s3 =	sld [smem:$0x3FFC];
	_ =	sdelay $0x3  }
0x94: {  	_ =	strace s3  }
0x95: {  	s3 =	sld [smem:$0x3FFD];
	_ =	sdelay $0x3  }
0x96: {  	_ =	strace s3  }
0x97: {  	_ =	strace $0x8FFFFFFF  }
0x98: {  	s19 =	sld [smem:$0x3FDB];
	_ =	sdelay $0x1  }
0x99: {  	s4 =	simm.s32 $_scs_section_size  }
0x9a: {  	s5 =	simm.s32 $_size__tile_overlayer_lowered;
	s6 =	simm.s32 $_tile_overlayer_lowered  }
0x9b: {  	s22 =	simm.s32 $0x1BFF;
	s21 =	sshll.u32 s6, $0x1;
	s3 =	sadd.s32 s4, s19  }
0x9c: {  	s7 =	simm.s32 $0x0;
	s20 =	sshll.u32 s5, $0x1;
	s5 =	sadd.s32 s21, s3  }
0x9d: {  	[timem:s7], [sflag:s22] =	dma.local [hbm:s5], s20  }
0x9e: {  	_ =	swait.ge [sflag:s22], s20  }
0x9f: {  	s4 =	ssub.s32 $0x0, s20;
	[sflag:s22] =	ssyncset.done $0x0  }
0xa0: {  	[sflag:s22] =	ssyncadd.s32 s4;
	_ =	sdelay $0x1  }
0xa1: {  	s23 =	simm.s32 $0x1B8B  }
0xa2: {  	_ =	swait.ge [sflag:s23], $0x1  }
0xa3: {  	[sflag:s23] =	ssyncset.done $0x0  }
0xa4: {  	s25 =	simm.s32 $0x1B8E;
	s24 =	sld [smem:$0x3FFE];
	[sflag:s23] =	ssyncadd.s32 $0xFFFFFFFF  }
0xa5: {  	s26 =	simm.s32 $execute0_lowered;
	[smem:$0x3FD2] =	sst s25  }
0xa6: {  	s5 =	sshll.u32 s26, $0x1;
	_ =	strace $0x80000049;
	[dreg:$0x1] =	wrdreg $0xFFFFFFFF  }
0xa7: {  	s28 =	simm.s32 $_size_execute0_lowered;
	s3 =	sadd.s32 s3, s5;
	[dreg:$0x0] =	wrdreg $0x0  }
0xa8: {  	s5 =	sshll.u32 s28, $0x1;
	[dreg:$0x2] =	wrdreg s3  }
0xa9: {  	[dreg:$0x3] =	wrdreg s5  }
0xaa: {  	[dreg:$0x4] =	wrdreg $0xC0  }
0xab: {  	_ =	task [dreg:s7], $0x5FFFF  }
0xac: {  	[dreg:$0x1] =	wrdreg $0xFFFFFFFF  }
0xad: {  	[dreg:$0x0] =	wrdreg $0x60  }
0xae: {  	[dreg:$0x2] =	wrdreg s24  }
0xaf: {  	[dreg:$0x3] =	wrdreg s2  }
0xb0: {  	[dreg:$0x4] =	wrdreg $0x40C00  }
0xb1: {  	[dreg:$0x5] =	wrdreg $0x9  }
0xb2: {  	_ =	task.clear_ibuf [dreg:s7], $0x6FFFF;
	_ =	strace $0x90000049  }
0xb3: {  	s29 =	simm.s32 $0x9;
	_ =	strace $0x8000004B  }
0xb4: {  	_ =	swait.ge [sflag:s29], $0x1  }
0xb5: {  	[sflag:s29] =	ssyncadd.s32 $0xFFFFFFFF  }
0xb6: {  	_ =	strace $0x9000004B  }
0xb7: {  	_ =	sfence  }
0xb8: {  	s30 =	sld [smem:$0x0];
	_ =	sdelay $0x2  }
0xb9: {  	s31 =	sshll.u32 s1, $0xD;
	s1 =	sshrl.u32 s1, $0x2  }
0xba: {  	s3 =	sand.u32 $0x4000, s31;
	s1 =	sadd.s32 s1, s30  }
0xbb: {  	s0 =	sor.u32 s3, s0;
	s1 =	sshll.u32 s1, $0x11  }
0xbc: {  	s0 =	sor.u32 s1, s0  }
0xbd: {  	s0 =	sadd.s32 $0x8F2B, s0  }
0xbe: {  	[sflag:s0] =	ssyncadd.remote.s32 $0x1  }
0xbf: {  	_ =	sfence.sel $0xFFFF  }
0xc0: {  	[dreg:$0x0] =	wrdreg $0xFFFFFFFF;
	(pc) =	sbr.abs _section_cstart, $3  }
0xc1: {  	[dreg:$0x1] =	wrdreg $0xFFFFFFFF  }
0xc2: {  	_ =	task.clear_ibuf [dreg:s7], $0x2FFFF;
	_ =	strace $0x9FFFFFFF  }
0xc3: {  	(tm) =	ssettm $0x7FFFFFFF  }
tec
execute0_lowered:
.L_overlay_start_1:
0x0: {  	(tag) =	ssettag $0x1  }
0x1: {  	s0 =	rddreg [dreg:$0x0]  }
0x2: {  	s1 =	rddreg [dreg:$0x1]  }
0x3: {  	s2 =	rddreg [dreg:$0x2];
	s3 =	srdreg.scid  }
0x4: {  	s6 =	stileid.u32;
	s28 =	simm.s32 $0x1;
	s29 =	simm.s32 $0x2080  }
0x5: {  	s30 =	simm.s32 $0x80;
	s31 =	simm.s32 $0x0;
	s5 =	smul.u32 $0x278, s6  }
0x6: {  	s3 =	sand.u32 $0x1, s3;
	s13 =	sadd.s32 $0x1FA00, s0;
	s20 =	smul.u32 $0x9E00, s6  }
0x7: {  	s0 =	sadd.s32 $0x47200, s0;
	s4 =	ssub.s32 $0x2, s3;
	s11 =	smul.u32 $0x9E000, s3  }
0x8: {  	s14 =	sshrl.u32 s4, $0x1;
	s16 =	sadd.s32 $0x80, s5;
	s8 =	sadd.s32 $0x100, s5  }
0x9: {  	s9 =	sadd.s32 $0x180, s5;
	s12 =	sadd.s32 $0x200, s5;
	s17 =	sshrl.u32 s5, $0x3  }
0xa: {  	s25 =	ssub.s32 s4, s14;
	s15 =	sshrl.u32 s11, $0x3;
	s21 =	sshll.u32 s16, $0x6  }
0xb: {  	s22 =	sshll.u32 s8, $0x6;
	s23 =	sshll.u32 s9, $0x6;
	s24 =	sshll.u32 s12, $0x6  }
0xc: {  	s18 =	sadd.s32 s20, s11;
	s4 =	sadd.s32 s1, s17;
	s6 =	sshrl.u32 s16, $0x3  }
0xd: {  	s8 =	sshrl.u32 s8, $0x3;
	s19 =	sshrl.u32 s9, $0x3;
	s12 =	sshrl.u32 s12, $0x3  }
0xe: {  	s20 =	sadd.s32 s20, s2;
	s3 =	sadd.s32 s13, s15;
	s14 =	sshrl.u32 s18, $0x3  }
0xf: {  	s7 =	sadd.s32 s11, s21;
	s6 =	sadd.s32 s1, s6;
	s10 =	sadd.s32 s11, s22  }
0x10: {  	s8 =	sadd.s32 s1, s8;
	s17 =	sadd.s32 s11, s23;
	s18 =	sadd.s32 s11, s24  }
0x11: {  	s11 =	sadd.s32 s1, s12;
	s21 =	sadd.s32 s21, s2;
	s22 =	sadd.s32 s22, s2  }
0x12: {  	s23 =	sadd.s32 s23, s2;
	s24 =	sadd.s32 s24, s2;
	s25 =	smax.u32 s25, $0x1  }
0x13: {  	s5 =	sadd.s32 s13, s14;
	s15 =	sshrl.u32 s7, $0x3;
	s16 =	sshrl.u32 s10, $0x3  }
0x14: {  	s10 =	sadd.s32 s1, s19;
	s19 =	sshrl.u32 s17, $0x3;
	s26 =	sshrl.u32 s18, $0x3  }
0x15: {  	s14 =	sadd.s32 s0, s14;
	s17 =	simm.s32 $0x0;
	s7 =	sadd.s32 s13, s15  }
0x16: {  	s9 =	sadd.s32 s13, s16;
	s12 =	sadd.s32 s13, s19;
	s13 =	sadd.s32 s13, s26  }
0x17: {  	s15 =	sadd.s32 s0, s15;
	s16 =	sadd.s32 s0, s16;
	[smem:$0x7FF] =	sst s17  }
0x18: {  	v0 =	vimm.s32 $0x2710;
	s18 =	sadd.s32 s0, s19;
	s19 =	sadd.s32 s0, s26;
	_ =	strace $0x8000004A  }
.LBB2_1:
0x19: {  	s0 =	simm.s32 $0x4080  }
0x1a: {  	[tilespmem:s0], [sflag:$0x1] =	stream.linear.gather [hbm4b:s3+s17], $0x40, $0x38;
	[tilespmem:$0xDEC0] =	vst v63  }
0x1b: {  	_ =	swait.ge [sflag:s28], $0x40  }
0x1c: {  	[sflag:s28] =	ssyncset.done $0x0  }
0x1d: {  	[sflag:s28] =	ssyncadd.s32 $0xFFFFFFC0  }
0x1e: {  	s1 =	simm.s32 $0x0;
	s0 =	simm.s32 $0x100;
	v1 =	vld [tilespmem:$0x4080]  }
.LBB2_2:
0x1f: {  	p0 =	sne.s32 s0, $0x7F00;
	_ =	sdelay $0x2  }
0x20: {  	s26 =	sshra.s32 s1, $0x2;
	s1 =	smov.u32 s0  }
0x21: {  	[tilespmem:s26+$0x2080] =	vst v1  }
0x22: {  	v1 =	vld [tilespmem:$0x4090];
	_ =	sdelay $0x4  }
0x23: {  	[tilespmem:s26+$0x2090] =	vst v1  }
0x24: {  	v1 =	vld [tilespmem:$0x40A0];
	_ =	sdelay $0x4  }
0x25: {  	[tilespmem:s26+$0x20A0] =	vst v1  }
0x26: {  	v1 =	vld [tilespmem:$0x40B0];
	_ =	sdelay $0x1  }
.Ltmp0:
0x27: {  	(pc) =	sbr.rel @p0 .LBB2_2-.Ltmp0, $3  }
0x28: {  	_ =	sdelay $0x1  }
0x29: {  	[tilespmem:s26+$0x20B0] =	vst v1  }
0x2a: {  	s0 =	sadd.s32 $0x100, s0;
	v1 =	vld [tilespmem:$0x4080]  }
0x2b: {  	_ =	sdelay $0x2  }
0x2c: {  	s0 =	sshra.s32 s1, $0x2  }
0x2d: {  	[tilespmem:s0+$0x2080] =	vst v1  }
0x2e: {  	v1 =	vld [tilespmem:$0x4090];
	_ =	sdelay $0x4  }
0x2f: {  	[tilespmem:s0+$0x2090] =	vst v1  }
0x30: {  	v1 =	vld [tilespmem:$0x40A0];
	_ =	sdelay $0x4  }
0x31: {  	[tilespmem:s0+$0x20A0] =	vst v1  }
0x32: {  	v1 =	vld [tilespmem:$0x40B0];
	_ =	sdelay $0x4  }
0x33: {  	[tilespmem:s0+$0x20B0] =	vst v1  }
0x34: {  	[spmem:s20] =	stream.linear.scatter [tilespmem:s29], [sflag:$0x1], $0x2000, $0x38;
	[tilespmem:$0xDEC0] =	vst v63  }
0x35: {  	_ =	swait.ge [sflag:s28], $0x2000  }
0x36: {  	[sflag:s28] =	ssyncset.done $0x0  }
0x37: {  	[sflag:s28] =	ssyncadd.s32 $0xFFFFE000  }
0x38: {  	[spmem:s21] =	stream.linear.scatter [tilespmem:s29], [sflag:$0x1], $0x2000, $0x38;
	[tilespmem:$0xDEC0] =	vst v63  }
0x39: {  	_ =	swait.ge [sflag:s28], $0x2000  }
0x3a: {  	[sflag:s28] =	ssyncset.done $0x0  }
0x3b: {  	[sflag:s28] =	ssyncadd.s32 $0xFFFFE000  }
0x3c: {  	[spmem:s22] =	stream.linear.scatter [tilespmem:s29], [sflag:$0x1], $0x2000, $0x38;
	[tilespmem:$0xDEC0] =	vst v63  }
0x3d: {  	_ =	swait.ge [sflag:s28], $0x2000  }
0x3e: {  	[sflag:s28] =	ssyncset.done $0x0  }
0x3f: {  	[sflag:s28] =	ssyncadd.s32 $0xFFFFE000  }
0x40: {  	[spmem:s23] =	stream.linear.scatter [tilespmem:s29], [sflag:$0x1], $0x2000, $0x38;
	[tilespmem:$0xDEC0] =	vst v63  }
0x41: {  	_ =	swait.ge [sflag:s28], $0x2000  }
0x42: {  	[sflag:s28] =	ssyncset.done $0x0  }
0x43: {  	[sflag:s28] =	ssyncadd.s32 $0xFFFFE000  }
0x44: {  	[spmem:s24] =	stream.linear.scatter [tilespmem:s29], [sflag:$0x1], $0x1E00, $0x38;
	[tilespmem:$0xDEC0] =	vst v63  }
0x45: {  	_ =	swait.ge [sflag:s28], $0x1E00  }
0x46: {  	[sflag:s28] =	ssyncset.done $0x0  }
0x47: {  	[sflag:s28] =	ssyncadd.s32 $0xFFFFE200  }
0x48: {  	[bflag:$0x0] =	sbarrier.arrive $0xFFFF  }
0x49: {  	[tilespmem:s17], [sflag:$0x1] =	stream.linear.gather [hbm4b:s4+s17], $0x80, $0x38;
	[tilespmem:$0xDEC0] =	vst v63  }
0x4a: {  	_ =	swait.ge [sflag:s28], $0x80  }
0x4b: {  	[sflag:s28] =	ssyncset.done $0x0  }
0x4c: {  	[sflag:s28] =	ssyncadd.s32 $0xFFFFFF80  }
0x4d: {  	[tilespmem:s30], [sflag:$0x1] =	stream.linear.gather [hbm4b:s5+s17], $0x2000, $0x38;
	[tilespmem:$0xDEC0] =	vst v63  }
0x4e: {  	_ =	swait.ge [sflag:s28], $0x2000  }
0x4f: {  	[sflag:s28] =	ssyncset.done $0x0  }
0x50: {  	[sflag:s28] =	ssyncadd.s32 $0xFFFFE000  }
0x51: {  	[spmem:s2] =	stream.indirect.scatter [tilespmem:s30], [sflag:$0x1], $0x40, s17, s30, $0xb8;
	[tilespmem:$0xDEC0] =	vst v63  }
0x52: {  	_ =	swait.ge [sflag:s28], $0x2000  }
0x53: {  	[sflag:s28] =	ssyncset.done $0x0  }
0x54: {  	[sflag:s28] =	ssyncadd.s32 $0xFFFFE000  }
0x55: {  	[tilespmem:s17], [sflag:$0x1] =	stream.linear.gather [hbm4b:s6+s17], $0x80, $0x38;
	[tilespmem:$0xDEC0] =	vst v63  }
0x56: {  	_ =	swait.ge [sflag:s28], $0x80  }
0x57: {  	[sflag:s28] =	ssyncset.done $0x0  }
0x58: {  	[sflag:s28] =	ssyncadd.s32 $0xFFFFFF80  }
0x59: {  	[tilespmem:s30], [sflag:$0x1] =	stream.linear.gather [hbm4b:s7+s17], $0x2000, $0x38;
	[tilespmem:$0xDEC0] =	vst v63  }
0x5a: {  	_ =	swait.ge [sflag:s28], $0x2000  }
0x5b: {  	[sflag:s28] =	ssyncset.done $0x0  }
0x5c: {  	[sflag:s28] =	ssyncadd.s32 $0xFFFFE000  }
0x5d: {  	[spmem:s2] =	stream.indirect.scatter [tilespmem:s30], [sflag:$0x1], $0x40, s17, s30, $0xb8;
	[tilespmem:$0xDEC0] =	vst v63  }
0x5e: {  	_ =	swait.ge [sflag:s28], $0x2000  }
0x5f: {  	[sflag:s28] =	ssyncset.done $0x0  }
0x60: {  	[sflag:s28] =	ssyncadd.s32 $0xFFFFE000  }
0x61: {  	[tilespmem:s17], [sflag:$0x1] =	stream.linear.gather [hbm4b:s8+s17], $0x80, $0x38;
	[tilespmem:$0xDEC0] =	vst v63  }
0x62: {  	_ =	swait.ge [sflag:s28], $0x80  }
0x63: {  	[sflag:s28] =	ssyncset.done $0x0  }
0x64: {  	[sflag:s28] =	ssyncadd.s32 $0xFFFFFF80  }
0x65: {  	[tilespmem:s30], [sflag:$0x1] =	stream.linear.gather [hbm4b:s9+s17], $0x2000, $0x38;
	[tilespmem:$0xDEC0] =	vst v63  }
0x66: {  	_ =	swait.ge [sflag:s28], $0x2000  }
0x67: {  	[sflag:s28] =	ssyncset.done $0x0  }
0x68: {  	[sflag:s28] =	ssyncadd.s32 $0xFFFFE000  }
0x69: {  	[spmem:s2] =	stream.indirect.scatter [tilespmem:s30], [sflag:$0x1], $0x40, s17, s30, $0xb8;
	[tilespmem:$0xDEC0] =	vst v63  }
0x6a: {  	_ =	swait.ge [sflag:s28], $0x2000  }
0x6b: {  	[sflag:s28] =	ssyncset.done $0x0  }
0x6c: {  	[sflag:s28] =	ssyncadd.s32 $0xFFFFE000  }
0x6d: {  	[tilespmem:s17], [sflag:$0x1] =	stream.linear.gather [hbm4b:s10+s17], $0x80, $0x38;
	[tilespmem:$0xDEC0] =	vst v63  }
0x6e: {  	_ =	swait.ge [sflag:s28], $0x80  }
0x6f: {  	[sflag:s28] =	ssyncset.done $0x0  }
0x70: {  	[sflag:s28] =	ssyncadd.s32 $0xFFFFFF80  }
0x71: {  	[tilespmem:s30], [sflag:$0x1] =	stream.linear.gather [hbm4b:s12+s17], $0x2000, $0x38;
	[tilespmem:$0xDEC0] =	vst v63  }
0x72: {  	_ =	swait.ge [sflag:s28], $0x2000  }
0x73: {  	[sflag:s28] =	ssyncset.done $0x0  }
0x74: {  	[sflag:s28] =	ssyncadd.s32 $0xFFFFE000  }
0x75: {  	[spmem:s2] =	stream.indirect.scatter [tilespmem:s30], [sflag:$0x1], $0x40, s17, s30, $0xb8;
	[tilespmem:$0xDEC0] =	vst v63  }
0x76: {  	_ =	swait.ge [sflag:s28], $0x2000  }
0x77: {  	[sflag:s28] =	ssyncset.done $0x0  }
0x78: {  	[sflag:s28] =	ssyncadd.s32 $0xFFFFE000  }
0x79: {  	[tilespmem:$0x70] =	vst v0  }
0x7a: {  	[tilespmem:s17], [sflag:$0x1] =	stream.linear.gather [hbm4b:s11+s17], $0x78, $0x38;
	[tilespmem:$0xDEC0] =	vst v63  }
0x7b: {  	_ =	swait.ge [sflag:s28], $0x78  }
0x7c: {  	[sflag:s28] =	ssyncset.done $0x0  }
0x7d: {  	[sflag:s28] =	ssyncadd.s32 $0xFFFFFF88  }
0x7e: {  	[tilespmem:s30], [sflag:$0x1] =	stream.linear.gather [hbm4b:s13+s17], $0x1E00, $0x38;
	[tilespmem:$0xDEC0] =	vst v63  }
0x7f: {  	_ =	swait.ge [sflag:s28], $0x1E00  }
0x80: {  	[sflag:s28] =	ssyncset.done $0x0  }
0x81: {  	[sflag:s28] =	ssyncadd.s32 $0xFFFFE200  }
0x82: {  	[spmem:s2] =	stream.indirect.scatter [tilespmem:s30], [sflag:$0x1], $0x40, s17, s30, $0xb8;
	[tilespmem:$0xDEC0] =	vst v63  }
0x83: {  	_ =	swait.ge [sflag:s28], $0x2000  }
0x84: {  	[sflag:s28] =	ssyncset.done $0x0  }
0x85: {  	[sflag:s28] =	ssyncadd.s32 $0xFFFFE000  }
0x86: {  	[bflag:$0x0] =	sbarrier.arrive $0xFFFF  }
0x87: {  	[tilespmem:s30], [sflag:$0x1] =	stream.linear.gather [spmem:s20], $0x2000, $0x38;
	[tilespmem:$0xDEC0] =	vst v63  }
0x88: {  	_ =	swait.ge [sflag:s28], $0x2000  }
0x89: {  	[sflag:s28] =	ssyncset.done $0x0  }
0x8a: {  	[sflag:s28] =	ssyncadd.s32 $0xFFFFE000  }
0x8b: {  	[hbm4b:s14+s17] =	stream.linear.scatter [tilespmem:s30], [sflag:$0x1], $0x2000, $0x38;
	[tilespmem:$0xDEC0] =	vst v63  }
0x8c: {  	_ =	swait.ge [sflag:s28], $0x2000  }
0x8d: {  	[sflag:s28] =	ssyncset.done $0x0  }
0x8e: {  	[sflag:s28] =	ssyncadd.s32 $0xFFFFE000  }
0x8f: {  	[tilespmem:s30], [sflag:$0x1] =	stream.linear.gather [spmem:s21], $0x2000, $0x38;
	[tilespmem:$0xDEC0] =	vst v63  }
0x90: {  	_ =	swait.ge [sflag:s28], $0x2000  }
0x91: {  	[sflag:s28] =	ssyncset.done $0x0  }
0x92: {  	[sflag:s28] =	ssyncadd.s32 $0xFFFFE000  }
0x93: {  	[hbm4b:s15+s17] =	stream.linear.scatter [tilespmem:s30], [sflag:$0x1], $0x2000, $0x38;
	[tilespmem:$0xDEC0] =	vst v63  }
0x94: {  	_ =	swait.ge [sflag:s28], $0x2000  }
0x95: {  	[sflag:s28] =	ssyncset.done $0x0  }
0x96: {  	[sflag:s28] =	ssyncadd.s32 $0xFFFFE000  }
0x97: {  	[tilespmem:s30], [sflag:$0x1] =	stream.linear.gather [spmem:s22], $0x2000, $0x38;
	[tilespmem:$0xDEC0] =	vst v63  }
0x98: {  	_ =	swait.ge [sflag:s28], $0x2000  }
0x99: {  	[sflag:s28] =	ssyncset.done $0x0  }
0x9a: {  	[sflag:s28] =	ssyncadd.s32 $0xFFFFE000  }
0x9b: {  	[hbm4b:s16+s17] =	stream.linear.scatter [tilespmem:s30], [sflag:$0x1], $0x2000, $0x38;
	[tilespmem:$0xDEC0] =	vst v63  }
0x9c: {  	_ =	swait.ge [sflag:s28], $0x2000  }
0x9d: {  	[sflag:s28] =	ssyncset.done $0x0  }
0x9e: {  	[sflag:s28] =	ssyncadd.s32 $0xFFFFE000  }
0x9f: {  	[tilespmem:s30], [sflag:$0x1] =	stream.linear.gather [spmem:s23], $0x2000, $0x38;
	[tilespmem:$0xDEC0] =	vst v63  }
0xa0: {  	_ =	swait.ge [sflag:s28], $0x2000  }
0xa1: {  	[sflag:s28] =	ssyncset.done $0x0  }
0xa2: {  	[sflag:s28] =	ssyncadd.s32 $0xFFFFE000  }
0xa3: {  	[hbm4b:s18+s17] =	stream.linear.scatter [tilespmem:s30], [sflag:$0x1], $0x2000, $0x38;
	[tilespmem:$0xDEC0] =	vst v63  }
0xa4: {  	_ =	swait.ge [sflag:s28], $0x2000  }
0xa5: {  	[sflag:s28] =	ssyncset.done $0x0  }
0xa6: {  	[sflag:s28] =	ssyncadd.s32 $0xFFFFE000  }
0xa7: {  	[tilespmem:s30], [sflag:$0x1] =	stream.linear.gather [spmem:s24], $0x1E00, $0x38;
	[tilespmem:$0xDEC0] =	vst v63  }
0xa8: {  	s31 =	sadd.s32 $0x1, s31;
	_ =	swait.ge [sflag:s28], $0x1E00  }
0xa9: {  	p0 =	sne.s32 s31, s25;
	[sflag:s28] =	ssyncset.done $0x0  }
.Ltmp1:
0xaa: {  	[sflag:s28] =	ssyncadd.s32 $0xFFFFE200;
	(pc) =	sbr.rel @p0 .LBB2_1-.Ltmp1, $4  }
0xab: {  	[hbm4b:s19+s17] =	stream.linear.scatter [tilespmem:s30], [sflag:$0x1], $0x1E00, $0x38;
	[tilespmem:$0xDEC0] =	vst v63  }
0xac: {  	_ =	swait.ge [sflag:s28], $0x1E00  }
0xad: {  	[sflag:s28] =	ssyncset.done $0x0  }
0xae: {  	[sflag:s28] =	ssyncadd.s32 $0xFFFFE200  }
0xaf: {  	_ =	sfence.sel $0x180000  }
0xb0: {  	[bflag:$0x0] =	sbarrier.arrive $0xFFFF  }
0xb1: {  	_ =	strace $0x9000004A  }
0xb2: {  	s0 =	stileid.u32;
	[bflag:$0x2] =	sbarrier.arrive $0xFFFF  }
0xb3: {  	p0 =	sne.s32 s0, $0x0;
	s0 =	rddreg [dreg:$0x3]  }
0xb4: {  	s0 =	sadd.s32 @!p0 $0x100000, s0  }
0xb5: {  	[sflag:s0] =	ssyncadd.tile.s32 @!p0 $0x1;
	_ =	shalt  }
.Lfunc_end2:
_tile_overlayer_lowered:
.L_overlay_start_2:
0xb6: {  	(tag) =	ssettag $0x2  }
0xb7: {  	s0 =	rddreg [dreg:$0x0];
	s2 =	stileid.u32  }
0xb8: {  	s1 =	rddreg [dreg:$0x1];
	p0 =	sne.s32 s2, $0x0  }
0xb9: {  	s3 =	rddreg [dreg:$0x2];
	[bflag:$0x3] =	sbarrier.arrive $0xFFFF;
	s2 =	simm.s32 @!p0 $0x1C01  }
0xba: {  	[timem:s3], [sflag:s2] =	dma.local @!p0 [hbm:s0], s1  }
0xbb: {  	s0 =	simm.s32 @!p0 $0x1  }
0xbc: {  	_ =	swait.ge @!p0 [sflag:s0], s1  }
0xbd: {  	s1 =	ssub.s32 @!p0 $0x0, s1;
	[sflag:s0] =	ssyncset.done @!p0 $0x0  }
0xbe: {  	[sflag:s0] =	ssyncadd.s32 @!p0 s1  }
0xbf: {  	[bflag:$0x3] =	sbarrier.arrive $0xFFFF  }
0xc0: {  	_ =	shalt  }

// kernel: kernel.16.cloned.1.call-start
scs
__scs_entry_jumppad:
0x0: {  	(pc) =	sbr.rel $0x88, $3  }
0x1: {  	(tag) =	ssettag $0x0;
	lr =	simm.s32 $0x1  }
0x2: {  	[smem:$0x3F9B] =	sst lr;
	_ =	strace $0xD0000000  }
0x3: {  	_ = 	snop  }
0x4: {  	_ = 	snop  }
0x5: {  	_ = 	snop  }
0x6: {  	_ = 	snop  }
0x7: {  	_ = 	snop  }
__scs_overlays_trampoline_lowered:
0x8: {  	[smem:$0x3FAA] =	sst s0  }
0x9: {  	[smem:$0x3FAB] =	sst s1  }
0xa: {  	[smem:$0x3FAC] =	sst s2  }
0xb: {  	[smem:$0x3FAD] =	sst s3  }
0xc: {  	[smem:$0x3FAE] =	sst s4  }
0xd: {  	[smem:$0x3FAF] =	sst s5  }
0xe: {  	[smem:$0x3FB0] =	sst s6  }
0xf: {  	[smem:$0x3FB1] =	sst s7  }
0x10: {  	[smem:$0x3FB2] =	sst s8  }
0x11: {  	[smem:$0x3FB3] =	sst s9;
	s0 =	simm.s32 @!p0 $0x0  }
0x12: {  	s1 =	sld [smem:$0x3F99];
	s0 =	simm.s32 @p0 $0x1  }
0x13: {  	[smem:$0x3FB4] =	sst s0;
	s0 =	simm.s32 @!p1 $0x0  }
0x14: {  	s2 =	sld [smem:$0x3F98];
	s0 =	simm.s32 @p1 $0x1  }
0x15: {  	[smem:$0x3FB5] =	sst s0;
	s0 =	simm.s32 @!p2 $0x0  }
0x16: {  	s3 =	sld [smem:$0x3FDB];
	s0 =	simm.s32 @p2 $0x1  }
0x17: {  	s4 =	simm.s32 $0x1BF5;
	[smem:$0x3FB7] =	sst s0  }
0x18: {  	s0 =	sld [smem:$0x3F9A];
	_ =	swait.ge [sflag:s4], $0x0  }
0x19: {  	s7 =	sld [smem:$0x3F9B]  }
0x1a: {  	s8 =	sadd.s32 $0xFFFFE003, lr  }
0x1b: {  	s9 =	sadd.s32 $0xFFFFFEF7, lr;
	s5 =	simm.s32 $0xFFFFFFFF;
	p2 =	slt.u32 s8, $0xFFFFF086  }
0x1c: {  	p1 =	slt.u32 s9, $0xF7A;
	s5 =	simm.s32 @!p2 $0x0  }
0x1d: {  	s5 =	simm.s32 @p1 $0x1;
	p0 =	seq.s32 s7, s2  }
0x1e: {  	s7 =	smul.u32 @!p0 $0xF7A, s2;
	p2 =	seq.s32 @!p0 s5, $0x0  }
0x1f: {  	s9 =	smul.u32 $0xF7A, s1;
	s8 =	simm.s32 @!p0 $0x1BF5;
	p2 =	por !p2, p0  }
0x20: {  	[sflag:s8] =	ssyncset.s32 @!p0 $0xFFFFF086;
	s6 =	sadd.s32 @!p0 s3, s7;
	s7 =	simm.s32 @!p0 $0x108  }
0x21: {  	s3 =	sadd.s32 s3, s9;
	s6 =	sadd.s32 @!p0 $0x88, s6;
	s7 =	simm.s32 @p2 $0x1082  }
0x22: {  	[simem:s7], [sflag:s8] =	dma.local @!p0 [hbm:s6], $0xF7A  }
0x23: {  	s9 =	sor.u32 $0xD0000000, s2;
	s6 =	simm.s32 $0x108;
	_ =	swait.ge @!p0 [sflag:s8], $0x0  }
0x24: {  	s3 =	sadd.s32 $0x88, s3;
	s6 =	simm.s32 @!p1 $0x1082;
	[sflag:s4] =	ssyncset.s32 $0xFFFFF086  }
0x25: {  	[simem:s6], [sflag:s4] =	dma.local [hbm:s3], $0xF7A  }
0x26: {  	[smem:$0x3F9B] =	sst s1;
	(tag) =	ssettag s2;
	_ =	strace s9  }
0x27: {  	s1 =	sld [smem:$0x3FAB]  }
0x28: {  	s2 =	sld [smem:$0x3FAC]  }
0x29: {  	s4 =	sld [smem:$0x3FAE]  }
0x2a: {  	p0 =	seq.s32 s5, $0x0;
	s5 =	sld [smem:$0x3FAF]  }
0x2b: {  	s6 =	sld [smem:$0x3FB0]  }
0x2c: {  	s7 =	sld [smem:$0x3FB1]  }
0x2d: {  	s3 =	simm.s32 $0x108;
	s8 =	sld [smem:$0x3FB2]  }
0x2e: {  	s3 =	simm.s32 @!p0 $0x1082;
	s9 =	sld [smem:$0x3FB3]  }
0x2f: {  	lr =	sadd.s32 s0, s3;
	s0 =	sld [smem:$0x3FAA]  }
0x30: {  	s3 =	sld [smem:$0x3FAD]  }
0x31: {  	[smem:$0x3FB6] =	sst s10  }
0x32: {  	s10 =	sld [smem:$0x3FB4];
	_ =	sdelay $0x3  }
0x33: {  	p0 =	seq.s32 s10, $0x1;
	s10 =	sld [smem:$0x3FB6];
	_ =	sdelay $0x3  }
0x34: {  	[smem:$0x3FB6] =	sst s10  }
0x35: {  	s10 =	sld [smem:$0x3FB5];
	_ =	sdelay $0x3  }
0x36: {  	p1 =	seq.s32 s10, $0x1;
	s10 =	sld [smem:$0x3FB6];
	_ =	sdelay $0x3  }
0x37: {  	[smem:$0x3FB6] =	sst s10  }
0x38: {  	s10 =	sld [smem:$0x3FB7]  }
0x39: {  	_ = 	snop;
	(pc) =	sbr.ind lr, $3  }
0x3a: {  	_ = 	snop  }
0x3b: {  	_ = 	snop  }
0x3c: {  	p2 =	seq.s32 s10, $0x1;
	s10 =	sld [smem:$0x3FB6]  }
0x3d: {  	_ =	shalt  }
0x3e: {  	_ =	shalt  }
0x3f: {  	_ =	shalt  }
0x40: {  	_ =	shalt  }
0x41: {  	_ =	shalt  }
0x42: {  	_ =	shalt  }
0x43: {  	_ =	shalt  }
0x44: {  	_ =	shalt  }
0x45: {  	_ =	shalt  }
0x46: {  	_ =	shalt  }
0x47: {  	_ =	shalt  }
0x48: {  	_ =	shalt  }
0x49: {  	_ =	shalt  }
0x4a: {  	_ =	shalt  }
0x4b: {  	_ =	shalt  }
0x4c: {  	_ =	shalt  }
0x4d: {  	_ =	shalt  }
0x4e: {  	_ =	shalt  }
0x4f: {  	_ =	shalt  }
0x50: {  	_ =	shalt  }
0x51: {  	_ =	shalt  }
0x52: {  	_ =	shalt  }
0x53: {  	_ =	shalt  }
0x54: {  	_ =	shalt  }
0x55: {  	_ =	shalt  }
0x56: {  	_ =	shalt  }
0x57: {  	_ =	shalt  }
0x58: {  	_ =	shalt  }
0x59: {  	_ =	shalt  }
0x5a: {  	_ =	shalt  }
0x5b: {  	_ =	shalt  }
0x5c: {  	_ =	shalt  }
0x5d: {  	_ =	shalt  }
0x5e: {  	_ =	shalt  }
0x5f: {  	_ =	shalt  }
0x60: {  	_ =	shalt  }
0x61: {  	_ =	shalt  }
0x62: {  	_ =	shalt  }
0x63: {  	_ =	shalt  }
0x64: {  	_ =	shalt  }
0x65: {  	_ =	shalt  }
0x66: {  	_ =	shalt  }
0x67: {  	_ =	shalt  }
0x68: {  	_ =	shalt  }
0x69: {  	_ =	shalt  }
0x6a: {  	_ =	shalt  }
0x6b: {  	_ =	shalt  }
0x6c: {  	_ =	shalt  }
0x6d: {  	_ =	shalt  }
0x6e: {  	_ =	shalt  }
0x6f: {  	_ =	shalt  }
0x70: {  	_ =	shalt  }
0x71: {  	_ =	shalt  }
0x72: {  	_ =	shalt  }
0x73: {  	_ =	shalt  }
0x74: {  	_ =	shalt  }
0x75: {  	_ =	shalt  }
0x76: {  	_ =	shalt  }
0x77: {  	_ =	shalt  }
0x78: {  	_ =	shalt  }
0x79: {  	_ =	shalt  }
0x7a: {  	_ =	shalt  }
0x7b: {  	_ =	shalt  }
0x7c: {  	_ =	shalt  }
0x7d: {  	_ =	shalt  }
0x7e: {  	_ =	shalt  }
0x7f: {  	_ =	shalt  }
0x80: {  	_ =	shalt  }
0x81: {  	_ =	shalt  }
0x82: {  	_ =	shalt  }
0x83: {  	_ =	shalt  }
0x84: {  	_ =	shalt  }
0x85: {  	_ =	shalt  }
0x86: {  	_ =	shalt  }
0x87: {  	_ =	shalt  }
.Lfunc_end0:
.L_simem_size_0:
called_computation.2_lowered:
.L_overlay_start_0:
0x88: {  	s2 =	sld [smem:$0x3FD9]  }
0x89: {  	s3 =	sld [smem:$0x3FFE];
	_ =	sdelay $0x1  }
0x8a: {  	s1 =	srdreg.scid  }
0x8b: {  	s0 =	sand.u32 $0x1, s1  }
0x8c: {  	s16 =	sshll.u32 s0, $0xA;
	s2 =	sadd.s32 s3, s2  }
0x8d: {  	s2 =	sadd.s32 s2, s16  }
0x8e: {  	[smem:$0x3FC2] =	sst s2  }
0x8f: {  	_ = 	snop  }
0x90: {  	(tm) =	ssettm $0x1  }
0x91: {  	s17 =	sld [smem:$0x3FFB];
	_ =	sdelay $0x3  }
0x92: {  	_ =	strace s17  }
0x93: {  	s2 =	sld [smem:$0x3FFC];
	_ =	sdelay $0x3  }
0x94: {  	_ =	strace s2  }
0x95: {  	s2 =	sld [smem:$0x3FFD];
	_ =	sdelay $0x3  }
0x96: {  	_ =	strace s2  }
0x97: {  	_ =	strace $0x8FFFFFFF  }
0x98: {  	s18 =	sld [smem:$0x3FDB];
	_ =	sdelay $0x1  }
0x99: {  	s19 =	simm.s32 $_scs_section_size  }
0x9a: {  	s4 =	simm.s32 $_size__tile_overlayer_lowered;
	s5 =	simm.s32 $_tile_overlayer_lowered  }
0x9b: {  	s22 =	simm.s32 $0x1BFF;
	s21 =	sshll.u32 s5, $0x1;
	s2 =	sadd.s32 s19, s18  }
0x9c: {  	s6 =	simm.s32 $0x0;
	s20 =	sshll.u32 s4, $0x1;
	s4 =	sadd.s32 s21, s2  }
0x9d: {  	[timem:s6], [sflag:s22] =	dma.local [hbm:s4], s20  }
0x9e: {  	_ =	swait.ge [sflag:s22], s20  }
0x9f: {  	s3 =	ssub.s32 $0x0, s20;
	[sflag:s22] =	ssyncset.done $0x0  }
0xa0: {  	[sflag:s22] =	ssyncadd.s32 s3;
	_ =	sdelay $0x1  }
0xa1: {  	s23 =	simm.s32 $0x1B8B  }
0xa2: {  	_ =	swait.ge [sflag:s23], $0x1  }
0xa3: {  	[sflag:s23] =	ssyncset.done $0x0  }
0xa4: {  	s25 =	simm.s32 $0x1B8E;
	s24 =	sld [smem:$0x3FFE];
	[sflag:s23] =	ssyncadd.s32 $0xFFFFFFFF  }
0xa5: {  	s26 =	simm.s32 $execute0_lowered;
	[smem:$0x3FD2] =	sst s25  }
0xa6: {  	s4 =	sshll.u32 s26, $0x1;
	_ =	strace $0x8000004C;
	[dreg:$0x1] =	wrdreg $0xFFFFFFFF  }
0xa7: {  	s28 =	simm.s32 $_size_execute0_lowered;
	s2 =	sadd.s32 s2, s4;
	[dreg:$0x0] =	wrdreg $0x0  }
0xa8: {  	s4 =	sshll.u32 s28, $0x1;
	[dreg:$0x2] =	wrdreg s2  }
0xa9: {  	[dreg:$0x3] =	wrdreg s4  }
0xaa: {  	[dreg:$0x4] =	wrdreg $0xC0  }
0xab: {  	_ =	task [dreg:s6], $0x5FFFF  }
0xac: {  	[dreg:$0x1] =	wrdreg $0xFFFFFFFF  }
0xad: {  	[dreg:$0x0] =	wrdreg $0x60  }
0xae: {  	[dreg:$0x2] =	wrdreg s24  }
0xaf: {  	[dreg:$0x3] =	wrdreg $0x41000  }
0xb0: {  	[dreg:$0x4] =	wrdreg $0x9  }
0xb1: {  	_ =	task.clear_ibuf [dreg:s6], $0x5FFFF;
	_ =	strace $0x9000004C  }
0xb2: {  	s29 =	simm.s32 $0x9;
	_ =	strace $0x8000004E  }
0xb3: {  	_ =	swait.ge [sflag:s29], $0x1  }
0xb4: {  	[sflag:s29] =	ssyncadd.s32 $0xFFFFFFFF  }
0xb5: {  	_ =	strace $0x9000004E  }
0xb6: {  	_ =	sfence  }
0xb7: {  	s30 =	sld [smem:$0x0];
	_ =	sdelay $0x2  }
0xb8: {  	s31 =	sshll.u32 s1, $0xD;
	s1 =	sshrl.u32 s1, $0x2  }
0xb9: {  	s3 =	sand.u32 $0x4000, s31;
	s1 =	sadd.s32 s1, s30  }
0xba: {  	s0 =	sor.u32 s3, s0;
	s1 =	sshll.u32 s1, $0x11  }
0xbb: {  	s0 =	sor.u32 s1, s0  }
0xbc: {  	s0 =	sadd.s32 $0x8F2B, s0  }
0xbd: {  	[sflag:s0] =	ssyncadd.remote.s32 $0x1  }
0xbe: {  	_ =	sfence.sel $0xFFFF  }
0xbf: {  	[dreg:$0x0] =	wrdreg $0xFFFFFFFF;
	(pc) =	sbr.abs _section_cstart, $3  }
0xc0: {  	[dreg:$0x1] =	wrdreg $0xFFFFFFFF  }
0xc1: {  	_ =	task.clear_ibuf [dreg:s6], $0x2FFFF;
	_ =	strace $0x9FFFFFFF  }
0xc2: {  	(tm) =	ssettm $0x7FFFFFFF  }
0xc3: {  	_ =	shalt  }
tec
execute0_lowered:
.L_overlay_start_1:
0x0: {  	(tag) =	ssettag $0x1  }
0x1: {  	s4 =	rddreg [dreg:$0x0]  }
0x2: {  	s2 =	rddreg [dreg:$0x1]  }
0x3: {  	s0 =	stileid.u32;
	s5 =	srdreg.scid  }
0x4: {  	s3 =	simm.s32 $0x0;
	s28 =	simm.s32 $0x1;
	s29 =	simm.s32 $0x0  }
0x5: {  	s6 =	smul.u32 $0x9D0, s0;
	s5 =	sand.u32 $0x1, s5;
	[smem:$0x7FF] =	sst s3  }
0x6: {  	s15 =	sadd.s32 $0x15C00, s4;
	s9 =	smul.u32 $0x9E00, s0;
	s19 =	sadd.s32 $0x3D400, s4  }
0x7: {  	s14 =	smul.u32 $0x9E000, s5;
	_ =	strace $0x8000004D;
	s24 =	ssub.s32 $0x2, s5  }
0x8: {  	s22 =	sadd.s32 s6, s4;
	s5 =	sshrl.u32 s24, $0x1;
	s7 =	sadd.s32 $0x2000, s9  }
0x9: {  	s10 =	sadd.s32 $0x4000, s9;
	s11 =	sadd.s32 $0x6000, s9;
	s13 =	sadd.s32 $0x8000, s9  }
0xa: {  	s25 =	sadd.s32 s9, s14;
	s20 =	ssub.s32 s24, s5;
	s26 =	sadd.s32 s14, s7  }
0xb: {  	s5 =	sadd.s32 s9, s2;
	s8 =	sadd.s32 s14, s10;
	s7 =	sadd.s32 s7, s2  }
0xc: {  	s12 =	sadd.s32 s14, s11;
	s9 =	sadd.s32 s10, s2;
	s31 =	sadd.s32 s14, s13  }
0xd: {  	s11 =	sadd.s32 s11, s2;
	s13 =	sadd.s32 s13, s2;
	s14 =	sshrl.u32 s14, $0x3  }
0xe: {  	s24 =	simm.s32 $0x2;
	s16 =	sshrl.u32 s25, $0x3;
	s17 =	sshrl.u32 s26, $0x3  }
0xf: {  	s18 =	sshrl.u32 s8, $0x3;
	s21 =	sshrl.u32 s12, $0x3;
	s23 =	sshrl.u32 s31, $0x3  }
0x10: {  	s14 =	sadd.s32 s15, s14;
	s20 =	smax.u32 s20, $0x1;
	s25 =	simm.s32 $0x80  }
0x11: {  	s26 =	simm.s32 $0x100;
	s30 =	sadd.s32 s15, s16;
	s6 =	sadd.s32 s15, s17  }
0x12: {  	s8 =	sadd.s32 s15, s18;
	s10 =	sadd.s32 s15, s21;
	s12 =	sadd.s32 s15, s23  }
0x13: {  	s15 =	sadd.s32 s19, s16;
	s16 =	sadd.s32 s19, s17;
	s17 =	sadd.s32 s19, s18  }
0x14: {  	s18 =	sadd.s32 s19, s21;
	s19 =	sadd.s32 s19, s23;
	s21 =	sadd.s32 $0x2000, s22  }
0x15: {  	s22 =	sadd.s32 $0xBE00, s22;
	s23 =	simm.s32 $0x2100;
	[dreg:$0x3] =	wrdreg s30  }
.LBB2_1:
0x16: {  	s0 =	rddreg [dreg:$0x3]  }
0x17: {  	[tilespmem:s23], [sflag:$0x2] =	stream.linear.gather [hbm4b:s0+s3], $0x2000, $0x38;
	[tilespmem:$0xDF00] =	vst v63  }
0x18: {  	_ =	swait.ge [sflag:s24], $0x2000  }
0x19: {  	[sflag:s24] =	ssyncset.done $0x0  }
0x1a: {  	[sflag:s24] =	ssyncadd.s32 $0xFFFFE000  }
0x1b: {  	[spmem:s5] =	stream.linear.scatter [tilespmem:s23], [sflag:$0x2], $0x2000, $0x38;
	[tilespmem:$0xDF00] =	vst v63  }
0x1c: {  	_ =	swait.ge [sflag:s24], $0x2000  }
0x1d: {  	[sflag:s24] =	ssyncset.done $0x0  }
0x1e: {  	[sflag:s24] =	ssyncadd.s32 $0xFFFFE000  }
0x1f: {  	[tilespmem:s23], [sflag:$0x2] =	stream.linear.gather [hbm4b:s6+s3], $0x2000, $0x38;
	[tilespmem:$0xDF00] =	vst v63  }
0x20: {  	_ =	swait.ge [sflag:s24], $0x2000  }
0x21: {  	[sflag:s24] =	ssyncset.done $0x0  }
0x22: {  	[sflag:s24] =	ssyncadd.s32 $0xFFFFE000  }
0x23: {  	[spmem:s7] =	stream.linear.scatter [tilespmem:s23], [sflag:$0x2], $0x2000, $0x38;
	[tilespmem:$0xDF00] =	vst v63  }
0x24: {  	_ =	swait.ge [sflag:s24], $0x2000  }
0x25: {  	[sflag:s24] =	ssyncset.done $0x0  }
0x26: {  	[sflag:s24] =	ssyncadd.s32 $0xFFFFE000  }
0x27: {  	[tilespmem:s23], [sflag:$0x2] =	stream.linear.gather [hbm4b:s8+s3], $0x2000, $0x38;
	[tilespmem:$0xDF00] =	vst v63  }
0x28: {  	_ =	swait.ge [sflag:s24], $0x2000  }
0x29: {  	[sflag:s24] =	ssyncset.done $0x0  }
0x2a: {  	[sflag:s24] =	ssyncadd.s32 $0xFFFFE000  }
0x2b: {  	[spmem:s9] =	stream.linear.scatter [tilespmem:s23], [sflag:$0x2], $0x2000, $0x38;
	[tilespmem:$0xDF00] =	vst v63  }
0x2c: {  	_ =	swait.ge [sflag:s24], $0x2000  }
0x2d: {  	[sflag:s24] =	ssyncset.done $0x0  }
0x2e: {  	[sflag:s24] =	ssyncadd.s32 $0xFFFFE000  }
0x2f: {  	[tilespmem:s23], [sflag:$0x2] =	stream.linear.gather [hbm4b:s10+s3], $0x2000, $0x38;
	[tilespmem:$0xDF00] =	vst v63  }
0x30: {  	_ =	swait.ge [sflag:s24], $0x2000  }
0x31: {  	[sflag:s24] =	ssyncset.done $0x0  }
0x32: {  	[sflag:s24] =	ssyncadd.s32 $0xFFFFE000  }
0x33: {  	[spmem:s11] =	stream.linear.scatter [tilespmem:s23], [sflag:$0x2], $0x2000, $0x38;
	[tilespmem:$0xDF00] =	vst v63  }
0x34: {  	_ =	swait.ge [sflag:s24], $0x2000  }
0x35: {  	[sflag:s24] =	ssyncset.done $0x0  }
0x36: {  	[sflag:s24] =	ssyncadd.s32 $0xFFFFE000  }
0x37: {  	[tilespmem:s23], [sflag:$0x2] =	stream.linear.gather [hbm4b:s12+s3], $0x1E00, $0x38;
	[tilespmem:$0xDF00] =	vst v63  }
0x38: {  	_ =	swait.ge [sflag:s24], $0x1E00  }
0x39: {  	[sflag:s24] =	ssyncset.done $0x0  }
0x3a: {  	[sflag:s24] =	ssyncadd.s32 $0xFFFFE200  }
0x3b: {  	[spmem:s13] =	stream.linear.scatter [tilespmem:s23], [sflag:$0x2], $0x1E00, $0x38;
	[tilespmem:$0xDF00] =	vst v63  }
0x3c: {  	_ =	swait.ge [sflag:s24], $0x1E00  }
0x3d: {  	[sflag:s24] =	ssyncset.done $0x0  }
0x3e: {  	[sflag:s24] =	ssyncadd.s32 $0xFFFFE200  }
0x3f: {  	s30 =	sadd.s32 $0x0, s22;
	[bflag:$0x0] =	sbarrier.arrive $0xFFFF  }
0x40: {  	[tilespmem:s3], [sflag:$0x2] =	stream.linear.gather [hbm4b:s30+s3], $0x80, $0x38;
	[tilespmem:$0xDF00] =	vst v63  }
0x41: {  	_ =	swait.ge [sflag:s24], $0x80  }
0x42: {  	[sflag:s24] =	ssyncset.done $0x0  }
0x43: {  	s30 =	sadd.s32 $0x0, s21;
	[sflag:s24] =	ssyncadd.s32 $0xFFFFFF80  }
0x44: {  	[tilespmem:s25], [sflag:$0x2] =	stream.linear.gather [hbm4b:s30+s3], $0x80, $0x38;
	[tilespmem:$0xDF00] =	vst v63  }
0x45: {  	_ =	swait.ge [sflag:s24], $0x80  }
0x46: {  	[sflag:s24] =	ssyncset.done $0x0  }
0x47: {  	[sflag:s24] =	ssyncadd.s32 $0xFFFFFF80  }
0x48: {  	[tilespmem:s26], [sflag:$0x1] =	stream.indirect.gather [hbm4b:s14+s25], $0x40, s3, s25, $0xb8;
	[tilespmem:$0xDF00] =	vst v63  }
0x49: {  	_ =	swait.ge [sflag:s28], $0x2000  }
0x4a: {  	[sflag:s28] =	ssyncset.done $0x0  }
0x4b: {  	[sflag:s28] =	ssyncadd.s32 $0xFFFFE000  }
0x4c: {  	[spmem:s2] =	stream.indirect.scatter.add.f32 [tilespmem:s26], [sflag:$0x2], $0x40, s25, s25, $0xb8;
	[tilespmem:$0xDF00] =	vst v63  }
0x4d: {  	_ =	swait.ge [sflag:s24], $0x2000  }
0x4e: {  	s31 =	simm.s32 $0x20;
	s30 =	simm.s32 $0x10;
	[sflag:s24] =	ssyncset.done $0x0  }
.LBB2_2:
0x4f: {  	s0 =	sadd.s32 s30, s22  }
0x50: {  	[sflag:s24] =	ssyncadd.s32 $0xFFFFE000;
	s1 =	smov.u32 s31;
	s4 =	sadd.s32 $0x10, s31  }
0x51: {  	[tilespmem:s3], [sflag:$0x2] =	stream.linear.gather [hbm4b:s0+s3], $0x80, $0x38;
	[tilespmem:$0xDF00] =	vst v63  }
0x52: {  	p0 =	sne.s32 s31, $0x9C0;
	_ =	swait.ge [sflag:s24], $0x80  }
0x53: {  	[sflag:s24] =	ssyncset.done $0x0  }
0x54: {  	s0 =	sadd.s32 s30, s21;
	s30 =	smov.u32 s1;
	[sflag:s24] =	ssyncadd.s32 $0xFFFFFF80  }
0x55: {  	[tilespmem:s25], [sflag:$0x2] =	stream.linear.gather [hbm4b:s0+s3], $0x80, $0x38;
	[tilespmem:$0xDF00] =	vst v63  }
0x56: {  	_ =	swait.ge [sflag:s24], $0x80  }
0x57: {  	[sflag:s24] =	ssyncset.done $0x0  }
0x58: {  	[sflag:s24] =	ssyncadd.s32 $0xFFFFFF80  }
0x59: {  	[tilespmem:s26], [sflag:$0x1] =	stream.indirect.gather [hbm4b:s14+s25], $0x40, s3, s25, $0xb8;
	[tilespmem:$0xDF00] =	vst v63  }
0x5a: {  	_ =	swait.ge [sflag:s28], $0x2000  }
.Ltmp0:
0x5b: {  	[sflag:s28] =	ssyncset.done $0x0;
	(pc) =	sbr.rel @p0 .LBB2_2-.Ltmp0, $4  }
0x5c: {  	[sflag:s28] =	ssyncadd.s32 $0xFFFFE000  }
0x5d: {  	[spmem:s2] =	stream.indirect.scatter.add.f32 [tilespmem:s26], [sflag:$0x2], $0x40, s25, s25, $0xb8;
	[tilespmem:$0xDF00] =	vst v63  }
0x5e: {  	_ =	swait.ge [sflag:s24], $0x2000  }
0x5f: {  	s31 =	smov.u32 s4;
	[sflag:s24] =	ssyncset.done $0x0  }
0x60: {  	s0 =	sadd.s32 s30, s22;
	[sflag:s24] =	ssyncadd.s32 $0xFFFFE000  }
0x61: {  	[tilespmem:s3], [sflag:$0x2] =	stream.linear.gather [hbm4b:s0+s3], $0x80, $0x38;
	[tilespmem:$0xDF00] =	vst v63  }
0x62: {  	_ =	swait.ge [sflag:s24], $0x80  }
0x63: {  	[sflag:s24] =	ssyncset.done $0x0  }
0x64: {  	s31 =	sadd.s32 s30, s21;
	[sflag:s24] =	ssyncadd.s32 $0xFFFFFF80  }
0x65: {  	[tilespmem:s25], [sflag:$0x2] =	stream.linear.gather [hbm4b:s31+s3], $0x80, $0x38;
	[tilespmem:$0xDF00] =	vst v63  }
0x66: {  	_ =	swait.ge [sflag:s24], $0x80  }
0x67: {  	[sflag:s24] =	ssyncset.done $0x0  }
0x68: {  	[sflag:s24] =	ssyncadd.s32 $0xFFFFFF80  }
0x69: {  	[tilespmem:s26], [sflag:$0x1] =	stream.indirect.gather [hbm4b:s14+s25], $0x40, s3, s25, $0xb8;
	[tilespmem:$0xDF00] =	vst v63  }
0x6a: {  	_ =	swait.ge [sflag:s28], $0x2000  }
0x6b: {  	[sflag:s28] =	ssyncset.done $0x0  }
0x6c: {  	[sflag:s28] =	ssyncadd.s32 $0xFFFFE000  }
0x6d: {  	[spmem:s2] =	stream.indirect.scatter.add.f32 [tilespmem:s26], [sflag:$0x2], $0x40, s25, s25, $0xb8;
	[tilespmem:$0xDF00] =	vst v63  }
0x6e: {  	_ =	swait.ge [sflag:s24], $0x2000  }
0x6f: {  	[sflag:s24] =	ssyncset.done $0x0  }
0x70: {  	[sflag:s24] =	ssyncadd.s32 $0xFFFFE000  }
0x71: {  	[bflag:$0x0] =	sbarrier.arrive $0xFFFF  }
0x72: {  	[tilespmem:s23], [sflag:$0x2] =	stream.linear.gather [spmem:s5], $0x2000, $0x38;
	[tilespmem:$0xDF00] =	vst v63  }
0x73: {  	_ =	swait.ge [sflag:s24], $0x2000  }
0x74: {  	[sflag:s24] =	ssyncset.done $0x0  }
0x75: {  	[sflag:s24] =	ssyncadd.s32 $0xFFFFE000  }
0x76: {  	[hbm4b:s15+s3] =	stream.linear.scatter [tilespmem:s23], [sflag:$0x2], $0x2000, $0x38;
	[tilespmem:$0xDF00] =	vst v63  }
0x77: {  	_ =	swait.ge [sflag:s24], $0x2000  }
0x78: {  	[sflag:s24] =	ssyncset.done $0x0  }
0x79: {  	[sflag:s24] =	ssyncadd.s32 $0xFFFFE000  }
0x7a: {  	[tilespmem:s23], [sflag:$0x2] =	stream.linear.gather [spmem:s7], $0x2000, $0x38;
	[tilespmem:$0xDF00] =	vst v63  }
0x7b: {  	_ =	swait.ge [sflag:s24], $0x2000  }
0x7c: {  	[sflag:s24] =	ssyncset.done $0x0  }
0x7d: {  	[sflag:s24] =	ssyncadd.s32 $0xFFFFE000  }
0x7e: {  	[hbm4b:s16+s3] =	stream.linear.scatter [tilespmem:s23], [sflag:$0x2], $0x2000, $0x38;
	[tilespmem:$0xDF00] =	vst v63  }
0x7f: {  	_ =	swait.ge [sflag:s24], $0x2000  }
0x80: {  	[sflag:s24] =	ssyncset.done $0x0  }
0x81: {  	[sflag:s24] =	ssyncadd.s32 $0xFFFFE000  }
0x82: {  	[tilespmem:s23], [sflag:$0x2] =	stream.linear.gather [spmem:s9], $0x2000, $0x38;
	[tilespmem:$0xDF00] =	vst v63  }
0x83: {  	_ =	swait.ge [sflag:s24], $0x2000  }
0x84: {  	[sflag:s24] =	ssyncset.done $0x0  }
0x85: {  	[sflag:s24] =	ssyncadd.s32 $0xFFFFE000  }
0x86: {  	[hbm4b:s17+s3] =	stream.linear.scatter [tilespmem:s23], [sflag:$0x2], $0x2000, $0x38;
	[tilespmem:$0xDF00] =	vst v63  }
0x87: {  	_ =	swait.ge [sflag:s24], $0x2000  }
0x88: {  	[sflag:s24] =	ssyncset.done $0x0  }
0x89: {  	[sflag:s24] =	ssyncadd.s32 $0xFFFFE000  }
0x8a: {  	[tilespmem:s23], [sflag:$0x2] =	stream.linear.gather [spmem:s11], $0x2000, $0x38;
	[tilespmem:$0xDF00] =	vst v63  }
0x8b: {  	_ =	swait.ge [sflag:s24], $0x2000  }
0x8c: {  	[sflag:s24] =	ssyncset.done $0x0  }
0x8d: {  	[sflag:s24] =	ssyncadd.s32 $0xFFFFE000  }
0x8e: {  	[hbm4b:s18+s3] =	stream.linear.scatter [tilespmem:s23], [sflag:$0x2], $0x2000, $0x38;
	[tilespmem:$0xDF00] =	vst v63  }
0x8f: {  	_ =	swait.ge [sflag:s24], $0x2000  }
0x90: {  	[sflag:s24] =	ssyncset.done $0x0  }
0x91: {  	[sflag:s24] =	ssyncadd.s32 $0xFFFFE000  }
0x92: {  	[tilespmem:s23], [sflag:$0x2] =	stream.linear.gather [spmem:s13], $0x1E00, $0x38;
	[tilespmem:$0xDF00] =	vst v63  }
0x93: {  	s29 =	sadd.s32 $0x1, s29;
	_ =	swait.ge [sflag:s24], $0x1E00  }
0x94: {  	p0 =	sne.s32 s29, s20;
	[sflag:s24] =	ssyncset.done $0x0  }
.Ltmp1:
0x95: {  	[sflag:s24] =	ssyncadd.s32 $0xFFFFE200;
	(pc) =	sbr.rel @p0 .LBB2_1-.Ltmp1, $4  }
0x96: {  	[hbm4b:s19+s3] =	stream.linear.scatter [tilespmem:s23], [sflag:$0x2], $0x1E00, $0x38;
	[tilespmem:$0xDF00] =	vst v63  }
0x97: {  	_ =	swait.ge [sflag:s24], $0x1E00  }
0x98: {  	[sflag:s24] =	ssyncset.done $0x0  }
0x99: {  	[sflag:s24] =	ssyncadd.s32 $0xFFFFE200  }
0x9a: {  	_ =	sfence.sel $0x180000  }
0x9b: {  	[bflag:$0x0] =	sbarrier.arrive $0xFFFF  }
0x9c: {  	_ =	strace $0x9000004D  }
0x9d: {  	s0 =	stileid.u32;
	[bflag:$0x2] =	sbarrier.arrive $0xFFFF  }
0x9e: {  	p0 =	sne.s32 s0, $0x0;
	s0 =	rddreg [dreg:$0x2]  }
0x9f: {  	s0 =	sadd.s32 @!p0 $0x100000, s0  }
0xa0: {  	[sflag:s0] =	ssyncadd.tile.s32 @!p0 $0x1;
	_ =	shalt  }
.Lfunc_end2:
_tile_overlayer_lowered:
.L_overlay_start_2:
0xa1: {  	(tag) =	ssettag $0x2  }
0xa2: {  	s0 =	rddreg [dreg:$0x0];
	s2 =	stileid.u32  }
0xa3: {  	s1 =	rddreg [dreg:$0x1];
	p0 =	sne.s32 s2, $0x0  }
0xa4: {  	s3 =	rddreg [dreg:$0x2];
	[bflag:$0x3] =	sbarrier.arrive $0xFFFF;
	s2 =	simm.s32 @!p0 $0x1C02  }
0xa5: {  	[timem:s3], [sflag:s2] =	dma.local @!p0 [hbm:s0], s1  }
0xa6: {  	s0 =	simm.s32 @!p0 $0x2  }
0xa7: {  	_ =	swait.ge @!p0 [sflag:s0], s1  }
0xa8: {  	s1 =	ssub.s32 @!p0 $0x0, s1;
	[sflag:s0] =	ssyncset.done @!p0 $0x0  }
0xa9: {  	[sflag:s0] =	ssyncadd.s32 @!p0 s1  }
0xaa: {  	[bflag:$0x3] =	sbarrier.arrive $0xFFFF  }
0xab: {  	_ =	shalt  }

// kernel: kernel.19.cloned.1.call-start
scs
__scs_entry_jumppad:
0x0: {  	(pc) =	sbr.rel $0x88, $3  }
0x1: {  	(tag) =	ssettag $0x0;
	lr =	simm.s32 $0x1  }
0x2: {  	[smem:$0x3F9B] =	sst lr;
	_ =	strace $0xD0000000  }
0x3: {  	_ = 	snop  }
0x4: {  	_ = 	snop  }
0x5: {  	_ = 	snop  }
0x6: {  	_ = 	snop  }
0x7: {  	_ = 	snop  }
__scs_overlays_trampoline_lowered:
0x8: {  	[smem:$0x3FAA] =	sst s0  }
0x9: {  	[smem:$0x3FAB] =	sst s1  }
0xa: {  	[smem:$0x3FAC] =	sst s2  }
0xb: {  	[smem:$0x3FAD] =	sst s3  }
0xc: {  	[smem:$0x3FAE] =	sst s4  }
0xd: {  	[smem:$0x3FAF] =	sst s5  }
0xe: {  	[smem:$0x3FB0] =	sst s6  }
0xf: {  	[smem:$0x3FB1] =	sst s7  }
0x10: {  	[smem:$0x3FB2] =	sst s8  }
0x11: {  	[smem:$0x3FB3] =	sst s9;
	s0 =	simm.s32 @!p0 $0x0  }
0x12: {  	s1 =	sld [smem:$0x3F99];
	s0 =	simm.s32 @p0 $0x1  }
0x13: {  	[smem:$0x3FB4] =	sst s0;
	s0 =	simm.s32 @!p1 $0x0  }
0x14: {  	s2 =	sld [smem:$0x3F98];
	s0 =	simm.s32 @p1 $0x1  }
0x15: {  	[smem:$0x3FB5] =	sst s0;
	s0 =	simm.s32 @!p2 $0x0  }
0x16: {  	s3 =	sld [smem:$0x3FDB];
	s0 =	simm.s32 @p2 $0x1  }
0x17: {  	s4 =	simm.s32 $0x1BF5;
	[smem:$0x3FB7] =	sst s0  }
0x18: {  	s0 =	sld [smem:$0x3F9A];
	_ =	swait.ge [sflag:s4], $0x0  }
0x19: {  	s7 =	sld [smem:$0x3F9B]  }
0x1a: {  	s8 =	sadd.s32 $0xFFFFE003, lr  }
0x1b: {  	s9 =	sadd.s32 $0xFFFFFEF7, lr;
	s5 =	simm.s32 $0xFFFFFFFF;
	p2 =	slt.u32 s8, $0xFFFFF086  }
0x1c: {  	p1 =	slt.u32 s9, $0xF7A;
	s5 =	simm.s32 @!p2 $0x0  }
0x1d: {  	s5 =	simm.s32 @p1 $0x1;
	p0 =	seq.s32 s7, s2  }
0x1e: {  	s7 =	smul.u32 @!p0 $0xF7A, s2;
	p2 =	seq.s32 @!p0 s5, $0x0  }
0x1f: {  	s9 =	smul.u32 $0xF7A, s1;
	s8 =	simm.s32 @!p0 $0x1BF5;
	p2 =	por !p2, p0  }
0x20: {  	[sflag:s8] =	ssyncset.s32 @!p0 $0xFFFFF086;
	s6 =	sadd.s32 @!p0 s3, s7;
	s7 =	simm.s32 @!p0 $0x108  }
0x21: {  	s3 =	sadd.s32 s3, s9;
	s6 =	sadd.s32 @!p0 $0x88, s6;
	s7 =	simm.s32 @p2 $0x1082  }
0x22: {  	[simem:s7], [sflag:s8] =	dma.local @!p0 [hbm:s6], $0xF7A  }
0x23: {  	s9 =	sor.u32 $0xD0000000, s2;
	s6 =	simm.s32 $0x108;
	_ =	swait.ge @!p0 [sflag:s8], $0x0  }
0x24: {  	s3 =	sadd.s32 $0x88, s3;
	s6 =	simm.s32 @!p1 $0x1082;
	[sflag:s4] =	ssyncset.s32 $0xFFFFF086  }
0x25: {  	[simem:s6], [sflag:s4] =	dma.local [hbm:s3], $0xF7A  }
0x26: {  	[smem:$0x3F9B] =	sst s1;
	(tag) =	ssettag s2;
	_ =	strace s9  }
0x27: {  	s1 =	sld [smem:$0x3FAB]  }
0x28: {  	s2 =	sld [smem:$0x3FAC]  }
0x29: {  	s4 =	sld [smem:$0x3FAE]  }
0x2a: {  	p0 =	seq.s32 s5, $0x0;
	s5 =	sld [smem:$0x3FAF]  }
0x2b: {  	s6 =	sld [smem:$0x3FB0]  }
0x2c: {  	s7 =	sld [smem:$0x3FB1]  }
0x2d: {  	s3 =	simm.s32 $0x108;
	s8 =	sld [smem:$0x3FB2]  }
0x2e: {  	s3 =	simm.s32 @!p0 $0x1082;
	s9 =	sld [smem:$0x3FB3]  }
0x2f: {  	lr =	sadd.s32 s0, s3;
	s0 =	sld [smem:$0x3FAA]  }
0x30: {  	s3 =	sld [smem:$0x3FAD]  }
0x31: {  	[smem:$0x3FB6] =	sst s10  }
0x32: {  	s10 =	sld [smem:$0x3FB4];
	_ =	sdelay $0x3  }
0x33: {  	p0 =	seq.s32 s10, $0x1;
	s10 =	sld [smem:$0x3FB6];
	_ =	sdelay $0x3  }
0x34: {  	[smem:$0x3FB6] =	sst s10  }
0x35: {  	s10 =	sld [smem:$0x3FB5];
	_ =	sdelay $0x3  }
0x36: {  	p1 =	seq.s32 s10, $0x1;
	s10 =	sld [smem:$0x3FB6];
	_ =	sdelay $0x3  }
0x37: {  	[smem:$0x3FB6] =	sst s10  }
0x38: {  	s10 =	sld [smem:$0x3FB7]  }
0x39: {  	_ = 	snop;
	(pc) =	sbr.ind lr, $3  }
0x3a: {  	_ = 	snop  }
0x3b: {  	_ = 	snop  }
0x3c: {  	p2 =	seq.s32 s10, $0x1;
	s10 =	sld [smem:$0x3FB6]  }
0x3d: {  	_ =	shalt  }
0x3e: {  	_ =	shalt  }
0x3f: {  	_ =	shalt  }
0x40: {  	_ =	shalt  }
0x41: {  	_ =	shalt  }
0x42: {  	_ =	shalt  }
0x43: {  	_ =	shalt  }
0x44: {  	_ =	shalt  }
0x45: {  	_ =	shalt  }
0x46: {  	_ =	shalt  }
0x47: {  	_ =	shalt  }
0x48: {  	_ =	shalt  }
0x49: {  	_ =	shalt  }
0x4a: {  	_ =	shalt  }
0x4b: {  	_ =	shalt  }
0x4c: {  	_ =	shalt  }
0x4d: {  	_ =	shalt  }
0x4e: {  	_ =	shalt  }
0x4f: {  	_ =	shalt  }
0x50: {  	_ =	shalt  }
0x51: {  	_ =	shalt  }
0x52: {  	_ =	shalt  }
0x53: {  	_ =	shalt  }
0x54: {  	_ =	shalt  }
0x55: {  	_ =	shalt  }
0x56: {  	_ =	shalt  }
0x57: {  	_ =	shalt  }
0x58: {  	_ =	shalt  }
0x59: {  	_ =	shalt  }
0x5a: {  	_ =	shalt  }
0x5b: {  	_ =	shalt  }
0x5c: {  	_ =	shalt  }
0x5d: {  	_ =	shalt  }
0x5e: {  	_ =	shalt  }
0x5f: {  	_ =	shalt  }
0x60: {  	_ =	shalt  }
0x61: {  	_ =	shalt  }
0x62: {  	_ =	shalt  }
0x63: {  	_ =	shalt  }
0x64: {  	_ =	shalt  }
0x65: {  	_ =	shalt  }
0x66: {  	_ =	shalt  }
0x67: {  	_ =	shalt  }
0x68: {  	_ =	shalt  }
0x69: {  	_ =	shalt  }
0x6a: {  	_ =	shalt  }
0x6b: {  	_ =	shalt  }
0x6c: {  	_ =	shalt  }
0x6d: {  	_ =	shalt  }
0x6e: {  	_ =	shalt  }
0x6f: {  	_ =	shalt  }
0x70: {  	_ =	shalt  }
0x71: {  	_ =	shalt  }
0x72: {  	_ =	shalt  }
0x73: {  	_ =	shalt  }
0x74: {  	_ =	shalt  }
0x75: {  	_ =	shalt  }
0x76: {  	_ =	shalt  }
0x77: {  	_ =	shalt  }
0x78: {  	_ =	shalt  }
0x79: {  	_ =	shalt  }
0x7a: {  	_ =	shalt  }
0x7b: {  	_ =	shalt  }
0x7c: {  	_ =	shalt  }
0x7d: {  	_ =	shalt  }
0x7e: {  	_ =	shalt  }
0x7f: {  	_ =	shalt  }
0x80: {  	_ =	shalt  }
0x81: {  	_ =	shalt  }
0x82: {  	_ =	shalt  }
0x83: {  	_ =	shalt  }
0x84: {  	_ =	shalt  }
0x85: {  	_ =	shalt  }
0x86: {  	_ =	shalt  }
0x87: {  	_ =	shalt  }
.Lfunc_end0:
.L_simem_size_0:
called_computation.3_lowered:
.L_overlay_start_0:
0x88: {  	s2 =	sld [smem:$0x3FD9]  }
0x89: {  	s3 =	sld [smem:$0x3FFE];
	_ =	sdelay $0x1  }
0x8a: {  	s1 =	srdreg.scid  }
0x8b: {  	s0 =	sand.u32 $0x1, s1  }
0x8c: {  	s16 =	sshll.u32 s0, $0xA;
	s2 =	sadd.s32 s3, s2  }
0x8d: {  	s2 =	sadd.s32 s2, s16  }
0x8e: {  	[smem:$0x3FC2] =	sst s2  }
0x8f: {  	_ = 	snop  }
0x90: {  	(tm) =	ssettm $0x1  }
0x91: {  	s17 =	sld [smem:$0x3FFB];
	_ =	sdelay $0x3  }
0x92: {  	_ =	strace s17  }
0x93: {  	s2 =	sld [smem:$0x3FFC];
	_ =	sdelay $0x3  }
0x94: {  	_ =	strace s2  }
0x95: {  	s2 =	sld [smem:$0x3FFD];
	_ =	sdelay $0x3  }
0x96: {  	_ =	strace s2  }
0x97: {  	_ =	strace $0x8FFFFFFF  }
0x98: {  	s18 =	sld [smem:$0x3FDB];
	_ =	sdelay $0x1  }
0x99: {  	s19 =	simm.s32 $_scs_section_size  }
0x9a: {  	s4 =	simm.s32 $_size__tile_overlayer_lowered;
	s5 =	simm.s32 $_tile_overlayer_lowered  }
0x9b: {  	s22 =	simm.s32 $0x1BFF;
	s21 =	sshll.u32 s5, $0x1;
	s2 =	sadd.s32 s19, s18  }
0x9c: {  	s6 =	simm.s32 $0x0;
	s20 =	sshll.u32 s4, $0x1;
	s4 =	sadd.s32 s21, s2  }
0x9d: {  	[timem:s6], [sflag:s22] =	dma.local [hbm:s4], s20  }
0x9e: {  	_ =	swait.ge [sflag:s22], s20  }
0x9f: {  	s3 =	ssub.s32 $0x0, s20;
	[sflag:s22] =	ssyncset.done $0x0  }
0xa0: {  	[sflag:s22] =	ssyncadd.s32 s3;
	_ =	sdelay $0x1  }
0xa1: {  	s23 =	simm.s32 $0x1B8B  }
0xa2: {  	_ =	swait.ge [sflag:s23], $0x1  }
0xa3: {  	[sflag:s23] =	ssyncset.done $0x0  }
0xa4: {  	s25 =	simm.s32 $0x1B8E;
	s24 =	sld [smem:$0x3FFE];
	[sflag:s23] =	ssyncadd.s32 $0xFFFFFFFF  }
0xa5: {  	s26 =	simm.s32 $execute0_lowered;
	[smem:$0x3FD2] =	sst s25  }
0xa6: {  	s4 =	sshll.u32 s26, $0x1;
	_ =	strace $0x8000004F;
	[dreg:$0x1] =	wrdreg $0xFFFFFFFF  }
0xa7: {  	s28 =	simm.s32 $_size_execute0_lowered;
	s2 =	sadd.s32 s2, s4;
	[dreg:$0x0] =	wrdreg $0x0  }
0xa8: {  	s4 =	sshll.u32 s28, $0x1;
	[dreg:$0x2] =	wrdreg s2  }
0xa9: {  	[dreg:$0x3] =	wrdreg s4  }
0xaa: {  	[dreg:$0x4] =	wrdreg $0xC0  }
0xab: {  	_ =	task [dreg:s6], $0x5FFFF  }
0xac: {  	[dreg:$0x1] =	wrdreg $0xFFFFFFFF  }
0xad: {  	[dreg:$0x0] =	wrdreg $0x60  }
0xae: {  	[dreg:$0x2] =	wrdreg s24  }
0xaf: {  	[dreg:$0x3] =	wrdreg $0x41000  }
0xb0: {  	[dreg:$0x4] =	wrdreg $0x9  }
0xb1: {  	_ =	task.clear_ibuf [dreg:s6], $0x5FFFF;
	_ =	strace $0x9000004F  }
0xb2: {  	s29 =	simm.s32 $0x9;
	_ =	strace $0x80000051  }
0xb3: {  	_ =	swait.ge [sflag:s29], $0x1  }
0xb4: {  	[sflag:s29] =	ssyncadd.s32 $0xFFFFFFFF  }
0xb5: {  	_ =	strace $0x90000051  }
0xb6: {  	_ =	sfence  }
0xb7: {  	s30 =	sld [smem:$0x0];
	_ =	sdelay $0x2  }
0xb8: {  	s31 =	sshll.u32 s1, $0xD;
	s1 =	sshrl.u32 s1, $0x2  }
0xb9: {  	s3 =	sand.u32 $0x4000, s31;
	s1 =	sadd.s32 s1, s30  }
0xba: {  	s0 =	sor.u32 s3, s0;
	s1 =	sshll.u32 s1, $0x11  }
0xbb: {  	s0 =	sor.u32 s1, s0  }
0xbc: {  	s0 =	sadd.s32 $0x8F2B, s0  }
0xbd: {  	[sflag:s0] =	ssyncadd.remote.s32 $0x1  }
0xbe: {  	_ =	sfence.sel $0xFFFF  }
0xbf: {  	[dreg:$0x0] =	wrdreg $0xFFFFFFFF;
	(pc) =	sbr.abs _section_cstart, $3  }
0xc0: {  	[dreg:$0x1] =	wrdreg $0xFFFFFFFF  }
0xc1: {  	_ =	task.clear_ibuf [dreg:s6], $0x2FFFF;
	_ =	strace $0x9FFFFFFF  }
0xc2: {  	(tm) =	ssettm $0x7FFFFFFF  }
0xc3: {  	_ =	shalt  }
tec
execute0_lowered:
.L_overlay_start_1:
0x0: {  	(tag) =	ssettag $0x1  }
0x1: {  	s4 =	rddreg [dreg:$0x0]  }
0x2: {  	s2 =	rddreg [dreg:$0x1]  }
0x3: {  	s0 =	stileid.u32;
	s5 =	srdreg.scid  }
0x4: {  	s3 =	simm.s32 $0x0;
	s28 =	simm.s32 $0x1;
	s29 =	simm.s32 $0x0  }
0x5: {  	s6 =	smul.u32 $0x9D0, s0;
	s5 =	sand.u32 $0x1, s5;
	[smem:$0x7FF] =	sst s3  }
0x6: {  	s15 =	sadd.s32 $0x15C00, s4;
	s9 =	smul.u32 $0x9E00, s0;
	s19 =	sadd.s32 $0x3D400, s4  }
0x7: {  	s14 =	smul.u32 $0x9E000, s5;
	_ =	strace $0x80000050;
	s24 =	ssub.s32 $0x2, s5  }
0x8: {  	s22 =	sadd.s32 s6, s4;
	s5 =	sshrl.u32 s24, $0x1;
	s7 =	sadd.s32 $0x2000, s9  }
0x9: {  	s10 =	sadd.s32 $0x4000, s9;
	s11 =	sadd.s32 $0x6000, s9;
	s13 =	sadd.s32 $0x8000, s9  }
0xa: {  	s25 =	sadd.s32 s9, s14;
	s20 =	ssub.s32 s24, s5;
	s26 =	sadd.s32 s14, s7  }
0xb: {  	s5 =	sadd.s32 s9, s2;
	s8 =	sadd.s32 s14, s10;
	s7 =	sadd.s32 s7, s2  }
0xc: {  	s12 =	sadd.s32 s14, s11;
	s9 =	sadd.s32 s10, s2;
	s31 =	sadd.s32 s14, s13  }
0xd: {  	s11 =	sadd.s32 s11, s2;
	s13 =	sadd.s32 s13, s2;
	s14 =	sshrl.u32 s14, $0x3  }
0xe: {  	s24 =	simm.s32 $0x2;
	s16 =	sshrl.u32 s25, $0x3;
	s17 =	sshrl.u32 s26, $0x3  }
0xf: {  	s18 =	sshrl.u32 s8, $0x3;
	s21 =	sshrl.u32 s12, $0x3;
	s23 =	sshrl.u32 s31, $0x3  }
0x10: {  	s14 =	sadd.s32 s15, s14;
	s20 =	smax.u32 s20, $0x1;
	s25 =	simm.s32 $0x80  }
0x11: {  	s26 =	simm.s32 $0x100;
	s30 =	sadd.s32 s15, s16;
	s6 =	sadd.s32 s15, s17  }
0x12: {  	s8 =	sadd.s32 s15, s18;
	s10 =	sadd.s32 s15, s21;
	s12 =	sadd.s32 s15, s23  }
0x13: {  	s15 =	sadd.s32 s19, s16;
	s16 =	sadd.s32 s19, s17;
	s17 =	sadd.s32 s19, s18  }
0x14: {  	s18 =	sadd.s32 s19, s21;
	s19 =	sadd.s32 s19, s23;
	s21 =	sadd.s32 $0x2000, s22  }
0x15: {  	s22 =	sadd.s32 $0xBE00, s22;
	s23 =	simm.s32 $0x2100;
	[dreg:$0x3] =	wrdreg s30  }
.LBB2_1:
0x16: {  	s0 =	rddreg [dreg:$0x3]  }
0x17: {  	[tilespmem:s23], [sflag:$0x2] =	stream.linear.gather [hbm4b:s0+s3], $0x2000, $0x38;
	[tilespmem:$0xDF00] =	vst v63  }
0x18: {  	_ =	swait.ge [sflag:s24], $0x2000  }
0x19: {  	[sflag:s24] =	ssyncset.done $0x0  }
0x1a: {  	[sflag:s24] =	ssyncadd.s32 $0xFFFFE000  }
0x1b: {  	[spmem:s5] =	stream.linear.scatter [tilespmem:s23], [sflag:$0x2], $0x2000, $0x38;
	[tilespmem:$0xDF00] =	vst v63  }
0x1c: {  	_ =	swait.ge [sflag:s24], $0x2000  }
0x1d: {  	[sflag:s24] =	ssyncset.done $0x0  }
0x1e: {  	[sflag:s24] =	ssyncadd.s32 $0xFFFFE000  }
0x1f: {  	[tilespmem:s23], [sflag:$0x2] =	stream.linear.gather [hbm4b:s6+s3], $0x2000, $0x38;
	[tilespmem:$0xDF00] =	vst v63  }
0x20: {  	_ =	swait.ge [sflag:s24], $0x2000  }
0x21: {  	[sflag:s24] =	ssyncset.done $0x0  }
0x22: {  	[sflag:s24] =	ssyncadd.s32 $0xFFFFE000  }
0x23: {  	[spmem:s7] =	stream.linear.scatter [tilespmem:s23], [sflag:$0x2], $0x2000, $0x38;
	[tilespmem:$0xDF00] =	vst v63  }
0x24: {  	_ =	swait.ge [sflag:s24], $0x2000  }
0x25: {  	[sflag:s24] =	ssyncset.done $0x0  }
0x26: {  	[sflag:s24] =	ssyncadd.s32 $0xFFFFE000  }
0x27: {  	[tilespmem:s23], [sflag:$0x2] =	stream.linear.gather [hbm4b:s8+s3], $0x2000, $0x38;
	[tilespmem:$0xDF00] =	vst v63  }
0x28: {  	_ =	swait.ge [sflag:s24], $0x2000  }
0x29: {  	[sflag:s24] =	ssyncset.done $0x0  }
0x2a: {  	[sflag:s24] =	ssyncadd.s32 $0xFFFFE000  }
0x2b: {  	[spmem:s9] =	stream.linear.scatter [tilespmem:s23], [sflag:$0x2], $0x2000, $0x38;
	[tilespmem:$0xDF00] =	vst v63  }
0x2c: {  	_ =	swait.ge [sflag:s24], $0x2000  }
0x2d: {  	[sflag:s24] =	ssyncset.done $0x0  }
0x2e: {  	[sflag:s24] =	ssyncadd.s32 $0xFFFFE000  }
0x2f: {  	[tilespmem:s23], [sflag:$0x2] =	stream.linear.gather [hbm4b:s10+s3], $0x2000, $0x38;
	[tilespmem:$0xDF00] =	vst v63  }
0x30: {  	_ =	swait.ge [sflag:s24], $0x2000  }
0x31: {  	[sflag:s24] =	ssyncset.done $0x0  }
0x32: {  	[sflag:s24] =	ssyncadd.s32 $0xFFFFE000  }
0x33: {  	[spmem:s11] =	stream.linear.scatter [tilespmem:s23], [sflag:$0x2], $0x2000, $0x38;
	[tilespmem:$0xDF00] =	vst v63  }
0x34: {  	_ =	swait.ge [sflag:s24], $0x2000  }
0x35: {  	[sflag:s24] =	ssyncset.done $0x0  }
0x36: {  	[sflag:s24] =	ssyncadd.s32 $0xFFFFE000  }
0x37: {  	[tilespmem:s23], [sflag:$0x2] =	stream.linear.gather [hbm4b:s12+s3], $0x1E00, $0x38;
	[tilespmem:$0xDF00] =	vst v63  }
0x38: {  	_ =	swait.ge [sflag:s24], $0x1E00  }
0x39: {  	[sflag:s24] =	ssyncset.done $0x0  }
0x3a: {  	[sflag:s24] =	ssyncadd.s32 $0xFFFFE200  }
0x3b: {  	[spmem:s13] =	stream.linear.scatter [tilespmem:s23], [sflag:$0x2], $0x1E00, $0x38;
	[tilespmem:$0xDF00] =	vst v63  }
0x3c: {  	_ =	swait.ge [sflag:s24], $0x1E00  }
0x3d: {  	[sflag:s24] =	ssyncset.done $0x0  }
0x3e: {  	[sflag:s24] =	ssyncadd.s32 $0xFFFFE200  }
0x3f: {  	s30 =	sadd.s32 $0x0, s22;
	[bflag:$0x0] =	sbarrier.arrive $0xFFFF  }
0x40: {  	[tilespmem:s3], [sflag:$0x2] =	stream.linear.gather [hbm4b:s30+s3], $0x80, $0x38;
	[tilespmem:$0xDF00] =	vst v63  }
0x41: {  	_ =	swait.ge [sflag:s24], $0x80  }
0x42: {  	[sflag:s24] =	ssyncset.done $0x0  }
0x43: {  	s30 =	sadd.s32 $0x0, s21;
	[sflag:s24] =	ssyncadd.s32 $0xFFFFFF80  }
0x44: {  	[tilespmem:s25], [sflag:$0x2] =	stream.linear.gather [hbm4b:s30+s3], $0x80, $0x38;
	[tilespmem:$0xDF00] =	vst v63  }
0x45: {  	_ =	swait.ge [sflag:s24], $0x80  }
0x46: {  	[sflag:s24] =	ssyncset.done $0x0  }
0x47: {  	[sflag:s24] =	ssyncadd.s32 $0xFFFFFF80  }
0x48: {  	[tilespmem:s26], [sflag:$0x1] =	stream.indirect.gather [hbm4b:s14+s25], $0x40, s3, s25, $0xb8;
	[tilespmem:$0xDF00] =	vst v63  }
0x49: {  	_ =	swait.ge [sflag:s28], $0x2000  }
0x4a: {  	[sflag:s28] =	ssyncset.done $0x0  }
0x4b: {  	[sflag:s28] =	ssyncadd.s32 $0xFFFFE000  }
0x4c: {  	[spmem:s2] =	stream.indirect.scatter.add.f32 [tilespmem:s26], [sflag:$0x2], $0x40, s25, s25, $0xb8;
	[tilespmem:$0xDF00] =	vst v63  }
0x4d: {  	_ =	swait.ge [sflag:s24], $0x2000  }
0x4e: {  	s31 =	simm.s32 $0x20;
	s30 =	simm.s32 $0x10;
	[sflag:s24] =	ssyncset.done $0x0  }
.LBB2_2:
0x4f: {  	s0 =	sadd.s32 s30, s22  }
0x50: {  	[sflag:s24] =	ssyncadd.s32 $0xFFFFE000;
	s1 =	smov.u32 s31;
	s4 =	sadd.s32 $0x10, s31  }
0x51: {  	[tilespmem:s3], [sflag:$0x2] =	stream.linear.gather [hbm4b:s0+s3], $0x80, $0x38;
	[tilespmem:$0xDF00] =	vst v63  }
0x52: {  	p0 =	sne.s32 s31, $0x9C0;
	_ =	swait.ge [sflag:s24], $0x80  }
0x53: {  	[sflag:s24] =	ssyncset.done $0x0  }
0x54: {  	s0 =	sadd.s32 s30, s21;
	s30 =	smov.u32 s1;
	[sflag:s24] =	ssyncadd.s32 $0xFFFFFF80  }
0x55: {  	[tilespmem:s25], [sflag:$0x2] =	stream.linear.gather [hbm4b:s0+s3], $0x80, $0x38;
	[tilespmem:$0xDF00] =	vst v63  }
0x56: {  	_ =	swait.ge [sflag:s24], $0x80  }
0x57: {  	[sflag:s24] =	ssyncset.done $0x0  }
0x58: {  	[sflag:s24] =	ssyncadd.s32 $0xFFFFFF80  }
0x59: {  	[tilespmem:s26], [sflag:$0x1] =	stream.indirect.gather [hbm4b:s14+s25], $0x40, s3, s25, $0xb8;
	[tilespmem:$0xDF00] =	vst v63  }
0x5a: {  	_ =	swait.ge [sflag:s28], $0x2000  }
.Ltmp0:
0x5b: {  	[sflag:s28] =	ssyncset.done $0x0;
	(pc) =	sbr.rel @p0 .LBB2_2-.Ltmp0, $4  }
0x5c: {  	[sflag:s28] =	ssyncadd.s32 $0xFFFFE000  }
0x5d: {  	[spmem:s2] =	stream.indirect.scatter.add.f32 [tilespmem:s26], [sflag:$0x2], $0x40, s25, s25, $0xb8;
	[tilespmem:$0xDF00] =	vst v63  }
0x5e: {  	_ =	swait.ge [sflag:s24], $0x2000  }
0x5f: {  	s31 =	smov.u32 s4;
	[sflag:s24] =	ssyncset.done $0x0  }
0x60: {  	s0 =	sadd.s32 s30, s22;
	[sflag:s24] =	ssyncadd.s32 $0xFFFFE000  }
0x61: {  	[tilespmem:s3], [sflag:$0x2] =	stream.linear.gather [hbm4b:s0+s3], $0x80, $0x38;
	[tilespmem:$0xDF00] =	vst v63  }
0x62: {  	_ =	swait.ge [sflag:s24], $0x80  }
0x63: {  	[sflag:s24] =	ssyncset.done $0x0  }
0x64: {  	s31 =	sadd.s32 s30, s21;
	[sflag:s24] =	ssyncadd.s32 $0xFFFFFF80  }
0x65: {  	[tilespmem:s25], [sflag:$0x2] =	stream.linear.gather [hbm4b:s31+s3], $0x80, $0x38;
	[tilespmem:$0xDF00] =	vst v63  }
0x66: {  	_ =	swait.ge [sflag:s24], $0x80  }
0x67: {  	[sflag:s24] =	ssyncset.done $0x0  }
0x68: {  	[sflag:s24] =	ssyncadd.s32 $0xFFFFFF80  }
0x69: {  	[tilespmem:s26], [sflag:$0x1] =	stream.indirect.gather [hbm4b:s14+s25], $0x40, s3, s25, $0xb8;
	[tilespmem:$0xDF00] =	vst v63  }
0x6a: {  	_ =	swait.ge [sflag:s28], $0x2000  }
0x6b: {  	[sflag:s28] =	ssyncset.done $0x0  }
0x6c: {  	[sflag:s28] =	ssyncadd.s32 $0xFFFFE000  }
0x6d: {  	[spmem:s2] =	stream.indirect.scatter.add.f32 [tilespmem:s26], [sflag:$0x2], $0x40, s25, s25, $0xb8;
	[tilespmem:$0xDF00] =	vst v63  }
0x6e: {  	_ =	swait.ge [sflag:s24], $0x2000  }
0x6f: {  	[sflag:s24] =	ssyncset.done $0x0  }
0x70: {  	[sflag:s24] =	ssyncadd.s32 $0xFFFFE000  }
0x71: {  	[bflag:$0x0] =	sbarrier.arrive $0xFFFF  }
0x72: {  	[tilespmem:s23], [sflag:$0x2] =	stream.linear.gather [spmem:s5], $0x2000, $0x38;
	[tilespmem:$0xDF00] =	vst v63  }
0x73: {  	_ =	swait.ge [sflag:s24], $0x2000  }
0x74: {  	[sflag:s24] =	ssyncset.done $0x0  }
0x75: {  	[sflag:s24] =	ssyncadd.s32 $0xFFFFE000  }
0x76: {  	[hbm4b:s15+s3] =	stream.linear.scatter [tilespmem:s23], [sflag:$0x2], $0x2000, $0x38;
	[tilespmem:$0xDF00] =	vst v63  }
0x77: {  	_ =	swait.ge [sflag:s24], $0x2000  }
0x78: {  	[sflag:s24] =	ssyncset.done $0x0  }
0x79: {  	[sflag:s24] =	ssyncadd.s32 $0xFFFFE000  }
0x7a: {  	[tilespmem:s23], [sflag:$0x2] =	stream.linear.gather [spmem:s7], $0x2000, $0x38;
	[tilespmem:$0xDF00] =	vst v63  }
0x7b: {  	_ =	swait.ge [sflag:s24], $0x2000  }
0x7c: {  	[sflag:s24] =	ssyncset.done $0x0  }
0x7d: {  	[sflag:s24] =	ssyncadd.s32 $0xFFFFE000  }
0x7e: {  	[hbm4b:s16+s3] =	stream.linear.scatter [tilespmem:s23], [sflag:$0x2], $0x2000, $0x38;
	[tilespmem:$0xDF00] =	vst v63  }
0x7f: {  	_ =	swait.ge [sflag:s24], $0x2000  }
0x80: {  	[sflag:s24] =	ssyncset.done $0x0  }
0x81: {  	[sflag:s24] =	ssyncadd.s32 $0xFFFFE000  }
0x82: {  	[tilespmem:s23], [sflag:$0x2] =	stream.linear.gather [spmem:s9], $0x2000, $0x38;
	[tilespmem:$0xDF00] =	vst v63  }
0x83: {  	_ =	swait.ge [sflag:s24], $0x2000  }
0x84: {  	[sflag:s24] =	ssyncset.done $0x0  }
0x85: {  	[sflag:s24] =	ssyncadd.s32 $0xFFFFE000  }
0x86: {  	[hbm4b:s17+s3] =	stream.linear.scatter [tilespmem:s23], [sflag:$0x2], $0x2000, $0x38;
	[tilespmem:$0xDF00] =	vst v63  }
0x87: {  	_ =	swait.ge [sflag:s24], $0x2000  }
0x88: {  	[sflag:s24] =	ssyncset.done $0x0  }
0x89: {  	[sflag:s24] =	ssyncadd.s32 $0xFFFFE000  }
0x8a: {  	[tilespmem:s23], [sflag:$0x2] =	stream.linear.gather [spmem:s11], $0x2000, $0x38;
	[tilespmem:$0xDF00] =	vst v63  }
0x8b: {  	_ =	swait.ge [sflag:s24], $0x2000  }
0x8c: {  	[sflag:s24] =	ssyncset.done $0x0  }
0x8d: {  	[sflag:s24] =	ssyncadd.s32 $0xFFFFE000  }
0x8e: {  	[hbm4b:s18+s3] =	stream.linear.scatter [tilespmem:s23], [sflag:$0x2], $0x2000, $0x38;
	[tilespmem:$0xDF00] =	vst v63  }
0x8f: {  	_ =	swait.ge [sflag:s24], $0x2000  }
0x90: {  	[sflag:s24] =	ssyncset.done $0x0  }
0x91: {  	[sflag:s24] =	ssyncadd.s32 $0xFFFFE000  }
0x92: {  	[tilespmem:s23], [sflag:$0x2] =	stream.linear.gather [spmem:s13], $0x1E00, $0x38;
	[tilespmem:$0xDF00] =	vst v63  }
0x93: {  	s29 =	sadd.s32 $0x1, s29;
	_ =	swait.ge [sflag:s24], $0x1E00  }
0x94: {  	p0 =	sne.s32 s29, s20;
	[sflag:s24] =	ssyncset.done $0x0  }
.Ltmp1:
0x95: {  	[sflag:s24] =	ssyncadd.s32 $0xFFFFE200;
	(pc) =	sbr.rel @p0 .LBB2_1-.Ltmp1, $4  }
0x96: {  	[hbm4b:s19+s3] =	stream.linear.scatter [tilespmem:s23], [sflag:$0x2], $0x1E00, $0x38;
	[tilespmem:$0xDF00] =	vst v63  }
0x97: {  	_ =	swait.ge [sflag:s24], $0x1E00  }
0x98: {  	[sflag:s24] =	ssyncset.done $0x0  }
0x99: {  	[sflag:s24] =	ssyncadd.s32 $0xFFFFE200  }
0x9a: {  	_ =	sfence.sel $0x180000  }
0x9b: {  	[bflag:$0x0] =	sbarrier.arrive $0xFFFF  }
0x9c: {  	_ =	strace $0x90000050  }
0x9d: {  	s0 =	stileid.u32;
	[bflag:$0x2] =	sbarrier.arrive $0xFFFF  }
0x9e: {  	p0 =	sne.s32 s0, $0x0;
	s0 =	rddreg [dreg:$0x2]  }
0x9f: {  	s0 =	sadd.s32 @!p0 $0x100000, s0  }
0xa0: {  	[sflag:s0] =	ssyncadd.tile.s32 @!p0 $0x1;
	_ =	shalt  }
.Lfunc_end2:
_tile_overlayer_lowered:
.L_overlay_start_2:
0xa1: {  	(tag) =	ssettag $0x2  }
0xa2: {  	s0 =	rddreg [dreg:$0x0];
	s2 =	stileid.u32  }
0xa3: {  	s1 =	rddreg [dreg:$0x1];
	p0 =	sne.s32 s2, $0x0  }
0xa4: {  	s3 =	rddreg [dreg:$0x2];
	[bflag:$0x3] =	sbarrier.arrive $0xFFFF;
	s2 =	simm.s32 @!p0 $0x1C02  }
0xa5: {  	[timem:s3], [sflag:s2] =	dma.local @!p0 [hbm:s0], s1  }
0xa6: {  	s0 =	simm.s32 @!p0 $0x2  }
0xa7: {  	_ =	swait.ge @!p0 [sflag:s0], s1  }
0xa8: {  	s1 =	ssub.s32 @!p0 $0x0, s1;
	[sflag:s0] =	ssyncset.done @!p0 $0x0  }
0xa9: {  	[sflag:s0] =	ssyncadd.s32 @!p0 s1  }
0xaa: {  	[bflag:$0x3] =	sbarrier.arrive $0xFFFF  }
0xab: {  	_ =	shalt  }

</sc_bundles>
